<compile_context>
chip_gen: v7x
topology: tpu7x:2x2x1
jax: 0.10.2.dev20260603
libtpu: 0.0.44.dev20260713+nightly
codegen_flags: <defaults>
</compile_context>

<pallas_src>
import functools

import jax
import jax.numpy as jnp
from jax import lax
from jax.experimental import pallas as pl
from jax.experimental.pallas import tpu as pltpu
from jax.experimental.pallas import tpu_sc as plsc

N = 10000
E = 320000
H = 128
NUM_GATES = 9

NC = 2
NS = 16
NW = NC * NS
EPW = E // NW
C = 80
NCHUNK = EPW // C
NB = 2
NITER = (NCHUNK + NB - 1) // NB
NPAD = 10240
RPT = NPAD // NS
ZR = 80

_mesh = plsc.VectorSubcoreMesh(core_axis_name="c", subcore_axis_name="s",
                               num_cores=NC, num_subcores=NS)
_sc_params = pltpu.CompilerParams(needs_layout_passes=False)


def _zero_rows(rows):
    def zrow(r, _):
        for c in range(H // 16):
            rows[r, pl.ds(c * 16, 16)] = jnp.zeros((16,), jnp.float32)
        return 0
    lax.fori_loop(0, ZR, zrow, 0)


def _zero_vec(v):
    def zrow(r, _):
        v[pl.ds(r * 16, 16)] = jnp.zeros((16,), jnp.float32)
        return 0
    lax.fori_loop(0, N // 16, zrow, 0)


def _zero_accum_slice(rows, accum, sid):
    def zcopy(j, _):
        pltpu.sync_copy(rows.at[pl.ds(0, ZR)], accum.at[pl.ds(sid * RPT + j * ZR, ZR)])
        return 0
    lax.fori_loop(0, RPT // ZR, zcopy, 0)


def _write_out(rows, accum, out_hbm, cid, sid):
    def ocopy(j, _):
        pltpu.sync_copy(accum.at[pl.ds(sid * RPT + j * ZR, ZR)], rows.at[pl.ds(0, ZR)])
        pltpu.sync_copy(rows.at[pl.ds(0, ZR)],
                        out_hbm.at[pl.ds(cid * NPAD + sid * RPT + j * ZR, ZR)])
        return 0
    lax.fori_loop(0, RPT // ZR, ocopy, 0)


def _segsum_pipeline(x_hbm, src_hbm, dst_hbm, accum, ebase,
                     sidx, didx, rows, gsem, ssem, on_chunk=None):
    def prep(k, b):
        base = ebase + k * C
        pltpu.sync_copy(src_hbm.at[pl.ds(base, C)], sidx[b])
        pltpu.sync_copy(dst_hbm.at[pl.ds(base, C)], didx[b])
        pltpu.async_copy(x_hbm.at[sidx[b]], rows[b], gsem[b])

    for b in range(NB):
        prep(b, b)

    def outer(g, _):
        for b in range(NB):
            k = NB * g + b

            @pl.when(k < NCHUNK)
            def _step(b=b, k=k):
                pltpu.make_async_copy(x_hbm.at[sidx[b]], rows[b], gsem[b]).wait()
                if on_chunk is not None:
                    on_chunk(k, b)
                pltpu.async_copy(rows[b], accum.at[didx[b]], ssem[b], add=True)

                @pl.when(k + NB < NCHUNK)
                def _prep_next(b=b, k=k):
                    pltpu.make_async_copy(rows[b], accum.at[didx[b]], ssem[b]).wait()
                    prep(k + NB, b)
        return 0
    lax.fori_loop(0, NITER, outer, 0)
    for b in range(NB):
        pltpu.make_async_copy(rows[b], accum.at[didx[b]], ssem[b]).wait()


_SEG_SCRATCH = [
    pltpu.VMEM((C,), jnp.int32), pltpu.VMEM((C,), jnp.int32),
    pltpu.VMEM((C,), jnp.int32), pltpu.VMEM((C,), jnp.int32),
    pltpu.VMEM((C, H), jnp.float32), pltpu.VMEM((C, H), jnp.float32),
    pltpu.VMEM_SHARED((NPAD, H), jnp.float32),
    pltpu.SemaphoreType.DMA, pltpu.SemaphoreType.DMA,
    pltpu.SemaphoreType.DMA, pltpu.SemaphoreType.DMA,
]


@functools.partial(
    pl.kernel, mesh=_mesh, compiler_params=_sc_params,
    out_type=(jax.ShapeDtypeStruct((2 * NPAD, H), jnp.float32),
              jax.ShapeDtypeStruct((NW * N,), jnp.float32)),
    scratch_types=_SEG_SCRATCH + [pltpu.VMEM((N,), jnp.float32)],
)
def _sc_segsum_cnt(x_hbm, src_hbm, dst_hbm, out_hbm, cnt_hbm,
                   sidx0, sidx1, didx0, didx1, rows0, rows1, accum,
                   gsem0, gsem1, ssem0, ssem1, cnt_v):
    cid = lax.axis_index("c")
    sid = lax.axis_index("s")
    wid = sid * NC + cid
    _zero_rows(rows0)
    _zero_accum_slice(rows0, accum, sid)
    _zero_vec(cnt_v)
    plsc.subcore_barrier()
    didx = (didx0, didx1)
    ones16 = jnp.full((16,), 1.0, jnp.float32)

    def on_chunk(k, b):
        def cgrp(j, _):
            jv = didx[b][pl.ds(j * 16, 16)]
            plsc.addupdate_scatter(cnt_v, [jv], ones16)
            return 0
        lax.fori_loop(0, C // 16, cgrp, 0)

    _segsum_pipeline(x_hbm, src_hbm, dst_hbm, accum, wid * EPW,
                     (sidx0, sidx1), didx, (rows0, rows1),
                     (gsem0, gsem1), (ssem0, ssem1), on_chunk)
    plsc.subcore_barrier()
    _write_out(rows0, accum, out_hbm, cid, sid)
    pltpu.sync_copy(cnt_v, cnt_hbm.at[pl.ds(wid * N, N)])


@functools.partial(
    pl.kernel, mesh=_mesh, compiler_params=_sc_params,
    out_type=jax.ShapeDtypeStruct((2 * NPAD, H), jnp.float32),
    scratch_types=_SEG_SCRATCH,
)
def _sc_segsum(x_hbm, src_hbm, dst_hbm, out_hbm,
               sidx0, sidx1, didx0, didx1, rows0, rows1, accum,
               gsem0, gsem1, ssem0, ssem1):
    cid = lax.axis_index("c")
    sid = lax.axis_index("s")
    wid = sid * NC + cid
    _zero_rows(rows0)
    _zero_accum_slice(rows0, accum, sid)
    plsc.subcore_barrier()
    _segsum_pipeline(x_hbm, src_hbm, dst_hbm, accum, wid * EPW,
                     (sidx0, sidx1), (didx0, didx1), (rows0, rows1),
                     (gsem0, gsem1), (ssem0, ssem1))
    plsc.subcore_barrier()
    _write_out(rows0, accum, out_hbm, cid, sid)


@functools.partial(
    pl.kernel, mesh=_mesh, compiler_params=_sc_params,
    out_type=(jax.ShapeDtypeStruct((E,), jnp.float32),
              jax.ShapeDtypeStruct((NW * N,), jnp.float32)),
    scratch_types=[
        pltpu.VMEM((EPW,), jnp.int32),
        pltpu.VMEM((EPW,), jnp.int32),
        pltpu.VMEM((EPW,), jnp.float32),
        pltpu.VMEM((N,), jnp.float32),
        pltpu.VMEM((N,), jnp.float32),
        pltpu.VMEM((N,), jnp.float32),
    ],
)
def _sc_gatw(asrc_hbm, adst_hbm, src_hbm, dst_hbm, w_hbm, den_hbm,
             sidx_all, didx_all, wall, asv, adv, den_v):
    cid = lax.axis_index("c")
    sid = lax.axis_index("s")
    wid = sid * NC + cid
    ebase = wid * EPW
    pltpu.sync_copy(src_hbm.at[pl.ds(ebase, EPW)], sidx_all)
    pltpu.sync_copy(dst_hbm.at[pl.ds(ebase, EPW)], didx_all)
    pltpu.sync_copy(asrc_hbm, asv)
    pltpu.sync_copy(adst_hbm, adv)
    _zero_vec(den_v)

    def grp(j, _):
        sl = pl.ds(j * 16, 16)
        iv = sidx_all[sl]
        jv = didx_all[sl]
        s = plsc.load_gather(asv, [iv]) + plsc.load_gather(adv, [jv])
        w = jnp.exp(jnp.maximum(s, 0.2 * s))
        wall[sl] = w
        plsc.addupdate_scatter(den_v, [jv], w)
        return 0
    lax.fori_loop(0, EPW // 16, grp, 0)
    pltpu.sync_copy(wall, w_hbm.at[pl.ds(ebase, EPW)])
    pltpu.sync_copy(den_v, den_hbm.at[pl.ds(wid * N, N)])


@functools.partial(
    pl.kernel, mesh=_mesh, compiler_params=_sc_params,
    out_type=jax.ShapeDtypeStruct((2 * NPAD, H), jnp.float32),
    scratch_types=_SEG_SCRATCH + [pltpu.VMEM((C,), jnp.float32),
                                  pltpu.VMEM((C,), jnp.float32)],
)
def _sc_gat(h_hbm, w_hbm, src_hbm, dst_hbm, out_hbm,
            sidx0, sidx1, didx0, didx1, rows0, rows1, accum,
            gsem0, gsem1, ssem0, ssem1, wc0, wc1):
    cid = lax.axis_index("c")
    sid = lax.axis_index("s")
    wid = sid * NC + cid
    ebase = wid * EPW
    _zero_rows(rows0)
    _zero_accum_slice(rows0, accum, sid)
    plsc.subcore_barrier()
    rows = (rows0, rows1)
    wc = (wc0, wc1)

    def on_chunk(k, b):
        pltpu.sync_copy(w_hbm.at[pl.ds(ebase + k * C, C)], wc[b])

        def scale(r, _):
            wr = plsc.load_gather(wc[b], [jnp.zeros((16,), jnp.int32) + r])
            for c in range(H // 16):
                sl = pl.ds(c * 16, 16)
                rows[b][r, sl] = rows[b][r, sl] * wr
            return 0
        lax.fori_loop(0, C, scale, 0)

    _segsum_pipeline(h_hbm, src_hbm, dst_hbm, accum, ebase,
                     (sidx0, sidx1), (didx0, didx1), rows,
                     (gsem0, gsem1), (ssem0, ssem1), on_chunk)
    plsc.subcore_barrier()
    _write_out(rows0, accum, out_hbm, cid, sid)


@functools.partial(
    pl.kernel, mesh=_mesh, compiler_params=_sc_params,
    out_type=jax.ShapeDtypeStruct((E, H), jnp.float32),
    scratch_types=[
        pltpu.VMEM((C,), jnp.int32), pltpu.VMEM((C,), jnp.int32),
        pltpu.VMEM((C,), jnp.int32), pltpu.VMEM((C,), jnp.int32),
        pltpu.VMEM((C, H), jnp.float32), pltpu.VMEM((C, H), jnp.float32),
        pltpu.VMEM((C, H), jnp.float32), pltpu.VMEM((C, H), jnp.float32),
        pltpu.SemaphoreType.DMA, pltpu.SemaphoreType.DMA,
        pltpu.SemaphoreType.DMA, pltpu.SemaphoreType.DMA,
        pltpu.SemaphoreType.DMA, pltpu.SemaphoreType.DMA,
    ],
)
def _sc_edge(y_hbm, src_hbm, dst_hbm, z_hbm,
             sidx0, sidx1, didx0, didx1, rs0, rs1, rd0, rd1,
             gs0, gs1, gd0, gd1, zsem0, zsem1):
    cid = lax.axis_index("c")
    sid = lax.axis_index("s")
    wid = sid * NC + cid
    ebase = wid * EPW
    sidx = (sidx0, sidx1)
    didx = (didx0, didx1)
    rs = (rs0, rs1)
    rd = (rd0, rd1)
    gs = (gs0, gs1)
    gd = (gd0, gd1)
    zsem = (zsem0, zsem1)

    def prep(k, b):
        base = ebase + k * C
        pltpu.sync_copy(src_hbm.at[pl.ds(base, C)], sidx[b])
        pltpu.sync_copy(dst_hbm.at[pl.ds(base, C)], didx[b])
        pltpu.async_copy(y_hbm.at[sidx[b]], rs[b], gs[b])
        pltpu.async_copy(y_hbm.at[didx[b]], rd[b], gd[b])

    for b in range(NB):
        prep(b, b)

    def outer(g, _):
        for b in range(NB):
            k = NB * g + b

            @pl.when(k < NCHUNK)
            def _step(b=b, k=k):
                base = ebase + k * C
                pltpu.make_async_copy(y_hbm.at[sidx[b]], rs[b], gs[b]).wait()
                pltpu.make_async_copy(y_hbm.at[didx[b]], rd[b], gd[b]).wait()

                def add(r, _):
                    for c in range(H // 16):
                        sl = pl.ds(c * 16, 16)
                        rs[b][r, sl] = rs[b][r, sl] + rd[b][r, sl]
                    return 0
                lax.fori_loop(0, C, add, 0)
                pltpu.async_copy(rs[b], z_hbm.at[pl.ds(base, C)], zsem[b])

                @pl.when(k + NB < NCHUNK)
                def _prep_next(b=b, k=k):
                    pltpu.make_async_copy(rs[b], z_hbm.at[pl.ds(ebase, C)],
                                          zsem[b]).wait()
                    prep(k + NB, b)
        return 0
    lax.fori_loop(0, NITER, outer, 0)
    for b in range(NB):
        pltpu.make_async_copy(rs[b], z_hbm.at[pl.ds(ebase, C)], zsem[b]).wait()



BN = 2000
_HP = lax.Precision.HIGHEST


def _col_sum(p2d):
    ones = jnp.full((NW, 1), 1.0, jnp.float32)
    return lax.dot_general(p2d, ones, (((0,), (0,)), ((), ())),
                           preferred_element_type=jnp.float32, precision=_HP)


def _rows_spec(width):
    return pl.BlockSpec((BN, width), lambda i: (i, 0))


def _full_spec(r, c):
    return pl.BlockSpec((r, c), lambda i: (0, 0))


_ACC_SPEC = pl.BlockSpec((2, BN, H), lambda i: (0, i, 0))


def _tc_cnt_body(cntp_r, out_r):
    out_r[:] = _col_sum(cntp_r[:])


def _tc_cnt(cntp):
    return pl.pallas_call(
        _tc_cnt_body,
        out_shape=jax.ShapeDtypeStruct((N, 1), jnp.float32),
    )(cntp)


def _tc_den_body(denp_r, out_r):
    out_r[:] = _col_sum(denp_r[:])


def _tc_den(denp):
    return pl.pallas_call(
        _tc_den_body,
        out_shape=jax.ShapeDtypeStruct((N, 1), jnp.float32),
    )(denp)


def _tc_build_body(dims_r, gidx_r, wdt_r, bd_r, emb_r, out_r):
    g = gidx_r[:]
    oh = (g == lax.broadcasted_iota(jnp.int32, (1, NUM_GATES), 1)).astype(jnp.float32)
    out_r[:, 0:H // 2] = dims_r[:] * wdt_r[:] + bd_r[:]
    out_r[:, H // 2:H] = jnp.dot(oh, emb_r[:], preferred_element_type=jnp.float32,
                                 precision=_HP)


def _tc_build(dims, gidx2, wdt, bd, emb):
    return pl.pallas_call(
        _tc_build_body,
        grid=(N // BN,),
        in_specs=[_rows_spec(1), _rows_spec(1), _full_spec(1, H // 2),
                  _full_spec(1, H // 2), _full_spec(NUM_GATES, H // 2)],
        out_specs=_rows_spec(H),
        out_shape=jax.ShapeDtypeStruct((N, H), jnp.float32),
    )(dims, gidx2, wdt, bd, emb)


def _sage_math(a, x, cnt, wlt_r, bl_r, wrt_r):
    mean = a / jnp.maximum(cnt, 1.0)
    z = (jnp.dot(mean, wlt_r[:], preferred_element_type=jnp.float32)
         + bl_r[:]
         + jnp.dot(x, wrt_r[:], preferred_element_type=jnp.float32))
    return jnp.maximum(z, 0.0)


def _tc_sage_body(acc_r, x_r, cnt_r, wlt_r, bl_r, wrt_r, xout_r):
    a = acc_r[0] + acc_r[1]
    xout_r[:] = _sage_math(a, x_r[:], cnt_r[:], wlt_r, bl_r, wrt_r)


def _tc_sage(acc3, x, cnt, wlt, bl, wrt):
    return pl.pallas_call(
        _tc_sage_body,
        grid=(N // BN,),
        in_specs=[_ACC_SPEC, _rows_spec(H), _rows_spec(1), _full_spec(H, H),
                  _full_spec(1, H), _full_spec(H, H)],
        out_specs=_rows_spec(H),
        out_shape=jax.ShapeDtypeStruct((N, H), jnp.float32),
    )(acc3, x, cnt, wlt, bl, wrt)


def _tc_gatprep_body(x_r, gwt_r, asc_r, adc_r, h_r, asr_r, adr_r):
    h = jnp.dot(x_r[:], gwt_r[:], preferred_element_type=jnp.float32)
    h_r[:] = h
    asr_r[:] = jnp.dot(h, asc_r[:], preferred_element_type=jnp.float32)
    adr_r[:] = jnp.dot(h, adc_r[:], preferred_element_type=jnp.float32)


def _tc_gatprep(x, gwt, asc, adc):
    return pl.pallas_call(
        _tc_gatprep_body,
        grid=(N // BN,),
        in_specs=[_rows_spec(H), _full_spec(H, H), _full_spec(H, 1),
                  _full_spec(H, 1)],
        out_specs=(_rows_spec(H), _rows_spec(1), _rows_spec(1)),
        out_shape=(jax.ShapeDtypeStruct((N, H), jnp.float32),
                   jax.ShapeDtypeStruct((N, 1), jnp.float32),
                   jax.ShapeDtypeStruct((N, 1), jnp.float32)),
    )(x, gwt, asc, adc)


def _tc_gatfin_body(acc_r, den_r, h_r, asr_r, adr_r, gb_r, x4_r):
    wh = acc_r[0] + acc_r[1]
    den = den_r[:]
    h = h_r[:]
    s = asr_r[:] + adr_r[:]
    wl = jnp.exp(jnp.maximum(s, 0.2 * s))
    x4_r[:] = jnp.maximum((wh + wl * h) / (den + wl + 1e-16) + gb_r[:], 0.0)


def _tc_gatfin(acc3, den, h, asr, adr, gb):
    return pl.pallas_call(
        _tc_gatfin_body,
        grid=(N // BN,),
        in_specs=[_ACC_SPEC, _rows_spec(1), _rows_spec(H), _rows_spec(1),
                  _rows_spec(1), _full_spec(1, H)],
        out_specs=_rows_spec(H),
        out_shape=jax.ShapeDtypeStruct((N, H), jnp.float32),
    )(acc3, den, h, asr, adr, gb)


BE = 2000


def _tc_final_body(xe_r, e0wt_r, e0b_r, e1wt_r, e1b_r, owt_r, ob_r, out_r):
    t0 = jnp.maximum(jnp.dot(xe_r[:], e0wt_r[:],
                             preferred_element_type=jnp.float32) + e0b_r[:], 0.0)
    t1 = jnp.maximum(jnp.dot(t0, e1wt_r[:],
                             preferred_element_type=jnp.float32) + e1b_r[:], 0.0)
    out_r[:] = jnp.dot(t1, owt_r[:], preferred_element_type=jnp.float32) + ob_r[:]


def _tc_final(xe, e0wt, e0b, e1wt, e1b, owt, ob):
    grid = (E // BE,)
    return pl.pallas_call(
        _tc_final_body,
        grid=grid,
        in_specs=[
            pl.BlockSpec((BE, H), lambda i: (i, 0)),
            pl.BlockSpec((H, H), lambda i: (0, 0)),
            pl.BlockSpec((1, H), lambda i: (0, 0)),
            pl.BlockSpec((H, H), lambda i: (0, 0)),
            pl.BlockSpec((1, H), lambda i: (0, 0)),
            pl.BlockSpec((H, 1), lambda i: (0, 0)),
            pl.BlockSpec((1, 1), lambda i: (0, 0)),
        ],
        out_specs=pl.BlockSpec((BE, 1), lambda i: (i, 0)),
        out_shape=jax.ShapeDtypeStruct((E, 1), jnp.float32),
    )(xe, e0wt, e0b, e1wt, e1b, owt, ob)


def kernel(dims, gate_indices, edge_index, emb_table, W_dim, b_dim,
           sage0_Wl, sage0_bl, sage0_Wr, sage1_Wl, sage1_bl, sage1_Wr,
           sage2_Wl, sage2_bl, sage2_Wr,
           gat_W, gat_att_src, gat_att_dst, gat_b,
           e0_W, e0_b, e1_W, e1_b, out_W, out_b):
    f32 = jnp.float32
    src = edge_index[0].astype(jnp.int32)
    dst = edge_index[1].astype(jnp.int32)
    gidx2 = gate_indices.astype(jnp.int32).reshape(N, 1)

    x0 = _tc_build(dims.astype(f32), gidx2, W_dim.reshape(1, H // 2),
                   b_dim.reshape(1, H // 2), emb_table)

    acc0, cntp = _sc_segsum_cnt(x0, src, dst)
    cnt = _tc_cnt(cntp.reshape(NW, N))
    x1 = _tc_sage(acc0.reshape(2, NPAD, H), x0, cnt,
                  sage0_Wl.T, sage0_bl.reshape(1, H), sage0_Wr.T)

    acc1 = _sc_segsum(x1, src, dst)
    x2 = _tc_sage(acc1.reshape(2, NPAD, H), x1, cnt,
                  sage1_Wl.T, sage1_bl.reshape(1, H), sage1_Wr.T)

    acc2 = _sc_segsum(x2, src, dst)
    x3 = _tc_sage(acc2.reshape(2, NPAD, H), x2, cnt,
                  sage2_Wl.T, sage2_bl.reshape(1, H), sage2_Wr.T)

    h, asr, adr = _tc_gatprep(x3, gat_W.T, gat_att_src.reshape(H, 1),
                              gat_att_dst.reshape(H, 1))
    w, denp = _sc_gatw(asr.reshape(N), adr.reshape(N), src, dst)
    accg = _sc_gat(h, w, src, dst)
    den = _tc_den(denp.reshape(NW, N))
    x4 = _tc_gatfin(accg.reshape(2, NPAD, H), den, h, asr, adr,
                    gat_b.reshape(1, H))

    xe = _sc_edge(x4, src, dst)
    return _tc_final(xe, e0_W.T, e0_b.reshape(1, H), e1_W.T, e1_b.reshape(1, H),
                     out_W.T, out_b.reshape(1, 1))

# --- scband reference (transcript-rebuilt; emitter-appended) ---
"""Pipeline reference for scband-edge-prediction-gnn-10015863734944 (READ-ONLY COPY).

The authoritative reference and input builder live on the scoring server;
editing this copy changes nothing except your own understanding.
"""

import jax, jax.numpy as jnp
import numpy as np

N = 10000
E = 320000
H = 128
NUM_GATES = 9


def sage_conv(x, src, dst, Wl, bl, Wr):
    n = x.shape[0]
    msg = x[src]
    s = jax.ops.segment_sum(msg, dst, num_segments=n)
    cnt = jax.ops.segment_sum(jnp.ones((src.shape[0],), dtype=x.dtype), dst, num_segments=n)
    mean = s / jnp.clip(cnt, 1.0)[:, None]
    return mean @ Wl.T + bl + x @ Wr.T


def gat_conv(x, src0, dst0, W, a_src, a_dst, b):
    n = x.shape[0]
    loop = jnp.arange(n, dtype=src0.dtype)
    src = jnp.concatenate([src0, loop])
    dst = jnp.concatenate([dst0, loop])
    h = x @ W.T
    alpha_src = (h * a_src).sum(-1)
    alpha_dst = (h * a_dst).sum(-1)
    e = jax.nn.leaky_relu(alpha_src[src] + alpha_dst[dst], 0.2)
    emax = jax.ops.segment_max(e, dst, num_segments=n)
    emax = jnp.where(jnp.isfinite(emax), emax, 0.0)
    ee = jnp.exp(e - emax[dst])
    denom = jax.ops.segment_sum(ee, dst, num_segments=n)
    alpha = ee / (denom[dst] + 1e-16)
    out = jax.ops.segment_sum(h[src] * alpha[:, None], dst, num_segments=n)
    return out + b


def setup_inputs(seed: int = 0):
    key = jax.random.key(seed)
    ks = jax.random.split(key, 24)
    sc = 0.05
    inp = {}
    inp['dims'] = jax.random.uniform(ks[0], (N, 1), dtype=jnp.float32)
    inp['gate_indices'] = jax.random.randint(ks[1], (N,), 0, NUM_GATES)
    inp['edge_index'] = jax.random.randint(ks[2], (2, E), 0, N)
    inp['emb_table'] = jax.random.normal(ks[3], (NUM_GATES, H // 2), dtype=jnp.float32) * sc
    inp['W_dim'] = jax.random.normal(ks[4], (H // 2, 1), dtype=jnp.float32) * sc
    inp['b_dim'] = jnp.zeros((H // 2,), dtype=jnp.float32)
    kk = 5
    for i in range(3):
        inp['sage%d_Wl' % i] = jax.random.normal(ks[kk], (H, H), dtype=jnp.float32) * sc; kk += 1
        inp['sage%d_bl' % i] = jnp.zeros((H,), dtype=jnp.float32)
        inp['sage%d_Wr' % i] = jax.random.normal(ks[kk], (H, H), dtype=jnp.float32) * sc; kk += 1
    inp['gat_W'] = jax.random.normal(ks[kk], (H, H), dtype=jnp.float32) * sc; kk += 1
    inp['gat_att_src'] = jax.random.normal(ks[kk], (H,), dtype=jnp.float32) * sc; kk += 1
    inp['gat_att_dst'] = jax.random.normal(ks[kk], (H,), dtype=jnp.float32) * sc; kk += 1
    inp['gat_b'] = jnp.zeros((H,), dtype=jnp.float32)
    inp['e0_W'] = jax.random.normal(ks[kk], (H, H), dtype=jnp.float32) * sc; kk += 1
    inp['e0_b'] = jnp.zeros((H,), dtype=jnp.float32)
    inp['e1_W'] = jax.random.normal(ks[kk], (H, H), dtype=jnp.float32) * sc; kk += 1
    inp['e1_b'] = jnp.zeros((H,), dtype=jnp.float32)
    inp['out_W'] = jax.random.normal(ks[kk], (1, H), dtype=jnp.float32) * sc; kk += 1
    inp['out_b'] = jnp.zeros((1,), dtype=jnp.float32)
    return inp


def reference(dims, gate_indices, edge_index, emb_table, W_dim, b_dim,
              sage0_Wl, sage0_bl, sage0_Wr, sage1_Wl, sage1_bl, sage1_Wr,
              sage2_Wl, sage2_bl, sage2_Wr,
              gat_W, gat_att_src, gat_att_dst, gat_b,
              e0_W, e0_b, e1_W, e1_b, out_W, out_b):
    src = edge_index[0]
    dst = edge_index[1]
    x_dim = dims @ W_dim.T + b_dim
    x_emb = emb_table[gate_indices]
    x = jnp.concatenate([x_dim, x_emb], axis=1)
    for Wl, bl, Wr in ((sage0_Wl, sage0_bl, sage0_Wr),
                       (sage1_Wl, sage1_bl, sage1_Wr),
                       (sage2_Wl, sage2_bl, sage2_Wr)):
        x = jax.nn.relu(sage_conv(x, src, dst, Wl, bl, Wr))
    x = jax.nn.relu(gat_conv(x, src, dst, gat_W, gat_att_src, gat_att_dst, gat_b))
    xe = x[src] + x[dst]
    xe = jax.nn.relu(xe @ e0_W.T + e0_b)
    xe = jax.nn.relu(xe @ e1_W.T + e1_b)
    return xe @ out_W.T + out_b

if __name__ == "__main__":
    import jax
    _d = setup_inputs()
    print(jax.jit(kernel)(*tuple(_d.values())))

</pallas_src>

<mosaic_0001>
#map = affine_map<(d0, d1) -> (0, 0)>
#map1 = affine_map<(d0, d1) -> (0)>
module attributes {stable_mosaic.version = 14 : i64} {
  func.func @_sc_segsum(%arg0: i32, %arg1: i32, %arg2: memref<10000x128xf32, #tpu.memory_space<hbm>>, %arg3: memref<320000xi32, #tpu.memory_space<hbm>>, %arg4: memref<320000xi32, #tpu.memory_space<hbm>>, %arg5: memref<20480x128xf32, #tpu.memory_space<hbm>>, %arg6: memref<80xi32, #tpu.memory_space<vmem>>, %arg7: memref<80xi32, #tpu.memory_space<vmem>>, %arg8: memref<80xi32, #tpu.memory_space<vmem>>, %arg9: memref<80xi32, #tpu.memory_space<vmem>>, %arg10: memref<80x128xf32, #tpu.memory_space<vmem>>, %arg11: memref<80x128xf32, #tpu.memory_space<vmem>>, %arg12: memref<10240x128xf32, #tpu.memory_space<vmem_shared>>, %arg13: memref<!tpu.dma_semaphore, #tpu.memory_space<semaphore_mem>>, %arg14: memref<!tpu.dma_semaphore, #tpu.memory_space<semaphore_mem>>, %arg15: memref<!tpu.dma_semaphore, #tpu.memory_space<semaphore_mem>>, %arg16: memref<!tpu.dma_semaphore, #tpu.memory_space<semaphore_mem>>) attributes {dimension_semantics = [#tpu.dimension_semantics<core_parallel>, #tpu.dimension_semantics<subcore_parallel>], iteration_bounds = array<i64: 2, 16>, scalar_prefetch = 0 : i64, scratch_operands = 11 : i64, tpu.core_type = #tpu.core_type<sc_vector_subcore>, window_params = [{transform_indices = #map}, {transform_indices = #map1}, {transform_indices = #map1}, {transform_indices = #map}]} {
    %mul3A = arith.constant 2 : i32
    %mul3A_0 = arith.muli %arg1, %mul3A : i32
    %add3A = arith.addi %mul3A_0, %arg0 : i32
    %scan3A = arith.constant 0 : i32
    %scan3A_1 = arith.constant 0 : i32
    %scan3A_2 = arith.constant 80 : i32
    %scan3A_3 = arith.addi %scan3A_1, %scan3A_2 : i32
    %scan3A_4 = arith.constant 1 : i32
    %scan3A_5 = scf.for %scan3A_45 = %scan3A_1 to %scan3A_3 step %scan3A_4 iter_args(%scan3A_46 = %scan3A) -> (i32)  : i32 {
      %broadcast_in_dim3A = arith.constant 0.000000e+00 : f32
      %broadcast_in_dim3A_47 = vector.broadcast %broadcast_in_dim3A : f32 to vector<16xf32>
      %swap3A = arith.index_cast %scan3A_45 : i32 to index
      %swap3A_48 = arith.constant 0 : index
      %swap3A_49 = tpu.vector_load %arg10[%swap3A, %swap3A_48] {strides = array<i32>} : memref<80x128xf32, #tpu.memory_space<vmem>>, vector<16xf32>,
      tpu.vector_store %arg10[%swap3A, %swap3A_48], %broadcast_in_dim3A_47 {strides = array<i32>} : memref<80x128xf32, #tpu.memory_space<vmem>>, vector<16xf32>,
      %broadcast_in_dim3A_50 = arith.constant 0.000000e+00 : f32
      %broadcast_in_dim3A_51 = vector.broadcast %broadcast_in_dim3A_50 : f32 to vector<16xf32>
      %swap3A_52 = arith.index_cast %scan3A_45 : i32 to index
      %swap3A_53 = arith.constant 16 : index
      %swap3A_54 = tpu.vector_load %arg10[%swap3A_52, %swap3A_53] {strides = array<i32>} : memref<80x128xf32, #tpu.memory_space<vmem>>, vector<16xf32>,
      tpu.vector_store %arg10[%swap3A_52, %swap3A_53], %broadcast_in_dim3A_51 {strides = array<i32>} : memref<80x128xf32, #tpu.memory_space<vmem>>, vector<16xf32>,
      %broadcast_in_dim3A_55 = arith.constant 0.000000e+00 : f32
      %broadcast_in_dim3A_56 = vector.broadcast %broadcast_in_dim3A_55 : f32 to vector<16xf32>
      %swap3A_57 = arith.index_cast %scan3A_45 : i32 to index
      %swap3A_58 = arith.constant 32 : index
      %swap3A_59 = tpu.vector_load %arg10[%swap3A_57, %swap3A_58] {strides = array<i32>} : memref<80x128xf32, #tpu.memory_space<vmem>>, vector<16xf32>,
      tpu.vector_store %arg10[%swap3A_57, %swap3A_58], %broadcast_in_dim3A_56 {strides = array<i32>} : memref<80x128xf32, #tpu.memory_space<vmem>>, vector<16xf32>,
      %broadcast_in_dim3A_60 = arith.constant 0.000000e+00 : f32
      %broadcast_in_dim3A_61 = vector.broadcast %broadcast_in_dim3A_60 : f32 to vector<16xf32>
      %swap3A_62 = arith.index_cast %scan3A_45 : i32 to index
      %swap3A_63 = arith.constant 48 : index
      %swap3A_64 = tpu.vector_load %arg10[%swap3A_62, %swap3A_63] {strides = array<i32>} : memref<80x128xf32, #tpu.memory_space<vmem>>, vector<16xf32>,
      tpu.vector_store %arg10[%swap3A_62, %swap3A_63], %broadcast_in_dim3A_61 {strides = array<i32>} : memref<80x128xf32, #tpu.memory_space<vmem>>, vector<16xf32>,
      %broadcast_in_dim3A_65 = arith.constant 0.000000e+00 : f32
      %broadcast_in_dim3A_66 = vector.broadcast %broadcast_in_dim3A_65 : f32 to vector<16xf32>
      %swap3A_67 = arith.index_cast %scan3A_45 : i32 to index
      %swap3A_68 = arith.constant 64 : index
      %swap3A_69 = tpu.vector_load %arg10[%swap3A_67, %swap3A_68] {strides = array<i32>} : memref<80x128xf32, #tpu.memory_space<vmem>>, vector<16xf32>,
      tpu.vector_store %arg10[%swap3A_67, %swap3A_68], %broadcast_in_dim3A_66 {strides = array<i32>} : memref<80x128xf32, #tpu.memory_space<vmem>>, vector<16xf32>,
      %broadcast_in_dim3A_70 = arith.constant 0.000000e+00 : f32
      %broadcast_in_dim3A_71 = vector.broadcast %broadcast_in_dim3A_70 : f32 to vector<16xf32>
      %swap3A_72 = arith.index_cast %scan3A_45 : i32 to index
      %swap3A_73 = arith.constant 80 : index
      %swap3A_74 = tpu.vector_load %arg10[%swap3A_72, %swap3A_73] {strides = array<i32>} : memref<80x128xf32, #tpu.memory_space<vmem>>, vector<16xf32>,
      tpu.vector_store %arg10[%swap3A_72, %swap3A_73], %broadcast_in_dim3A_71 {strides = array<i32>} : memref<80x128xf32, #tpu.memory_space<vmem>>, vector<16xf32>,
      %broadcast_in_dim3A_75 = arith.constant 0.000000e+00 : f32
      %broadcast_in_dim3A_76 = vector.broadcast %broadcast_in_dim3A_75 : f32 to vector<16xf32>
      %swap3A_77 = arith.index_cast %scan3A_45 : i32 to index
      %swap3A_78 = arith.constant 96 : index
      %swap3A_79 = tpu.vector_load %arg10[%swap3A_77, %swap3A_78] {strides = array<i32>} : memref<80x128xf32, #tpu.memory_space<vmem>>, vector<16xf32>,
      tpu.vector_store %arg10[%swap3A_77, %swap3A_78], %broadcast_in_dim3A_76 {strides = array<i32>} : memref<80x128xf32, #tpu.memory_space<vmem>>, vector<16xf32>,
      %broadcast_in_dim3A_80 = arith.constant 0.000000e+00 : f32
      %broadcast_in_dim3A_81 = vector.broadcast %broadcast_in_dim3A_80 : f32 to vector<16xf32>
      %swap3A_82 = arith.index_cast %scan3A_45 : i32 to index
      %swap3A_83 = arith.constant 112 : index
      %swap3A_84 = tpu.vector_load %arg10[%swap3A_82, %swap3A_83] {strides = array<i32>} : memref<80x128xf32, #tpu.memory_space<vmem>>, vector<16xf32>,
      tpu.vector_store %arg10[%swap3A_82, %swap3A_83], %broadcast_in_dim3A_81 {strides = array<i32>} : memref<80x128xf32, #tpu.memory_space<vmem>>, vector<16xf32>,
      %scan3A_85 = arith.constant 0 : i32
      scf.yield %scan3A_85 : i32
    }
    %scan3A_6 = arith.constant 80 : i32
    %scan3A_7 = arith.constant 0 : i32
    %scan3A_8 = arith.constant 0 : i32
    %scan3A_9 = arith.constant 8 : i32
    %scan3A_10 = arith.addi %scan3A_8, %scan3A_9 : i32
    %scan3A_11 = arith.constant 1 : i32
    %scan3A_12 = scf.for %scan3A_45 = %scan3A_8 to %scan3A_10 step %scan3A_11 iter_args(%scan3A_46 = %scan3A_7) -> (i32)  : i32 {
      %mul3A_47 = arith.constant 640 : i32
      %mul3A_48 = arith.muli %arg1, %mul3A_47 : i32
      %mul3A_49 = arith.constant 80 : i32
      %mul3A_50 = arith.muli %scan3A_45, %mul3A_49 : i32
      %add3A_51 = arith.addi %mul3A_48, %mul3A_50 : i32
      "tpu.region"() ({
        %run_scoped3A = tpu.sem_alloc : memref<!tpu.dma_semaphore, #tpu.memory_space<semaphore_mem>>
        %dma_start3A_53 = arith.constant 0 : i32
        %dma_start3A_54 = arith.constant 0 : i32
        %dma_start3A_55 = tpu.memref_slice %arg10[%dma_start3A_53, %dma_start3A_54] : memref<80x128xf32, #tpu.memory_space<vmem>> -> memref<80x128xf32, #tpu.memory_space<vmem>>
        %dma_start3A_56 = arith.constant 0 : i32
        %dma_start3A_57 = tpu.memref_slice %arg12[%add3A_51, %dma_start3A_56] : memref<10240x128xf32, #tpu.memory_space<vmem_shared>> -> memref<80x128xf32, #tpu.memory_space<vmem_shared>>
        %dma_start3A_58 = arith.constant 0 : i32
        %dma_start3A_59 = tpu.memref_slice %arg12[%add3A_51, %dma_start3A_58] : memref<10240x128xf32, #tpu.memory_space<vmem_shared>> -> memref<80x128xf32, #tpu.memory_space<vmem_shared>>
        %dma_start3A_60 = arith.constant 0 : i32
        %dma_start3A_61 = arith.constant 0 : i32
        %dma_start3A_62 = tpu.memref_slice %arg10[%dma_start3A_60, %dma_start3A_61] : memref<80x128xf32, #tpu.memory_space<vmem>> -> memref<80x128xf32, #tpu.memory_space<vmem>>
        tpu.enqueue_dma source(%dma_start3A_62 : memref<80x128xf32, #tpu.memory_space<vmem>>) target(%dma_start3A_59 : memref<80x128xf32, #tpu.memory_space<vmem_shared>>) target_semaphore(%run_scoped3A : memref<!tpu.dma_semaphore, #tpu.memory_space<semaphore_mem>>)
        %dma_wait3A_63 = arith.constant 0 : i32
        %dma_wait3A_64 = arith.constant 0 : i32
        %dma_wait3A_65 = tpu.memref_slice %arg10[%dma_wait3A_63, %dma_wait3A_64] : memref<80x128xf32, #tpu.memory_space<vmem>> -> memref<80x128xf32, #tpu.memory_space<vmem>>
        %dma_wait3A_66 = arith.constant 0 : i32
        %dma_wait3A_67 = tpu.memref_slice %arg12[%add3A_51, %dma_wait3A_66] : memref<10240x128xf32, #tpu.memory_space<vmem_shared>> -> memref<80x128xf32, #tpu.memory_space<vmem_shared>>
        %dma_wait3A_68 = arith.constant 0 : i32
        %dma_wait3A_69 = tpu.memref_slice %arg12[%add3A_51, %dma_wait3A_68] : memref<10240x128xf32, #tpu.memory_space<vmem_shared>> -> memref<80x128xf32, #tpu.memory_space<vmem_shared>>
        %dma_wait3A_70 = arith.constant 0 : i32
        %dma_wait3A_71 = arith.constant 0 : i32
        %dma_wait3A_72 = tpu.memref_slice %arg10[%dma_wait3A_70, %dma_wait3A_71] : memref<80x128xf32, #tpu.memory_space<vmem>> -> memref<80x128xf32, #tpu.memory_space<vmem>>
        tpu.wait_dma2 semaphore(%run_scoped3A : memref<!tpu.dma_semaphore, #tpu.memory_space<semaphore_mem>>) src(%dma_wait3A_72 : memref<80x128xf32, #tpu.memory_space<vmem>>) dst(%dma_wait3A_69 : memref<80x128xf32, #tpu.memory_space<vmem_shared>>)
        tpu.yield
      }) : () -> ()
      %scan3A_52 = arith.constant 0 : i32
      scf.yield %scan3A_52 : i32
    }
    %scan3A_13 = arith.constant 8 : i32
    %barrier3A = arith.constant 0 : index
    tpu.barrier barrier_id(%barrier3A)
    %mul3A_14 = arith.constant 10000 : i32
    %mul3A_15 = arith.muli %add3A, %mul3A_14 : i32
    %add3A_16 = arith.constant 0 : i32
    %add3A_17 = arith.addi %mul3A_15, %add3A_16 : i32
    "tpu.region"() ({
      %run_scoped3A = tpu.sem_alloc : memref<!tpu.dma_semaphore, #tpu.memory_space<semaphore_mem>>
      %dma_start3A_45 = tpu.memref_slice %arg3[%add3A_17] : memref<320000xi32, #tpu.memory_space<hbm>> -> memref<80xi32, #tpu.memory_space<hbm>>
      %dma_start3A_46 = tpu.memref_slice %arg3[%add3A_17] : memref<320000xi32, #tpu.memory_space<hbm>> -> memref<80xi32, #tpu.memory_space<hbm>>
      tpu.enqueue_dma source(%dma_start3A_46 : memref<80xi32, #tpu.memory_space<hbm>>) target(%arg6 : memref<80xi32, #tpu.memory_space<vmem>>) target_semaphore(%run_scoped3A : memref<!tpu.dma_semaphore, #tpu.memory_space<semaphore_mem>>)
      %dma_wait3A_47 = tpu.memref_slice %arg3[%add3A_17] : memref<320000xi32, #tpu.memory_space<hbm>> -> memref<80xi32, #tpu.memory_space<hbm>>
      %dma_wait3A_48 = tpu.memref_slice %arg3[%add3A_17] : memref<320000xi32, #tpu.memory_space<hbm>> -> memref<80xi32, #tpu.memory_space<hbm>>
      tpu.wait_dma2 semaphore(%run_scoped3A : memref<!tpu.dma_semaphore, #tpu.memory_space<semaphore_mem>>) src(%dma_wait3A_48 : memref<80xi32, #tpu.memory_space<hbm>>) dst(%arg6 : memref<80xi32, #tpu.memory_space<vmem>>)
      tpu.yield
    }) : () -> ()
    "tpu.region"() ({
      %run_scoped3A = tpu.sem_alloc : memref<!tpu.dma_semaphore, #tpu.memory_space<semaphore_mem>>
      %dma_start3A_45 = tpu.memref_slice %arg4[%add3A_17] : memref<320000xi32, #tpu.memory_space<hbm>> -> memref<80xi32, #tpu.memory_space<hbm>>
      %dma_start3A_46 = tpu.memref_slice %arg4[%add3A_17] : memref<320000xi32, #tpu.memory_space<hbm>> -> memref<80xi32, #tpu.memory_space<hbm>>
      tpu.enqueue_dma source(%dma_start3A_46 : memref<80xi32, #tpu.memory_space<hbm>>) target(%arg8 : memref<80xi32, #tpu.memory_space<vmem>>) target_semaphore(%run_scoped3A : memref<!tpu.dma_semaphore, #tpu.memory_space<semaphore_mem>>)
      %dma_wait3A_47 = tpu.memref_slice %arg4[%add3A_17] : memref<320000xi32, #tpu.memory_space<hbm>> -> memref<80xi32, #tpu.memory_space<hbm>>
      %dma_wait3A_48 = tpu.memref_slice %arg4[%add3A_17] : memref<320000xi32, #tpu.memory_space<hbm>> -> memref<80xi32, #tpu.memory_space<hbm>>
      tpu.wait_dma2 semaphore(%run_scoped3A : memref<!tpu.dma_semaphore, #tpu.memory_space<semaphore_mem>>) src(%dma_wait3A_48 : memref<80xi32, #tpu.memory_space<hbm>>) dst(%arg8 : memref<80xi32, #tpu.memory_space<vmem>>)
      tpu.yield
    }) : () -> ()
    %dma_start3A = arith.constant 0 : i32
    %dma_start3A_18 = arith.constant 0 : i32
    %dma_start3A_19 = tpu.memref_slice %arg2[%dma_start3A, %dma_start3A_18] : memref<10000x128xf32, #tpu.memory_space<hbm>> -> memref<10000x128xf32, #tpu.memory_space<hbm>>
    tpu.enqueue_indirect_dma source(%dma_start3A_19 : memref<10000x128xf32, #tpu.memory_space<hbm>>) target(%arg10 : memref<80x128xf32, #tpu.memory_space<vmem>>) offsets(%arg6 : memref<80xi32, #tpu.memory_space<vmem>>) semaphore(%arg13 : memref<!tpu.dma_semaphore, #tpu.memory_space<semaphore_mem>>)
    %add3A_20 = arith.constant 80 : i32
    %add3A_21 = arith.addi %mul3A_15, %add3A_20 : i32
    "tpu.region"() ({
      %run_scoped3A = tpu.sem_alloc : memref<!tpu.dma_semaphore, #tpu.memory_space<semaphore_mem>>
      %dma_start3A_45 = tpu.memref_slice %arg3[%add3A_21] : memref<320000xi32, #tpu.memory_space<hbm>> -> memref<80xi32, #tpu.memory_space<hbm>>
      %dma_start3A_46 = tpu.memref_slice %arg3[%add3A_21] : memref<320000xi32, #tpu.memory_space<hbm>> -> memref<80xi32, #tpu.memory_space<hbm>>
      tpu.enqueue_dma source(%dma_start3A_46 : memref<80xi32, #tpu.memory_space<hbm>>) target(%arg7 : memref<80xi32, #tpu.memory_space<vmem>>) target_semaphore(%run_scoped3A : memref<!tpu.dma_semaphore, #tpu.memory_space<semaphore_mem>>)
      %dma_wait3A_47 = tpu.memref_slice %arg3[%add3A_21] : memref<320000xi32, #tpu.memory_space<hbm>> -> memref<80xi32, #tpu.memory_space<hbm>>
      %dma_wait3A_48 = tpu.memref_slice %arg3[%add3A_21] : memref<320000xi32, #tpu.memory_space<hbm>> -> memref<80xi32, #tpu.memory_space<hbm>>
      tpu.wait_dma2 semaphore(%run_scoped3A : memref<!tpu.dma_semaphore, #tpu.memory_space<semaphore_mem>>) src(%dma_wait3A_48 : memref<80xi32, #tpu.memory_space<hbm>>) dst(%arg7 : memref<80xi32, #tpu.memory_space<vmem>>)
      tpu.yield
    }) : () -> ()
    "tpu.region"() ({
      %run_scoped3A = tpu.sem_alloc : memref<!tpu.dma_semaphore, #tpu.memory_space<semaphore_mem>>
      %dma_start3A_45 = tpu.memref_slice %arg4[%add3A_21] : memref<320000xi32, #tpu.memory_space<hbm>> -> memref<80xi32, #tpu.memory_space<hbm>>
      %dma_start3A_46 = tpu.memref_slice %arg4[%add3A_21] : memref<320000xi32, #tpu.memory_space<hbm>> -> memref<80xi32, #tpu.memory_space<hbm>>
      tpu.enqueue_dma source(%dma_start3A_46 : memref<80xi32, #tpu.memory_space<hbm>>) target(%arg9 : memref<80xi32, #tpu.memory_space<vmem>>) target_semaphore(%run_scoped3A : memref<!tpu.dma_semaphore, #tpu.memory_space<semaphore_mem>>)
      %dma_wait3A_47 = tpu.memref_slice %arg4[%add3A_21] : memref<320000xi32, #tpu.memory_space<hbm>> -> memref<80xi32, #tpu.memory_space<hbm>>
      %dma_wait3A_48 = tpu.memref_slice %arg4[%add3A_21] : memref<320000xi32, #tpu.memory_space<hbm>> -> memref<80xi32, #tpu.memory_space<hbm>>
      tpu.wait_dma2 semaphore(%run_scoped3A : memref<!tpu.dma_semaphore, #tpu.memory_space<semaphore_mem>>) src(%dma_wait3A_48 : memref<80xi32, #tpu.memory_space<hbm>>) dst(%arg9 : memref<80xi32, #tpu.memory_space<vmem>>)
      tpu.yield
    }) : () -> ()
    %dma_start3A_22 = arith.constant 0 : i32
    %dma_start3A_23 = arith.constant 0 : i32
    %dma_start3A_24 = tpu.memref_slice %arg2[%dma_start3A_22, %dma_start3A_23] : memref<10000x128xf32, #tpu.memory_space<hbm>> -> memref<10000x128xf32, #tpu.memory_space<hbm>>
    tpu.enqueue_indirect_dma source(%dma_start3A_24 : memref<10000x128xf32, #tpu.memory_space<hbm>>) target(%arg11 : memref<80x128xf32, #tpu.memory_space<vmem>>) offsets(%arg7 : memref<80xi32, #tpu.memory_space<vmem>>) semaphore(%arg14 : memref<!tpu.dma_semaphore, #tpu.memory_space<semaphore_mem>>)
    %scan3A_25 = arith.constant 0 : i32
    %scan3A_26 = arith.constant 0 : i32
    %scan3A_27 = arith.constant 63 : i32
    %scan3A_28 = arith.addi %scan3A_26, %scan3A_27 : i32
    %scan3A_29 = arith.constant 1 : i32
    %scan3A_30 = scf.for %scan3A_45 = %scan3A_26 to %scan3A_28 step %scan3A_29 iter_args(%scan3A_46 = %scan3A_25) -> (i32)  : i32 {
      %mul3A_47 = arith.constant 2 : i32
      %mul3A_48 = arith.muli %mul3A_47, %scan3A_45 : i32
      %add3A_49 = arith.constant 0 : i32
      %add3A_50 = arith.addi %mul3A_48, %add3A_49 : i32
      %lt3A = arith.constant 125 : i32
      %lt3A_51 = arith.cmpi slt, %add3A_50, %lt3A : i32
      %convert_element_type3A = arith.extui %lt3A_51 : i1 to i32
      %cond3A = arith.constant 0 : i32
      %cond3A_52 = arith.cmpi ne, %convert_element_type3A, %cond3A : i32
      scf.if %cond3A_52 {
        %dma_wait3A_63 = arith.constant 0 : i32
        %dma_wait3A_64 = arith.constant 0 : i32
        %dma_wait3A_65 = tpu.memref_slice %arg2[%dma_wait3A_63, %dma_wait3A_64] : memref<10000x128xf32, #tpu.memory_space<hbm>> -> memref<10000x128xf32, #tpu.memory_space<hbm>>
        tpu.wait_indirect_dma semaphore(%arg13 : memref<!tpu.dma_semaphore, #tpu.memory_space<semaphore_mem>>) src(%dma_wait3A_65 : memref<10000x128xf32, #tpu.memory_space<hbm>>) dst(%arg10 : memref<80x128xf32, #tpu.memory_space<vmem>>)
        %dma_start3A_66 = arith.constant 0 : i32
        %dma_start3A_67 = arith.constant 0 : i32
        %dma_start3A_68 = tpu.memref_slice %arg12[%dma_start3A_66, %dma_start3A_67] : memref<10240x128xf32, #tpu.memory_space<vmem_shared>> -> memref<10240x128xf32, #tpu.memory_space<vmem_shared>>
        tpu.enqueue_indirect_dma source(%arg10 : memref<80x128xf32, #tpu.memory_space<vmem>>) target(%dma_start3A_68 : memref<10240x128xf32, #tpu.memory_space<vmem_shared>>) offsets(%arg8 : memref<80xi32, #tpu.memory_space<vmem>>) semaphore(%arg15 : memref<!tpu.dma_semaphore, #tpu.memory_space<semaphore_mem>>) {add = true}
        %add3A_69 = arith.constant 2 : i32
        %add3A_70 = arith.addi %add3A_50, %add3A_69 : i32
        %lt3A_71 = arith.constant 125 : i32
        %lt3A_72 = arith.cmpi slt, %add3A_70, %lt3A_71 : i32
        %convert_element_type3A_73 = arith.extui %lt3A_72 : i1 to i32
        %cond3A_74 = arith.constant 0 : i32
        %cond3A_75 = arith.cmpi ne, %convert_element_type3A_73, %cond3A_74 : i32
        scf.if %cond3A_75 {
          %dma_wait3A_76 = arith.constant 0 : i32
          %dma_wait3A_77 = arith.constant 0 : i32
          %dma_wait3A_78 = tpu.memref_slice %arg12[%dma_wait3A_76, %dma_wait3A_77] : memref<10240x128xf32, #tpu.memory_space<vmem_shared>> -> memref<10240x128xf32, #tpu.memory_space<vmem_shared>>
          tpu.wait_indirect_dma semaphore(%arg15 : memref<!tpu.dma_semaphore, #tpu.memory_space<semaphore_mem>>) src(%arg10 : memref<80x128xf32, #tpu.memory_space<vmem>>) dst(%dma_wait3A_78 : memref<10240x128xf32, #tpu.memory_space<vmem_shared>>)
          %add3A_79 = arith.constant 2 : i32
          %add3A_80 = arith.addi %add3A_50, %add3A_79 : i32
          %mul3A_81 = arith.constant 80 : i32
          %mul3A_82 = arith.muli %add3A_80, %mul3A_81 : i32
          %add3A_83 = arith.addi %mul3A_15, %mul3A_82 : i32
          "tpu.region"() ({
            %run_scoped3A = tpu.sem_alloc : memref<!tpu.dma_semaphore, #tpu.memory_space<semaphore_mem>>
            %dma_start3A_87 = tpu.memref_slice %arg3[%add3A_83] : memref<320000xi32, #tpu.memory_space<hbm>> -> memref<80xi32, #tpu.memory_space<hbm>>
            %dma_start3A_88 = tpu.memref_slice %arg3[%add3A_83] : memref<320000xi32, #tpu.memory_space<hbm>> -> memref<80xi32, #tpu.memory_space<hbm>>
            tpu.enqueue_dma source(%dma_start3A_88 : memref<80xi32, #tpu.memory_space<hbm>>) target(%arg6 : memref<80xi32, #tpu.memory_space<vmem>>) target_semaphore(%run_scoped3A : memref<!tpu.dma_semaphore, #tpu.memory_space<semaphore_mem>>)
            %dma_wait3A_89 = tpu.memref_slice %arg3[%add3A_83] : memref<320000xi32, #tpu.memory_space<hbm>> -> memref<80xi32, #tpu.memory_space<hbm>>
            %dma_wait3A_90 = tpu.memref_slice %arg3[%add3A_83] : memref<320000xi32, #tpu.memory_space<hbm>> -> memref<80xi32, #tpu.memory_space<hbm>>
            tpu.wait_dma2 semaphore(%run_scoped3A : memref<!tpu.dma_semaphore, #tpu.memory_space<semaphore_mem>>) src(%dma_wait3A_90 : memref<80xi32, #tpu.memory_space<hbm>>) dst(%arg6 : memref<80xi32, #tpu.memory_space<vmem>>)
            tpu.yield
          }) : () -> ()
          "tpu.region"() ({
            %run_scoped3A = tpu.sem_alloc : memref<!tpu.dma_semaphore, #tpu.memory_space<semaphore_mem>>
            %dma_start3A_87 = tpu.memref_slice %arg4[%add3A_83] : memref<320000xi32, #tpu.memory_space<hbm>> -> memref<80xi32, #tpu.memory_space<hbm>>
            %dma_start3A_88 = tpu.memref_slice %arg4[%add3A_83] : memref<320000xi32, #tpu.memory_space<hbm>> -> memref<80xi32, #tpu.memory_space<hbm>>
            tpu.enqueue_dma source(%dma_start3A_88 : memref<80xi32, #tpu.memory_space<hbm>>) target(%arg8 : memref<80xi32, #tpu.memory_space<vmem>>) target_semaphore(%run_scoped3A : memref<!tpu.dma_semaphore, #tpu.memory_space<semaphore_mem>>)
            %dma_wait3A_89 = tpu.memref_slice %arg4[%add3A_83] : memref<320000xi32, #tpu.memory_space<hbm>> -> memref<80xi32, #tpu.memory_space<hbm>>
            %dma_wait3A_90 = tpu.memref_slice %arg4[%add3A_83] : memref<320000xi32, #tpu.memory_space<hbm>> -> memref<80xi32, #tpu.memory_space<hbm>>
            tpu.wait_dma2 semaphore(%run_scoped3A : memref<!tpu.dma_semaphore, #tpu.memory_space<semaphore_mem>>) src(%dma_wait3A_90 : memref<80xi32, #tpu.memory_space<hbm>>) dst(%arg8 : memref<80xi32, #tpu.memory_space<vmem>>)
            tpu.yield
          }) : () -> ()
          %dma_start3A_84 = arith.constant 0 : i32
          %dma_start3A_85 = arith.constant 0 : i32
          %dma_start3A_86 = tpu.memref_slice %arg2[%dma_start3A_84, %dma_start3A_85] : memref<10000x128xf32, #tpu.memory_space<hbm>> -> memref<10000x128xf32, #tpu.memory_space<hbm>>
          tpu.enqueue_indirect_dma source(%dma_start3A_86 : memref<10000x128xf32, #tpu.memory_space<hbm>>) target(%arg10 : memref<80x128xf32, #tpu.memory_space<vmem>>) offsets(%arg6 : memref<80xi32, #tpu.memory_space<vmem>>) semaphore(%arg13 : memref<!tpu.dma_semaphore, #tpu.memory_space<semaphore_mem>>)
        } else {
        }
      } else {
      }
      %mul3A_53 = arith.constant 2 : i32
      %mul3A_54 = arith.muli %mul3A_53, %scan3A_45 : i32
      %add3A_55 = arith.constant 1 : i32
      %add3A_56 = arith.addi %mul3A_54, %add3A_55 : i32
      %lt3A_57 = arith.constant 125 : i32
      %lt3A_58 = arith.cmpi slt, %add3A_56, %lt3A_57 : i32
      %convert_element_type3A_59 = arith.extui %lt3A_58 : i1 to i32
      %cond3A_60 = arith.constant 0 : i32
      %cond3A_61 = arith.cmpi ne, %convert_element_type3A_59, %cond3A_60 : i32
      scf.if %cond3A_61 {
        %dma_wait3A_63 = arith.constant 0 : i32
        %dma_wait3A_64 = arith.constant 0 : i32
        %dma_wait3A_65 = tpu.memref_slice %arg2[%dma_wait3A_63, %dma_wait3A_64] : memref<10000x128xf32, #tpu.memory_space<hbm>> -> memref<10000x128xf32, #tpu.memory_space<hbm>>
        tpu.wait_indirect_dma semaphore(%arg14 : memref<!tpu.dma_semaphore, #tpu.memory_space<semaphore_mem>>) src(%dma_wait3A_65 : memref<10000x128xf32, #tpu.memory_space<hbm>>) dst(%arg11 : memref<80x128xf32, #tpu.memory_space<vmem>>)
        %dma_start3A_66 = arith.constant 0 : i32
        %dma_start3A_67 = arith.constant 0 : i32
        %dma_start3A_68 = tpu.memref_slice %arg12[%dma_start3A_66, %dma_start3A_67] : memref<10240x128xf32, #tpu.memory_space<vmem_shared>> -> memref<10240x128xf32, #tpu.memory_space<vmem_shared>>
        tpu.enqueue_indirect_dma source(%arg11 : memref<80x128xf32, #tpu.memory_space<vmem>>) target(%dma_start3A_68 : memref<10240x128xf32, #tpu.memory_space<vmem_shared>>) offsets(%arg9 : memref<80xi32, #tpu.memory_space<vmem>>) semaphore(%arg16 : memref<!tpu.dma_semaphore, #tpu.memory_space<semaphore_mem>>) {add = true}
        %add3A_69 = arith.constant 2 : i32
        %add3A_70 = arith.addi %add3A_56, %add3A_69 : i32
        %lt3A_71 = arith.constant 125 : i32
        %lt3A_72 = arith.cmpi slt, %add3A_70, %lt3A_71 : i32
        %convert_element_type3A_73 = arith.extui %lt3A_72 : i1 to i32
        %cond3A_74 = arith.constant 0 : i32
        %cond3A_75 = arith.cmpi ne, %convert_element_type3A_73, %cond3A_74 : i32
        scf.if %cond3A_75 {
          %dma_wait3A_76 = arith.constant 0 : i32
          %dma_wait3A_77 = arith.constant 0 : i32
          %dma_wait3A_78 = tpu.memref_slice %arg12[%dma_wait3A_76, %dma_wait3A_77] : memref<10240x128xf32, #tpu.memory_space<vmem_shared>> -> memref<10240x128xf32, #tpu.memory_space<vmem_shared>>
          tpu.wait_indirect_dma semaphore(%arg16 : memref<!tpu.dma_semaphore, #tpu.memory_space<semaphore_mem>>) src(%arg11 : memref<80x128xf32, #tpu.memory_space<vmem>>) dst(%dma_wait3A_78 : memref<10240x128xf32, #tpu.memory_space<vmem_shared>>)
          %add3A_79 = arith.constant 2 : i32
          %add3A_80 = arith.addi %add3A_56, %add3A_79 : i32
          %mul3A_81 = arith.constant 80 : i32
          %mul3A_82 = arith.muli %add3A_80, %mul3A_81 : i32
          %add3A_83 = arith.addi %mul3A_15, %mul3A_82 : i32
          "tpu.region"() ({
            %run_scoped3A = tpu.sem_alloc : memref<!tpu.dma_semaphore, #tpu.memory_space<semaphore_mem>>
            %dma_start3A_87 = tpu.memref_slice %arg3[%add3A_83] : memref<320000xi32, #tpu.memory_space<hbm>> -> memref<80xi32, #tpu.memory_space<hbm>>
            %dma_start3A_88 = tpu.memref_slice %arg3[%add3A_83] : memref<320000xi32, #tpu.memory_space<hbm>> -> memref<80xi32, #tpu.memory_space<hbm>>
            tpu.enqueue_dma source(%dma_start3A_88 : memref<80xi32, #tpu.memory_space<hbm>>) target(%arg7 : memref<80xi32, #tpu.memory_space<vmem>>) target_semaphore(%run_scoped3A : memref<!tpu.dma_semaphore, #tpu.memory_space<semaphore_mem>>)
            %dma_wait3A_89 = tpu.memref_slice %arg3[%add3A_83] : memref<320000xi32, #tpu.memory_space<hbm>> -> memref<80xi32, #tpu.memory_space<hbm>>
            %dma_wait3A_90 = tpu.memref_slice %arg3[%add3A_83] : memref<320000xi32, #tpu.memory_space<hbm>> -> memref<80xi32, #tpu.memory_space<hbm>>
            tpu.wait_dma2 semaphore(%run_scoped3A : memref<!tpu.dma_semaphore, #tpu.memory_space<semaphore_mem>>) src(%dma_wait3A_90 : memref<80xi32, #tpu.memory_space<hbm>>) dst(%arg7 : memref<80xi32, #tpu.memory_space<vmem>>)
            tpu.yield
          }) : () -> ()
          "tpu.region"() ({
            %run_scoped3A = tpu.sem_alloc : memref<!tpu.dma_semaphore, #tpu.memory_space<semaphore_mem>>
            %dma_start3A_87 = tpu.memref_slice %arg4[%add3A_83] : memref<320000xi32, #tpu.memory_space<hbm>> -> memref<80xi32, #tpu.memory_space<hbm>>
            %dma_start3A_88 = tpu.memref_slice %arg4[%add3A_83] : memref<320000xi32, #tpu.memory_space<hbm>> -> memref<80xi32, #tpu.memory_space<hbm>>
            tpu.enqueue_dma source(%dma_start3A_88 : memref<80xi32, #tpu.memory_space<hbm>>) target(%arg9 : memref<80xi32, #tpu.memory_space<vmem>>) target_semaphore(%run_scoped3A : memref<!tpu.dma_semaphore, #tpu.memory_space<semaphore_mem>>)
            %dma_wait3A_89 = tpu.memref_slice %arg4[%add3A_83] : memref<320000xi32, #tpu.memory_space<hbm>> -> memref<80xi32, #tpu.memory_space<hbm>>
            %dma_wait3A_90 = tpu.memref_slice %arg4[%add3A_83] : memref<320000xi32, #tpu.memory_space<hbm>> -> memref<80xi32, #tpu.memory_space<hbm>>
            tpu.wait_dma2 semaphore(%run_scoped3A : memref<!tpu.dma_semaphore, #tpu.memory_space<semaphore_mem>>) src(%dma_wait3A_90 : memref<80xi32, #tpu.memory_space<hbm>>) dst(%arg9 : memref<80xi32, #tpu.memory_space<vmem>>)
            tpu.yield
          }) : () -> ()
          %dma_start3A_84 = arith.constant 0 : i32
          %dma_start3A_85 = arith.constant 0 : i32
          %dma_start3A_86 = tpu.memref_slice %arg2[%dma_start3A_84, %dma_start3A_85] : memref<10000x128xf32, #tpu.memory_space<hbm>> -> memref<10000x128xf32, #tpu.memory_space<hbm>>
          tpu.enqueue_indirect_dma source(%dma_start3A_86 : memref<10000x128xf32, #tpu.memory_space<hbm>>) target(%arg11 : memref<80x128xf32, #tpu.memory_space<vmem>>) offsets(%arg7 : memref<80xi32, #tpu.memory_space<vmem>>) semaphore(%arg14 : memref<!tpu.dma_semaphore, #tpu.memory_space<semaphore_mem>>)
        } else {
        }
      } else {
      }
      %scan3A_62 = arith.constant 0 : i32
      scf.yield %scan3A_62 : i32
    }
    %scan3A_31 = arith.constant 63 : i32
    %dma_wait3A = arith.constant 0 : i32
    %dma_wait3A_32 = arith.constant 0 : i32
    %dma_wait3A_33 = tpu.memref_slice %arg12[%dma_wait3A, %dma_wait3A_32] : memref<10240x128xf32, #tpu.memory_space<vmem_shared>> -> memref<10240x128xf32, #tpu.memory_space<vmem_shared>>
    tpu.wait_indirect_dma semaphore(%arg15 : memref<!tpu.dma_semaphore, #tpu.memory_space<semaphore_mem>>) src(%arg10 : memref<80x128xf32, #tpu.memory_space<vmem>>) dst(%dma_wait3A_33 : memref<10240x128xf32, #tpu.memory_space<vmem_shared>>)
    %dma_wait3A_34 = arith.constant 0 : i32
    %dma_wait3A_35 = arith.constant 0 : i32
    %dma_wait3A_36 = tpu.memref_slice %arg12[%dma_wait3A_34, %dma_wait3A_35] : memref<10240x128xf32, #tpu.memory_space<vmem_shared>> -> memref<10240x128xf32, #tpu.memory_space<vmem_shared>>
    tpu.wait_indirect_dma semaphore(%arg16 : memref<!tpu.dma_semaphore, #tpu.memory_space<semaphore_mem>>) src(%arg11 : memref<80x128xf32, #tpu.memory_space<vmem>>) dst(%dma_wait3A_36 : memref<10240x128xf32, #tpu.memory_space<vmem_shared>>)
    %barrier3A_37 = arith.constant 0 : index
    tpu.barrier barrier_id(%barrier3A_37)
    %scan3A_38 = arith.constant 0 : i32
    %scan3A_39 = arith.constant 0 : i32
    %scan3A_40 = arith.constant 8 : i32
    %scan3A_41 = arith.addi %scan3A_39, %scan3A_40 : i32
    %scan3A_42 = arith.constant 1 : i32
    %scan3A_43 = scf.for %scan3A_45 = %scan3A_39 to %scan3A_41 step %scan3A_42 iter_args(%scan3A_46 = %scan3A_38) -> (i32)  : i32 {
      %mul3A_47 = arith.constant 640 : i32
      %mul3A_48 = arith.muli %arg1, %mul3A_47 : i32
      %mul3A_49 = arith.constant 80 : i32
      %mul3A_50 = arith.muli %scan3A_45, %mul3A_49 : i32
      %add3A_51 = arith.addi %mul3A_48, %mul3A_50 : i32
      "tpu.region"() ({
        %run_scoped3A = tpu.sem_alloc : memref<!tpu.dma_semaphore, #tpu.memory_space<semaphore_mem>>
        %dma_start3A_61 = arith.constant 0 : i32
        %dma_start3A_62 = arith.constant 0 : i32
        %dma_start3A_63 = tpu.memref_slice %arg10[%dma_start3A_61, %dma_start3A_62] : memref<80x128xf32, #tpu.memory_space<vmem>> -> memref<80x128xf32, #tpu.memory_space<vmem>>
        %dma_start3A_64 = arith.constant 0 : i32
        %dma_start3A_65 = tpu.memref_slice %arg12[%add3A_51, %dma_start3A_64] : memref<10240x128xf32, #tpu.memory_space<vmem_shared>> -> memref<80x128xf32, #tpu.memory_space<vmem_shared>>
        %dma_start3A_66 = arith.constant 0 : i32
        %dma_start3A_67 = arith.constant 0 : i32
        %dma_start3A_68 = tpu.memref_slice %arg10[%dma_start3A_66, %dma_start3A_67] : memref<80x128xf32, #tpu.memory_space<vmem>> -> memref<80x128xf32, #tpu.memory_space<vmem>>
        %dma_start3A_69 = arith.constant 0 : i32
        %dma_start3A_70 = tpu.memref_slice %arg12[%add3A_51, %dma_start3A_69] : memref<10240x128xf32, #tpu.memory_space<vmem_shared>> -> memref<80x128xf32, #tpu.memory_space<vmem_shared>>
        tpu.enqueue_dma source(%dma_start3A_70 : memref<80x128xf32, #tpu.memory_space<vmem_shared>>) target(%dma_start3A_68 : memref<80x128xf32, #tpu.memory_space<vmem>>) target_semaphore(%run_scoped3A : memref<!tpu.dma_semaphore, #tpu.memory_space<semaphore_mem>>)
        %dma_wait3A_71 = arith.constant 0 : i32
        %dma_wait3A_72 = arith.constant 0 : i32
        %dma_wait3A_73 = tpu.memref_slice %arg10[%dma_wait3A_71, %dma_wait3A_72] : memref<80x128xf32, #tpu.memory_space<vmem>> -> memref<80x128xf32, #tpu.memory_space<vmem>>
        %dma_wait3A_74 = arith.constant 0 : i32
        %dma_wait3A_75 = tpu.memref_slice %arg12[%add3A_51, %dma_wait3A_74] : memref<10240x128xf32, #tpu.memory_space<vmem_shared>> -> memref<80x128xf32, #tpu.memory_space<vmem_shared>>
        %dma_wait3A_76 = arith.constant 0 : i32
        %dma_wait3A_77 = arith.constant 0 : i32
        %dma_wait3A_78 = tpu.memref_slice %arg10[%dma_wait3A_76, %dma_wait3A_77] : memref<80x128xf32, #tpu.memory_space<vmem>> -> memref<80x128xf32, #tpu.memory_space<vmem>>
        %dma_wait3A_79 = arith.constant 0 : i32
        %dma_wait3A_80 = tpu.memref_slice %arg12[%add3A_51, %dma_wait3A_79] : memref<10240x128xf32, #tpu.memory_space<vmem_shared>> -> memref<80x128xf32, #tpu.memory_space<vmem_shared>>
        tpu.wait_dma2 semaphore(%run_scoped3A : memref<!tpu.dma_semaphore, #tpu.memory_space<semaphore_mem>>) src(%dma_wait3A_80 : memref<80x128xf32, #tpu.memory_space<vmem_shared>>) dst(%dma_wait3A_78 : memref<80x128xf32, #tpu.memory_space<vmem>>)
        tpu.yield
      }) : () -> ()
      %mul3A_52 = arith.constant 10240 : i32
      %mul3A_53 = arith.muli %arg0, %mul3A_52 : i32
      %mul3A_54 = arith.constant 640 : i32
      %mul3A_55 = arith.muli %arg1, %mul3A_54 : i32
      %add3A_56 = arith.addi %mul3A_53, %mul3A_55 : i32
      %mul3A_57 = arith.constant 80 : i32
      %mul3A_58 = arith.muli %scan3A_45, %mul3A_57 : i32
      %add3A_59 = arith.addi %add3A_56, %mul3A_58 : i32
      "tpu.region"() ({
        %run_scoped3A = tpu.sem_alloc : memref<!tpu.dma_semaphore, #tpu.memory_space<semaphore_mem>>
        %dma_start3A_61 = arith.constant 0 : i32
        %dma_start3A_62 = arith.constant 0 : i32
        %dma_start3A_63 = tpu.memref_slice %arg10[%dma_start3A_61, %dma_start3A_62] : memref<80x128xf32, #tpu.memory_space<vmem>> -> memref<80x128xf32, #tpu.memory_space<vmem>>
        %dma_start3A_64 = arith.constant 0 : i32
        %dma_start3A_65 = tpu.memref_slice %arg5[%add3A_59, %dma_start3A_64] : memref<20480x128xf32, #tpu.memory_space<hbm>> -> memref<80x128xf32, #tpu.memory_space<hbm>>
        %dma_start3A_66 = arith.constant 0 : i32
        %dma_start3A_67 = tpu.memref_slice %arg5[%add3A_59, %dma_start3A_66] : memref<20480x128xf32, #tpu.memory_space<hbm>> -> memref<80x128xf32, #tpu.memory_space<hbm>>
        %dma_start3A_68 = arith.constant 0 : i32
        %dma_start3A_69 = arith.constant 0 : i32
        %dma_start3A_70 = tpu.memref_slice %arg10[%dma_start3A_68, %dma_start3A_69] : memref<80x128xf32, #tpu.memory_space<vmem>> -> memref<80x128xf32, #tpu.memory_space<vmem>>
        tpu.enqueue_dma source(%dma_start3A_70 : memref<80x128xf32, #tpu.memory_space<vmem>>) target(%dma_start3A_67 : memref<80x128xf32, #tpu.memory_space<hbm>>) target_semaphore(%run_scoped3A : memref<!tpu.dma_semaphore, #tpu.memory_space<semaphore_mem>>)
        %dma_wait3A_71 = arith.constant 0 : i32
        %dma_wait3A_72 = arith.constant 0 : i32
        %dma_wait3A_73 = tpu.memref_slice %arg10[%dma_wait3A_71, %dma_wait3A_72] : memref<80x128xf32, #tpu.memory_space<vmem>> -> memref<80x128xf32, #tpu.memory_space<vmem>>
        %dma_wait3A_74 = arith.constant 0 : i32
        %dma_wait3A_75 = tpu.memref_slice %arg5[%add3A_59, %dma_wait3A_74] : memref<20480x128xf32, #tpu.memory_space<hbm>> -> memref<80x128xf32, #tpu.memory_space<hbm>>
        %dma_wait3A_76 = arith.constant 0 : i32
        %dma_wait3A_77 = tpu.memref_slice %arg5[%add3A_59, %dma_wait3A_76] : memref<20480x128xf32, #tpu.memory_space<hbm>> -> memref<80x128xf32, #tpu.memory_space<hbm>>
        %dma_wait3A_78 = arith.constant 0 : i32
        %dma_wait3A_79 = arith.constant 0 : i32
        %dma_wait3A_80 = tpu.memref_slice %arg10[%dma_wait3A_78, %dma_wait3A_79] : memref<80x128xf32, #tpu.memory_space<vmem>> -> memref<80x128xf32, #tpu.memory_space<vmem>>
        tpu.wait_dma2 semaphore(%run_scoped3A : memref<!tpu.dma_semaphore, #tpu.memory_space<semaphore_mem>>) src(%dma_wait3A_80 : memref<80x128xf32, #tpu.memory_space<vmem>>) dst(%dma_wait3A_77 : memref<80x128xf32, #tpu.memory_space<hbm>>)
        tpu.yield
      }) : () -> ()
      %scan3A_60 = arith.constant 0 : i32
      scf.yield %scan3A_60 : i32
    }
    %scan3A_44 = arith.constant 8 : i32
    return
  }
}

#map = affine_map<(d0, d1) -> (0, 0)>
#map1 = affine_map<(d0, d1) -> (0)>
module attributes {stable_mosaic.version = 14 : i64} {
  func.func @_sc_segsum_cnt(%arg0: i32, %arg1: i32, %arg2: memref<10000x128xf32, #tpu.memory_space<hbm>>, %arg3: memref<320000xi32, #tpu.memory_space<hbm>>, %arg4: memref<320000xi32, #tpu.memory_space<hbm>>, %arg5: memref<20480x128xf32, #tpu.memory_space<hbm>>, %arg6: memref<320000xf32, #tpu.memory_space<hbm>>, %arg7: memref<80xi32, #tpu.memory_space<vmem>>, %arg8: memref<80xi32, #tpu.memory_space<vmem>>, %arg9: memref<80xi32, #tpu.memory_space<vmem>>, %arg10: memref<80xi32, #tpu.memory_space<vmem>>, %arg11: memref<80x128xf32, #tpu.memory_space<vmem>>, %arg12: memref<80x128xf32, #tpu.memory_space<vmem>>, %arg13: memref<10240x128xf32, #tpu.memory_space<vmem_shared>>, %arg14: memref<!tpu.dma_semaphore, #tpu.memory_space<semaphore_mem>>, %arg15: memref<!tpu.dma_semaphore, #tpu.memory_space<semaphore_mem>>, %arg16: memref<!tpu.dma_semaphore, #tpu.memory_space<semaphore_mem>>, %arg17: memref<!tpu.dma_semaphore, #tpu.memory_space<semaphore_mem>>, %arg18: memref<10000xf32, #tpu.memory_space<vmem>>) attributes {dimension_semantics = [#tpu.dimension_semantics<core_parallel>, #tpu.dimension_semantics<subcore_parallel>], iteration_bounds = array<i64: 2, 16>, scalar_prefetch = 0 : i64, scratch_operands = 12 : i64, tpu.core_type = #tpu.core_type<sc_vector_subcore>, window_params = [{transform_indices = #map}, {transform_indices = #map1}, {transform_indices = #map1}, {transform_indices = #map}, {transform_indices = #map1}]} {
    %mul3A = arith.constant 2 : i32
    %mul3A_0 = arith.muli %arg1, %mul3A : i32
    %add3A = arith.addi %mul3A_0, %arg0 : i32
    %scan3A = arith.constant 0 : i32
    %scan3A_1 = arith.constant 0 : i32
    %scan3A_2 = arith.constant 80 : i32
    %scan3A_3 = arith.addi %scan3A_1, %scan3A_2 : i32
    %scan3A_4 = arith.constant 1 : i32
    %scan3A_5 = scf.for %scan3A_55 = %scan3A_1 to %scan3A_3 step %scan3A_4 iter_args(%scan3A_56 = %scan3A) -> (i32)  : i32 {
      %broadcast_in_dim3A_57 = arith.constant 0.000000e+00 : f32
      %broadcast_in_dim3A_58 = vector.broadcast %broadcast_in_dim3A_57 : f32 to vector<16xf32>
      %swap3A = arith.index_cast %scan3A_55 : i32 to index
      %swap3A_59 = arith.constant 0 : index
      %swap3A_60 = tpu.vector_load %arg11[%swap3A, %swap3A_59] {strides = array<i32>} : memref<80x128xf32, #tpu.memory_space<vmem>>, vector<16xf32>,
      tpu.vector_store %arg11[%swap3A, %swap3A_59], %broadcast_in_dim3A_58 {strides = array<i32>} : memref<80x128xf32, #tpu.memory_space<vmem>>, vector<16xf32>,
      %broadcast_in_dim3A_61 = arith.constant 0.000000e+00 : f32
      %broadcast_in_dim3A_62 = vector.broadcast %broadcast_in_dim3A_61 : f32 to vector<16xf32>
      %swap3A_63 = arith.index_cast %scan3A_55 : i32 to index
      %swap3A_64 = arith.constant 16 : index
      %swap3A_65 = tpu.vector_load %arg11[%swap3A_63, %swap3A_64] {strides = array<i32>} : memref<80x128xf32, #tpu.memory_space<vmem>>, vector<16xf32>,
      tpu.vector_store %arg11[%swap3A_63, %swap3A_64], %broadcast_in_dim3A_62 {strides = array<i32>} : memref<80x128xf32, #tpu.memory_space<vmem>>, vector<16xf32>,
      %broadcast_in_dim3A_66 = arith.constant 0.000000e+00 : f32
      %broadcast_in_dim3A_67 = vector.broadcast %broadcast_in_dim3A_66 : f32 to vector<16xf32>
      %swap3A_68 = arith.index_cast %scan3A_55 : i32 to index
      %swap3A_69 = arith.constant 32 : index
      %swap3A_70 = tpu.vector_load %arg11[%swap3A_68, %swap3A_69] {strides = array<i32>} : memref<80x128xf32, #tpu.memory_space<vmem>>, vector<16xf32>,
      tpu.vector_store %arg11[%swap3A_68, %swap3A_69], %broadcast_in_dim3A_67 {strides = array<i32>} : memref<80x128xf32, #tpu.memory_space<vmem>>, vector<16xf32>,
      %broadcast_in_dim3A_71 = arith.constant 0.000000e+00 : f32
      %broadcast_in_dim3A_72 = vector.broadcast %broadcast_in_dim3A_71 : f32 to vector<16xf32>
      %swap3A_73 = arith.index_cast %scan3A_55 : i32 to index
      %swap3A_74 = arith.constant 48 : index
      %swap3A_75 = tpu.vector_load %arg11[%swap3A_73, %swap3A_74] {strides = array<i32>} : memref<80x128xf32, #tpu.memory_space<vmem>>, vector<16xf32>,
      tpu.vector_store %arg11[%swap3A_73, %swap3A_74], %broadcast_in_dim3A_72 {strides = array<i32>} : memref<80x128xf32, #tpu.memory_space<vmem>>, vector<16xf32>,
      %broadcast_in_dim3A_76 = arith.constant 0.000000e+00 : f32
      %broadcast_in_dim3A_77 = vector.broadcast %broadcast_in_dim3A_76 : f32 to vector<16xf32>
      %swap3A_78 = arith.index_cast %scan3A_55 : i32 to index
      %swap3A_79 = arith.constant 64 : index
      %swap3A_80 = tpu.vector_load %arg11[%swap3A_78, %swap3A_79] {strides = array<i32>} : memref<80x128xf32, #tpu.memory_space<vmem>>, vector<16xf32>,
      tpu.vector_store %arg11[%swap3A_78, %swap3A_79], %broadcast_in_dim3A_77 {strides = array<i32>} : memref<80x128xf32, #tpu.memory_space<vmem>>, vector<16xf32>,
      %broadcast_in_dim3A_81 = arith.constant 0.000000e+00 : f32
      %broadcast_in_dim3A_82 = vector.broadcast %broadcast_in_dim3A_81 : f32 to vector<16xf32>
      %swap3A_83 = arith.index_cast %scan3A_55 : i32 to index
      %swap3A_84 = arith.constant 80 : index
      %swap3A_85 = tpu.vector_load %arg11[%swap3A_83, %swap3A_84] {strides = array<i32>} : memref<80x128xf32, #tpu.memory_space<vmem>>, vector<16xf32>,
      tpu.vector_store %arg11[%swap3A_83, %swap3A_84], %broadcast_in_dim3A_82 {strides = array<i32>} : memref<80x128xf32, #tpu.memory_space<vmem>>, vector<16xf32>,
      %broadcast_in_dim3A_86 = arith.constant 0.000000e+00 : f32
      %broadcast_in_dim3A_87 = vector.broadcast %broadcast_in_dim3A_86 : f32 to vector<16xf32>
      %swap3A_88 = arith.index_cast %scan3A_55 : i32 to index
      %swap3A_89 = arith.constant 96 : index
      %swap3A_90 = tpu.vector_load %arg11[%swap3A_88, %swap3A_89] {strides = array<i32>} : memref<80x128xf32, #tpu.memory_space<vmem>>, vector<16xf32>,
      tpu.vector_store %arg11[%swap3A_88, %swap3A_89], %broadcast_in_dim3A_87 {strides = array<i32>} : memref<80x128xf32, #tpu.memory_space<vmem>>, vector<16xf32>,
      %broadcast_in_dim3A_91 = arith.constant 0.000000e+00 : f32
      %broadcast_in_dim3A_92 = vector.broadcast %broadcast_in_dim3A_91 : f32 to vector<16xf32>
      %swap3A_93 = arith.index_cast %scan3A_55 : i32 to index
      %swap3A_94 = arith.constant 112 : index
      %swap3A_95 = tpu.vector_load %arg11[%swap3A_93, %swap3A_94] {strides = array<i32>} : memref<80x128xf32, #tpu.memory_space<vmem>>, vector<16xf32>,
      tpu.vector_store %arg11[%swap3A_93, %swap3A_94], %broadcast_in_dim3A_92 {strides = array<i32>} : memref<80x128xf32, #tpu.memory_space<vmem>>, vector<16xf32>,
      %scan3A_96 = arith.constant 0 : i32
      scf.yield %scan3A_96 : i32
    }
    %scan3A_6 = arith.constant 80 : i32
    %scan3A_7 = arith.constant 0 : i32
    %scan3A_8 = arith.constant 0 : i32
    %scan3A_9 = arith.constant 8 : i32
    %scan3A_10 = arith.addi %scan3A_8, %scan3A_9 : i32
    %scan3A_11 = arith.constant 1 : i32
    %scan3A_12 = scf.for %scan3A_55 = %scan3A_8 to %scan3A_10 step %scan3A_11 iter_args(%scan3A_56 = %scan3A_7) -> (i32)  : i32 {
      %mul3A_57 = arith.constant 640 : i32
      %mul3A_58 = arith.muli %arg1, %mul3A_57 : i32
      %mul3A_59 = arith.constant 80 : i32
      %mul3A_60 = arith.muli %scan3A_55, %mul3A_59 : i32
      %add3A_61 = arith.addi %mul3A_58, %mul3A_60 : i32
      "tpu.region"() ({
        %run_scoped3A = tpu.sem_alloc : memref<!tpu.dma_semaphore, #tpu.memory_space<semaphore_mem>>
        %dma_start3A_63 = arith.constant 0 : i32
        %dma_start3A_64 = arith.constant 0 : i32
        %dma_start3A_65 = tpu.memref_slice %arg11[%dma_start3A_63, %dma_start3A_64] : memref<80x128xf32, #tpu.memory_space<vmem>> -> memref<80x128xf32, #tpu.memory_space<vmem>>
        %dma_start3A_66 = arith.constant 0 : i32
        %dma_start3A_67 = tpu.memref_slice %arg13[%add3A_61, %dma_start3A_66] : memref<10240x128xf32, #tpu.memory_space<vmem_shared>> -> memref<80x128xf32, #tpu.memory_space<vmem_shared>>
        %dma_start3A_68 = arith.constant 0 : i32
        %dma_start3A_69 = tpu.memref_slice %arg13[%add3A_61, %dma_start3A_68] : memref<10240x128xf32, #tpu.memory_space<vmem_shared>> -> memref<80x128xf32, #tpu.memory_space<vmem_shared>>
        %dma_start3A_70 = arith.constant 0 : i32
        %dma_start3A_71 = arith.constant 0 : i32
        %dma_start3A_72 = tpu.memref_slice %arg11[%dma_start3A_70, %dma_start3A_71] : memref<80x128xf32, #tpu.memory_space<vmem>> -> memref<80x128xf32, #tpu.memory_space<vmem>>
        tpu.enqueue_dma source(%dma_start3A_72 : memref<80x128xf32, #tpu.memory_space<vmem>>) target(%dma_start3A_69 : memref<80x128xf32, #tpu.memory_space<vmem_shared>>) target_semaphore(%run_scoped3A : memref<!tpu.dma_semaphore, #tpu.memory_space<semaphore_mem>>)
        %dma_wait3A_73 = arith.constant 0 : i32
        %dma_wait3A_74 = arith.constant 0 : i32
        %dma_wait3A_75 = tpu.memref_slice %arg11[%dma_wait3A_73, %dma_wait3A_74] : memref<80x128xf32, #tpu.memory_space<vmem>> -> memref<80x128xf32, #tpu.memory_space<vmem>>
        %dma_wait3A_76 = arith.constant 0 : i32
        %dma_wait3A_77 = tpu.memref_slice %arg13[%add3A_61, %dma_wait3A_76] : memref<10240x128xf32, #tpu.memory_space<vmem_shared>> -> memref<80x128xf32, #tpu.memory_space<vmem_shared>>
        %dma_wait3A_78 = arith.constant 0 : i32
        %dma_wait3A_79 = tpu.memref_slice %arg13[%add3A_61, %dma_wait3A_78] : memref<10240x128xf32, #tpu.memory_space<vmem_shared>> -> memref<80x128xf32, #tpu.memory_space<vmem_shared>>
        %dma_wait3A_80 = arith.constant 0 : i32
        %dma_wait3A_81 = arith.constant 0 : i32
        %dma_wait3A_82 = tpu.memref_slice %arg11[%dma_wait3A_80, %dma_wait3A_81] : memref<80x128xf32, #tpu.memory_space<vmem>> -> memref<80x128xf32, #tpu.memory_space<vmem>>
        tpu.wait_dma2 semaphore(%run_scoped3A : memref<!tpu.dma_semaphore, #tpu.memory_space<semaphore_mem>>) src(%dma_wait3A_82 : memref<80x128xf32, #tpu.memory_space<vmem>>) dst(%dma_wait3A_79 : memref<80x128xf32, #tpu.memory_space<vmem_shared>>)
        tpu.yield
      }) : () -> ()
      %scan3A_62 = arith.constant 0 : i32
      scf.yield %scan3A_62 : i32
    }
    %scan3A_13 = arith.constant 8 : i32
    %scan3A_14 = arith.constant 0 : i32
    %scan3A_15 = arith.constant 0 : i32
    %scan3A_16 = arith.constant 625 : i32
    %scan3A_17 = arith.addi %scan3A_15, %scan3A_16 : i32
    %scan3A_18 = arith.constant 1 : i32
    %scan3A_19 = scf.for %scan3A_55 = %scan3A_15 to %scan3A_17 step %scan3A_18 iter_args(%scan3A_56 = %scan3A_14) -> (i32)  : i32 {
      %broadcast_in_dim3A_57 = arith.constant 0.000000e+00 : f32
      %broadcast_in_dim3A_58 = vector.broadcast %broadcast_in_dim3A_57 : f32 to vector<16xf32>
      %mul3A_59 = arith.constant 16 : i32
      %mul3A_60 = arith.muli %scan3A_55, %mul3A_59 : i32
      %swap3A = arith.index_cast %mul3A_60 : i32 to index
      %swap3A_61 = tpu.vector_load %arg18[%swap3A] {strides = array<i32>} : memref<10000xf32, #tpu.memory_space<vmem>>, vector<16xf32>,
      tpu.vector_store %arg18[%swap3A], %broadcast_in_dim3A_58 {strides = array<i32>} : memref<10000xf32, #tpu.memory_space<vmem>>, vector<16xf32>,
      %scan3A_62 = arith.constant 0 : i32
      scf.yield %scan3A_62 : i32
    }
    %scan3A_20 = arith.constant 625 : i32
    %barrier3A = arith.constant 0 : index
    tpu.barrier barrier_id(%barrier3A)
    %broadcast_in_dim3A = arith.constant 1.000000e+00 : f32
    %broadcast_in_dim3A_21 = vector.broadcast %broadcast_in_dim3A : f32 to vector<16xf32>
    %mul3A_22 = arith.constant 10000 : i32
    %mul3A_23 = arith.muli %add3A, %mul3A_22 : i32
    %add3A_24 = arith.constant 0 : i32
    %add3A_25 = arith.addi %mul3A_23, %add3A_24 : i32
    "tpu.region"() ({
      %run_scoped3A = tpu.sem_alloc : memref<!tpu.dma_semaphore, #tpu.memory_space<semaphore_mem>>
      %dma_start3A_55 = tpu.memref_slice %arg3[%add3A_25] : memref<320000xi32, #tpu.memory_space<hbm>> -> memref<80xi32, #tpu.memory_space<hbm>>
      %dma_start3A_56 = tpu.memref_slice %arg3[%add3A_25] : memref<320000xi32, #tpu.memory_space<hbm>> -> memref<80xi32, #tpu.memory_space<hbm>>
      tpu.enqueue_dma source(%dma_start3A_56 : memref<80xi32, #tpu.memory_space<hbm>>) target(%arg7 : memref<80xi32, #tpu.memory_space<vmem>>) target_semaphore(%run_scoped3A : memref<!tpu.dma_semaphore, #tpu.memory_space<semaphore_mem>>)
      %dma_wait3A_57 = tpu.memref_slice %arg3[%add3A_25] : memref<320000xi32, #tpu.memory_space<hbm>> -> memref<80xi32, #tpu.memory_space<hbm>>
      %dma_wait3A_58 = tpu.memref_slice %arg3[%add3A_25] : memref<320000xi32, #tpu.memory_space<hbm>> -> memref<80xi32, #tpu.memory_space<hbm>>
      tpu.wait_dma2 semaphore(%run_scoped3A : memref<!tpu.dma_semaphore, #tpu.memory_space<semaphore_mem>>) src(%dma_wait3A_58 : memref<80xi32, #tpu.memory_space<hbm>>) dst(%arg7 : memref<80xi32, #tpu.memory_space<vmem>>)
      tpu.yield
    }) : () -> ()
    "tpu.region"() ({
      %run_scoped3A = tpu.sem_alloc : memref<!tpu.dma_semaphore, #tpu.memory_space<semaphore_mem>>
      %dma_start3A_55 = tpu.memref_slice %arg4[%add3A_25] : memref<320000xi32, #tpu.memory_space<hbm>> -> memref<80xi32, #tpu.memory_space<hbm>>
      %dma_start3A_56 = tpu.memref_slice %arg4[%add3A_25] : memref<320000xi32, #tpu.memory_space<hbm>> -> memref<80xi32, #tpu.memory_space<hbm>>
      tpu.enqueue_dma source(%dma_start3A_56 : memref<80xi32, #tpu.memory_space<hbm>>) target(%arg9 : memref<80xi32, #tpu.memory_space<vmem>>) target_semaphore(%run_scoped3A : memref<!tpu.dma_semaphore, #tpu.memory_space<semaphore_mem>>)
      %dma_wait3A_57 = tpu.memref_slice %arg4[%add3A_25] : memref<320000xi32, #tpu.memory_space<hbm>> -> memref<80xi32, #tpu.memory_space<hbm>>
      %dma_wait3A_58 = tpu.memref_slice %arg4[%add3A_25] : memref<320000xi32, #tpu.memory_space<hbm>> -> memref<80xi32, #tpu.memory_space<hbm>>
      tpu.wait_dma2 semaphore(%run_scoped3A : memref<!tpu.dma_semaphore, #tpu.memory_space<semaphore_mem>>) src(%dma_wait3A_58 : memref<80xi32, #tpu.memory_space<hbm>>) dst(%arg9 : memref<80xi32, #tpu.memory_space<vmem>>)
      tpu.yield
    }) : () -> ()
    %dma_start3A = arith.constant 0 : i32
    %dma_start3A_26 = arith.constant 0 : i32
    %dma_start3A_27 = tpu.memref_slice %arg2[%dma_start3A, %dma_start3A_26] : memref<10000x128xf32, #tpu.memory_space<hbm>> -> memref<10000x128xf32, #tpu.memory_space<hbm>>
    tpu.enqueue_indirect_dma source(%dma_start3A_27 : memref<10000x128xf32, #tpu.memory_space<hbm>>) target(%arg11 : memref<80x128xf32, #tpu.memory_space<vmem>>) offsets(%arg7 : memref<80xi32, #tpu.memory_space<vmem>>) semaphore(%arg14 : memref<!tpu.dma_semaphore, #tpu.memory_space<semaphore_mem>>)
    %add3A_28 = arith.constant 80 : i32
    %add3A_29 = arith.addi %mul3A_23, %add3A_28 : i32
    "tpu.region"() ({
      %run_scoped3A = tpu.sem_alloc : memref<!tpu.dma_semaphore, #tpu.memory_space<semaphore_mem>>
      %dma_start3A_55 = tpu.memref_slice %arg3[%add3A_29] : memref<320000xi32, #tpu.memory_space<hbm>> -> memref<80xi32, #tpu.memory_space<hbm>>
      %dma_start3A_56 = tpu.memref_slice %arg3[%add3A_29] : memref<320000xi32, #tpu.memory_space<hbm>> -> memref<80xi32, #tpu.memory_space<hbm>>
      tpu.enqueue_dma source(%dma_start3A_56 : memref<80xi32, #tpu.memory_space<hbm>>) target(%arg8 : memref<80xi32, #tpu.memory_space<vmem>>) target_semaphore(%run_scoped3A : memref<!tpu.dma_semaphore, #tpu.memory_space<semaphore_mem>>)
      %dma_wait3A_57 = tpu.memref_slice %arg3[%add3A_29] : memref<320000xi32, #tpu.memory_space<hbm>> -> memref<80xi32, #tpu.memory_space<hbm>>
      %dma_wait3A_58 = tpu.memref_slice %arg3[%add3A_29] : memref<320000xi32, #tpu.memory_space<hbm>> -> memref<80xi32, #tpu.memory_space<hbm>>
      tpu.wait_dma2 semaphore(%run_scoped3A : memref<!tpu.dma_semaphore, #tpu.memory_space<semaphore_mem>>) src(%dma_wait3A_58 : memref<80xi32, #tpu.memory_space<hbm>>) dst(%arg8 : memref<80xi32, #tpu.memory_space<vmem>>)
      tpu.yield
    }) : () -> ()
    "tpu.region"() ({
      %run_scoped3A = tpu.sem_alloc : memref<!tpu.dma_semaphore, #tpu.memory_space<semaphore_mem>>
      %dma_start3A_55 = tpu.memref_slice %arg4[%add3A_29] : memref<320000xi32, #tpu.memory_space<hbm>> -> memref<80xi32, #tpu.memory_space<hbm>>
      %dma_start3A_56 = tpu.memref_slice %arg4[%add3A_29] : memref<320000xi32, #tpu.memory_space<hbm>> -> memref<80xi32, #tpu.memory_space<hbm>>
      tpu.enqueue_dma source(%dma_start3A_56 : memref<80xi32, #tpu.memory_space<hbm>>) target(%arg10 : memref<80xi32, #tpu.memory_space<vmem>>) target_semaphore(%run_scoped3A : memref<!tpu.dma_semaphore, #tpu.memory_space<semaphore_mem>>)
      %dma_wait3A_57 = tpu.memref_slice %arg4[%add3A_29] : memref<320000xi32, #tpu.memory_space<hbm>> -> memref<80xi32, #tpu.memory_space<hbm>>
      %dma_wait3A_58 = tpu.memref_slice %arg4[%add3A_29] : memref<320000xi32, #tpu.memory_space<hbm>> -> memref<80xi32, #tpu.memory_space<hbm>>
      tpu.wait_dma2 semaphore(%run_scoped3A : memref<!tpu.dma_semaphore, #tpu.memory_space<semaphore_mem>>) src(%dma_wait3A_58 : memref<80xi32, #tpu.memory_space<hbm>>) dst(%arg10 : memref<80xi32, #tpu.memory_space<vmem>>)
      tpu.yield
    }) : () -> ()
    %dma_start3A_30 = arith.constant 0 : i32
    %dma_start3A_31 = arith.constant 0 : i32
    %dma_start3A_32 = tpu.memref_slice %arg2[%dma_start3A_30, %dma_start3A_31] : memref<10000x128xf32, #tpu.memory_space<hbm>> -> memref<10000x128xf32, #tpu.memory_space<hbm>>
    tpu.enqueue_indirect_dma source(%dma_start3A_32 : memref<10000x128xf32, #tpu.memory_space<hbm>>) target(%arg12 : memref<80x128xf32, #tpu.memory_space<vmem>>) offsets(%arg8 : memref<80xi32, #tpu.memory_space<vmem>>) semaphore(%arg15 : memref<!tpu.dma_semaphore, #tpu.memory_space<semaphore_mem>>)
    %scan3A_33 = arith.constant 0 : i32
    %scan3A_34 = arith.constant 0 : i32
    %scan3A_35 = arith.constant 63 : i32
    %scan3A_36 = arith.addi %scan3A_34, %scan3A_35 : i32
    %scan3A_37 = arith.constant 1 : i32
    %scan3A_38 = scf.for %scan3A_55 = %scan3A_34 to %scan3A_36 step %scan3A_37 iter_args(%scan3A_56 = %scan3A_33) -> (i32)  : i32 {
      %mul3A_57 = arith.constant 2 : i32
      %mul3A_58 = arith.muli %mul3A_57, %scan3A_55 : i32
      %add3A_59 = arith.constant 0 : i32
      %add3A_60 = arith.addi %mul3A_58, %add3A_59 : i32
      %lt3A = arith.constant 125 : i32
      %lt3A_61 = arith.cmpi slt, %add3A_60, %lt3A : i32
      %convert_element_type3A = arith.extui %lt3A_61 : i1 to i32
      %cond3A = arith.constant 0 : i32
      %cond3A_62 = arith.cmpi ne, %convert_element_type3A, %cond3A : i32
      scf.if %cond3A_62 {
        %dma_wait3A_73 = arith.constant 0 : i32
        %dma_wait3A_74 = arith.constant 0 : i32
        %dma_wait3A_75 = tpu.memref_slice %arg2[%dma_wait3A_73, %dma_wait3A_74] : memref<10000x128xf32, #tpu.memory_space<hbm>> -> memref<10000x128xf32, #tpu.memory_space<hbm>>
        tpu.wait_indirect_dma semaphore(%arg14 : memref<!tpu.dma_semaphore, #tpu.memory_space<semaphore_mem>>) src(%dma_wait3A_75 : memref<10000x128xf32, #tpu.memory_space<hbm>>) dst(%arg11 : memref<80x128xf32, #tpu.memory_space<vmem>>)
        %scan3A_76 = arith.constant 0 : i32
        %scan3A_77 = arith.constant 0 : i32
        %scan3A_78 = arith.constant 5 : i32
        %scan3A_79 = arith.addi %scan3A_77, %scan3A_78 : i32
        %scan3A_80 = arith.constant 1 : i32
        %scan3A_81 = scf.for %scan3A_93 = %scan3A_77 to %scan3A_79 step %scan3A_80 iter_args(%scan3A_94 = %scan3A_76) -> (i32)  : i32 {
          %mul3A_95 = arith.constant 16 : i32
          %mul3A_96 = arith.muli %scan3A_93, %mul3A_95 : i32
          %get3A = arith.index_cast %mul3A_96 : i32 to index
          %get3A_97 = tpu.vector_load %arg9[%get3A] {strides = array<i32>} : memref<80xi32, #tpu.memory_space<vmem>>, vector<16xi32>,
          tpu.vector_store_idx %arg18[%get3A_97], %broadcast_in_dim3A_21 {add = true} : memref<10000xf32, #tpu.memory_space<vmem>>[vector<16xi32>], vector<16xf32>,
          %scan3A_98 = arith.constant 0 : i32
          scf.yield %scan3A_98 : i32
        }
        %scan3A_82 = arith.constant 5 : i32
        %dma_start3A_83 = arith.constant 0 : i32
        %dma_start3A_84 = arith.constant 0 : i32
        %dma_start3A_85 = tpu.memref_slice %arg13[%dma_start3A_83, %dma_start3A_84] : memref<10240x128xf32, #tpu.memory_space<vmem_shared>> -> memref<10240x128xf32, #tpu.memory_space<vmem_shared>>
        tpu.enqueue_indirect_dma source(%arg11 : memref<80x128xf32, #tpu.memory_space<vmem>>) target(%dma_start3A_85 : memref<10240x128xf32, #tpu.memory_space<vmem_shared>>) offsets(%arg9 : memref<80xi32, #tpu.memory_space<vmem>>) semaphore(%arg16 : memref<!tpu.dma_semaphore, #tpu.memory_space<semaphore_mem>>) {add = true}
        %add3A_86 = arith.constant 2 : i32
        %add3A_87 = arith.addi %add3A_60, %add3A_86 : i32
        %lt3A_88 = arith.constant 125 : i32
        %lt3A_89 = arith.cmpi slt, %add3A_87, %lt3A_88 : i32
        %convert_element_type3A_90 = arith.extui %lt3A_89 : i1 to i32
        %cond3A_91 = arith.constant 0 : i32
        %cond3A_92 = arith.cmpi ne, %convert_element_type3A_90, %cond3A_91 : i32
        scf.if %cond3A_92 {
          %dma_wait3A_93 = arith.constant 0 : i32
          %dma_wait3A_94 = arith.constant 0 : i32
          %dma_wait3A_95 = tpu.memref_slice %arg13[%dma_wait3A_93, %dma_wait3A_94] : memref<10240x128xf32, #tpu.memory_space<vmem_shared>> -> memref<10240x128xf32, #tpu.memory_space<vmem_shared>>
          tpu.wait_indirect_dma semaphore(%arg16 : memref<!tpu.dma_semaphore, #tpu.memory_space<semaphore_mem>>) src(%arg11 : memref<80x128xf32, #tpu.memory_space<vmem>>) dst(%dma_wait3A_95 : memref<10240x128xf32, #tpu.memory_space<vmem_shared>>)
          %add3A_96 = arith.constant 2 : i32
          %add3A_97 = arith.addi %add3A_60, %add3A_96 : i32
          %mul3A_98 = arith.constant 80 : i32
          %mul3A_99 = arith.muli %add3A_97, %mul3A_98 : i32
          %add3A_100 = arith.addi %mul3A_23, %mul3A_99 : i32
          "tpu.region"() ({
            %run_scoped3A = tpu.sem_alloc : memref<!tpu.dma_semaphore, #tpu.memory_space<semaphore_mem>>
            %dma_start3A_104 = tpu.memref_slice %arg3[%add3A_100] : memref<320000xi32, #tpu.memory_space<hbm>> -> memref<80xi32, #tpu.memory_space<hbm>>
            %dma_start3A_105 = tpu.memref_slice %arg3[%add3A_100] : memref<320000xi32, #tpu.memory_space<hbm>> -> memref<80xi32, #tpu.memory_space<hbm>>
            tpu.enqueue_dma source(%dma_start3A_105 : memref<80xi32, #tpu.memory_space<hbm>>) target(%arg7 : memref<80xi32, #tpu.memory_space<vmem>>) target_semaphore(%run_scoped3A : memref<!tpu.dma_semaphore, #tpu.memory_space<semaphore_mem>>)
            %dma_wait3A_106 = tpu.memref_slice %arg3[%add3A_100] : memref<320000xi32, #tpu.memory_space<hbm>> -> memref<80xi32, #tpu.memory_space<hbm>>
            %dma_wait3A_107 = tpu.memref_slice %arg3[%add3A_100] : memref<320000xi32, #tpu.memory_space<hbm>> -> memref<80xi32, #tpu.memory_space<hbm>>
            tpu.wait_dma2 semaphore(%run_scoped3A : memref<!tpu.dma_semaphore, #tpu.memory_space<semaphore_mem>>) src(%dma_wait3A_107 : memref<80xi32, #tpu.memory_space<hbm>>) dst(%arg7 : memref<80xi32, #tpu.memory_space<vmem>>)
            tpu.yield
          }) : () -> ()
          "tpu.region"() ({
            %run_scoped3A = tpu.sem_alloc : memref<!tpu.dma_semaphore, #tpu.memory_space<semaphore_mem>>
            %dma_start3A_104 = tpu.memref_slice %arg4[%add3A_100] : memref<320000xi32, #tpu.memory_space<hbm>> -> memref<80xi32, #tpu.memory_space<hbm>>
            %dma_start3A_105 = tpu.memref_slice %arg4[%add3A_100] : memref<320000xi32, #tpu.memory_space<hbm>> -> memref<80xi32, #tpu.memory_space<hbm>>
            tpu.enqueue_dma source(%dma_start3A_105 : memref<80xi32, #tpu.memory_space<hbm>>) target(%arg9 : memref<80xi32, #tpu.memory_space<vmem>>) target_semaphore(%run_scoped3A : memref<!tpu.dma_semaphore, #tpu.memory_space<semaphore_mem>>)
            %dma_wait3A_106 = tpu.memref_slice %arg4[%add3A_100] : memref<320000xi32, #tpu.memory_space<hbm>> -> memref<80xi32, #tpu.memory_space<hbm>>
            %dma_wait3A_107 = tpu.memref_slice %arg4[%add3A_100] : memref<320000xi32, #tpu.memory_space<hbm>> -> memref<80xi32, #tpu.memory_space<hbm>>
            tpu.wait_dma2 semaphore(%run_scoped3A : memref<!tpu.dma_semaphore, #tpu.memory_space<semaphore_mem>>) src(%dma_wait3A_107 : memref<80xi32, #tpu.memory_space<hbm>>) dst(%arg9 : memref<80xi32, #tpu.memory_space<vmem>>)
            tpu.yield
          }) : () -> ()
          %dma_start3A_101 = arith.constant 0 : i32
          %dma_start3A_102 = arith.constant 0 : i32
          %dma_start3A_103 = tpu.memref_slice %arg2[%dma_start3A_101, %dma_start3A_102] : memref<10000x128xf32, #tpu.memory_space<hbm>> -> memref<10000x128xf32, #tpu.memory_space<hbm>>
          tpu.enqueue_indirect_dma source(%dma_start3A_103 : memref<10000x128xf32, #tpu.memory_space<hbm>>) target(%arg11 : memref<80x128xf32, #tpu.memory_space<vmem>>) offsets(%arg7 : memref<80xi32, #tpu.memory_space<vmem>>) semaphore(%arg14 : memref<!tpu.dma_semaphore, #tpu.memory_space<semaphore_mem>>)
        } else {
        }
      } else {
      }
      %mul3A_63 = arith.constant 2 : i32
      %mul3A_64 = arith.muli %mul3A_63, %scan3A_55 : i32
      %add3A_65 = arith.constant 1 : i32
      %add3A_66 = arith.addi %mul3A_64, %add3A_65 : i32
      %lt3A_67 = arith.constant 125 : i32
      %lt3A_68 = arith.cmpi slt, %add3A_66, %lt3A_67 : i32
      %convert_element_type3A_69 = arith.extui %lt3A_68 : i1 to i32
      %cond3A_70 = arith.constant 0 : i32
      %cond3A_71 = arith.cmpi ne, %convert_element_type3A_69, %cond3A_70 : i32
      scf.if %cond3A_71 {
        %dma_wait3A_73 = arith.constant 0 : i32
        %dma_wait3A_74 = arith.constant 0 : i32
        %dma_wait3A_75 = tpu.memref_slice %arg2[%dma_wait3A_73, %dma_wait3A_74] : memref<10000x128xf32, #tpu.memory_space<hbm>> -> memref<10000x128xf32, #tpu.memory_space<hbm>>
        tpu.wait_indirect_dma semaphore(%arg15 : memref<!tpu.dma_semaphore, #tpu.memory_space<semaphore_mem>>) src(%dma_wait3A_75 : memref<10000x128xf32, #tpu.memory_space<hbm>>) dst(%arg12 : memref<80x128xf32, #tpu.memory_space<vmem>>)
        %scan3A_76 = arith.constant 0 : i32
        %scan3A_77 = arith.constant 0 : i32
        %scan3A_78 = arith.constant 5 : i32
        %scan3A_79 = arith.addi %scan3A_77, %scan3A_78 : i32
        %scan3A_80 = arith.constant 1 : i32
        %scan3A_81 = scf.for %scan3A_93 = %scan3A_77 to %scan3A_79 step %scan3A_80 iter_args(%scan3A_94 = %scan3A_76) -> (i32)  : i32 {
          %mul3A_95 = arith.constant 16 : i32
          %mul3A_96 = arith.muli %scan3A_93, %mul3A_95 : i32
          %get3A = arith.index_cast %mul3A_96 : i32 to index
          %get3A_97 = tpu.vector_load %arg10[%get3A] {strides = array<i32>} : memref<80xi32, #tpu.memory_space<vmem>>, vector<16xi32>,
          tpu.vector_store_idx %arg18[%get3A_97], %broadcast_in_dim3A_21 {add = true} : memref<10000xf32, #tpu.memory_space<vmem>>[vector<16xi32>], vector<16xf32>,
          %scan3A_98 = arith.constant 0 : i32
          scf.yield %scan3A_98 : i32
        }
        %scan3A_82 = arith.constant 5 : i32
        %dma_start3A_83 = arith.constant 0 : i32
        %dma_start3A_84 = arith.constant 0 : i32
        %dma_start3A_85 = tpu.memref_slice %arg13[%dma_start3A_83, %dma_start3A_84] : memref<10240x128xf32, #tpu.memory_space<vmem_shared>> -> memref<10240x128xf32, #tpu.memory_space<vmem_shared>>
        tpu.enqueue_indirect_dma source(%arg12 : memref<80x128xf32, #tpu.memory_space<vmem>>) target(%dma_start3A_85 : memref<10240x128xf32, #tpu.memory_space<vmem_shared>>) offsets(%arg10 : memref<80xi32, #tpu.memory_space<vmem>>) semaphore(%arg17 : memref<!tpu.dma_semaphore, #tpu.memory_space<semaphore_mem>>) {add = true}
        %add3A_86 = arith.constant 2 : i32
        %add3A_87 = arith.addi %add3A_66, %add3A_86 : i32
        %lt3A_88 = arith.constant 125 : i32
        %lt3A_89 = arith.cmpi slt, %add3A_87, %lt3A_88 : i32
        %convert_element_type3A_90 = arith.extui %lt3A_89 : i1 to i32
        %cond3A_91 = arith.constant 0 : i32
        %cond3A_92 = arith.cmpi ne, %convert_element_type3A_90, %cond3A_91 : i32
        scf.if %cond3A_92 {
          %dma_wait3A_93 = arith.constant 0 : i32
          %dma_wait3A_94 = arith.constant 0 : i32
          %dma_wait3A_95 = tpu.memref_slice %arg13[%dma_wait3A_93, %dma_wait3A_94] : memref<10240x128xf32, #tpu.memory_space<vmem_shared>> -> memref<10240x128xf32, #tpu.memory_space<vmem_shared>>
          tpu.wait_indirect_dma semaphore(%arg17 : memref<!tpu.dma_semaphore, #tpu.memory_space<semaphore_mem>>) src(%arg12 : memref<80x128xf32, #tpu.memory_space<vmem>>) dst(%dma_wait3A_95 : memref<10240x128xf32, #tpu.memory_space<vmem_shared>>)
          %add3A_96 = arith.constant 2 : i32
          %add3A_97 = arith.addi %add3A_66, %add3A_96 : i32
          %mul3A_98 = arith.constant 80 : i32
          %mul3A_99 = arith.muli %add3A_97, %mul3A_98 : i32
          %add3A_100 = arith.addi %mul3A_23, %mul3A_99 : i32
          "tpu.region"() ({
            %run_scoped3A = tpu.sem_alloc : memref<!tpu.dma_semaphore, #tpu.memory_space<semaphore_mem>>
            %dma_start3A_104 = tpu.memref_slice %arg3[%add3A_100] : memref<320000xi32, #tpu.memory_space<hbm>> -> memref<80xi32, #tpu.memory_space<hbm>>
            %dma_start3A_105 = tpu.memref_slice %arg3[%add3A_100] : memref<320000xi32, #tpu.memory_space<hbm>> -> memref<80xi32, #tpu.memory_space<hbm>>
            tpu.enqueue_dma source(%dma_start3A_105 : memref<80xi32, #tpu.memory_space<hbm>>) target(%arg8 : memref<80xi32, #tpu.memory_space<vmem>>) target_semaphore(%run_scoped3A : memref<!tpu.dma_semaphore, #tpu.memory_space<semaphore_mem>>)
            %dma_wait3A_106 = tpu.memref_slice %arg3[%add3A_100] : memref<320000xi32, #tpu.memory_space<hbm>> -> memref<80xi32, #tpu.memory_space<hbm>>
            %dma_wait3A_107 = tpu.memref_slice %arg3[%add3A_100] : memref<320000xi32, #tpu.memory_space<hbm>> -> memref<80xi32, #tpu.memory_space<hbm>>
            tpu.wait_dma2 semaphore(%run_scoped3A : memref<!tpu.dma_semaphore, #tpu.memory_space<semaphore_mem>>) src(%dma_wait3A_107 : memref<80xi32, #tpu.memory_space<hbm>>) dst(%arg8 : memref<80xi32, #tpu.memory_space<vmem>>)
            tpu.yield
          }) : () -> ()
          "tpu.region"() ({
            %run_scoped3A = tpu.sem_alloc : memref<!tpu.dma_semaphore, #tpu.memory_space<semaphore_mem>>
            %dma_start3A_104 = tpu.memref_slice %arg4[%add3A_100] : memref<320000xi32, #tpu.memory_space<hbm>> -> memref<80xi32, #tpu.memory_space<hbm>>
            %dma_start3A_105 = tpu.memref_slice %arg4[%add3A_100] : memref<320000xi32, #tpu.memory_space<hbm>> -> memref<80xi32, #tpu.memory_space<hbm>>
            tpu.enqueue_dma source(%dma_start3A_105 : memref<80xi32, #tpu.memory_space<hbm>>) target(%arg10 : memref<80xi32, #tpu.memory_space<vmem>>) target_semaphore(%run_scoped3A : memref<!tpu.dma_semaphore, #tpu.memory_space<semaphore_mem>>)
            %dma_wait3A_106 = tpu.memref_slice %arg4[%add3A_100] : memref<320000xi32, #tpu.memory_space<hbm>> -> memref<80xi32, #tpu.memory_space<hbm>>
            %dma_wait3A_107 = tpu.memref_slice %arg4[%add3A_100] : memref<320000xi32, #tpu.memory_space<hbm>> -> memref<80xi32, #tpu.memory_space<hbm>>
            tpu.wait_dma2 semaphore(%run_scoped3A : memref<!tpu.dma_semaphore, #tpu.memory_space<semaphore_mem>>) src(%dma_wait3A_107 : memref<80xi32, #tpu.memory_space<hbm>>) dst(%arg10 : memref<80xi32, #tpu.memory_space<vmem>>)
            tpu.yield
          }) : () -> ()
          %dma_start3A_101 = arith.constant 0 : i32
          %dma_start3A_102 = arith.constant 0 : i32
          %dma_start3A_103 = tpu.memref_slice %arg2[%dma_start3A_101, %dma_start3A_102] : memref<10000x128xf32, #tpu.memory_space<hbm>> -> memref<10000x128xf32, #tpu.memory_space<hbm>>
          tpu.enqueue_indirect_dma source(%dma_start3A_103 : memref<10000x128xf32, #tpu.memory_space<hbm>>) target(%arg12 : memref<80x128xf32, #tpu.memory_space<vmem>>) offsets(%arg8 : memref<80xi32, #tpu.memory_space<vmem>>) semaphore(%arg15 : memref<!tpu.dma_semaphore, #tpu.memory_space<semaphore_mem>>)
        } else {
        }
      } else {
      }
      %scan3A_72 = arith.constant 0 : i32
      scf.yield %scan3A_72 : i32
    }
    %scan3A_39 = arith.constant 63 : i32
    %dma_wait3A = arith.constant 0 : i32
    %dma_wait3A_40 = arith.constant 0 : i32
    %dma_wait3A_41 = tpu.memref_slice %arg13[%dma_wait3A, %dma_wait3A_40] : memref<10240x128xf32, #tpu.memory_space<vmem_shared>> -> memref<10240x128xf32, #tpu.memory_space<vmem_shared>>
    tpu.wait_indirect_dma semaphore(%arg16 : memref<!tpu.dma_semaphore, #tpu.memory_space<semaphore_mem>>) src(%arg11 : memref<80x128xf32, #tpu.memory_space<vmem>>) dst(%dma_wait3A_41 : memref<10240x128xf32, #tpu.memory_space<vmem_shared>>)
    %dma_wait3A_42 = arith.constant 0 : i32
    %dma_wait3A_43 = arith.constant 0 : i32
    %dma_wait3A_44 = tpu.memref_slice %arg13[%dma_wait3A_42, %dma_wait3A_43] : memref<10240x128xf32, #tpu.memory_space<vmem_shared>> -> memref<10240x128xf32, #tpu.memory_space<vmem_shared>>
    tpu.wait_indirect_dma semaphore(%arg17 : memref<!tpu.dma_semaphore, #tpu.memory_space<semaphore_mem>>) src(%arg12 : memref<80x128xf32, #tpu.memory_space<vmem>>) dst(%dma_wait3A_44 : memref<10240x128xf32, #tpu.memory_space<vmem_shared>>)
    %barrier3A_45 = arith.constant 0 : index
    tpu.barrier barrier_id(%barrier3A_45)
    %scan3A_46 = arith.constant 0 : i32
    %scan3A_47 = arith.constant 0 : i32
    %scan3A_48 = arith.constant 8 : i32
    %scan3A_49 = arith.addi %scan3A_47, %scan3A_48 : i32
    %scan3A_50 = arith.constant 1 : i32
    %scan3A_51 = scf.for %scan3A_55 = %scan3A_47 to %scan3A_49 step %scan3A_50 iter_args(%scan3A_56 = %scan3A_46) -> (i32)  : i32 {
      %mul3A_57 = arith.constant 640 : i32
      %mul3A_58 = arith.muli %arg1, %mul3A_57 : i32
      %mul3A_59 = arith.constant 80 : i32
      %mul3A_60 = arith.muli %scan3A_55, %mul3A_59 : i32
      %add3A_61 = arith.addi %mul3A_58, %mul3A_60 : i32
      "tpu.region"() ({
        %run_scoped3A = tpu.sem_alloc : memref<!tpu.dma_semaphore, #tpu.memory_space<semaphore_mem>>
        %dma_start3A_71 = arith.constant 0 : i32
        %dma_start3A_72 = arith.constant 0 : i32
        %dma_start3A_73 = tpu.memref_slice %arg11[%dma_start3A_71, %dma_start3A_72] : memref<80x128xf32, #tpu.memory_space<vmem>> -> memref<80x128xf32, #tpu.memory_space<vmem>>
        %dma_start3A_74 = arith.constant 0 : i32
        %dma_start3A_75 = tpu.memref_slice %arg13[%add3A_61, %dma_start3A_74] : memref<10240x128xf32, #tpu.memory_space<vmem_shared>> -> memref<80x128xf32, #tpu.memory_space<vmem_shared>>
        %dma_start3A_76 = arith.constant 0 : i32
        %dma_start3A_77 = arith.constant 0 : i32
        %dma_start3A_78 = tpu.memref_slice %arg11[%dma_start3A_76, %dma_start3A_77] : memref<80x128xf32, #tpu.memory_space<vmem>> -> memref<80x128xf32, #tpu.memory_space<vmem>>
        %dma_start3A_79 = arith.constant 0 : i32
        %dma_start3A_80 = tpu.memref_slice %arg13[%add3A_61, %dma_start3A_79] : memref<10240x128xf32, #tpu.memory_space<vmem_shared>> -> memref<80x128xf32, #tpu.memory_space<vmem_shared>>
        tpu.enqueue_dma source(%dma_start3A_80 : memref<80x128xf32, #tpu.memory_space<vmem_shared>>) target(%dma_start3A_78 : memref<80x128xf32, #tpu.memory_space<vmem>>) target_semaphore(%run_scoped3A : memref<!tpu.dma_semaphore, #tpu.memory_space<semaphore_mem>>)
        %dma_wait3A_81 = arith.constant 0 : i32
        %dma_wait3A_82 = arith.constant 0 : i32
        %dma_wait3A_83 = tpu.memref_slice %arg11[%dma_wait3A_81, %dma_wait3A_82] : memref<80x128xf32, #tpu.memory_space<vmem>> -> memref<80x128xf32, #tpu.memory_space<vmem>>
        %dma_wait3A_84 = arith.constant 0 : i32
        %dma_wait3A_85 = tpu.memref_slice %arg13[%add3A_61, %dma_wait3A_84] : memref<10240x128xf32, #tpu.memory_space<vmem_shared>> -> memref<80x128xf32, #tpu.memory_space<vmem_shared>>
        %dma_wait3A_86 = arith.constant 0 : i32
        %dma_wait3A_87 = arith.constant 0 : i32
        %dma_wait3A_88 = tpu.memref_slice %arg11[%dma_wait3A_86, %dma_wait3A_87] : memref<80x128xf32, #tpu.memory_space<vmem>> -> memref<80x128xf32, #tpu.memory_space<vmem>>
        %dma_wait3A_89 = arith.constant 0 : i32
        %dma_wait3A_90 = tpu.memref_slice %arg13[%add3A_61, %dma_wait3A_89] : memref<10240x128xf32, #tpu.memory_space<vmem_shared>> -> memref<80x128xf32, #tpu.memory_space<vmem_shared>>
        tpu.wait_dma2 semaphore(%run_scoped3A : memref<!tpu.dma_semaphore, #tpu.memory_space<semaphore_mem>>) src(%dma_wait3A_90 : memref<80x128xf32, #tpu.memory_space<vmem_shared>>) dst(%dma_wait3A_88 : memref<80x128xf32, #tpu.memory_space<vmem>>)
        tpu.yield
      }) : () -> ()
      %mul3A_62 = arith.constant 10240 : i32
      %mul3A_63 = arith.muli %arg0, %mul3A_62 : i32
      %mul3A_64 = arith.constant 640 : i32
      %mul3A_65 = arith.muli %arg1, %mul3A_64 : i32
      %add3A_66 = arith.addi %mul3A_63, %mul3A_65 : i32
      %mul3A_67 = arith.constant 80 : i32
      %mul3A_68 = arith.muli %scan3A_55, %mul3A_67 : i32
      %add3A_69 = arith.addi %add3A_66, %mul3A_68 : i32
      "tpu.region"() ({
        %run_scoped3A = tpu.sem_alloc : memref<!tpu.dma_semaphore, #tpu.memory_space<semaphore_mem>>
        %dma_start3A_71 = arith.constant 0 : i32
        %dma_start3A_72 = arith.constant 0 : i32
        %dma_start3A_73 = tpu.memref_slice %arg11[%dma_start3A_71, %dma_start3A_72] : memref<80x128xf32, #tpu.memory_space<vmem>> -> memref<80x128xf32, #tpu.memory_space<vmem>>
        %dma_start3A_74 = arith.constant 0 : i32
        %dma_start3A_75 = tpu.memref_slice %arg5[%add3A_69, %dma_start3A_74] : memref<20480x128xf32, #tpu.memory_space<hbm>> -> memref<80x128xf32, #tpu.memory_space<hbm>>
        %dma_start3A_76 = arith.constant 0 : i32
        %dma_start3A_77 = tpu.memref_slice %arg5[%add3A_69, %dma_start3A_76] : memref<20480x128xf32, #tpu.memory_space<hbm>> -> memref<80x128xf32, #tpu.memory_space<hbm>>
        %dma_start3A_78 = arith.constant 0 : i32
        %dma_start3A_79 = arith.constant 0 : i32
        %dma_start3A_80 = tpu.memref_slice %arg11[%dma_start3A_78, %dma_start3A_79] : memref<80x128xf32, #tpu.memory_space<vmem>> -> memref<80x128xf32, #tpu.memory_space<vmem>>
        tpu.enqueue_dma source(%dma_start3A_80 : memref<80x128xf32, #tpu.memory_space<vmem>>) target(%dma_start3A_77 : memref<80x128xf32, #tpu.memory_space<hbm>>) target_semaphore(%run_scoped3A : memref<!tpu.dma_semaphore, #tpu.memory_space<semaphore_mem>>)
        %dma_wait3A_81 = arith.constant 0 : i32
        %dma_wait3A_82 = arith.constant 0 : i32
        %dma_wait3A_83 = tpu.memref_slice %arg11[%dma_wait3A_81, %dma_wait3A_82] : memref<80x128xf32, #tpu.memory_space<vmem>> -> memref<80x128xf32, #tpu.memory_space<vmem>>
        %dma_wait3A_84 = arith.constant 0 : i32
        %dma_wait3A_85 = tpu.memref_slice %arg5[%add3A_69, %dma_wait3A_84] : memref<20480x128xf32, #tpu.memory_space<hbm>> -> memref<80x128xf32, #tpu.memory_space<hbm>>
        %dma_wait3A_86 = arith.constant 0 : i32
        %dma_wait3A_87 = tpu.memref_slice %arg5[%add3A_69, %dma_wait3A_86] : memref<20480x128xf32, #tpu.memory_space<hbm>> -> memref<80x128xf32, #tpu.memory_space<hbm>>
        %dma_wait3A_88 = arith.constant 0 : i32
        %dma_wait3A_89 = arith.constant 0 : i32
        %dma_wait3A_90 = tpu.memref_slice %arg11[%dma_wait3A_88, %dma_wait3A_89] : memref<80x128xf32, #tpu.memory_space<vmem>> -> memref<80x128xf32, #tpu.memory_space<vmem>>
        tpu.wait_dma2 semaphore(%run_scoped3A : memref<!tpu.dma_semaphore, #tpu.memory_space<semaphore_mem>>) src(%dma_wait3A_90 : memref<80x128xf32, #tpu.memory_space<vmem>>) dst(%dma_wait3A_87 : memref<80x128xf32, #tpu.memory_space<hbm>>)
        tpu.yield
      }) : () -> ()
      %scan3A_70 = arith.constant 0 : i32
      scf.yield %scan3A_70 : i32
    }
    %scan3A_52 = arith.constant 8 : i32
    %mul3A_53 = arith.constant 10000 : i32
    %mul3A_54 = arith.muli %add3A, %mul3A_53 : i32
    "tpu.region"() ({
      %run_scoped3A = tpu.sem_alloc : memref<!tpu.dma_semaphore, #tpu.memory_space<semaphore_mem>>
      %dma_start3A_55 = tpu.memref_slice %arg6[%mul3A_54] : memref<320000xf32, #tpu.memory_space<hbm>> -> memref<10000xf32, #tpu.memory_space<hbm>>
      %dma_start3A_56 = tpu.memref_slice %arg6[%mul3A_54] : memref<320000xf32, #tpu.memory_space<hbm>> -> memref<10000xf32, #tpu.memory_space<hbm>>
      tpu.enqueue_dma source(%arg18 : memref<10000xf32, #tpu.memory_space<vmem>>) target(%dma_start3A_56 : memref<10000xf32, #tpu.memory_space<hbm>>) target_semaphore(%run_scoped3A : memref<!tpu.dma_semaphore, #tpu.memory_space<semaphore_mem>>)
      %dma_wait3A_57 = tpu.memref_slice %arg6[%mul3A_54] : memref<320000xf32, #tpu.memory_space<hbm>> -> memref<10000xf32, #tpu.memory_space<hbm>>
      %dma_wait3A_58 = tpu.memref_slice %arg6[%mul3A_54] : memref<320000xf32, #tpu.memory_space<hbm>> -> memref<10000xf32, #tpu.memory_space<hbm>>
      tpu.wait_dma2 semaphore(%run_scoped3A : memref<!tpu.dma_semaphore, #tpu.memory_space<semaphore_mem>>) src(%arg18 : memref<10000xf32, #tpu.memory_space<vmem>>) dst(%dma_wait3A_58 : memref<10000xf32, #tpu.memory_space<hbm>>)
      tpu.yield
    }) : () -> ()
    return
  }
}

#map = affine_map<(d0, d1) -> (0, 0)>
#map1 = affine_map<(d0, d1) -> (0)>
module attributes {stable_mosaic.version = 14 : i64} {
  func.func @_sc_segsum(%arg0: i32, %arg1: i32, %arg2: memref<10000x128xf32, #tpu.memory_space<hbm>>, %arg3: memref<320000xi32, #tpu.memory_space<hbm>>, %arg4: memref<320000xi32, #tpu.memory_space<hbm>>, %arg5: memref<20480x128xf32, #tpu.memory_space<hbm>>, %arg6: memref<80xi32, #tpu.memory_space<vmem>>, %arg7: memref<80xi32, #tpu.memory_space<vmem>>, %arg8: memref<80xi32, #tpu.memory_space<vmem>>, %arg9: memref<80xi32, #tpu.memory_space<vmem>>, %arg10: memref<80x128xf32, #tpu.memory_space<vmem>>, %arg11: memref<80x128xf32, #tpu.memory_space<vmem>>, %arg12: memref<10240x128xf32, #tpu.memory_space<vmem_shared>>, %arg13: memref<!tpu.dma_semaphore, #tpu.memory_space<semaphore_mem>>, %arg14: memref<!tpu.dma_semaphore, #tpu.memory_space<semaphore_mem>>, %arg15: memref<!tpu.dma_semaphore, #tpu.memory_space<semaphore_mem>>, %arg16: memref<!tpu.dma_semaphore, #tpu.memory_space<semaphore_mem>>) attributes {dimension_semantics = [#tpu.dimension_semantics<core_parallel>, #tpu.dimension_semantics<subcore_parallel>], iteration_bounds = array<i64: 2, 16>, scalar_prefetch = 0 : i64, scratch_operands = 11 : i64, tpu.core_type = #tpu.core_type<sc_vector_subcore>, window_params = [{transform_indices = #map}, {transform_indices = #map1}, {transform_indices = #map1}, {transform_indices = #map}]} {
    %mul3A = arith.constant 2 : i32
    %mul3A_0 = arith.muli %arg1, %mul3A : i32
    %add3A = arith.addi %mul3A_0, %arg0 : i32
    %scan3A = arith.constant 0 : i32
    %scan3A_1 = arith.constant 0 : i32
    %scan3A_2 = arith.constant 80 : i32
    %scan3A_3 = arith.addi %scan3A_1, %scan3A_2 : i32
    %scan3A_4 = arith.constant 1 : i32
    %scan3A_5 = scf.for %scan3A_45 = %scan3A_1 to %scan3A_3 step %scan3A_4 iter_args(%scan3A_46 = %scan3A) -> (i32)  : i32 {
      %broadcast_in_dim3A = arith.constant 0.000000e+00 : f32
      %broadcast_in_dim3A_47 = vector.broadcast %broadcast_in_dim3A : f32 to vector<16xf32>
      %swap3A = arith.index_cast %scan3A_45 : i32 to index
      %swap3A_48 = arith.constant 0 : index
      %swap3A_49 = tpu.vector_load %arg10[%swap3A, %swap3A_48] {strides = array<i32>} : memref<80x128xf32, #tpu.memory_space<vmem>>, vector<16xf32>,
      tpu.vector_store %arg10[%swap3A, %swap3A_48], %broadcast_in_dim3A_47 {strides = array<i32>} : memref<80x128xf32, #tpu.memory_space<vmem>>, vector<16xf32>,
      %broadcast_in_dim3A_50 = arith.constant 0.000000e+00 : f32
      %broadcast_in_dim3A_51 = vector.broadcast %broadcast_in_dim3A_50 : f32 to vector<16xf32>
      %swap3A_52 = arith.index_cast %scan3A_45 : i32 to index
      %swap3A_53 = arith.constant 16 : index
      %swap3A_54 = tpu.vector_load %arg10[%swap3A_52, %swap3A_53] {strides = array<i32>} : memref<80x128xf32, #tpu.memory_space<vmem>>, vector<16xf32>,
      tpu.vector_store %arg10[%swap3A_52, %swap3A_53], %broadcast_in_dim3A_51 {strides = array<i32>} : memref<80x128xf32, #tpu.memory_space<vmem>>, vector<16xf32>,
      %broadcast_in_dim3A_55 = arith.constant 0.000000e+00 : f32
      %broadcast_in_dim3A_56 = vector.broadcast %broadcast_in_dim3A_55 : f32 to vector<16xf32>
      %swap3A_57 = arith.index_cast %scan3A_45 : i32 to index
      %swap3A_58 = arith.constant 32 : index
      %swap3A_59 = tpu.vector_load %arg10[%swap3A_57, %swap3A_58] {strides = array<i32>} : memref<80x128xf32, #tpu.memory_space<vmem>>, vector<16xf32>,
      tpu.vector_store %arg10[%swap3A_57, %swap3A_58], %broadcast_in_dim3A_56 {strides = array<i32>} : memref<80x128xf32, #tpu.memory_space<vmem>>, vector<16xf32>,
      %broadcast_in_dim3A_60 = arith.constant 0.000000e+00 : f32
      %broadcast_in_dim3A_61 = vector.broadcast %broadcast_in_dim3A_60 : f32 to vector<16xf32>
      %swap3A_62 = arith.index_cast %scan3A_45 : i32 to index
      %swap3A_63 = arith.constant 48 : index
      %swap3A_64 = tpu.vector_load %arg10[%swap3A_62, %swap3A_63] {strides = array<i32>} : memref<80x128xf32, #tpu.memory_space<vmem>>, vector<16xf32>,
      tpu.vector_store %arg10[%swap3A_62, %swap3A_63], %broadcast_in_dim3A_61 {strides = array<i32>} : memref<80x128xf32, #tpu.memory_space<vmem>>, vector<16xf32>,
      %broadcast_in_dim3A_65 = arith.constant 0.000000e+00 : f32
      %broadcast_in_dim3A_66 = vector.broadcast %broadcast_in_dim3A_65 : f32 to vector<16xf32>
      %swap3A_67 = arith.index_cast %scan3A_45 : i32 to index
      %swap3A_68 = arith.constant 64 : index
      %swap3A_69 = tpu.vector_load %arg10[%swap3A_67, %swap3A_68] {strides = array<i32>} : memref<80x128xf32, #tpu.memory_space<vmem>>, vector<16xf32>,
      tpu.vector_store %arg10[%swap3A_67, %swap3A_68], %broadcast_in_dim3A_66 {strides = array<i32>} : memref<80x128xf32, #tpu.memory_space<vmem>>, vector<16xf32>,
      %broadcast_in_dim3A_70 = arith.constant 0.000000e+00 : f32
      %broadcast_in_dim3A_71 = vector.broadcast %broadcast_in_dim3A_70 : f32 to vector<16xf32>
      %swap3A_72 = arith.index_cast %scan3A_45 : i32 to index
      %swap3A_73 = arith.constant 80 : index
      %swap3A_74 = tpu.vector_load %arg10[%swap3A_72, %swap3A_73] {strides = array<i32>} : memref<80x128xf32, #tpu.memory_space<vmem>>, vector<16xf32>,
      tpu.vector_store %arg10[%swap3A_72, %swap3A_73], %broadcast_in_dim3A_71 {strides = array<i32>} : memref<80x128xf32, #tpu.memory_space<vmem>>, vector<16xf32>,
      %broadcast_in_dim3A_75 = arith.constant 0.000000e+00 : f32
      %broadcast_in_dim3A_76 = vector.broadcast %broadcast_in_dim3A_75 : f32 to vector<16xf32>
      %swap3A_77 = arith.index_cast %scan3A_45 : i32 to index
      %swap3A_78 = arith.constant 96 : index
      %swap3A_79 = tpu.vector_load %arg10[%swap3A_77, %swap3A_78] {strides = array<i32>} : memref<80x128xf32, #tpu.memory_space<vmem>>, vector<16xf32>,
      tpu.vector_store %arg10[%swap3A_77, %swap3A_78], %broadcast_in_dim3A_76 {strides = array<i32>} : memref<80x128xf32, #tpu.memory_space<vmem>>, vector<16xf32>,
      %broadcast_in_dim3A_80 = arith.constant 0.000000e+00 : f32
      %broadcast_in_dim3A_81 = vector.broadcast %broadcast_in_dim3A_80 : f32 to vector<16xf32>
      %swap3A_82 = arith.index_cast %scan3A_45 : i32 to index
      %swap3A_83 = arith.constant 112 : index
      %swap3A_84 = tpu.vector_load %arg10[%swap3A_82, %swap3A_83] {strides = array<i32>} : memref<80x128xf32, #tpu.memory_space<vmem>>, vector<16xf32>,
      tpu.vector_store %arg10[%swap3A_82, %swap3A_83], %broadcast_in_dim3A_81 {strides = array<i32>} : memref<80x128xf32, #tpu.memory_space<vmem>>, vector<16xf32>,
      %scan3A_85 = arith.constant 0 : i32
      scf.yield %scan3A_85 : i32
    }
    %scan3A_6 = arith.constant 80 : i32
    %scan3A_7 = arith.constant 0 : i32
    %scan3A_8 = arith.constant 0 : i32
    %scan3A_9 = arith.constant 8 : i32
    %scan3A_10 = arith.addi %scan3A_8, %scan3A_9 : i32
    %scan3A_11 = arith.constant 1 : i32
    %scan3A_12 = scf.for %scan3A_45 = %scan3A_8 to %scan3A_10 step %scan3A_11 iter_args(%scan3A_46 = %scan3A_7) -> (i32)  : i32 {
      %mul3A_47 = arith.constant 640 : i32
      %mul3A_48 = arith.muli %arg1, %mul3A_47 : i32
      %mul3A_49 = arith.constant 80 : i32
      %mul3A_50 = arith.muli %scan3A_45, %mul3A_49 : i32
      %add3A_51 = arith.addi %mul3A_48, %mul3A_50 : i32
      "tpu.region"() ({
        %run_scoped3A = tpu.sem_alloc : memref<!tpu.dma_semaphore, #tpu.memory_space<semaphore_mem>>
        %dma_start3A_53 = arith.constant 0 : i32
        %dma_start3A_54 = arith.constant 0 : i32
        %dma_start3A_55 = tpu.memref_slice %arg10[%dma_start3A_53, %dma_start3A_54] : memref<80x128xf32, #tpu.memory_space<vmem>> -> memref<80x128xf32, #tpu.memory_space<vmem>>
        %dma_start3A_56 = arith.constant 0 : i32
        %dma_start3A_57 = tpu.memref_slice %arg12[%add3A_51, %dma_start3A_56] : memref<10240x128xf32, #tpu.memory_space<vmem_shared>> -> memref<80x128xf32, #tpu.memory_space<vmem_shared>>
        %dma_start3A_58 = arith.constant 0 : i32
        %dma_start3A_59 = tpu.memref_slice %arg12[%add3A_51, %dma_start3A_58] : memref<10240x128xf32, #tpu.memory_space<vmem_shared>> -> memref<80x128xf32, #tpu.memory_space<vmem_shared>>
        %dma_start3A_60 = arith.constant 0 : i32
        %dma_start3A_61 = arith.constant 0 : i32
        %dma_start3A_62 = tpu.memref_slice %arg10[%dma_start3A_60, %dma_start3A_61] : memref<80x128xf32, #tpu.memory_space<vmem>> -> memref<80x128xf32, #tpu.memory_space<vmem>>
        tpu.enqueue_dma source(%dma_start3A_62 : memref<80x128xf32, #tpu.memory_space<vmem>>) target(%dma_start3A_59 : memref<80x128xf32, #tpu.memory_space<vmem_shared>>) target_semaphore(%run_scoped3A : memref<!tpu.dma_semaphore, #tpu.memory_space<semaphore_mem>>)
        %dma_wait3A_63 = arith.constant 0 : i32
        %dma_wait3A_64 = arith.constant 0 : i32
        %dma_wait3A_65 = tpu.memref_slice %arg10[%dma_wait3A_63, %dma_wait3A_64] : memref<80x128xf32, #tpu.memory_space<vmem>> -> memref<80x128xf32, #tpu.memory_space<vmem>>
        %dma_wait3A_66 = arith.constant 0 : i32
        %dma_wait3A_67 = tpu.memref_slice %arg12[%add3A_51, %dma_wait3A_66] : memref<10240x128xf32, #tpu.memory_space<vmem_shared>> -> memref<80x128xf32, #tpu.memory_space<vmem_shared>>
        %dma_wait3A_68 = arith.constant 0 : i32
        %dma_wait3A_69 = tpu.memref_slice %arg12[%add3A_51, %dma_wait3A_68] : memref<10240x128xf32, #tpu.memory_space<vmem_shared>> -> memref<80x128xf32, #tpu.memory_space<vmem_shared>>
        %dma_wait3A_70 = arith.constant 0 : i32
        %dma_wait3A_71 = arith.constant 0 : i32
        %dma_wait3A_72 = tpu.memref_slice %arg10[%dma_wait3A_70, %dma_wait3A_71] : memref<80x128xf32, #tpu.memory_space<vmem>> -> memref<80x128xf32, #tpu.memory_space<vmem>>
        tpu.wait_dma2 semaphore(%run_scoped3A : memref<!tpu.dma_semaphore, #tpu.memory_space<semaphore_mem>>) src(%dma_wait3A_72 : memref<80x128xf32, #tpu.memory_space<vmem>>) dst(%dma_wait3A_69 : memref<80x128xf32, #tpu.memory_space<vmem_shared>>)
        tpu.yield
      }) : () -> ()
      %scan3A_52 = arith.constant 0 : i32
      scf.yield %scan3A_52 : i32
    }
    %scan3A_13 = arith.constant 8 : i32
    %barrier3A = arith.constant 0 : index
    tpu.barrier barrier_id(%barrier3A)
    %mul3A_14 = arith.constant 10000 : i32
    %mul3A_15 = arith.muli %add3A, %mul3A_14 : i32
    %add3A_16 = arith.constant 0 : i32
    %add3A_17 = arith.addi %mul3A_15, %add3A_16 : i32
    "tpu.region"() ({
      %run_scoped3A = tpu.sem_alloc : memref<!tpu.dma_semaphore, #tpu.memory_space<semaphore_mem>>
      %dma_start3A_45 = tpu.memref_slice %arg3[%add3A_17] : memref<320000xi32, #tpu.memory_space<hbm>> -> memref<80xi32, #tpu.memory_space<hbm>>
      %dma_start3A_46 = tpu.memref_slice %arg3[%add3A_17] : memref<320000xi32, #tpu.memory_space<hbm>> -> memref<80xi32, #tpu.memory_space<hbm>>
      tpu.enqueue_dma source(%dma_start3A_46 : memref<80xi32, #tpu.memory_space<hbm>>) target(%arg6 : memref<80xi32, #tpu.memory_space<vmem>>) target_semaphore(%run_scoped3A : memref<!tpu.dma_semaphore, #tpu.memory_space<semaphore_mem>>)
      %dma_wait3A_47 = tpu.memref_slice %arg3[%add3A_17] : memref<320000xi32, #tpu.memory_space<hbm>> -> memref<80xi32, #tpu.memory_space<hbm>>
      %dma_wait3A_48 = tpu.memref_slice %arg3[%add3A_17] : memref<320000xi32, #tpu.memory_space<hbm>> -> memref<80xi32, #tpu.memory_space<hbm>>
      tpu.wait_dma2 semaphore(%run_scoped3A : memref<!tpu.dma_semaphore, #tpu.memory_space<semaphore_mem>>) src(%dma_wait3A_48 : memref<80xi32, #tpu.memory_space<hbm>>) dst(%arg6 : memref<80xi32, #tpu.memory_space<vmem>>)
      tpu.yield
    }) : () -> ()
    "tpu.region"() ({
      %run_scoped3A = tpu.sem_alloc : memref<!tpu.dma_semaphore, #tpu.memory_space<semaphore_mem>>
      %dma_start3A_45 = tpu.memref_slice %arg4[%add3A_17] : memref<320000xi32, #tpu.memory_space<hbm>> -> memref<80xi32, #tpu.memory_space<hbm>>
      %dma_start3A_46 = tpu.memref_slice %arg4[%add3A_17] : memref<320000xi32, #tpu.memory_space<hbm>> -> memref<80xi32, #tpu.memory_space<hbm>>
      tpu.enqueue_dma source(%dma_start3A_46 : memref<80xi32, #tpu.memory_space<hbm>>) target(%arg8 : memref<80xi32, #tpu.memory_space<vmem>>) target_semaphore(%run_scoped3A : memref<!tpu.dma_semaphore, #tpu.memory_space<semaphore_mem>>)
      %dma_wait3A_47 = tpu.memref_slice %arg4[%add3A_17] : memref<320000xi32, #tpu.memory_space<hbm>> -> memref<80xi32, #tpu.memory_space<hbm>>
      %dma_wait3A_48 = tpu.memref_slice %arg4[%add3A_17] : memref<320000xi32, #tpu.memory_space<hbm>> -> memref<80xi32, #tpu.memory_space<hbm>>
      tpu.wait_dma2 semaphore(%run_scoped3A : memref<!tpu.dma_semaphore, #tpu.memory_space<semaphore_mem>>) src(%dma_wait3A_48 : memref<80xi32, #tpu.memory_space<hbm>>) dst(%arg8 : memref<80xi32, #tpu.memory_space<vmem>>)
      tpu.yield
    }) : () -> ()
    %dma_start3A = arith.constant 0 : i32
    %dma_start3A_18 = arith.constant 0 : i32
    %dma_start3A_19 = tpu.memref_slice %arg2[%dma_start3A, %dma_start3A_18] : memref<10000x128xf32, #tpu.memory_space<hbm>> -> memref<10000x128xf32, #tpu.memory_space<hbm>>
    tpu.enqueue_indirect_dma source(%dma_start3A_19 : memref<10000x128xf32, #tpu.memory_space<hbm>>) target(%arg10 : memref<80x128xf32, #tpu.memory_space<vmem>>) offsets(%arg6 : memref<80xi32, #tpu.memory_space<vmem>>) semaphore(%arg13 : memref<!tpu.dma_semaphore, #tpu.memory_space<semaphore_mem>>)
    %add3A_20 = arith.constant 80 : i32
    %add3A_21 = arith.addi %mul3A_15, %add3A_20 : i32
    "tpu.region"() ({
      %run_scoped3A = tpu.sem_alloc : memref<!tpu.dma_semaphore, #tpu.memory_space<semaphore_mem>>
      %dma_start3A_45 = tpu.memref_slice %arg3[%add3A_21] : memref<320000xi32, #tpu.memory_space<hbm>> -> memref<80xi32, #tpu.memory_space<hbm>>
      %dma_start3A_46 = tpu.memref_slice %arg3[%add3A_21] : memref<320000xi32, #tpu.memory_space<hbm>> -> memref<80xi32, #tpu.memory_space<hbm>>
      tpu.enqueue_dma source(%dma_start3A_46 : memref<80xi32, #tpu.memory_space<hbm>>) target(%arg7 : memref<80xi32, #tpu.memory_space<vmem>>) target_semaphore(%run_scoped3A : memref<!tpu.dma_semaphore, #tpu.memory_space<semaphore_mem>>)
      %dma_wait3A_47 = tpu.memref_slice %arg3[%add3A_21] : memref<320000xi32, #tpu.memory_space<hbm>> -> memref<80xi32, #tpu.memory_space<hbm>>
      %dma_wait3A_48 = tpu.memref_slice %arg3[%add3A_21] : memref<320000xi32, #tpu.memory_space<hbm>> -> memref<80xi32, #tpu.memory_space<hbm>>
      tpu.wait_dma2 semaphore(%run_scoped3A : memref<!tpu.dma_semaphore, #tpu.memory_space<semaphore_mem>>) src(%dma_wait3A_48 : memref<80xi32, #tpu.memory_space<hbm>>) dst(%arg7 : memref<80xi32, #tpu.memory_space<vmem>>)
      tpu.yield
    }) : () -> ()
    "tpu.region"() ({
      %run_scoped3A = tpu.sem_alloc : memref<!tpu.dma_semaphore, #tpu.memory_space<semaphore_mem>>
      %dma_start3A_45 = tpu.memref_slice %arg4[%add3A_21] : memref<320000xi32, #tpu.memory_space<hbm>> -> memref<80xi32, #tpu.memory_space<hbm>>
      %dma_start3A_46 = tpu.memref_slice %arg4[%add3A_21] : memref<320000xi32, #tpu.memory_space<hbm>> -> memref<80xi32, #tpu.memory_space<hbm>>
      tpu.enqueue_dma source(%dma_start3A_46 : memref<80xi32, #tpu.memory_space<hbm>>) target(%arg9 : memref<80xi32, #tpu.memory_space<vmem>>) target_semaphore(%run_scoped3A : memref<!tpu.dma_semaphore, #tpu.memory_space<semaphore_mem>>)
      %dma_wait3A_47 = tpu.memref_slice %arg4[%add3A_21] : memref<320000xi32, #tpu.memory_space<hbm>> -> memref<80xi32, #tpu.memory_space<hbm>>
      %dma_wait3A_48 = tpu.memref_slice %arg4[%add3A_21] : memref<320000xi32, #tpu.memory_space<hbm>> -> memref<80xi32, #tpu.memory_space<hbm>>
      tpu.wait_dma2 semaphore(%run_scoped3A : memref<!tpu.dma_semaphore, #tpu.memory_space<semaphore_mem>>) src(%dma_wait3A_48 : memref<80xi32, #tpu.memory_space<hbm>>) dst(%arg9 : memref<80xi32, #tpu.memory_space<vmem>>)
      tpu.yield
    }) : () -> ()
    %dma_start3A_22 = arith.constant 0 : i32
    %dma_start3A_23 = arith.constant 0 : i32
    %dma_start3A_24 = tpu.memref_slice %arg2[%dma_start3A_22, %dma_start3A_23] : memref<10000x128xf32, #tpu.memory_space<hbm>> -> memref<10000x128xf32, #tpu.memory_space<hbm>>
    tpu.enqueue_indirect_dma source(%dma_start3A_24 : memref<10000x128xf32, #tpu.memory_space<hbm>>) target(%arg11 : memref<80x128xf32, #tpu.memory_space<vmem>>) offsets(%arg7 : memref<80xi32, #tpu.memory_space<vmem>>) semaphore(%arg14 : memref<!tpu.dma_semaphore, #tpu.memory_space<semaphore_mem>>)
    %scan3A_25 = arith.constant 0 : i32
    %scan3A_26 = arith.constant 0 : i32
    %scan3A_27 = arith.constant 63 : i32
    %scan3A_28 = arith.addi %scan3A_26, %scan3A_27 : i32
    %scan3A_29 = arith.constant 1 : i32
    %scan3A_30 = scf.for %scan3A_45 = %scan3A_26 to %scan3A_28 step %scan3A_29 iter_args(%scan3A_46 = %scan3A_25) -> (i32)  : i32 {
      %mul3A_47 = arith.constant 2 : i32
      %mul3A_48 = arith.muli %mul3A_47, %scan3A_45 : i32
      %add3A_49 = arith.constant 0 : i32
      %add3A_50 = arith.addi %mul3A_48, %add3A_49 : i32
      %lt3A = arith.constant 125 : i32
      %lt3A_51 = arith.cmpi slt, %add3A_50, %lt3A : i32
      %convert_element_type3A = arith.extui %lt3A_51 : i1 to i32
      %cond3A = arith.constant 0 : i32
      %cond3A_52 = arith.cmpi ne, %convert_element_type3A, %cond3A : i32
      scf.if %cond3A_52 {
        %dma_wait3A_63 = arith.constant 0 : i32
        %dma_wait3A_64 = arith.constant 0 : i32
        %dma_wait3A_65 = tpu.memref_slice %arg2[%dma_wait3A_63, %dma_wait3A_64] : memref<10000x128xf32, #tpu.memory_space<hbm>> -> memref<10000x128xf32, #tpu.memory_space<hbm>>
        tpu.wait_indirect_dma semaphore(%arg13 : memref<!tpu.dma_semaphore, #tpu.memory_space<semaphore_mem>>) src(%dma_wait3A_65 : memref<10000x128xf32, #tpu.memory_space<hbm>>) dst(%arg10 : memref<80x128xf32, #tpu.memory_space<vmem>>)
        %dma_start3A_66 = arith.constant 0 : i32
        %dma_start3A_67 = arith.constant 0 : i32
        %dma_start3A_68 = tpu.memref_slice %arg12[%dma_start3A_66, %dma_start3A_67] : memref<10240x128xf32, #tpu.memory_space<vmem_shared>> -> memref<10240x128xf32, #tpu.memory_space<vmem_shared>>
        tpu.enqueue_indirect_dma source(%arg10 : memref<80x128xf32, #tpu.memory_space<vmem>>) target(%dma_start3A_68 : memref<10240x128xf32, #tpu.memory_space<vmem_shared>>) offsets(%arg8 : memref<80xi32, #tpu.memory_space<vmem>>) semaphore(%arg15 : memref<!tpu.dma_semaphore, #tpu.memory_space<semaphore_mem>>) {add = true}
        %add3A_69 = arith.constant 2 : i32
        %add3A_70 = arith.addi %add3A_50, %add3A_69 : i32
        %lt3A_71 = arith.constant 125 : i32
        %lt3A_72 = arith.cmpi slt, %add3A_70, %lt3A_71 : i32
        %convert_element_type3A_73 = arith.extui %lt3A_72 : i1 to i32
        %cond3A_74 = arith.constant 0 : i32
        %cond3A_75 = arith.cmpi ne, %convert_element_type3A_73, %cond3A_74 : i32
        scf.if %cond3A_75 {
          %dma_wait3A_76 = arith.constant 0 : i32
          %dma_wait3A_77 = arith.constant 0 : i32
          %dma_wait3A_78 = tpu.memref_slice %arg12[%dma_wait3A_76, %dma_wait3A_77] : memref<10240x128xf32, #tpu.memory_space<vmem_shared>> -> memref<10240x128xf32, #tpu.memory_space<vmem_shared>>
          tpu.wait_indirect_dma semaphore(%arg15 : memref<!tpu.dma_semaphore, #tpu.memory_space<semaphore_mem>>) src(%arg10 : memref<80x128xf32, #tpu.memory_space<vmem>>) dst(%dma_wait3A_78 : memref<10240x128xf32, #tpu.memory_space<vmem_shared>>)
          %add3A_79 = arith.constant 2 : i32
          %add3A_80 = arith.addi %add3A_50, %add3A_79 : i32
          %mul3A_81 = arith.constant 80 : i32
          %mul3A_82 = arith.muli %add3A_80, %mul3A_81 : i32
          %add3A_83 = arith.addi %mul3A_15, %mul3A_82 : i32
          "tpu.region"() ({
            %run_scoped3A = tpu.sem_alloc : memref<!tpu.dma_semaphore, #tpu.memory_space<semaphore_mem>>
            %dma_start3A_87 = tpu.memref_slice %arg3[%add3A_83] : memref<320000xi32, #tpu.memory_space<hbm>> -> memref<80xi32, #tpu.memory_space<hbm>>
            %dma_start3A_88 = tpu.memref_slice %arg3[%add3A_83] : memref<320000xi32, #tpu.memory_space<hbm>> -> memref<80xi32, #tpu.memory_space<hbm>>
            tpu.enqueue_dma source(%dma_start3A_88 : memref<80xi32, #tpu.memory_space<hbm>>) target(%arg6 : memref<80xi32, #tpu.memory_space<vmem>>) target_semaphore(%run_scoped3A : memref<!tpu.dma_semaphore, #tpu.memory_space<semaphore_mem>>)
            %dma_wait3A_89 = tpu.memref_slice %arg3[%add3A_83] : memref<320000xi32, #tpu.memory_space<hbm>> -> memref<80xi32, #tpu.memory_space<hbm>>
            %dma_wait3A_90 = tpu.memref_slice %arg3[%add3A_83] : memref<320000xi32, #tpu.memory_space<hbm>> -> memref<80xi32, #tpu.memory_space<hbm>>
            tpu.wait_dma2 semaphore(%run_scoped3A : memref<!tpu.dma_semaphore, #tpu.memory_space<semaphore_mem>>) src(%dma_wait3A_90 : memref<80xi32, #tpu.memory_space<hbm>>) dst(%arg6 : memref<80xi32, #tpu.memory_space<vmem>>)
            tpu.yield
          }) : () -> ()
          "tpu.region"() ({
            %run_scoped3A = tpu.sem_alloc : memref<!tpu.dma_semaphore, #tpu.memory_space<semaphore_mem>>
            %dma_start3A_87 = tpu.memref_slice %arg4[%add3A_83] : memref<320000xi32, #tpu.memory_space<hbm>> -> memref<80xi32, #tpu.memory_space<hbm>>
            %dma_start3A_88 = tpu.memref_slice %arg4[%add3A_83] : memref<320000xi32, #tpu.memory_space<hbm>> -> memref<80xi32, #tpu.memory_space<hbm>>
            tpu.enqueue_dma source(%dma_start3A_88 : memref<80xi32, #tpu.memory_space<hbm>>) target(%arg8 : memref<80xi32, #tpu.memory_space<vmem>>) target_semaphore(%run_scoped3A : memref<!tpu.dma_semaphore, #tpu.memory_space<semaphore_mem>>)
            %dma_wait3A_89 = tpu.memref_slice %arg4[%add3A_83] : memref<320000xi32, #tpu.memory_space<hbm>> -> memref<80xi32, #tpu.memory_space<hbm>>
            %dma_wait3A_90 = tpu.memref_slice %arg4[%add3A_83] : memref<320000xi32, #tpu.memory_space<hbm>> -> memref<80xi32, #tpu.memory_space<hbm>>
            tpu.wait_dma2 semaphore(%run_scoped3A : memref<!tpu.dma_semaphore, #tpu.memory_space<semaphore_mem>>) src(%dma_wait3A_90 : memref<80xi32, #tpu.memory_space<hbm>>) dst(%arg8 : memref<80xi32, #tpu.memory_space<vmem>>)
            tpu.yield
          }) : () -> ()
          %dma_start3A_84 = arith.constant 0 : i32
          %dma_start3A_85 = arith.constant 0 : i32
          %dma_start3A_86 = tpu.memref_slice %arg2[%dma_start3A_84, %dma_start3A_85] : memref<10000x128xf32, #tpu.memory_space<hbm>> -> memref<10000x128xf32, #tpu.memory_space<hbm>>
          tpu.enqueue_indirect_dma source(%dma_start3A_86 : memref<10000x128xf32, #tpu.memory_space<hbm>>) target(%arg10 : memref<80x128xf32, #tpu.memory_space<vmem>>) offsets(%arg6 : memref<80xi32, #tpu.memory_space<vmem>>) semaphore(%arg13 : memref<!tpu.dma_semaphore, #tpu.memory_space<semaphore_mem>>)
        } else {
        }
      } else {
      }
      %mul3A_53 = arith.constant 2 : i32
      %mul3A_54 = arith.muli %mul3A_53, %scan3A_45 : i32
      %add3A_55 = arith.constant 1 : i32
      %add3A_56 = arith.addi %mul3A_54, %add3A_55 : i32
      %lt3A_57 = arith.constant 125 : i32
      %lt3A_58 = arith.cmpi slt, %add3A_56, %lt3A_57 : i32
      %convert_element_type3A_59 = arith.extui %lt3A_58 : i1 to i32
      %cond3A_60 = arith.constant 0 : i32
      %cond3A_61 = arith.cmpi ne, %convert_element_type3A_59, %cond3A_60 : i32
      scf.if %cond3A_61 {
        %dma_wait3A_63 = arith.constant 0 : i32
        %dma_wait3A_64 = arith.constant 0 : i32
        %dma_wait3A_65 = tpu.memref_slice %arg2[%dma_wait3A_63, %dma_wait3A_64] : memref<10000x128xf32, #tpu.memory_space<hbm>> -> memref<10000x128xf32, #tpu.memory_space<hbm>>
        tpu.wait_indirect_dma semaphore(%arg14 : memref<!tpu.dma_semaphore, #tpu.memory_space<semaphore_mem>>) src(%dma_wait3A_65 : memref<10000x128xf32, #tpu.memory_space<hbm>>) dst(%arg11 : memref<80x128xf32, #tpu.memory_space<vmem>>)
        %dma_start3A_66 = arith.constant 0 : i32
        %dma_start3A_67 = arith.constant 0 : i32
        %dma_start3A_68 = tpu.memref_slice %arg12[%dma_start3A_66, %dma_start3A_67] : memref<10240x128xf32, #tpu.memory_space<vmem_shared>> -> memref<10240x128xf32, #tpu.memory_space<vmem_shared>>
        tpu.enqueue_indirect_dma source(%arg11 : memref<80x128xf32, #tpu.memory_space<vmem>>) target(%dma_start3A_68 : memref<10240x128xf32, #tpu.memory_space<vmem_shared>>) offsets(%arg9 : memref<80xi32, #tpu.memory_space<vmem>>) semaphore(%arg16 : memref<!tpu.dma_semaphore, #tpu.memory_space<semaphore_mem>>) {add = true}
        %add3A_69 = arith.constant 2 : i32
        %add3A_70 = arith.addi %add3A_56, %add3A_69 : i32
        %lt3A_71 = arith.constant 125 : i32
        %lt3A_72 = arith.cmpi slt, %add3A_70, %lt3A_71 : i32
        %convert_element_type3A_73 = arith.extui %lt3A_72 : i1 to i32
        %cond3A_74 = arith.constant 0 : i32
        %cond3A_75 = arith.cmpi ne, %convert_element_type3A_73, %cond3A_74 : i32
        scf.if %cond3A_75 {
          %dma_wait3A_76 = arith.constant 0 : i32
          %dma_wait3A_77 = arith.constant 0 : i32
          %dma_wait3A_78 = tpu.memref_slice %arg12[%dma_wait3A_76, %dma_wait3A_77] : memref<10240x128xf32, #tpu.memory_space<vmem_shared>> -> memref<10240x128xf32, #tpu.memory_space<vmem_shared>>
          tpu.wait_indirect_dma semaphore(%arg16 : memref<!tpu.dma_semaphore, #tpu.memory_space<semaphore_mem>>) src(%arg11 : memref<80x128xf32, #tpu.memory_space<vmem>>) dst(%dma_wait3A_78 : memref<10240x128xf32, #tpu.memory_space<vmem_shared>>)
          %add3A_79 = arith.constant 2 : i32
          %add3A_80 = arith.addi %add3A_56, %add3A_79 : i32
          %mul3A_81 = arith.constant 80 : i32
          %mul3A_82 = arith.muli %add3A_80, %mul3A_81 : i32
          %add3A_83 = arith.addi %mul3A_15, %mul3A_82 : i32
          "tpu.region"() ({
            %run_scoped3A = tpu.sem_alloc : memref<!tpu.dma_semaphore, #tpu.memory_space<semaphore_mem>>
            %dma_start3A_87 = tpu.memref_slice %arg3[%add3A_83] : memref<320000xi32, #tpu.memory_space<hbm>> -> memref<80xi32, #tpu.memory_space<hbm>>
            %dma_start3A_88 = tpu.memref_slice %arg3[%add3A_83] : memref<320000xi32, #tpu.memory_space<hbm>> -> memref<80xi32, #tpu.memory_space<hbm>>
            tpu.enqueue_dma source(%dma_start3A_88 : memref<80xi32, #tpu.memory_space<hbm>>) target(%arg7 : memref<80xi32, #tpu.memory_space<vmem>>) target_semaphore(%run_scoped3A : memref<!tpu.dma_semaphore, #tpu.memory_space<semaphore_mem>>)
            %dma_wait3A_89 = tpu.memref_slice %arg3[%add3A_83] : memref<320000xi32, #tpu.memory_space<hbm>> -> memref<80xi32, #tpu.memory_space<hbm>>
            %dma_wait3A_90 = tpu.memref_slice %arg3[%add3A_83] : memref<320000xi32, #tpu.memory_space<hbm>> -> memref<80xi32, #tpu.memory_space<hbm>>
            tpu.wait_dma2 semaphore(%run_scoped3A : memref<!tpu.dma_semaphore, #tpu.memory_space<semaphore_mem>>) src(%dma_wait3A_90 : memref<80xi32, #tpu.memory_space<hbm>>) dst(%arg7 : memref<80xi32, #tpu.memory_space<vmem>>)
            tpu.yield
          }) : () -> ()
          "tpu.region"() ({
            %run_scoped3A = tpu.sem_alloc : memref<!tpu.dma_semaphore, #tpu.memory_space<semaphore_mem>>
            %dma_start3A_87 = tpu.memref_slice %arg4[%add3A_83] : memref<320000xi32, #tpu.memory_space<hbm>> -> memref<80xi32, #tpu.memory_space<hbm>>
            %dma_start3A_88 = tpu.memref_slice %arg4[%add3A_83] : memref<320000xi32, #tpu.memory_space<hbm>> -> memref<80xi32, #tpu.memory_space<hbm>>
            tpu.enqueue_dma source(%dma_start3A_88 : memref<80xi32, #tpu.memory_space<hbm>>) target(%arg9 : memref<80xi32, #tpu.memory_space<vmem>>) target_semaphore(%run_scoped3A : memref<!tpu.dma_semaphore, #tpu.memory_space<semaphore_mem>>)
            %dma_wait3A_89 = tpu.memref_slice %arg4[%add3A_83] : memref<320000xi32, #tpu.memory_space<hbm>> -> memref<80xi32, #tpu.memory_space<hbm>>
            %dma_wait3A_90 = tpu.memref_slice %arg4[%add3A_83] : memref<320000xi32, #tpu.memory_space<hbm>> -> memref<80xi32, #tpu.memory_space<hbm>>
            tpu.wait_dma2 semaphore(%run_scoped3A : memref<!tpu.dma_semaphore, #tpu.memory_space<semaphore_mem>>) src(%dma_wait3A_90 : memref<80xi32, #tpu.memory_space<hbm>>) dst(%arg9 : memref<80xi32, #tpu.memory_space<vmem>>)
            tpu.yield
          }) : () -> ()
          %dma_start3A_84 = arith.constant 0 : i32
          %dma_start3A_85 = arith.constant 0 : i32
          %dma_start3A_86 = tpu.memref_slice %arg2[%dma_start3A_84, %dma_start3A_85] : memref<10000x128xf32, #tpu.memory_space<hbm>> -> memref<10000x128xf32, #tpu.memory_space<hbm>>
          tpu.enqueue_indirect_dma source(%dma_start3A_86 : memref<10000x128xf32, #tpu.memory_space<hbm>>) target(%arg11 : memref<80x128xf32, #tpu.memory_space<vmem>>) offsets(%arg7 : memref<80xi32, #tpu.memory_space<vmem>>) semaphore(%arg14 : memref<!tpu.dma_semaphore, #tpu.memory_space<semaphore_mem>>)
        } else {
        }
      } else {
      }
      %scan3A_62 = arith.constant 0 : i32
      scf.yield %scan3A_62 : i32
    }
    %scan3A_31 = arith.constant 63 : i32
    %dma_wait3A = arith.constant 0 : i32
    %dma_wait3A_32 = arith.constant 0 : i32
    %dma_wait3A_33 = tpu.memref_slice %arg12[%dma_wait3A, %dma_wait3A_32] : memref<10240x128xf32, #tpu.memory_space<vmem_shared>> -> memref<10240x128xf32, #tpu.memory_space<vmem_shared>>
    tpu.wait_indirect_dma semaphore(%arg15 : memref<!tpu.dma_semaphore, #tpu.memory_space<semaphore_mem>>) src(%arg10 : memref<80x128xf32, #tpu.memory_space<vmem>>) dst(%dma_wait3A_33 : memref<10240x128xf32, #tpu.memory_space<vmem_shared>>)
    %dma_wait3A_34 = arith.constant 0 : i32
    %dma_wait3A_35 = arith.constant 0 : i32
    %dma_wait3A_36 = tpu.memref_slice %arg12[%dma_wait3A_34, %dma_wait3A_35] : memref<10240x128xf32, #tpu.memory_space<vmem_shared>> -> memref<10240x128xf32, #tpu.memory_space<vmem_shared>>
    tpu.wait_indirect_dma semaphore(%arg16 : memref<!tpu.dma_semaphore, #tpu.memory_space<semaphore_mem>>) src(%arg11 : memref<80x128xf32, #tpu.memory_space<vmem>>) dst(%dma_wait3A_36 : memref<10240x128xf32, #tpu.memory_space<vmem_shared>>)
    %barrier3A_37 = arith.constant 0 : index
    tpu.barrier barrier_id(%barrier3A_37)
    %scan3A_38 = arith.constant 0 : i32
    %scan3A_39 = arith.constant 0 : i32
    %scan3A_40 = arith.constant 8 : i32
    %scan3A_41 = arith.addi %scan3A_39, %scan3A_40 : i32
    %scan3A_42 = arith.constant 1 : i32
    %scan3A_43 = scf.for %scan3A_45 = %scan3A_39 to %scan3A_41 step %scan3A_42 iter_args(%scan3A_46 = %scan3A_38) -> (i32)  : i32 {
      %mul3A_47 = arith.constant 640 : i32
      %mul3A_48 = arith.muli %arg1, %mul3A_47 : i32
      %mul3A_49 = arith.constant 80 : i32
      %mul3A_50 = arith.muli %scan3A_45, %mul3A_49 : i32
      %add3A_51 = arith.addi %mul3A_48, %mul3A_50 : i32
      "tpu.region"() ({
        %run_scoped3A = tpu.sem_alloc : memref<!tpu.dma_semaphore, #tpu.memory_space<semaphore_mem>>
        %dma_start3A_61 = arith.constant 0 : i32
        %dma_start3A_62 = arith.constant 0 : i32
        %dma_start3A_63 = tpu.memref_slice %arg10[%dma_start3A_61, %dma_start3A_62] : memref<80x128xf32, #tpu.memory_space<vmem>> -> memref<80x128xf32, #tpu.memory_space<vmem>>
        %dma_start3A_64 = arith.constant 0 : i32
        %dma_start3A_65 = tpu.memref_slice %arg12[%add3A_51, %dma_start3A_64] : memref<10240x128xf32, #tpu.memory_space<vmem_shared>> -> memref<80x128xf32, #tpu.memory_space<vmem_shared>>
        %dma_start3A_66 = arith.constant 0 : i32
        %dma_start3A_67 = arith.constant 0 : i32
        %dma_start3A_68 = tpu.memref_slice %arg10[%dma_start3A_66, %dma_start3A_67] : memref<80x128xf32, #tpu.memory_space<vmem>> -> memref<80x128xf32, #tpu.memory_space<vmem>>
        %dma_start3A_69 = arith.constant 0 : i32
        %dma_start3A_70 = tpu.memref_slice %arg12[%add3A_51, %dma_start3A_69] : memref<10240x128xf32, #tpu.memory_space<vmem_shared>> -> memref<80x128xf32, #tpu.memory_space<vmem_shared>>
        tpu.enqueue_dma source(%dma_start3A_70 : memref<80x128xf32, #tpu.memory_space<vmem_shared>>) target(%dma_start3A_68 : memref<80x128xf32, #tpu.memory_space<vmem>>) target_semaphore(%run_scoped3A : memref<!tpu.dma_semaphore, #tpu.memory_space<semaphore_mem>>)
        %dma_wait3A_71 = arith.constant 0 : i32
        %dma_wait3A_72 = arith.constant 0 : i32
        %dma_wait3A_73 = tpu.memref_slice %arg10[%dma_wait3A_71, %dma_wait3A_72] : memref<80x128xf32, #tpu.memory_space<vmem>> -> memref<80x128xf32, #tpu.memory_space<vmem>>
        %dma_wait3A_74 = arith.constant 0 : i32
        %dma_wait3A_75 = tpu.memref_slice %arg12[%add3A_51, %dma_wait3A_74] : memref<10240x128xf32, #tpu.memory_space<vmem_shared>> -> memref<80x128xf32, #tpu.memory_space<vmem_shared>>
        %dma_wait3A_76 = arith.constant 0 : i32
        %dma_wait3A_77 = arith.constant 0 : i32
        %dma_wait3A_78 = tpu.memref_slice %arg10[%dma_wait3A_76, %dma_wait3A_77] : memref<80x128xf32, #tpu.memory_space<vmem>> -> memref<80x128xf32, #tpu.memory_space<vmem>>
        %dma_wait3A_79 = arith.constant 0 : i32
        %dma_wait3A_80 = tpu.memref_slice %arg12[%add3A_51, %dma_wait3A_79] : memref<10240x128xf32, #tpu.memory_space<vmem_shared>> -> memref<80x128xf32, #tpu.memory_space<vmem_shared>>
        tpu.wait_dma2 semaphore(%run_scoped3A : memref<!tpu.dma_semaphore, #tpu.memory_space<semaphore_mem>>) src(%dma_wait3A_80 : memref<80x128xf32, #tpu.memory_space<vmem_shared>>) dst(%dma_wait3A_78 : memref<80x128xf32, #tpu.memory_space<vmem>>)
        tpu.yield
      }) : () -> ()
      %mul3A_52 = arith.constant 10240 : i32
      %mul3A_53 = arith.muli %arg0, %mul3A_52 : i32
      %mul3A_54 = arith.constant 640 : i32
      %mul3A_55 = arith.muli %arg1, %mul3A_54 : i32
      %add3A_56 = arith.addi %mul3A_53, %mul3A_55 : i32
      %mul3A_57 = arith.constant 80 : i32
      %mul3A_58 = arith.muli %scan3A_45, %mul3A_57 : i32
      %add3A_59 = arith.addi %add3A_56, %mul3A_58 : i32
      "tpu.region"() ({
        %run_scoped3A = tpu.sem_alloc : memref<!tpu.dma_semaphore, #tpu.memory_space<semaphore_mem>>
        %dma_start3A_61 = arith.constant 0 : i32
        %dma_start3A_62 = arith.constant 0 : i32
        %dma_start3A_63 = tpu.memref_slice %arg10[%dma_start3A_61, %dma_start3A_62] : memref<80x128xf32, #tpu.memory_space<vmem>> -> memref<80x128xf32, #tpu.memory_space<vmem>>
        %dma_start3A_64 = arith.constant 0 : i32
        %dma_start3A_65 = tpu.memref_slice %arg5[%add3A_59, %dma_start3A_64] : memref<20480x128xf32, #tpu.memory_space<hbm>> -> memref<80x128xf32, #tpu.memory_space<hbm>>
        %dma_start3A_66 = arith.constant 0 : i32
        %dma_start3A_67 = tpu.memref_slice %arg5[%add3A_59, %dma_start3A_66] : memref<20480x128xf32, #tpu.memory_space<hbm>> -> memref<80x128xf32, #tpu.memory_space<hbm>>
        %dma_start3A_68 = arith.constant 0 : i32
        %dma_start3A_69 = arith.constant 0 : i32
        %dma_start3A_70 = tpu.memref_slice %arg10[%dma_start3A_68, %dma_start3A_69] : memref<80x128xf32, #tpu.memory_space<vmem>> -> memref<80x128xf32, #tpu.memory_space<vmem>>
        tpu.enqueue_dma source(%dma_start3A_70 : memref<80x128xf32, #tpu.memory_space<vmem>>) target(%dma_start3A_67 : memref<80x128xf32, #tpu.memory_space<hbm>>) target_semaphore(%run_scoped3A : memref<!tpu.dma_semaphore, #tpu.memory_space<semaphore_mem>>)
        %dma_wait3A_71 = arith.constant 0 : i32
        %dma_wait3A_72 = arith.constant 0 : i32
        %dma_wait3A_73 = tpu.memref_slice %arg10[%dma_wait3A_71, %dma_wait3A_72] : memref<80x128xf32, #tpu.memory_space<vmem>> -> memref<80x128xf32, #tpu.memory_space<vmem>>
        %dma_wait3A_74 = arith.constant 0 : i32
        %dma_wait3A_75 = tpu.memref_slice %arg5[%add3A_59, %dma_wait3A_74] : memref<20480x128xf32, #tpu.memory_space<hbm>> -> memref<80x128xf32, #tpu.memory_space<hbm>>
        %dma_wait3A_76 = arith.constant 0 : i32
        %dma_wait3A_77 = tpu.memref_slice %arg5[%add3A_59, %dma_wait3A_76] : memref<20480x128xf32, #tpu.memory_space<hbm>> -> memref<80x128xf32, #tpu.memory_space<hbm>>
        %dma_wait3A_78 = arith.constant 0 : i32
        %dma_wait3A_79 = arith.constant 0 : i32
        %dma_wait3A_80 = tpu.memref_slice %arg10[%dma_wait3A_78, %dma_wait3A_79] : memref<80x128xf32, #tpu.memory_space<vmem>> -> memref<80x128xf32, #tpu.memory_space<vmem>>
        tpu.wait_dma2 semaphore(%run_scoped3A : memref<!tpu.dma_semaphore, #tpu.memory_space<semaphore_mem>>) src(%dma_wait3A_80 : memref<80x128xf32, #tpu.memory_space<vmem>>) dst(%dma_wait3A_77 : memref<80x128xf32, #tpu.memory_space<hbm>>)
        tpu.yield
      }) : () -> ()
      %scan3A_60 = arith.constant 0 : i32
      scf.yield %scan3A_60 : i32
    }
    %scan3A_44 = arith.constant 8 : i32
    return
  }
}

#map = affine_map<(d0, d1) -> (0)>
module attributes {stable_mosaic.version = 14 : i64} {
  func.func @_sc_gatw(%arg0: i32, %arg1: i32, %arg2: memref<10000xf32, #tpu.memory_space<hbm>>, %arg3: memref<10000xf32, #tpu.memory_space<hbm>>, %arg4: memref<320000xi32, #tpu.memory_space<hbm>>, %arg5: memref<320000xi32, #tpu.memory_space<hbm>>, %arg6: memref<320000xf32, #tpu.memory_space<hbm>>, %arg7: memref<320000xf32, #tpu.memory_space<hbm>>, %arg8: memref<10000xi32, #tpu.memory_space<vmem>>, %arg9: memref<10000xi32, #tpu.memory_space<vmem>>, %arg10: memref<10000xf32, #tpu.memory_space<vmem>>, %arg11: memref<10000xf32, #tpu.memory_space<vmem>>, %arg12: memref<10000xf32, #tpu.memory_space<vmem>>, %arg13: memref<10000xf32, #tpu.memory_space<vmem>>) attributes {dimension_semantics = [#tpu.dimension_semantics<core_parallel>, #tpu.dimension_semantics<subcore_parallel>], iteration_bounds = array<i64: 2, 16>, scalar_prefetch = 0 : i64, scratch_operands = 6 : i64, tpu.core_type = #tpu.core_type<sc_vector_subcore>, window_params = [{transform_indices = #map}, {transform_indices = #map}, {transform_indices = #map}, {transform_indices = #map}, {transform_indices = #map}, {transform_indices = #map}]} {
    %mul3A = arith.constant 2 : i32
    %mul3A_0 = arith.muli %arg1, %mul3A : i32
    %add3A = arith.addi %mul3A_0, %arg0 : i32
    %mul3A_1 = arith.constant 10000 : i32
    %mul3A_2 = arith.muli %add3A, %mul3A_1 : i32
    "tpu.region"() ({
      %run_scoped3A = tpu.sem_alloc : memref<!tpu.dma_semaphore, #tpu.memory_space<semaphore_mem>>
      %dma_start3A = tpu.memref_slice %arg4[%mul3A_2] : memref<320000xi32, #tpu.memory_space<hbm>> -> memref<10000xi32, #tpu.memory_space<hbm>>
      %dma_start3A_18 = tpu.memref_slice %arg4[%mul3A_2] : memref<320000xi32, #tpu.memory_space<hbm>> -> memref<10000xi32, #tpu.memory_space<hbm>>
      tpu.enqueue_dma source(%dma_start3A_18 : memref<10000xi32, #tpu.memory_space<hbm>>) target(%arg8 : memref<10000xi32, #tpu.memory_space<vmem>>) target_semaphore(%run_scoped3A : memref<!tpu.dma_semaphore, #tpu.memory_space<semaphore_mem>>)
      %dma_wait3A = tpu.memref_slice %arg4[%mul3A_2] : memref<320000xi32, #tpu.memory_space<hbm>> -> memref<10000xi32, #tpu.memory_space<hbm>>
      %dma_wait3A_19 = tpu.memref_slice %arg4[%mul3A_2] : memref<320000xi32, #tpu.memory_space<hbm>> -> memref<10000xi32, #tpu.memory_space<hbm>>
      tpu.wait_dma2 semaphore(%run_scoped3A : memref<!tpu.dma_semaphore, #tpu.memory_space<semaphore_mem>>) src(%dma_wait3A_19 : memref<10000xi32, #tpu.memory_space<hbm>>) dst(%arg8 : memref<10000xi32, #tpu.memory_space<vmem>>)
      tpu.yield
    }) : () -> ()
    "tpu.region"() ({
      %run_scoped3A = tpu.sem_alloc : memref<!tpu.dma_semaphore, #tpu.memory_space<semaphore_mem>>
      %dma_start3A = tpu.memref_slice %arg5[%mul3A_2] : memref<320000xi32, #tpu.memory_space<hbm>> -> memref<10000xi32, #tpu.memory_space<hbm>>
      %dma_start3A_18 = tpu.memref_slice %arg5[%mul3A_2] : memref<320000xi32, #tpu.memory_space<hbm>> -> memref<10000xi32, #tpu.memory_space<hbm>>
      tpu.enqueue_dma source(%dma_start3A_18 : memref<10000xi32, #tpu.memory_space<hbm>>) target(%arg9 : memref<10000xi32, #tpu.memory_space<vmem>>) target_semaphore(%run_scoped3A : memref<!tpu.dma_semaphore, #tpu.memory_space<semaphore_mem>>)
      %dma_wait3A = tpu.memref_slice %arg5[%mul3A_2] : memref<320000xi32, #tpu.memory_space<hbm>> -> memref<10000xi32, #tpu.memory_space<hbm>>
      %dma_wait3A_19 = tpu.memref_slice %arg5[%mul3A_2] : memref<320000xi32, #tpu.memory_space<hbm>> -> memref<10000xi32, #tpu.memory_space<hbm>>
      tpu.wait_dma2 semaphore(%run_scoped3A : memref<!tpu.dma_semaphore, #tpu.memory_space<semaphore_mem>>) src(%dma_wait3A_19 : memref<10000xi32, #tpu.memory_space<hbm>>) dst(%arg9 : memref<10000xi32, #tpu.memory_space<vmem>>)
      tpu.yield
    }) : () -> ()
    "tpu.region"() ({
      %run_scoped3A = tpu.sem_alloc : memref<!tpu.dma_semaphore, #tpu.memory_space<semaphore_mem>>
      tpu.enqueue_dma source(%arg2 : memref<10000xf32, #tpu.memory_space<hbm>>) target(%arg11 : memref<10000xf32, #tpu.memory_space<vmem>>) target_semaphore(%run_scoped3A : memref<!tpu.dma_semaphore, #tpu.memory_space<semaphore_mem>>)
      tpu.wait_dma2 semaphore(%run_scoped3A : memref<!tpu.dma_semaphore, #tpu.memory_space<semaphore_mem>>) src(%arg2 : memref<10000xf32, #tpu.memory_space<hbm>>) dst(%arg11 : memref<10000xf32, #tpu.memory_space<vmem>>)
      tpu.yield
    }) : () -> ()
    "tpu.region"() ({
      %run_scoped3A = tpu.sem_alloc : memref<!tpu.dma_semaphore, #tpu.memory_space<semaphore_mem>>
      tpu.enqueue_dma source(%arg3 : memref<10000xf32, #tpu.memory_space<hbm>>) target(%arg12 : memref<10000xf32, #tpu.memory_space<vmem>>) target_semaphore(%run_scoped3A : memref<!tpu.dma_semaphore, #tpu.memory_space<semaphore_mem>>)
      tpu.wait_dma2 semaphore(%run_scoped3A : memref<!tpu.dma_semaphore, #tpu.memory_space<semaphore_mem>>) src(%arg3 : memref<10000xf32, #tpu.memory_space<hbm>>) dst(%arg12 : memref<10000xf32, #tpu.memory_space<vmem>>)
      tpu.yield
    }) : () -> ()
    %scan3A = arith.constant 0 : i32
    %scan3A_3 = arith.constant 0 : i32
    %scan3A_4 = arith.constant 625 : i32
    %scan3A_5 = arith.addi %scan3A_3, %scan3A_4 : i32
    %scan3A_6 = arith.constant 1 : i32
    %scan3A_7 = scf.for %scan3A_18 = %scan3A_3 to %scan3A_5 step %scan3A_6 iter_args(%scan3A_19 = %scan3A) -> (i32)  : i32 {
      %broadcast_in_dim3A = arith.constant 0.000000e+00 : f32
      %broadcast_in_dim3A_20 = vector.broadcast %broadcast_in_dim3A : f32 to vector<16xf32>
      %mul3A_21 = arith.constant 16 : i32
      %mul3A_22 = arith.muli %scan3A_18, %mul3A_21 : i32
      %swap3A = arith.index_cast %mul3A_22 : i32 to index
      %swap3A_23 = tpu.vector_load %arg13[%swap3A] {strides = array<i32>} : memref<10000xf32, #tpu.memory_space<vmem>>, vector<16xf32>,
      tpu.vector_store %arg13[%swap3A], %broadcast_in_dim3A_20 {strides = array<i32>} : memref<10000xf32, #tpu.memory_space<vmem>>, vector<16xf32>,
      %scan3A_24 = arith.constant 0 : i32
      scf.yield %scan3A_24 : i32
    }
    %scan3A_8 = arith.constant 625 : i32
    %scan3A_9 = arith.constant 0 : i32
    %scan3A_10 = arith.constant 0 : i32
    %scan3A_11 = arith.constant 625 : i32
    %scan3A_12 = arith.addi %scan3A_10, %scan3A_11 : i32
    %scan3A_13 = arith.constant 1 : i32
    %scan3A_14 = scf.for %scan3A_18 = %scan3A_10 to %scan3A_12 step %scan3A_13 iter_args(%scan3A_19 = %scan3A_9) -> (i32)  : i32 {
      %mul3A_20 = arith.constant 16 : i32
      %mul3A_21 = arith.muli %scan3A_18, %mul3A_20 : i32
      %get3A = arith.index_cast %mul3A_21 : i32 to index
      %get3A_22 = tpu.vector_load %arg8[%get3A] {strides = array<i32>} : memref<10000xi32, #tpu.memory_space<vmem>>, vector<16xi32>,
      %get3A_23 = arith.index_cast %mul3A_21 : i32 to index
      %get3A_24 = tpu.vector_load %arg9[%get3A_23] {strides = array<i32>} : memref<10000xi32, #tpu.memory_space<vmem>>, vector<16xi32>,
      %gather3A = tpu.vector_load_idx %arg11[%get3A_22] : memref<10000xf32, #tpu.memory_space<vmem>>[vector<16xi32>], vector<16xf32>,
      %gather3A_25 = tpu.vector_load_idx %arg12[%get3A_24] : memref<10000xf32, #tpu.memory_space<vmem>>[vector<16xi32>], vector<16xf32>,
      %add3A_26 = arith.addf %gather3A, %gather3A_25 : vector<16xf32>
      %mul3A_27 = arith.constant 2.000000e-01 : f32
      %mul3A_28 = vector.broadcast %mul3A_27 : f32 to vector<16xf32>
      %mul3A_29 = arith.mulf %mul3A_28, %add3A_26 : vector<16xf32>
      %max3A = arith.maximumf %add3A_26, %mul3A_29 : vector<16xf32>
      %exp3A = math.exp %max3A : vector<16xf32>
      %swap3A = arith.index_cast %mul3A_21 : i32 to index
      %swap3A_30 = tpu.vector_load %arg10[%swap3A] {strides = array<i32>} : memref<10000xf32, #tpu.memory_space<vmem>>, vector<16xf32>,
      tpu.vector_store %arg10[%swap3A], %exp3A {strides = array<i32>} : memref<10000xf32, #tpu.memory_space<vmem>>, vector<16xf32>,
      tpu.vector_store_idx %arg13[%get3A_24], %exp3A {add = true} : memref<10000xf32, #tpu.memory_space<vmem>>[vector<16xi32>], vector<16xf32>,
      %scan3A_31 = arith.constant 0 : i32
      scf.yield %scan3A_31 : i32
    }
    %scan3A_15 = arith.constant 625 : i32
    "tpu.region"() ({
      %run_scoped3A = tpu.sem_alloc : memref<!tpu.dma_semaphore, #tpu.memory_space<semaphore_mem>>
      %dma_start3A = tpu.memref_slice %arg6[%mul3A_2] : memref<320000xf32, #tpu.memory_space<hbm>> -> memref<10000xf32, #tpu.memory_space<hbm>>
      %dma_start3A_18 = tpu.memref_slice %arg6[%mul3A_2] : memref<320000xf32, #tpu.memory_space<hbm>> -> memref<10000xf32, #tpu.memory_space<hbm>>
      tpu.enqueue_dma source(%arg10 : memref<10000xf32, #tpu.memory_space<vmem>>) target(%dma_start3A_18 : memref<10000xf32, #tpu.memory_space<hbm>>) target_semaphore(%run_scoped3A : memref<!tpu.dma_semaphore, #tpu.memory_space<semaphore_mem>>)
      %dma_wait3A = tpu.memref_slice %arg6[%mul3A_2] : memref<320000xf32, #tpu.memory_space<hbm>> -> memref<10000xf32, #tpu.memory_space<hbm>>
      %dma_wait3A_19 = tpu.memref_slice %arg6[%mul3A_2] : memref<320000xf32, #tpu.memory_space<hbm>> -> memref<10000xf32, #tpu.memory_space<hbm>>
      tpu.wait_dma2 semaphore(%run_scoped3A : memref<!tpu.dma_semaphore, #tpu.memory_space<semaphore_mem>>) src(%arg10 : memref<10000xf32, #tpu.memory_space<vmem>>) dst(%dma_wait3A_19 : memref<10000xf32, #tpu.memory_space<hbm>>)
      tpu.yield
    }) : () -> ()
    %mul3A_16 = arith.constant 10000 : i32
    %mul3A_17 = arith.muli %add3A, %mul3A_16 : i32
    "tpu.region"() ({
      %run_scoped3A = tpu.sem_alloc : memref<!tpu.dma_semaphore, #tpu.memory_space<semaphore_mem>>
      %dma_start3A = tpu.memref_slice %arg7[%mul3A_17] : memref<320000xf32, #tpu.memory_space<hbm>> -> memref<10000xf32, #tpu.memory_space<hbm>>
      %dma_start3A_18 = tpu.memref_slice %arg7[%mul3A_17] : memref<320000xf32, #tpu.memory_space<hbm>> -> memref<10000xf32, #tpu.memory_space<hbm>>
      tpu.enqueue_dma source(%arg13 : memref<10000xf32, #tpu.memory_space<vmem>>) target(%dma_start3A_18 : memref<10000xf32, #tpu.memory_space<hbm>>) target_semaphore(%run_scoped3A : memref<!tpu.dma_semaphore, #tpu.memory_space<semaphore_mem>>)
      %dma_wait3A = tpu.memref_slice %arg7[%mul3A_17] : memref<320000xf32, #tpu.memory_space<hbm>> -> memref<10000xf32, #tpu.memory_space<hbm>>
      %dma_wait3A_19 = tpu.memref_slice %arg7[%mul3A_17] : memref<320000xf32, #tpu.memory_space<hbm>> -> memref<10000xf32, #tpu.memory_space<hbm>>
      tpu.wait_dma2 semaphore(%run_scoped3A : memref<!tpu.dma_semaphore, #tpu.memory_space<semaphore_mem>>) src(%arg13 : memref<10000xf32, #tpu.memory_space<vmem>>) dst(%dma_wait3A_19 : memref<10000xf32, #tpu.memory_space<hbm>>)
      tpu.yield
    }) : () -> ()
    return
  }
}

#map = affine_map<(d0, d1) -> (0, 0)>
#map1 = affine_map<(d0, d1) -> (0)>
module attributes {stable_mosaic.version = 14 : i64} {
  func.func @_sc_gat(%arg0: i32, %arg1: i32, %arg2: memref<10000x128xf32, #tpu.memory_space<hbm>>, %arg3: memref<320000xf32, #tpu.memory_space<hbm>>, %arg4: memref<320000xi32, #tpu.memory_space<hbm>>, %arg5: memref<320000xi32, #tpu.memory_space<hbm>>, %arg6: memref<20480x128xf32, #tpu.memory_space<hbm>>, %arg7: memref<80xi32, #tpu.memory_space<vmem>>, %arg8: memref<80xi32, #tpu.memory_space<vmem>>, %arg9: memref<80xi32, #tpu.memory_space<vmem>>, %arg10: memref<80xi32, #tpu.memory_space<vmem>>, %arg11: memref<80x128xf32, #tpu.memory_space<vmem>>, %arg12: memref<80x128xf32, #tpu.memory_space<vmem>>, %arg13: memref<10240x128xf32, #tpu.memory_space<vmem_shared>>, %arg14: memref<!tpu.dma_semaphore, #tpu.memory_space<semaphore_mem>>, %arg15: memref<!tpu.dma_semaphore, #tpu.memory_space<semaphore_mem>>, %arg16: memref<!tpu.dma_semaphore, #tpu.memory_space<semaphore_mem>>, %arg17: memref<!tpu.dma_semaphore, #tpu.memory_space<semaphore_mem>>, %arg18: memref<80xf32, #tpu.memory_space<vmem>>, %arg19: memref<80xf32, #tpu.memory_space<vmem>>) attributes {dimension_semantics = [#tpu.dimension_semantics<core_parallel>, #tpu.dimension_semantics<subcore_parallel>], iteration_bounds = array<i64: 2, 16>, scalar_prefetch = 0 : i64, scratch_operands = 13 : i64, tpu.core_type = #tpu.core_type<sc_vector_subcore>, window_params = [{transform_indices = #map}, {transform_indices = #map1}, {transform_indices = #map1}, {transform_indices = #map1}, {transform_indices = #map}]} {
    %mul3A = arith.constant 2 : i32
    %mul3A_0 = arith.muli %arg1, %mul3A : i32
    %add3A = arith.addi %mul3A_0, %arg0 : i32
    %mul3A_1 = arith.constant 10000 : i32
    %mul3A_2 = arith.muli %add3A, %mul3A_1 : i32
    %scan3A = arith.constant 0 : i32
    %scan3A_3 = arith.constant 0 : i32
    %scan3A_4 = arith.constant 80 : i32
    %scan3A_5 = arith.addi %scan3A_3, %scan3A_4 : i32
    %scan3A_6 = arith.constant 1 : i32
    %scan3A_7 = scf.for %scan3A_45 = %scan3A_3 to %scan3A_5 step %scan3A_6 iter_args(%scan3A_46 = %scan3A) -> (i32)  : i32 {
      %broadcast_in_dim3A = arith.constant 0.000000e+00 : f32
      %broadcast_in_dim3A_47 = vector.broadcast %broadcast_in_dim3A : f32 to vector<16xf32>
      %swap3A = arith.index_cast %scan3A_45 : i32 to index
      %swap3A_48 = arith.constant 0 : index
      %swap3A_49 = tpu.vector_load %arg11[%swap3A, %swap3A_48] {strides = array<i32>} : memref<80x128xf32, #tpu.memory_space<vmem>>, vector<16xf32>,
      tpu.vector_store %arg11[%swap3A, %swap3A_48], %broadcast_in_dim3A_47 {strides = array<i32>} : memref<80x128xf32, #tpu.memory_space<vmem>>, vector<16xf32>,
      %broadcast_in_dim3A_50 = arith.constant 0.000000e+00 : f32
      %broadcast_in_dim3A_51 = vector.broadcast %broadcast_in_dim3A_50 : f32 to vector<16xf32>
      %swap3A_52 = arith.index_cast %scan3A_45 : i32 to index
      %swap3A_53 = arith.constant 16 : index
      %swap3A_54 = tpu.vector_load %arg11[%swap3A_52, %swap3A_53] {strides = array<i32>} : memref<80x128xf32, #tpu.memory_space<vmem>>, vector<16xf32>,
      tpu.vector_store %arg11[%swap3A_52, %swap3A_53], %broadcast_in_dim3A_51 {strides = array<i32>} : memref<80x128xf32, #tpu.memory_space<vmem>>, vector<16xf32>,
      %broadcast_in_dim3A_55 = arith.constant 0.000000e+00 : f32
      %broadcast_in_dim3A_56 = vector.broadcast %broadcast_in_dim3A_55 : f32 to vector<16xf32>
      %swap3A_57 = arith.index_cast %scan3A_45 : i32 to index
      %swap3A_58 = arith.constant 32 : index
      %swap3A_59 = tpu.vector_load %arg11[%swap3A_57, %swap3A_58] {strides = array<i32>} : memref<80x128xf32, #tpu.memory_space<vmem>>, vector<16xf32>,
      tpu.vector_store %arg11[%swap3A_57, %swap3A_58], %broadcast_in_dim3A_56 {strides = array<i32>} : memref<80x128xf32, #tpu.memory_space<vmem>>, vector<16xf32>,
      %broadcast_in_dim3A_60 = arith.constant 0.000000e+00 : f32
      %broadcast_in_dim3A_61 = vector.broadcast %broadcast_in_dim3A_60 : f32 to vector<16xf32>
      %swap3A_62 = arith.index_cast %scan3A_45 : i32 to index
      %swap3A_63 = arith.constant 48 : index
      %swap3A_64 = tpu.vector_load %arg11[%swap3A_62, %swap3A_63] {strides = array<i32>} : memref<80x128xf32, #tpu.memory_space<vmem>>, vector<16xf32>,
      tpu.vector_store %arg11[%swap3A_62, %swap3A_63], %broadcast_in_dim3A_61 {strides = array<i32>} : memref<80x128xf32, #tpu.memory_space<vmem>>, vector<16xf32>,
      %broadcast_in_dim3A_65 = arith.constant 0.000000e+00 : f32
      %broadcast_in_dim3A_66 = vector.broadcast %broadcast_in_dim3A_65 : f32 to vector<16xf32>
      %swap3A_67 = arith.index_cast %scan3A_45 : i32 to index
      %swap3A_68 = arith.constant 64 : index
      %swap3A_69 = tpu.vector_load %arg11[%swap3A_67, %swap3A_68] {strides = array<i32>} : memref<80x128xf32, #tpu.memory_space<vmem>>, vector<16xf32>,
      tpu.vector_store %arg11[%swap3A_67, %swap3A_68], %broadcast_in_dim3A_66 {strides = array<i32>} : memref<80x128xf32, #tpu.memory_space<vmem>>, vector<16xf32>,
      %broadcast_in_dim3A_70 = arith.constant 0.000000e+00 : f32
      %broadcast_in_dim3A_71 = vector.broadcast %broadcast_in_dim3A_70 : f32 to vector<16xf32>
      %swap3A_72 = arith.index_cast %scan3A_45 : i32 to index
      %swap3A_73 = arith.constant 80 : index
      %swap3A_74 = tpu.vector_load %arg11[%swap3A_72, %swap3A_73] {strides = array<i32>} : memref<80x128xf32, #tpu.memory_space<vmem>>, vector<16xf32>,
      tpu.vector_store %arg11[%swap3A_72, %swap3A_73], %broadcast_in_dim3A_71 {strides = array<i32>} : memref<80x128xf32, #tpu.memory_space<vmem>>, vector<16xf32>,
      %broadcast_in_dim3A_75 = arith.constant 0.000000e+00 : f32
      %broadcast_in_dim3A_76 = vector.broadcast %broadcast_in_dim3A_75 : f32 to vector<16xf32>
      %swap3A_77 = arith.index_cast %scan3A_45 : i32 to index
      %swap3A_78 = arith.constant 96 : index
      %swap3A_79 = tpu.vector_load %arg11[%swap3A_77, %swap3A_78] {strides = array<i32>} : memref<80x128xf32, #tpu.memory_space<vmem>>, vector<16xf32>,
      tpu.vector_store %arg11[%swap3A_77, %swap3A_78], %broadcast_in_dim3A_76 {strides = array<i32>} : memref<80x128xf32, #tpu.memory_space<vmem>>, vector<16xf32>,
      %broadcast_in_dim3A_80 = arith.constant 0.000000e+00 : f32
      %broadcast_in_dim3A_81 = vector.broadcast %broadcast_in_dim3A_80 : f32 to vector<16xf32>
      %swap3A_82 = arith.index_cast %scan3A_45 : i32 to index
      %swap3A_83 = arith.constant 112 : index
      %swap3A_84 = tpu.vector_load %arg11[%swap3A_82, %swap3A_83] {strides = array<i32>} : memref<80x128xf32, #tpu.memory_space<vmem>>, vector<16xf32>,
      tpu.vector_store %arg11[%swap3A_82, %swap3A_83], %broadcast_in_dim3A_81 {strides = array<i32>} : memref<80x128xf32, #tpu.memory_space<vmem>>, vector<16xf32>,
      %scan3A_85 = arith.constant 0 : i32
      scf.yield %scan3A_85 : i32
    }
    %scan3A_8 = arith.constant 80 : i32
    %scan3A_9 = arith.constant 0 : i32
    %scan3A_10 = arith.constant 0 : i32
    %scan3A_11 = arith.constant 8 : i32
    %scan3A_12 = arith.addi %scan3A_10, %scan3A_11 : i32
    %scan3A_13 = arith.constant 1 : i32
    %scan3A_14 = scf.for %scan3A_45 = %scan3A_10 to %scan3A_12 step %scan3A_13 iter_args(%scan3A_46 = %scan3A_9) -> (i32)  : i32 {
      %mul3A_47 = arith.constant 640 : i32
      %mul3A_48 = arith.muli %arg1, %mul3A_47 : i32
      %mul3A_49 = arith.constant 80 : i32
      %mul3A_50 = arith.muli %scan3A_45, %mul3A_49 : i32
      %add3A_51 = arith.addi %mul3A_48, %mul3A_50 : i32
      "tpu.region"() ({
        %run_scoped3A = tpu.sem_alloc : memref<!tpu.dma_semaphore, #tpu.memory_space<semaphore_mem>>
        %dma_start3A_53 = arith.constant 0 : i32
        %dma_start3A_54 = arith.constant 0 : i32
        %dma_start3A_55 = tpu.memref_slice %arg11[%dma_start3A_53, %dma_start3A_54] : memref<80x128xf32, #tpu.memory_space<vmem>> -> memref<80x128xf32, #tpu.memory_space<vmem>>
        %dma_start3A_56 = arith.constant 0 : i32
        %dma_start3A_57 = tpu.memref_slice %arg13[%add3A_51, %dma_start3A_56] : memref<10240x128xf32, #tpu.memory_space<vmem_shared>> -> memref<80x128xf32, #tpu.memory_space<vmem_shared>>
        %dma_start3A_58 = arith.constant 0 : i32
        %dma_start3A_59 = tpu.memref_slice %arg13[%add3A_51, %dma_start3A_58] : memref<10240x128xf32, #tpu.memory_space<vmem_shared>> -> memref<80x128xf32, #tpu.memory_space<vmem_shared>>
        %dma_start3A_60 = arith.constant 0 : i32
        %dma_start3A_61 = arith.constant 0 : i32
        %dma_start3A_62 = tpu.memref_slice %arg11[%dma_start3A_60, %dma_start3A_61] : memref<80x128xf32, #tpu.memory_space<vmem>> -> memref<80x128xf32, #tpu.memory_space<vmem>>
        tpu.enqueue_dma source(%dma_start3A_62 : memref<80x128xf32, #tpu.memory_space<vmem>>) target(%dma_start3A_59 : memref<80x128xf32, #tpu.memory_space<vmem_shared>>) target_semaphore(%run_scoped3A : memref<!tpu.dma_semaphore, #tpu.memory_space<semaphore_mem>>)
        %dma_wait3A_63 = arith.constant 0 : i32
        %dma_wait3A_64 = arith.constant 0 : i32
        %dma_wait3A_65 = tpu.memref_slice %arg11[%dma_wait3A_63, %dma_wait3A_64] : memref<80x128xf32, #tpu.memory_space<vmem>> -> memref<80x128xf32, #tpu.memory_space<vmem>>
        %dma_wait3A_66 = arith.constant 0 : i32
        %dma_wait3A_67 = tpu.memref_slice %arg13[%add3A_51, %dma_wait3A_66] : memref<10240x128xf32, #tpu.memory_space<vmem_shared>> -> memref<80x128xf32, #tpu.memory_space<vmem_shared>>
        %dma_wait3A_68 = arith.constant 0 : i32
        %dma_wait3A_69 = tpu.memref_slice %arg13[%add3A_51, %dma_wait3A_68] : memref<10240x128xf32, #tpu.memory_space<vmem_shared>> -> memref<80x128xf32, #tpu.memory_space<vmem_shared>>
        %dma_wait3A_70 = arith.constant 0 : i32
        %dma_wait3A_71 = arith.constant 0 : i32
        %dma_wait3A_72 = tpu.memref_slice %arg11[%dma_wait3A_70, %dma_wait3A_71] : memref<80x128xf32, #tpu.memory_space<vmem>> -> memref<80x128xf32, #tpu.memory_space<vmem>>
        tpu.wait_dma2 semaphore(%run_scoped3A : memref<!tpu.dma_semaphore, #tpu.memory_space<semaphore_mem>>) src(%dma_wait3A_72 : memref<80x128xf32, #tpu.memory_space<vmem>>) dst(%dma_wait3A_69 : memref<80x128xf32, #tpu.memory_space<vmem_shared>>)
        tpu.yield
      }) : () -> ()
      %scan3A_52 = arith.constant 0 : i32
      scf.yield %scan3A_52 : i32
    }
    %scan3A_15 = arith.constant 8 : i32
    %barrier3A = arith.constant 0 : index
    tpu.barrier barrier_id(%barrier3A)
    %add3A_16 = arith.constant 0 : i32
    %add3A_17 = arith.addi %mul3A_2, %add3A_16 : i32
    "tpu.region"() ({
      %run_scoped3A = tpu.sem_alloc : memref<!tpu.dma_semaphore, #tpu.memory_space<semaphore_mem>>
      %dma_start3A_45 = tpu.memref_slice %arg4[%add3A_17] : memref<320000xi32, #tpu.memory_space<hbm>> -> memref<80xi32, #tpu.memory_space<hbm>>
      %dma_start3A_46 = tpu.memref_slice %arg4[%add3A_17] : memref<320000xi32, #tpu.memory_space<hbm>> -> memref<80xi32, #tpu.memory_space<hbm>>
      tpu.enqueue_dma source(%dma_start3A_46 : memref<80xi32, #tpu.memory_space<hbm>>) target(%arg7 : memref<80xi32, #tpu.memory_space<vmem>>) target_semaphore(%run_scoped3A : memref<!tpu.dma_semaphore, #tpu.memory_space<semaphore_mem>>)
      %dma_wait3A_47 = tpu.memref_slice %arg4[%add3A_17] : memref<320000xi32, #tpu.memory_space<hbm>> -> memref<80xi32, #tpu.memory_space<hbm>>
      %dma_wait3A_48 = tpu.memref_slice %arg4[%add3A_17] : memref<320000xi32, #tpu.memory_space<hbm>> -> memref<80xi32, #tpu.memory_space<hbm>>
      tpu.wait_dma2 semaphore(%run_scoped3A : memref<!tpu.dma_semaphore, #tpu.memory_space<semaphore_mem>>) src(%dma_wait3A_48 : memref<80xi32, #tpu.memory_space<hbm>>) dst(%arg7 : memref<80xi32, #tpu.memory_space<vmem>>)
      tpu.yield
    }) : () -> ()
    "tpu.region"() ({
      %run_scoped3A = tpu.sem_alloc : memref<!tpu.dma_semaphore, #tpu.memory_space<semaphore_mem>>
      %dma_start3A_45 = tpu.memref_slice %arg5[%add3A_17] : memref<320000xi32, #tpu.memory_space<hbm>> -> memref<80xi32, #tpu.memory_space<hbm>>
      %dma_start3A_46 = tpu.memref_slice %arg5[%add3A_17] : memref<320000xi32, #tpu.memory_space<hbm>> -> memref<80xi32, #tpu.memory_space<hbm>>
      tpu.enqueue_dma source(%dma_start3A_46 : memref<80xi32, #tpu.memory_space<hbm>>) target(%arg9 : memref<80xi32, #tpu.memory_space<vmem>>) target_semaphore(%run_scoped3A : memref<!tpu.dma_semaphore, #tpu.memory_space<semaphore_mem>>)
      %dma_wait3A_47 = tpu.memref_slice %arg5[%add3A_17] : memref<320000xi32, #tpu.memory_space<hbm>> -> memref<80xi32, #tpu.memory_space<hbm>>
      %dma_wait3A_48 = tpu.memref_slice %arg5[%add3A_17] : memref<320000xi32, #tpu.memory_space<hbm>> -> memref<80xi32, #tpu.memory_space<hbm>>
      tpu.wait_dma2 semaphore(%run_scoped3A : memref<!tpu.dma_semaphore, #tpu.memory_space<semaphore_mem>>) src(%dma_wait3A_48 : memref<80xi32, #tpu.memory_space<hbm>>) dst(%arg9 : memref<80xi32, #tpu.memory_space<vmem>>)
      tpu.yield
    }) : () -> ()
    %dma_start3A = arith.constant 0 : i32
    %dma_start3A_18 = arith.constant 0 : i32
    %dma_start3A_19 = tpu.memref_slice %arg2[%dma_start3A, %dma_start3A_18] : memref<10000x128xf32, #tpu.memory_space<hbm>> -> memref<10000x128xf32, #tpu.memory_space<hbm>>
    tpu.enqueue_indirect_dma source(%dma_start3A_19 : memref<10000x128xf32, #tpu.memory_space<hbm>>) target(%arg11 : memref<80x128xf32, #tpu.memory_space<vmem>>) offsets(%arg7 : memref<80xi32, #tpu.memory_space<vmem>>) semaphore(%arg14 : memref<!tpu.dma_semaphore, #tpu.memory_space<semaphore_mem>>)
    %add3A_20 = arith.constant 80 : i32
    %add3A_21 = arith.addi %mul3A_2, %add3A_20 : i32
    "tpu.region"() ({
      %run_scoped3A = tpu.sem_alloc : memref<!tpu.dma_semaphore, #tpu.memory_space<semaphore_mem>>
      %dma_start3A_45 = tpu.memref_slice %arg4[%add3A_21] : memref<320000xi32, #tpu.memory_space<hbm>> -> memref<80xi32, #tpu.memory_space<hbm>>
      %dma_start3A_46 = tpu.memref_slice %arg4[%add3A_21] : memref<320000xi32, #tpu.memory_space<hbm>> -> memref<80xi32, #tpu.memory_space<hbm>>
      tpu.enqueue_dma source(%dma_start3A_46 : memref<80xi32, #tpu.memory_space<hbm>>) target(%arg8 : memref<80xi32, #tpu.memory_space<vmem>>) target_semaphore(%run_scoped3A : memref<!tpu.dma_semaphore, #tpu.memory_space<semaphore_mem>>)
      %dma_wait3A_47 = tpu.memref_slice %arg4[%add3A_21] : memref<320000xi32, #tpu.memory_space<hbm>> -> memref<80xi32, #tpu.memory_space<hbm>>
      %dma_wait3A_48 = tpu.memref_slice %arg4[%add3A_21] : memref<320000xi32, #tpu.memory_space<hbm>> -> memref<80xi32, #tpu.memory_space<hbm>>
      tpu.wait_dma2 semaphore(%run_scoped3A : memref<!tpu.dma_semaphore, #tpu.memory_space<semaphore_mem>>) src(%dma_wait3A_48 : memref<80xi32, #tpu.memory_space<hbm>>) dst(%arg8 : memref<80xi32, #tpu.memory_space<vmem>>)
      tpu.yield
    }) : () -> ()
    "tpu.region"() ({
      %run_scoped3A = tpu.sem_alloc : memref<!tpu.dma_semaphore, #tpu.memory_space<semaphore_mem>>
      %dma_start3A_45 = tpu.memref_slice %arg5[%add3A_21] : memref<320000xi32, #tpu.memory_space<hbm>> -> memref<80xi32, #tpu.memory_space<hbm>>
      %dma_start3A_46 = tpu.memref_slice %arg5[%add3A_21] : memref<320000xi32, #tpu.memory_space<hbm>> -> memref<80xi32, #tpu.memory_space<hbm>>
      tpu.enqueue_dma source(%dma_start3A_46 : memref<80xi32, #tpu.memory_space<hbm>>) target(%arg10 : memref<80xi32, #tpu.memory_space<vmem>>) target_semaphore(%run_scoped3A : memref<!tpu.dma_semaphore, #tpu.memory_space<semaphore_mem>>)
      %dma_wait3A_47 = tpu.memref_slice %arg5[%add3A_21] : memref<320000xi32, #tpu.memory_space<hbm>> -> memref<80xi32, #tpu.memory_space<hbm>>
      %dma_wait3A_48 = tpu.memref_slice %arg5[%add3A_21] : memref<320000xi32, #tpu.memory_space<hbm>> -> memref<80xi32, #tpu.memory_space<hbm>>
      tpu.wait_dma2 semaphore(%run_scoped3A : memref<!tpu.dma_semaphore, #tpu.memory_space<semaphore_mem>>) src(%dma_wait3A_48 : memref<80xi32, #tpu.memory_space<hbm>>) dst(%arg10 : memref<80xi32, #tpu.memory_space<vmem>>)
      tpu.yield
    }) : () -> ()
    %dma_start3A_22 = arith.constant 0 : i32
    %dma_start3A_23 = arith.constant 0 : i32
    %dma_start3A_24 = tpu.memref_slice %arg2[%dma_start3A_22, %dma_start3A_23] : memref<10000x128xf32, #tpu.memory_space<hbm>> -> memref<10000x128xf32, #tpu.memory_space<hbm>>
    tpu.enqueue_indirect_dma source(%dma_start3A_24 : memref<10000x128xf32, #tpu.memory_space<hbm>>) target(%arg12 : memref<80x128xf32, #tpu.memory_space<vmem>>) offsets(%arg8 : memref<80xi32, #tpu.memory_space<vmem>>) semaphore(%arg15 : memref<!tpu.dma_semaphore, #tpu.memory_space<semaphore_mem>>)
    %scan3A_25 = arith.constant 0 : i32
    %scan3A_26 = arith.constant 0 : i32
    %scan3A_27 = arith.constant 63 : i32
    %scan3A_28 = arith.addi %scan3A_26, %scan3A_27 : i32
    %scan3A_29 = arith.constant 1 : i32
    %scan3A_30 = scf.for %scan3A_45 = %scan3A_26 to %scan3A_28 step %scan3A_29 iter_args(%scan3A_46 = %scan3A_25) -> (i32)  : i32 {
      %mul3A_47 = arith.constant 2 : i32
      %mul3A_48 = arith.muli %mul3A_47, %scan3A_45 : i32
      %add3A_49 = arith.constant 0 : i32
      %add3A_50 = arith.addi %mul3A_48, %add3A_49 : i32
      %lt3A = arith.constant 125 : i32
      %lt3A_51 = arith.cmpi slt, %add3A_50, %lt3A : i32
      %convert_element_type3A = arith.extui %lt3A_51 : i1 to i32
      %cond3A = arith.constant 0 : i32
      %cond3A_52 = arith.cmpi ne, %convert_element_type3A, %cond3A : i32
      scf.if %cond3A_52 {
        %dma_wait3A_63 = arith.constant 0 : i32
        %dma_wait3A_64 = arith.constant 0 : i32
        %dma_wait3A_65 = tpu.memref_slice %arg2[%dma_wait3A_63, %dma_wait3A_64] : memref<10000x128xf32, #tpu.memory_space<hbm>> -> memref<10000x128xf32, #tpu.memory_space<hbm>>
        tpu.wait_indirect_dma semaphore(%arg14 : memref<!tpu.dma_semaphore, #tpu.memory_space<semaphore_mem>>) src(%dma_wait3A_65 : memref<10000x128xf32, #tpu.memory_space<hbm>>) dst(%arg11 : memref<80x128xf32, #tpu.memory_space<vmem>>)
        %mul3A_66 = arith.constant 80 : i32
        %mul3A_67 = arith.muli %add3A_50, %mul3A_66 : i32
        %add3A_68 = arith.addi %mul3A_2, %mul3A_67 : i32
        "tpu.region"() ({
          %run_scoped3A = tpu.sem_alloc : memref<!tpu.dma_semaphore, #tpu.memory_space<semaphore_mem>>
          %dma_start3A_86 = tpu.memref_slice %arg3[%add3A_68] : memref<320000xf32, #tpu.memory_space<hbm>> -> memref<80xf32, #tpu.memory_space<hbm>>
          %dma_start3A_87 = tpu.memref_slice %arg3[%add3A_68] : memref<320000xf32, #tpu.memory_space<hbm>> -> memref<80xf32, #tpu.memory_space<hbm>>
          tpu.enqueue_dma source(%dma_start3A_87 : memref<80xf32, #tpu.memory_space<hbm>>) target(%arg18 : memref<80xf32, #tpu.memory_space<vmem>>) target_semaphore(%run_scoped3A : memref<!tpu.dma_semaphore, #tpu.memory_space<semaphore_mem>>)
          %dma_wait3A_88 = tpu.memref_slice %arg3[%add3A_68] : memref<320000xf32, #tpu.memory_space<hbm>> -> memref<80xf32, #tpu.memory_space<hbm>>
          %dma_wait3A_89 = tpu.memref_slice %arg3[%add3A_68] : memref<320000xf32, #tpu.memory_space<hbm>> -> memref<80xf32, #tpu.memory_space<hbm>>
          tpu.wait_dma2 semaphore(%run_scoped3A : memref<!tpu.dma_semaphore, #tpu.memory_space<semaphore_mem>>) src(%dma_wait3A_89 : memref<80xf32, #tpu.memory_space<hbm>>) dst(%arg18 : memref<80xf32, #tpu.memory_space<vmem>>)
          tpu.yield
        }) : () -> ()
        %scan3A_69 = arith.constant 0 : i32
        %scan3A_70 = arith.constant 0 : i32
        %scan3A_71 = arith.constant 80 : i32
        %scan3A_72 = arith.addi %scan3A_70, %scan3A_71 : i32
        %scan3A_73 = arith.constant 1 : i32
        %scan3A_74 = scf.for %scan3A_86 = %scan3A_70 to %scan3A_72 step %scan3A_73 iter_args(%scan3A_87 = %scan3A_69) -> (i32)  : i32 {
          %broadcast_in_dim3A = arith.constant 0 : i32
          %broadcast_in_dim3A_88 = vector.broadcast %broadcast_in_dim3A : i32 to vector<16xi32>
          %add3A_89 = vector.broadcast %scan3A_86 : i32 to vector<16xi32>
          %add3A_90 = arith.addi %broadcast_in_dim3A_88, %add3A_89 : vector<16xi32>
          %gather3A = tpu.vector_load_idx %arg18[%add3A_90] : memref<80xf32, #tpu.memory_space<vmem>>[vector<16xi32>], vector<16xf32>,
          %get3A = arith.index_cast %scan3A_86 : i32 to index
          %get3A_91 = arith.constant 0 : index
          %get3A_92 = tpu.vector_load %arg11[%get3A, %get3A_91] {strides = array<i32>} : memref<80x128xf32, #tpu.memory_space<vmem>>, vector<16xf32>,
          %mul3A_93 = arith.mulf %get3A_92, %gather3A : vector<16xf32>
          %swap3A = arith.index_cast %scan3A_86 : i32 to index
          %swap3A_94 = arith.constant 0 : index
          %swap3A_95 = tpu.vector_load %arg11[%swap3A, %swap3A_94] {strides = array<i32>} : memref<80x128xf32, #tpu.memory_space<vmem>>, vector<16xf32>,
          tpu.vector_store %arg11[%swap3A, %swap3A_94], %mul3A_93 {strides = array<i32>} : memref<80x128xf32, #tpu.memory_space<vmem>>, vector<16xf32>,
          %get3A_96 = arith.index_cast %scan3A_86 : i32 to index
          %get3A_97 = arith.constant 16 : index
          %get3A_98 = tpu.vector_load %arg11[%get3A_96, %get3A_97] {strides = array<i32>} : memref<80x128xf32, #tpu.memory_space<vmem>>, vector<16xf32>,
          %mul3A_99 = arith.mulf %get3A_98, %gather3A : vector<16xf32>
          %swap3A_100 = arith.index_cast %scan3A_86 : i32 to index
          %swap3A_101 = arith.constant 16 : index
          %swap3A_102 = tpu.vector_load %arg11[%swap3A_100, %swap3A_101] {strides = array<i32>} : memref<80x128xf32, #tpu.memory_space<vmem>>, vector<16xf32>,
          tpu.vector_store %arg11[%swap3A_100, %swap3A_101], %mul3A_99 {strides = array<i32>} : memref<80x128xf32, #tpu.memory_space<vmem>>, vector<16xf32>,
          %get3A_103 = arith.index_cast %scan3A_86 : i32 to index
          %get3A_104 = arith.constant 32 : index
          %get3A_105 = tpu.vector_load %arg11[%get3A_103, %get3A_104] {strides = array<i32>} : memref<80x128xf32, #tpu.memory_space<vmem>>, vector<16xf32>,
          %mul3A_106 = arith.mulf %get3A_105, %gather3A : vector<16xf32>
          %swap3A_107 = arith.index_cast %scan3A_86 : i32 to index
          %swap3A_108 = arith.constant 32 : index
          %swap3A_109 = tpu.vector_load %arg11[%swap3A_107, %swap3A_108] {strides = array<i32>} : memref<80x128xf32, #tpu.memory_space<vmem>>, vector<16xf32>,
          tpu.vector_store %arg11[%swap3A_107, %swap3A_108], %mul3A_106 {strides = array<i32>} : memref<80x128xf32, #tpu.memory_space<vmem>>, vector<16xf32>,
          %get3A_110 = arith.index_cast %scan3A_86 : i32 to index
          %get3A_111 = arith.constant 48 : index
          %get3A_112 = tpu.vector_load %arg11[%get3A_110, %get3A_111] {strides = array<i32>} : memref<80x128xf32, #tpu.memory_space<vmem>>, vector<16xf32>,
          %mul3A_113 = arith.mulf %get3A_112, %gather3A : vector<16xf32>
          %swap3A_114 = arith.index_cast %scan3A_86 : i32 to index
          %swap3A_115 = arith.constant 48 : index
          %swap3A_116 = tpu.vector_load %arg11[%swap3A_114, %swap3A_115] {strides = array<i32>} : memref<80x128xf32, #tpu.memory_space<vmem>>, vector<16xf32>,
          tpu.vector_store %arg11[%swap3A_114, %swap3A_115], %mul3A_113 {strides = array<i32>} : memref<80x128xf32, #tpu.memory_space<vmem>>, vector<16xf32>,
          %get3A_117 = arith.index_cast %scan3A_86 : i32 to index
          %get3A_118 = arith.constant 64 : index
          %get3A_119 = tpu.vector_load %arg11[%get3A_117, %get3A_118] {strides = array<i32>} : memref<80x128xf32, #tpu.memory_space<vmem>>, vector<16xf32>,
          %mul3A_120 = arith.mulf %get3A_119, %gather3A : vector<16xf32>
          %swap3A_121 = arith.index_cast %scan3A_86 : i32 to index
          %swap3A_122 = arith.constant 64 : index
          %swap3A_123 = tpu.vector_load %arg11[%swap3A_121, %swap3A_122] {strides = array<i32>} : memref<80x128xf32, #tpu.memory_space<vmem>>, vector<16xf32>,
          tpu.vector_store %arg11[%swap3A_121, %swap3A_122], %mul3A_120 {strides = array<i32>} : memref<80x128xf32, #tpu.memory_space<vmem>>, vector<16xf32>,
          %get3A_124 = arith.index_cast %scan3A_86 : i32 to index
          %get3A_125 = arith.constant 80 : index
          %get3A_126 = tpu.vector_load %arg11[%get3A_124, %get3A_125] {strides = array<i32>} : memref<80x128xf32, #tpu.memory_space<vmem>>, vector<16xf32>,
          %mul3A_127 = arith.mulf %get3A_126, %gather3A : vector<16xf32>
          %swap3A_128 = arith.index_cast %scan3A_86 : i32 to index
          %swap3A_129 = arith.constant 80 : index
          %swap3A_130 = tpu.vector_load %arg11[%swap3A_128, %swap3A_129] {strides = array<i32>} : memref<80x128xf32, #tpu.memory_space<vmem>>, vector<16xf32>,
          tpu.vector_store %arg11[%swap3A_128, %swap3A_129], %mul3A_127 {strides = array<i32>} : memref<80x128xf32, #tpu.memory_space<vmem>>, vector<16xf32>,
          %get3A_131 = arith.index_cast %scan3A_86 : i32 to index
          %get3A_132 = arith.constant 96 : index
          %get3A_133 = tpu.vector_load %arg11[%get3A_131, %get3A_132] {strides = array<i32>} : memref<80x128xf32, #tpu.memory_space<vmem>>, vector<16xf32>,
          %mul3A_134 = arith.mulf %get3A_133, %gather3A : vector<16xf32>
          %swap3A_135 = arith.index_cast %scan3A_86 : i32 to index
          %swap3A_136 = arith.constant 96 : index
          %swap3A_137 = tpu.vector_load %arg11[%swap3A_135, %swap3A_136] {strides = array<i32>} : memref<80x128xf32, #tpu.memory_space<vmem>>, vector<16xf32>,
          tpu.vector_store %arg11[%swap3A_135, %swap3A_136], %mul3A_134 {strides = array<i32>} : memref<80x128xf32, #tpu.memory_space<vmem>>, vector<16xf32>,
          %get3A_138 = arith.index_cast %scan3A_86 : i32 to index
          %get3A_139 = arith.constant 112 : index
          %get3A_140 = tpu.vector_load %arg11[%get3A_138, %get3A_139] {strides = array<i32>} : memref<80x128xf32, #tpu.memory_space<vmem>>, vector<16xf32>,
          %mul3A_141 = arith.mulf %get3A_140, %gather3A : vector<16xf32>
          %swap3A_142 = arith.index_cast %scan3A_86 : i32 to index
          %swap3A_143 = arith.constant 112 : index
          %swap3A_144 = tpu.vector_load %arg11[%swap3A_142, %swap3A_143] {strides = array<i32>} : memref<80x128xf32, #tpu.memory_space<vmem>>, vector<16xf32>,
          tpu.vector_store %arg11[%swap3A_142, %swap3A_143], %mul3A_141 {strides = array<i32>} : memref<80x128xf32, #tpu.memory_space<vmem>>, vector<16xf32>,
          %scan3A_145 = arith.constant 0 : i32
          scf.yield %scan3A_145 : i32
        }
        %scan3A_75 = arith.constant 80 : i32
        %dma_start3A_76 = arith.constant 0 : i32
        %dma_start3A_77 = arith.constant 0 : i32
        %dma_start3A_78 = tpu.memref_slice %arg13[%dma_start3A_76, %dma_start3A_77] : memref<10240x128xf32, #tpu.memory_space<vmem_shared>> -> memref<10240x128xf32, #tpu.memory_space<vmem_shared>>
        tpu.enqueue_indirect_dma source(%arg11 : memref<80x128xf32, #tpu.memory_space<vmem>>) target(%dma_start3A_78 : memref<10240x128xf32, #tpu.memory_space<vmem_shared>>) offsets(%arg9 : memref<80xi32, #tpu.memory_space<vmem>>) semaphore(%arg16 : memref<!tpu.dma_semaphore, #tpu.memory_space<semaphore_mem>>) {add = true}
        %add3A_79 = arith.constant 2 : i32
        %add3A_80 = arith.addi %add3A_50, %add3A_79 : i32
        %lt3A_81 = arith.constant 125 : i32
        %lt3A_82 = arith.cmpi slt, %add3A_80, %lt3A_81 : i32
        %convert_element_type3A_83 = arith.extui %lt3A_82 : i1 to i32
        %cond3A_84 = arith.constant 0 : i32
        %cond3A_85 = arith.cmpi ne, %convert_element_type3A_83, %cond3A_84 : i32
        scf.if %cond3A_85 {
          %dma_wait3A_86 = arith.constant 0 : i32
          %dma_wait3A_87 = arith.constant 0 : i32
          %dma_wait3A_88 = tpu.memref_slice %arg13[%dma_wait3A_86, %dma_wait3A_87] : memref<10240x128xf32, #tpu.memory_space<vmem_shared>> -> memref<10240x128xf32, #tpu.memory_space<vmem_shared>>
          tpu.wait_indirect_dma semaphore(%arg16 : memref<!tpu.dma_semaphore, #tpu.memory_space<semaphore_mem>>) src(%arg11 : memref<80x128xf32, #tpu.memory_space<vmem>>) dst(%dma_wait3A_88 : memref<10240x128xf32, #tpu.memory_space<vmem_shared>>)
          %add3A_89 = arith.constant 2 : i32
          %add3A_90 = arith.addi %add3A_50, %add3A_89 : i32
          %mul3A_91 = arith.constant 80 : i32
          %mul3A_92 = arith.muli %add3A_90, %mul3A_91 : i32
          %add3A_93 = arith.addi %mul3A_2, %mul3A_92 : i32
          "tpu.region"() ({
            %run_scoped3A = tpu.sem_alloc : memref<!tpu.dma_semaphore, #tpu.memory_space<semaphore_mem>>
            %dma_start3A_97 = tpu.memref_slice %arg4[%add3A_93] : memref<320000xi32, #tpu.memory_space<hbm>> -> memref<80xi32, #tpu.memory_space<hbm>>
            %dma_start3A_98 = tpu.memref_slice %arg4[%add3A_93] : memref<320000xi32, #tpu.memory_space<hbm>> -> memref<80xi32, #tpu.memory_space<hbm>>
            tpu.enqueue_dma source(%dma_start3A_98 : memref<80xi32, #tpu.memory_space<hbm>>) target(%arg7 : memref<80xi32, #tpu.memory_space<vmem>>) target_semaphore(%run_scoped3A : memref<!tpu.dma_semaphore, #tpu.memory_space<semaphore_mem>>)
            %dma_wait3A_99 = tpu.memref_slice %arg4[%add3A_93] : memref<320000xi32, #tpu.memory_space<hbm>> -> memref<80xi32, #tpu.memory_space<hbm>>
            %dma_wait3A_100 = tpu.memref_slice %arg4[%add3A_93] : memref<320000xi32, #tpu.memory_space<hbm>> -> memref<80xi32, #tpu.memory_space<hbm>>
            tpu.wait_dma2 semaphore(%run_scoped3A : memref<!tpu.dma_semaphore, #tpu.memory_space<semaphore_mem>>) src(%dma_wait3A_100 : memref<80xi32, #tpu.memory_space<hbm>>) dst(%arg7 : memref<80xi32, #tpu.memory_space<vmem>>)
            tpu.yield
          }) : () -> ()
          "tpu.region"() ({
            %run_scoped3A = tpu.sem_alloc : memref<!tpu.dma_semaphore, #tpu.memory_space<semaphore_mem>>
            %dma_start3A_97 = tpu.memref_slice %arg5[%add3A_93] : memref<320000xi32, #tpu.memory_space<hbm>> -> memref<80xi32, #tpu.memory_space<hbm>>
            %dma_start3A_98 = tpu.memref_slice %arg5[%add3A_93] : memref<320000xi32, #tpu.memory_space<hbm>> -> memref<80xi32, #tpu.memory_space<hbm>>
            tpu.enqueue_dma source(%dma_start3A_98 : memref<80xi32, #tpu.memory_space<hbm>>) target(%arg9 : memref<80xi32, #tpu.memory_space<vmem>>) target_semaphore(%run_scoped3A : memref<!tpu.dma_semaphore, #tpu.memory_space<semaphore_mem>>)
            %dma_wait3A_99 = tpu.memref_slice %arg5[%add3A_93] : memref<320000xi32, #tpu.memory_space<hbm>> -> memref<80xi32, #tpu.memory_space<hbm>>
            %dma_wait3A_100 = tpu.memref_slice %arg5[%add3A_93] : memref<320000xi32, #tpu.memory_space<hbm>> -> memref<80xi32, #tpu.memory_space<hbm>>
            tpu.wait_dma2 semaphore(%run_scoped3A : memref<!tpu.dma_semaphore, #tpu.memory_space<semaphore_mem>>) src(%dma_wait3A_100 : memref<80xi32, #tpu.memory_space<hbm>>) dst(%arg9 : memref<80xi32, #tpu.memory_space<vmem>>)
            tpu.yield
          }) : () -> ()
          %dma_start3A_94 = arith.constant 0 : i32
          %dma_start3A_95 = arith.constant 0 : i32
          %dma_start3A_96 = tpu.memref_slice %arg2[%dma_start3A_94, %dma_start3A_95] : memref<10000x128xf32, #tpu.memory_space<hbm>> -> memref<10000x128xf32, #tpu.memory_space<hbm>>
          tpu.enqueue_indirect_dma source(%dma_start3A_96 : memref<10000x128xf32, #tpu.memory_space<hbm>>) target(%arg11 : memref<80x128xf32, #tpu.memory_space<vmem>>) offsets(%arg7 : memref<80xi32, #tpu.memory_space<vmem>>) semaphore(%arg14 : memref<!tpu.dma_semaphore, #tpu.memory_space<semaphore_mem>>)
        } else {
        }
      } else {
      }
      %mul3A_53 = arith.constant 2 : i32
      %mul3A_54 = arith.muli %mul3A_53, %scan3A_45 : i32
      %add3A_55 = arith.constant 1 : i32
      %add3A_56 = arith.addi %mul3A_54, %add3A_55 : i32
      %lt3A_57 = arith.constant 125 : i32
      %lt3A_58 = arith.cmpi slt, %add3A_56, %lt3A_57 : i32
      %convert_element_type3A_59 = arith.extui %lt3A_58 : i1 to i32
      %cond3A_60 = arith.constant 0 : i32
      %cond3A_61 = arith.cmpi ne, %convert_element_type3A_59, %cond3A_60 : i32
      scf.if %cond3A_61 {
        %dma_wait3A_63 = arith.constant 0 : i32
        %dma_wait3A_64 = arith.constant 0 : i32
        %dma_wait3A_65 = tpu.memref_slice %arg2[%dma_wait3A_63, %dma_wait3A_64] : memref<10000x128xf32, #tpu.memory_space<hbm>> -> memref<10000x128xf32, #tpu.memory_space<hbm>>
        tpu.wait_indirect_dma semaphore(%arg15 : memref<!tpu.dma_semaphore, #tpu.memory_space<semaphore_mem>>) src(%dma_wait3A_65 : memref<10000x128xf32, #tpu.memory_space<hbm>>) dst(%arg12 : memref<80x128xf32, #tpu.memory_space<vmem>>)
        %mul3A_66 = arith.constant 80 : i32
        %mul3A_67 = arith.muli %add3A_56, %mul3A_66 : i32
        %add3A_68 = arith.addi %mul3A_2, %mul3A_67 : i32
        "tpu.region"() ({
          %run_scoped3A = tpu.sem_alloc : memref<!tpu.dma_semaphore, #tpu.memory_space<semaphore_mem>>
          %dma_start3A_86 = tpu.memref_slice %arg3[%add3A_68] : memref<320000xf32, #tpu.memory_space<hbm>> -> memref<80xf32, #tpu.memory_space<hbm>>
          %dma_start3A_87 = tpu.memref_slice %arg3[%add3A_68] : memref<320000xf32, #tpu.memory_space<hbm>> -> memref<80xf32, #tpu.memory_space<hbm>>
          tpu.enqueue_dma source(%dma_start3A_87 : memref<80xf32, #tpu.memory_space<hbm>>) target(%arg19 : memref<80xf32, #tpu.memory_space<vmem>>) target_semaphore(%run_scoped3A : memref<!tpu.dma_semaphore, #tpu.memory_space<semaphore_mem>>)
          %dma_wait3A_88 = tpu.memref_slice %arg3[%add3A_68] : memref<320000xf32, #tpu.memory_space<hbm>> -> memref<80xf32, #tpu.memory_space<hbm>>
          %dma_wait3A_89 = tpu.memref_slice %arg3[%add3A_68] : memref<320000xf32, #tpu.memory_space<hbm>> -> memref<80xf32, #tpu.memory_space<hbm>>
          tpu.wait_dma2 semaphore(%run_scoped3A : memref<!tpu.dma_semaphore, #tpu.memory_space<semaphore_mem>>) src(%dma_wait3A_89 : memref<80xf32, #tpu.memory_space<hbm>>) dst(%arg19 : memref<80xf32, #tpu.memory_space<vmem>>)
          tpu.yield
        }) : () -> ()
        %scan3A_69 = arith.constant 0 : i32
        %scan3A_70 = arith.constant 0 : i32
        %scan3A_71 = arith.constant 80 : i32
        %scan3A_72 = arith.addi %scan3A_70, %scan3A_71 : i32
        %scan3A_73 = arith.constant 1 : i32
        %scan3A_74 = scf.for %scan3A_86 = %scan3A_70 to %scan3A_72 step %scan3A_73 iter_args(%scan3A_87 = %scan3A_69) -> (i32)  : i32 {
          %broadcast_in_dim3A = arith.constant 0 : i32
          %broadcast_in_dim3A_88 = vector.broadcast %broadcast_in_dim3A : i32 to vector<16xi32>
          %add3A_89 = vector.broadcast %scan3A_86 : i32 to vector<16xi32>
          %add3A_90 = arith.addi %broadcast_in_dim3A_88, %add3A_89 : vector<16xi32>
          %gather3A = tpu.vector_load_idx %arg19[%add3A_90] : memref<80xf32, #tpu.memory_space<vmem>>[vector<16xi32>], vector<16xf32>,
          %get3A = arith.index_cast %scan3A_86 : i32 to index
          %get3A_91 = arith.constant 0 : index
          %get3A_92 = tpu.vector_load %arg12[%get3A, %get3A_91] {strides = array<i32>} : memref<80x128xf32, #tpu.memory_space<vmem>>, vector<16xf32>,
          %mul3A_93 = arith.mulf %get3A_92, %gather3A : vector<16xf32>
          %swap3A = arith.index_cast %scan3A_86 : i32 to index
          %swap3A_94 = arith.constant 0 : index
          %swap3A_95 = tpu.vector_load %arg12[%swap3A, %swap3A_94] {strides = array<i32>} : memref<80x128xf32, #tpu.memory_space<vmem>>, vector<16xf32>,
          tpu.vector_store %arg12[%swap3A, %swap3A_94], %mul3A_93 {strides = array<i32>} : memref<80x128xf32, #tpu.memory_space<vmem>>, vector<16xf32>,
          %get3A_96 = arith.index_cast %scan3A_86 : i32 to index
          %get3A_97 = arith.constant 16 : index
          %get3A_98 = tpu.vector_load %arg12[%get3A_96, %get3A_97] {strides = array<i32>} : memref<80x128xf32, #tpu.memory_space<vmem>>, vector<16xf32>,
          %mul3A_99 = arith.mulf %get3A_98, %gather3A : vector<16xf32>
          %swap3A_100 = arith.index_cast %scan3A_86 : i32 to index
          %swap3A_101 = arith.constant 16 : index
          %swap3A_102 = tpu.vector_load %arg12[%swap3A_100, %swap3A_101] {strides = array<i32>} : memref<80x128xf32, #tpu.memory_space<vmem>>, vector<16xf32>,
          tpu.vector_store %arg12[%swap3A_100, %swap3A_101], %mul3A_99 {strides = array<i32>} : memref<80x128xf32, #tpu.memory_space<vmem>>, vector<16xf32>,
          %get3A_103 = arith.index_cast %scan3A_86 : i32 to index
          %get3A_104 = arith.constant 32 : index
          %get3A_105 = tpu.vector_load %arg12[%get3A_103, %get3A_104] {strides = array<i32>} : memref<80x128xf32, #tpu.memory_space<vmem>>, vector<16xf32>,
          %mul3A_106 = arith.mulf %get3A_105, %gather3A : vector<16xf32>
          %swap3A_107 = arith.index_cast %scan3A_86 : i32 to index
          %swap3A_108 = arith.constant 32 : index
          %swap3A_109 = tpu.vector_load %arg12[%swap3A_107, %swap3A_108] {strides = array<i32>} : memref<80x128xf32, #tpu.memory_space<vmem>>, vector<16xf32>,
          tpu.vector_store %arg12[%swap3A_107, %swap3A_108], %mul3A_106 {strides = array<i32>} : memref<80x128xf32, #tpu.memory_space<vmem>>, vector<16xf32>,
          %get3A_110 = arith.index_cast %scan3A_86 : i32 to index
          %get3A_111 = arith.constant 48 : index
          %get3A_112 = tpu.vector_load %arg12[%get3A_110, %get3A_111] {strides = array<i32>} : memref<80x128xf32, #tpu.memory_space<vmem>>, vector<16xf32>,
          %mul3A_113 = arith.mulf %get3A_112, %gather3A : vector<16xf32>
          %swap3A_114 = arith.index_cast %scan3A_86 : i32 to index
          %swap3A_115 = arith.constant 48 : index
          %swap3A_116 = tpu.vector_load %arg12[%swap3A_114, %swap3A_115] {strides = array<i32>} : memref<80x128xf32, #tpu.memory_space<vmem>>, vector<16xf32>,
          tpu.vector_store %arg12[%swap3A_114, %swap3A_115], %mul3A_113 {strides = array<i32>} : memref<80x128xf32, #tpu.memory_space<vmem>>, vector<16xf32>,
          %get3A_117 = arith.index_cast %scan3A_86 : i32 to index
          %get3A_118 = arith.constant 64 : index
          %get3A_119 = tpu.vector_load %arg12[%get3A_117, %get3A_118] {strides = array<i32>} : memref<80x128xf32, #tpu.memory_space<vmem>>, vector<16xf32>,
          %mul3A_120 = arith.mulf %get3A_119, %gather3A : vector<16xf32>
          %swap3A_121 = arith.index_cast %scan3A_86 : i32 to index
          %swap3A_122 = arith.constant 64 : index
          %swap3A_123 = tpu.vector_load %arg12[%swap3A_121, %swap3A_122] {strides = array<i32>} : memref<80x128xf32, #tpu.memory_space<vmem>>, vector<16xf32>,
          tpu.vector_store %arg12[%swap3A_121, %swap3A_122], %mul3A_120 {strides = array<i32>} : memref<80x128xf32, #tpu.memory_space<vmem>>, vector<16xf32>,
          %get3A_124 = arith.index_cast %scan3A_86 : i32 to index
          %get3A_125 = arith.constant 80 : index
          %get3A_126 = tpu.vector_load %arg12[%get3A_124, %get3A_125] {strides = array<i32>} : memref<80x128xf32, #tpu.memory_space<vmem>>, vector<16xf32>,
          %mul3A_127 = arith.mulf %get3A_126, %gather3A : vector<16xf32>
          %swap3A_128 = arith.index_cast %scan3A_86 : i32 to index
          %swap3A_129 = arith.constant 80 : index
          %swap3A_130 = tpu.vector_load %arg12[%swap3A_128, %swap3A_129] {strides = array<i32>} : memref<80x128xf32, #tpu.memory_space<vmem>>, vector<16xf32>,
          tpu.vector_store %arg12[%swap3A_128, %swap3A_129], %mul3A_127 {strides = array<i32>} : memref<80x128xf32, #tpu.memory_space<vmem>>, vector<16xf32>,
          %get3A_131 = arith.index_cast %scan3A_86 : i32 to index
          %get3A_132 = arith.constant 96 : index
          %get3A_133 = tpu.vector_load %arg12[%get3A_131, %get3A_132] {strides = array<i32>} : memref<80x128xf32, #tpu.memory_space<vmem>>, vector<16xf32>,
          %mul3A_134 = arith.mulf %get3A_133, %gather3A : vector<16xf32>
          %swap3A_135 = arith.index_cast %scan3A_86 : i32 to index
          %swap3A_136 = arith.constant 96 : index
          %swap3A_137 = tpu.vector_load %arg12[%swap3A_135, %swap3A_136] {strides = array<i32>} : memref<80x128xf32, #tpu.memory_space<vmem>>, vector<16xf32>,
          tpu.vector_store %arg12[%swap3A_135, %swap3A_136], %mul3A_134 {strides = array<i32>} : memref<80x128xf32, #tpu.memory_space<vmem>>, vector<16xf32>,
          %get3A_138 = arith.index_cast %scan3A_86 : i32 to index
          %get3A_139 = arith.constant 112 : index
          %get3A_140 = tpu.vector_load %arg12[%get3A_138, %get3A_139] {strides = array<i32>} : memref<80x128xf32, #tpu.memory_space<vmem>>, vector<16xf32>,
          %mul3A_141 = arith.mulf %get3A_140, %gather3A : vector<16xf32>
          %swap3A_142 = arith.index_cast %scan3A_86 : i32 to index
          %swap3A_143 = arith.constant 112 : index
          %swap3A_144 = tpu.vector_load %arg12[%swap3A_142, %swap3A_143] {strides = array<i32>} : memref<80x128xf32, #tpu.memory_space<vmem>>, vector<16xf32>,
          tpu.vector_store %arg12[%swap3A_142, %swap3A_143], %mul3A_141 {strides = array<i32>} : memref<80x128xf32, #tpu.memory_space<vmem>>, vector<16xf32>,
          %scan3A_145 = arith.constant 0 : i32
          scf.yield %scan3A_145 : i32
        }
        %scan3A_75 = arith.constant 80 : i32
        %dma_start3A_76 = arith.constant 0 : i32
        %dma_start3A_77 = arith.constant 0 : i32
        %dma_start3A_78 = tpu.memref_slice %arg13[%dma_start3A_76, %dma_start3A_77] : memref<10240x128xf32, #tpu.memory_space<vmem_shared>> -> memref<10240x128xf32, #tpu.memory_space<vmem_shared>>
        tpu.enqueue_indirect_dma source(%arg12 : memref<80x128xf32, #tpu.memory_space<vmem>>) target(%dma_start3A_78 : memref<10240x128xf32, #tpu.memory_space<vmem_shared>>) offsets(%arg10 : memref<80xi32, #tpu.memory_space<vmem>>) semaphore(%arg17 : memref<!tpu.dma_semaphore, #tpu.memory_space<semaphore_mem>>) {add = true}
        %add3A_79 = arith.constant 2 : i32
        %add3A_80 = arith.addi %add3A_56, %add3A_79 : i32
        %lt3A_81 = arith.constant 125 : i32
        %lt3A_82 = arith.cmpi slt, %add3A_80, %lt3A_81 : i32
        %convert_element_type3A_83 = arith.extui %lt3A_82 : i1 to i32
        %cond3A_84 = arith.constant 0 : i32
        %cond3A_85 = arith.cmpi ne, %convert_element_type3A_83, %cond3A_84 : i32
        scf.if %cond3A_85 {
          %dma_wait3A_86 = arith.constant 0 : i32
          %dma_wait3A_87 = arith.constant 0 : i32
          %dma_wait3A_88 = tpu.memref_slice %arg13[%dma_wait3A_86, %dma_wait3A_87] : memref<10240x128xf32, #tpu.memory_space<vmem_shared>> -> memref<10240x128xf32, #tpu.memory_space<vmem_shared>>
          tpu.wait_indirect_dma semaphore(%arg17 : memref<!tpu.dma_semaphore, #tpu.memory_space<semaphore_mem>>) src(%arg12 : memref<80x128xf32, #tpu.memory_space<vmem>>) dst(%dma_wait3A_88 : memref<10240x128xf32, #tpu.memory_space<vmem_shared>>)
          %add3A_89 = arith.constant 2 : i32
          %add3A_90 = arith.addi %add3A_56, %add3A_89 : i32
          %mul3A_91 = arith.constant 80 : i32
          %mul3A_92 = arith.muli %add3A_90, %mul3A_91 : i32
          %add3A_93 = arith.addi %mul3A_2, %mul3A_92 : i32
          "tpu.region"() ({
            %run_scoped3A = tpu.sem_alloc : memref<!tpu.dma_semaphore, #tpu.memory_space<semaphore_mem>>
            %dma_start3A_97 = tpu.memref_slice %arg4[%add3A_93] : memref<320000xi32, #tpu.memory_space<hbm>> -> memref<80xi32, #tpu.memory_space<hbm>>
            %dma_start3A_98 = tpu.memref_slice %arg4[%add3A_93] : memref<320000xi32, #tpu.memory_space<hbm>> -> memref<80xi32, #tpu.memory_space<hbm>>
            tpu.enqueue_dma source(%dma_start3A_98 : memref<80xi32, #tpu.memory_space<hbm>>) target(%arg8 : memref<80xi32, #tpu.memory_space<vmem>>) target_semaphore(%run_scoped3A : memref<!tpu.dma_semaphore, #tpu.memory_space<semaphore_mem>>)
            %dma_wait3A_99 = tpu.memref_slice %arg4[%add3A_93] : memref<320000xi32, #tpu.memory_space<hbm>> -> memref<80xi32, #tpu.memory_space<hbm>>
            %dma_wait3A_100 = tpu.memref_slice %arg4[%add3A_93] : memref<320000xi32, #tpu.memory_space<hbm>> -> memref<80xi32, #tpu.memory_space<hbm>>
            tpu.wait_dma2 semaphore(%run_scoped3A : memref<!tpu.dma_semaphore, #tpu.memory_space<semaphore_mem>>) src(%dma_wait3A_100 : memref<80xi32, #tpu.memory_space<hbm>>) dst(%arg8 : memref<80xi32, #tpu.memory_space<vmem>>)
            tpu.yield
          }) : () -> ()
          "tpu.region"() ({
            %run_scoped3A = tpu.sem_alloc : memref<!tpu.dma_semaphore, #tpu.memory_space<semaphore_mem>>
            %dma_start3A_97 = tpu.memref_slice %arg5[%add3A_93] : memref<320000xi32, #tpu.memory_space<hbm>> -> memref<80xi32, #tpu.memory_space<hbm>>
            %dma_start3A_98 = tpu.memref_slice %arg5[%add3A_93] : memref<320000xi32, #tpu.memory_space<hbm>> -> memref<80xi32, #tpu.memory_space<hbm>>
            tpu.enqueue_dma source(%dma_start3A_98 : memref<80xi32, #tpu.memory_space<hbm>>) target(%arg10 : memref<80xi32, #tpu.memory_space<vmem>>) target_semaphore(%run_scoped3A : memref<!tpu.dma_semaphore, #tpu.memory_space<semaphore_mem>>)
            %dma_wait3A_99 = tpu.memref_slice %arg5[%add3A_93] : memref<320000xi32, #tpu.memory_space<hbm>> -> memref<80xi32, #tpu.memory_space<hbm>>
            %dma_wait3A_100 = tpu.memref_slice %arg5[%add3A_93] : memref<320000xi32, #tpu.memory_space<hbm>> -> memref<80xi32, #tpu.memory_space<hbm>>
            tpu.wait_dma2 semaphore(%run_scoped3A : memref<!tpu.dma_semaphore, #tpu.memory_space<semaphore_mem>>) src(%dma_wait3A_100 : memref<80xi32, #tpu.memory_space<hbm>>) dst(%arg10 : memref<80xi32, #tpu.memory_space<vmem>>)
            tpu.yield
          }) : () -> ()
          %dma_start3A_94 = arith.constant 0 : i32
          %dma_start3A_95 = arith.constant 0 : i32
          %dma_start3A_96 = tpu.memref_slice %arg2[%dma_start3A_94, %dma_start3A_95] : memref<10000x128xf32, #tpu.memory_space<hbm>> -> memref<10000x128xf32, #tpu.memory_space<hbm>>
          tpu.enqueue_indirect_dma source(%dma_start3A_96 : memref<10000x128xf32, #tpu.memory_space<hbm>>) target(%arg12 : memref<80x128xf32, #tpu.memory_space<vmem>>) offsets(%arg8 : memref<80xi32, #tpu.memory_space<vmem>>) semaphore(%arg15 : memref<!tpu.dma_semaphore, #tpu.memory_space<semaphore_mem>>)
        } else {
        }
      } else {
      }
      %scan3A_62 = arith.constant 0 : i32
      scf.yield %scan3A_62 : i32
    }
    %scan3A_31 = arith.constant 63 : i32
    %dma_wait3A = arith.constant 0 : i32
    %dma_wait3A_32 = arith.constant 0 : i32
    %dma_wait3A_33 = tpu.memref_slice %arg13[%dma_wait3A, %dma_wait3A_32] : memref<10240x128xf32, #tpu.memory_space<vmem_shared>> -> memref<10240x128xf32, #tpu.memory_space<vmem_shared>>
    tpu.wait_indirect_dma semaphore(%arg16 : memref<!tpu.dma_semaphore, #tpu.memory_space<semaphore_mem>>) src(%arg11 : memref<80x128xf32, #tpu.memory_space<vmem>>) dst(%dma_wait3A_33 : memref<10240x128xf32, #tpu.memory_space<vmem_shared>>)
    %dma_wait3A_34 = arith.constant 0 : i32
    %dma_wait3A_35 = arith.constant 0 : i32
    %dma_wait3A_36 = tpu.memref_slice %arg13[%dma_wait3A_34, %dma_wait3A_35] : memref<10240x128xf32, #tpu.memory_space<vmem_shared>> -> memref<10240x128xf32, #tpu.memory_space<vmem_shared>>
    tpu.wait_indirect_dma semaphore(%arg17 : memref<!tpu.dma_semaphore, #tpu.memory_space<semaphore_mem>>) src(%arg12 : memref<80x128xf32, #tpu.memory_space<vmem>>) dst(%dma_wait3A_36 : memref<10240x128xf32, #tpu.memory_space<vmem_shared>>)
    %barrier3A_37 = arith.constant 0 : index
    tpu.barrier barrier_id(%barrier3A_37)
    %scan3A_38 = arith.constant 0 : i32
    %scan3A_39 = arith.constant 0 : i32
    %scan3A_40 = arith.constant 8 : i32
    %scan3A_41 = arith.addi %scan3A_39, %scan3A_40 : i32
    %scan3A_42 = arith.constant 1 : i32
    %scan3A_43 = scf.for %scan3A_45 = %scan3A_39 to %scan3A_41 step %scan3A_42 iter_args(%scan3A_46 = %scan3A_38) -> (i32)  : i32 {
      %mul3A_47 = arith.constant 640 : i32
      %mul3A_48 = arith.muli %arg1, %mul3A_47 : i32
      %mul3A_49 = arith.constant 80 : i32
      %mul3A_50 = arith.muli %scan3A_45, %mul3A_49 : i32
      %add3A_51 = arith.addi %mul3A_48, %mul3A_50 : i32
      "tpu.region"() ({
        %run_scoped3A = tpu.sem_alloc : memref<!tpu.dma_semaphore, #tpu.memory_space<semaphore_mem>>
        %dma_start3A_61 = arith.constant 0 : i32
        %dma_start3A_62 = arith.constant 0 : i32
        %dma_start3A_63 = tpu.memref_slice %arg11[%dma_start3A_61, %dma_start3A_62] : memref<80x128xf32, #tpu.memory_space<vmem>> -> memref<80x128xf32, #tpu.memory_space<vmem>>
        %dma_start3A_64 = arith.constant 0 : i32
        %dma_start3A_65 = tpu.memref_slice %arg13[%add3A_51, %dma_start3A_64] : memref<10240x128xf32, #tpu.memory_space<vmem_shared>> -> memref<80x128xf32, #tpu.memory_space<vmem_shared>>
        %dma_start3A_66 = arith.constant 0 : i32
        %dma_start3A_67 = arith.constant 0 : i32
        %dma_start3A_68 = tpu.memref_slice %arg11[%dma_start3A_66, %dma_start3A_67] : memref<80x128xf32, #tpu.memory_space<vmem>> -> memref<80x128xf32, #tpu.memory_space<vmem>>
        %dma_start3A_69 = arith.constant 0 : i32
        %dma_start3A_70 = tpu.memref_slice %arg13[%add3A_51, %dma_start3A_69] : memref<10240x128xf32, #tpu.memory_space<vmem_shared>> -> memref<80x128xf32, #tpu.memory_space<vmem_shared>>
        tpu.enqueue_dma source(%dma_start3A_70 : memref<80x128xf32, #tpu.memory_space<vmem_shared>>) target(%dma_start3A_68 : memref<80x128xf32, #tpu.memory_space<vmem>>) target_semaphore(%run_scoped3A : memref<!tpu.dma_semaphore, #tpu.memory_space<semaphore_mem>>)
        %dma_wait3A_71 = arith.constant 0 : i32
        %dma_wait3A_72 = arith.constant 0 : i32
        %dma_wait3A_73 = tpu.memref_slice %arg11[%dma_wait3A_71, %dma_wait3A_72] : memref<80x128xf32, #tpu.memory_space<vmem>> -> memref<80x128xf32, #tpu.memory_space<vmem>>
        %dma_wait3A_74 = arith.constant 0 : i32
        %dma_wait3A_75 = tpu.memref_slice %arg13[%add3A_51, %dma_wait3A_74] : memref<10240x128xf32, #tpu.memory_space<vmem_shared>> -> memref<80x128xf32, #tpu.memory_space<vmem_shared>>
        %dma_wait3A_76 = arith.constant 0 : i32
        %dma_wait3A_77 = arith.constant 0 : i32
        %dma_wait3A_78 = tpu.memref_slice %arg11[%dma_wait3A_76, %dma_wait3A_77] : memref<80x128xf32, #tpu.memory_space<vmem>> -> memref<80x128xf32, #tpu.memory_space<vmem>>
        %dma_wait3A_79 = arith.constant 0 : i32
        %dma_wait3A_80 = tpu.memref_slice %arg13[%add3A_51, %dma_wait3A_79] : memref<10240x128xf32, #tpu.memory_space<vmem_shared>> -> memref<80x128xf32, #tpu.memory_space<vmem_shared>>
        tpu.wait_dma2 semaphore(%run_scoped3A : memref<!tpu.dma_semaphore, #tpu.memory_space<semaphore_mem>>) src(%dma_wait3A_80 : memref<80x128xf32, #tpu.memory_space<vmem_shared>>) dst(%dma_wait3A_78 : memref<80x128xf32, #tpu.memory_space<vmem>>)
        tpu.yield
      }) : () -> ()
      %mul3A_52 = arith.constant 10240 : i32
      %mul3A_53 = arith.muli %arg0, %mul3A_52 : i32
      %mul3A_54 = arith.constant 640 : i32
      %mul3A_55 = arith.muli %arg1, %mul3A_54 : i32
      %add3A_56 = arith.addi %mul3A_53, %mul3A_55 : i32
      %mul3A_57 = arith.constant 80 : i32
      %mul3A_58 = arith.muli %scan3A_45, %mul3A_57 : i32
      %add3A_59 = arith.addi %add3A_56, %mul3A_58 : i32
      "tpu.region"() ({
        %run_scoped3A = tpu.sem_alloc : memref<!tpu.dma_semaphore, #tpu.memory_space<semaphore_mem>>
        %dma_start3A_61 = arith.constant 0 : i32
        %dma_start3A_62 = arith.constant 0 : i32
        %dma_start3A_63 = tpu.memref_slice %arg11[%dma_start3A_61, %dma_start3A_62] : memref<80x128xf32, #tpu.memory_space<vmem>> -> memref<80x128xf32, #tpu.memory_space<vmem>>
        %dma_start3A_64 = arith.constant 0 : i32
        %dma_start3A_65 = tpu.memref_slice %arg6[%add3A_59, %dma_start3A_64] : memref<20480x128xf32, #tpu.memory_space<hbm>> -> memref<80x128xf32, #tpu.memory_space<hbm>>
        %dma_start3A_66 = arith.constant 0 : i32
        %dma_start3A_67 = tpu.memref_slice %arg6[%add3A_59, %dma_start3A_66] : memref<20480x128xf32, #tpu.memory_space<hbm>> -> memref<80x128xf32, #tpu.memory_space<hbm>>
        %dma_start3A_68 = arith.constant 0 : i32
        %dma_start3A_69 = arith.constant 0 : i32
        %dma_start3A_70 = tpu.memref_slice %arg11[%dma_start3A_68, %dma_start3A_69] : memref<80x128xf32, #tpu.memory_space<vmem>> -> memref<80x128xf32, #tpu.memory_space<vmem>>
        tpu.enqueue_dma source(%dma_start3A_70 : memref<80x128xf32, #tpu.memory_space<vmem>>) target(%dma_start3A_67 : memref<80x128xf32, #tpu.memory_space<hbm>>) target_semaphore(%run_scoped3A : memref<!tpu.dma_semaphore, #tpu.memory_space<semaphore_mem>>)
        %dma_wait3A_71 = arith.constant 0 : i32
        %dma_wait3A_72 = arith.constant 0 : i32
        %dma_wait3A_73 = tpu.memref_slice %arg11[%dma_wait3A_71, %dma_wait3A_72] : memref<80x128xf32, #tpu.memory_space<vmem>> -> memref<80x128xf32, #tpu.memory_space<vmem>>
        %dma_wait3A_74 = arith.constant 0 : i32
        %dma_wait3A_75 = tpu.memref_slice %arg6[%add3A_59, %dma_wait3A_74] : memref<20480x128xf32, #tpu.memory_space<hbm>> -> memref<80x128xf32, #tpu.memory_space<hbm>>
        %dma_wait3A_76 = arith.constant 0 : i32
        %dma_wait3A_77 = tpu.memref_slice %arg6[%add3A_59, %dma_wait3A_76] : memref<20480x128xf32, #tpu.memory_space<hbm>> -> memref<80x128xf32, #tpu.memory_space<hbm>>
        %dma_wait3A_78 = arith.constant 0 : i32
        %dma_wait3A_79 = arith.constant 0 : i32
        %dma_wait3A_80 = tpu.memref_slice %arg11[%dma_wait3A_78, %dma_wait3A_79] : memref<80x128xf32, #tpu.memory_space<vmem>> -> memref<80x128xf32, #tpu.memory_space<vmem>>
        tpu.wait_dma2 semaphore(%run_scoped3A : memref<!tpu.dma_semaphore, #tpu.memory_space<semaphore_mem>>) src(%dma_wait3A_80 : memref<80x128xf32, #tpu.memory_space<vmem>>) dst(%dma_wait3A_77 : memref<80x128xf32, #tpu.memory_space<hbm>>)
        tpu.yield
      }) : () -> ()
      %scan3A_60 = arith.constant 0 : i32
      scf.yield %scan3A_60 : i32
    }
    %scan3A_44 = arith.constant 8 : i32
    return
  }
}

#map = affine_map<(d0, d1) -> (0, 0)>
#map1 = affine_map<(d0, d1) -> (0)>
module attributes {stable_mosaic.version = 14 : i64} {
  func.func @_sc_edge(%arg0: i32, %arg1: i32, %arg2: memref<10000x128xf32, #tpu.memory_space<hbm>>, %arg3: memref<320000xi32, #tpu.memory_space<hbm>>, %arg4: memref<320000xi32, #tpu.memory_space<hbm>>, %arg5: memref<320000x128xf32, #tpu.memory_space<hbm>>, %arg6: memref<80xi32, #tpu.memory_space<vmem>>, %arg7: memref<80xi32, #tpu.memory_space<vmem>>, %arg8: memref<80xi32, #tpu.memory_space<vmem>>, %arg9: memref<80xi32, #tpu.memory_space<vmem>>, %arg10: memref<80x128xf32, #tpu.memory_space<vmem>>, %arg11: memref<80x128xf32, #tpu.memory_space<vmem>>, %arg12: memref<80x128xf32, #tpu.memory_space<vmem>>, %arg13: memref<80x128xf32, #tpu.memory_space<vmem>>, %arg14: memref<!tpu.dma_semaphore, #tpu.memory_space<semaphore_mem>>, %arg15: memref<!tpu.dma_semaphore, #tpu.memory_space<semaphore_mem>>, %arg16: memref<!tpu.dma_semaphore, #tpu.memory_space<semaphore_mem>>, %arg17: memref<!tpu.dma_semaphore, #tpu.memory_space<semaphore_mem>>, %arg18: memref<!tpu.dma_semaphore, #tpu.memory_space<semaphore_mem>>, %arg19: memref<!tpu.dma_semaphore, #tpu.memory_space<semaphore_mem>>) attributes {dimension_semantics = [#tpu.dimension_semantics<core_parallel>, #tpu.dimension_semantics<subcore_parallel>], iteration_bounds = array<i64: 2, 16>, scalar_prefetch = 0 : i64, scratch_operands = 14 : i64, tpu.core_type = #tpu.core_type<sc_vector_subcore>, window_params = [{transform_indices = #map}, {transform_indices = #map1}, {transform_indices = #map1}, {transform_indices = #map}]} {
    %mul3A = arith.constant 2 : i32
    %mul3A_0 = arith.muli %arg1, %mul3A : i32
    %add3A = arith.addi %mul3A_0, %arg0 : i32
    %mul3A_1 = arith.constant 10000 : i32
    %mul3A_2 = arith.muli %add3A, %mul3A_1 : i32
    %add3A_3 = arith.constant 0 : i32
    %add3A_4 = arith.addi %mul3A_2, %add3A_3 : i32
    "tpu.region"() ({
      %run_scoped3A = tpu.sem_alloc : memref<!tpu.dma_semaphore, #tpu.memory_space<semaphore_mem>>
      %dma_start3A_31 = tpu.memref_slice %arg3[%add3A_4] : memref<320000xi32, #tpu.memory_space<hbm>> -> memref<80xi32, #tpu.memory_space<hbm>>
      %dma_start3A_32 = tpu.memref_slice %arg3[%add3A_4] : memref<320000xi32, #tpu.memory_space<hbm>> -> memref<80xi32, #tpu.memory_space<hbm>>
      tpu.enqueue_dma source(%dma_start3A_32 : memref<80xi32, #tpu.memory_space<hbm>>) target(%arg6 : memref<80xi32, #tpu.memory_space<vmem>>) target_semaphore(%run_scoped3A : memref<!tpu.dma_semaphore, #tpu.memory_space<semaphore_mem>>)
      %dma_wait3A_33 = tpu.memref_slice %arg3[%add3A_4] : memref<320000xi32, #tpu.memory_space<hbm>> -> memref<80xi32, #tpu.memory_space<hbm>>
      %dma_wait3A_34 = tpu.memref_slice %arg3[%add3A_4] : memref<320000xi32, #tpu.memory_space<hbm>> -> memref<80xi32, #tpu.memory_space<hbm>>
      tpu.wait_dma2 semaphore(%run_scoped3A : memref<!tpu.dma_semaphore, #tpu.memory_space<semaphore_mem>>) src(%dma_wait3A_34 : memref<80xi32, #tpu.memory_space<hbm>>) dst(%arg6 : memref<80xi32, #tpu.memory_space<vmem>>)
      tpu.yield
    }) : () -> ()
    "tpu.region"() ({
      %run_scoped3A = tpu.sem_alloc : memref<!tpu.dma_semaphore, #tpu.memory_space<semaphore_mem>>
      %dma_start3A_31 = tpu.memref_slice %arg4[%add3A_4] : memref<320000xi32, #tpu.memory_space<hbm>> -> memref<80xi32, #tpu.memory_space<hbm>>
      %dma_start3A_32 = tpu.memref_slice %arg4[%add3A_4] : memref<320000xi32, #tpu.memory_space<hbm>> -> memref<80xi32, #tpu.memory_space<hbm>>
      tpu.enqueue_dma source(%dma_start3A_32 : memref<80xi32, #tpu.memory_space<hbm>>) target(%arg8 : memref<80xi32, #tpu.memory_space<vmem>>) target_semaphore(%run_scoped3A : memref<!tpu.dma_semaphore, #tpu.memory_space<semaphore_mem>>)
      %dma_wait3A_33 = tpu.memref_slice %arg4[%add3A_4] : memref<320000xi32, #tpu.memory_space<hbm>> -> memref<80xi32, #tpu.memory_space<hbm>>
      %dma_wait3A_34 = tpu.memref_slice %arg4[%add3A_4] : memref<320000xi32, #tpu.memory_space<hbm>> -> memref<80xi32, #tpu.memory_space<hbm>>
      tpu.wait_dma2 semaphore(%run_scoped3A : memref<!tpu.dma_semaphore, #tpu.memory_space<semaphore_mem>>) src(%dma_wait3A_34 : memref<80xi32, #tpu.memory_space<hbm>>) dst(%arg8 : memref<80xi32, #tpu.memory_space<vmem>>)
      tpu.yield
    }) : () -> ()
    %dma_start3A = arith.constant 0 : i32
    %dma_start3A_5 = arith.constant 0 : i32
    %dma_start3A_6 = tpu.memref_slice %arg2[%dma_start3A, %dma_start3A_5] : memref<10000x128xf32, #tpu.memory_space<hbm>> -> memref<10000x128xf32, #tpu.memory_space<hbm>>
    tpu.enqueue_indirect_dma source(%dma_start3A_6 : memref<10000x128xf32, #tpu.memory_space<hbm>>) target(%arg10 : memref<80x128xf32, #tpu.memory_space<vmem>>) offsets(%arg6 : memref<80xi32, #tpu.memory_space<vmem>>) semaphore(%arg14 : memref<!tpu.dma_semaphore, #tpu.memory_space<semaphore_mem>>)
    %dma_start3A_7 = arith.constant 0 : i32
    %dma_start3A_8 = arith.constant 0 : i32
    %dma_start3A_9 = tpu.memref_slice %arg2[%dma_start3A_7, %dma_start3A_8] : memref<10000x128xf32, #tpu.memory_space<hbm>> -> memref<10000x128xf32, #tpu.memory_space<hbm>>
    tpu.enqueue_indirect_dma source(%dma_start3A_9 : memref<10000x128xf32, #tpu.memory_space<hbm>>) target(%arg12 : memref<80x128xf32, #tpu.memory_space<vmem>>) offsets(%arg8 : memref<80xi32, #tpu.memory_space<vmem>>) semaphore(%arg16 : memref<!tpu.dma_semaphore, #tpu.memory_space<semaphore_mem>>)
    %add3A_10 = arith.constant 80 : i32
    %add3A_11 = arith.addi %mul3A_2, %add3A_10 : i32
    "tpu.region"() ({
      %run_scoped3A = tpu.sem_alloc : memref<!tpu.dma_semaphore, #tpu.memory_space<semaphore_mem>>
      %dma_start3A_31 = tpu.memref_slice %arg3[%add3A_11] : memref<320000xi32, #tpu.memory_space<hbm>> -> memref<80xi32, #tpu.memory_space<hbm>>
      %dma_start3A_32 = tpu.memref_slice %arg3[%add3A_11] : memref<320000xi32, #tpu.memory_space<hbm>> -> memref<80xi32, #tpu.memory_space<hbm>>
      tpu.enqueue_dma source(%dma_start3A_32 : memref<80xi32, #tpu.memory_space<hbm>>) target(%arg7 : memref<80xi32, #tpu.memory_space<vmem>>) target_semaphore(%run_scoped3A : memref<!tpu.dma_semaphore, #tpu.memory_space<semaphore_mem>>)
      %dma_wait3A_33 = tpu.memref_slice %arg3[%add3A_11] : memref<320000xi32, #tpu.memory_space<hbm>> -> memref<80xi32, #tpu.memory_space<hbm>>
      %dma_wait3A_34 = tpu.memref_slice %arg3[%add3A_11] : memref<320000xi32, #tpu.memory_space<hbm>> -> memref<80xi32, #tpu.memory_space<hbm>>
      tpu.wait_dma2 semaphore(%run_scoped3A : memref<!tpu.dma_semaphore, #tpu.memory_space<semaphore_mem>>) src(%dma_wait3A_34 : memref<80xi32, #tpu.memory_space<hbm>>) dst(%arg7 : memref<80xi32, #tpu.memory_space<vmem>>)
      tpu.yield
    }) : () -> ()
    "tpu.region"() ({
      %run_scoped3A = tpu.sem_alloc : memref<!tpu.dma_semaphore, #tpu.memory_space<semaphore_mem>>
      %dma_start3A_31 = tpu.memref_slice %arg4[%add3A_11] : memref<320000xi32, #tpu.memory_space<hbm>> -> memref<80xi32, #tpu.memory_space<hbm>>
      %dma_start3A_32 = tpu.memref_slice %arg4[%add3A_11] : memref<320000xi32, #tpu.memory_space<hbm>> -> memref<80xi32, #tpu.memory_space<hbm>>
      tpu.enqueue_dma source(%dma_start3A_32 : memref<80xi32, #tpu.memory_space<hbm>>) target(%arg9 : memref<80xi32, #tpu.memory_space<vmem>>) target_semaphore(%run_scoped3A : memref<!tpu.dma_semaphore, #tpu.memory_space<semaphore_mem>>)
      %dma_wait3A_33 = tpu.memref_slice %arg4[%add3A_11] : memref<320000xi32, #tpu.memory_space<hbm>> -> memref<80xi32, #tpu.memory_space<hbm>>
      %dma_wait3A_34 = tpu.memref_slice %arg4[%add3A_11] : memref<320000xi32, #tpu.memory_space<hbm>> -> memref<80xi32, #tpu.memory_space<hbm>>
      tpu.wait_dma2 semaphore(%run_scoped3A : memref<!tpu.dma_semaphore, #tpu.memory_space<semaphore_mem>>) src(%dma_wait3A_34 : memref<80xi32, #tpu.memory_space<hbm>>) dst(%arg9 : memref<80xi32, #tpu.memory_space<vmem>>)
      tpu.yield
    }) : () -> ()
    %dma_start3A_12 = arith.constant 0 : i32
    %dma_start3A_13 = arith.constant 0 : i32
    %dma_start3A_14 = tpu.memref_slice %arg2[%dma_start3A_12, %dma_start3A_13] : memref<10000x128xf32, #tpu.memory_space<hbm>> -> memref<10000x128xf32, #tpu.memory_space<hbm>>
    tpu.enqueue_indirect_dma source(%dma_start3A_14 : memref<10000x128xf32, #tpu.memory_space<hbm>>) target(%arg11 : memref<80x128xf32, #tpu.memory_space<vmem>>) offsets(%arg7 : memref<80xi32, #tpu.memory_space<vmem>>) semaphore(%arg15 : memref<!tpu.dma_semaphore, #tpu.memory_space<semaphore_mem>>)
    %dma_start3A_15 = arith.constant 0 : i32
    %dma_start3A_16 = arith.constant 0 : i32
    %dma_start3A_17 = tpu.memref_slice %arg2[%dma_start3A_15, %dma_start3A_16] : memref<10000x128xf32, #tpu.memory_space<hbm>> -> memref<10000x128xf32, #tpu.memory_space<hbm>>
    tpu.enqueue_indirect_dma source(%dma_start3A_17 : memref<10000x128xf32, #tpu.memory_space<hbm>>) target(%arg13 : memref<80x128xf32, #tpu.memory_space<vmem>>) offsets(%arg9 : memref<80xi32, #tpu.memory_space<vmem>>) semaphore(%arg17 : memref<!tpu.dma_semaphore, #tpu.memory_space<semaphore_mem>>)
    %scan3A = arith.constant 0 : i32
    %scan3A_18 = arith.constant 0 : i32
    %scan3A_19 = arith.constant 63 : i32
    %scan3A_20 = arith.addi %scan3A_18, %scan3A_19 : i32
    %scan3A_21 = arith.constant 1 : i32
    %scan3A_22 = scf.for %scan3A_31 = %scan3A_18 to %scan3A_20 step %scan3A_21 iter_args(%scan3A_32 = %scan3A) -> (i32)  : i32 {
      %mul3A_33 = arith.constant 2 : i32
      %mul3A_34 = arith.muli %mul3A_33, %scan3A_31 : i32
      %add3A_35 = arith.constant 0 : i32
      %add3A_36 = arith.addi %mul3A_34, %add3A_35 : i32
      %lt3A = arith.constant 125 : i32
      %lt3A_37 = arith.cmpi slt, %add3A_36, %lt3A : i32
      %convert_element_type3A = arith.extui %lt3A_37 : i1 to i32
      %cond3A = arith.constant 0 : i32
      %cond3A_38 = arith.cmpi ne, %convert_element_type3A, %cond3A : i32
      scf.if %cond3A_38 {
        %mul3A_49 = arith.constant 80 : i32
        %mul3A_50 = arith.muli %add3A_36, %mul3A_49 : i32
        %add3A_51 = arith.addi %mul3A_2, %mul3A_50 : i32
        %dma_wait3A_52 = arith.constant 0 : i32
        %dma_wait3A_53 = arith.constant 0 : i32
        %dma_wait3A_54 = tpu.memref_slice %arg2[%dma_wait3A_52, %dma_wait3A_53] : memref<10000x128xf32, #tpu.memory_space<hbm>> -> memref<10000x128xf32, #tpu.memory_space<hbm>>
        tpu.wait_indirect_dma semaphore(%arg14 : memref<!tpu.dma_semaphore, #tpu.memory_space<semaphore_mem>>) src(%dma_wait3A_54 : memref<10000x128xf32, #tpu.memory_space<hbm>>) dst(%arg10 : memref<80x128xf32, #tpu.memory_space<vmem>>)
        %dma_wait3A_55 = arith.constant 0 : i32
        %dma_wait3A_56 = arith.constant 0 : i32
        %dma_wait3A_57 = tpu.memref_slice %arg2[%dma_wait3A_55, %dma_wait3A_56] : memref<10000x128xf32, #tpu.memory_space<hbm>> -> memref<10000x128xf32, #tpu.memory_space<hbm>>
        tpu.wait_indirect_dma semaphore(%arg16 : memref<!tpu.dma_semaphore, #tpu.memory_space<semaphore_mem>>) src(%dma_wait3A_57 : memref<10000x128xf32, #tpu.memory_space<hbm>>) dst(%arg12 : memref<80x128xf32, #tpu.memory_space<vmem>>)
        %scan3A_58 = arith.constant 0 : i32
        %scan3A_59 = arith.constant 0 : i32
        %scan3A_60 = arith.constant 80 : i32
        %scan3A_61 = arith.addi %scan3A_59, %scan3A_60 : i32
        %scan3A_62 = arith.constant 1 : i32
        %scan3A_63 = scf.for %scan3A_76 = %scan3A_59 to %scan3A_61 step %scan3A_62 iter_args(%scan3A_77 = %scan3A_58) -> (i32)  : i32 {
          %get3A = arith.index_cast %scan3A_76 : i32 to index
          %get3A_78 = arith.constant 0 : index
          %get3A_79 = tpu.vector_load %arg10[%get3A, %get3A_78] {strides = array<i32>} : memref<80x128xf32, #tpu.memory_space<vmem>>, vector<16xf32>,
          %get3A_80 = arith.index_cast %scan3A_76 : i32 to index
          %get3A_81 = arith.constant 0 : index
          %get3A_82 = tpu.vector_load %arg12[%get3A_80, %get3A_81] {strides = array<i32>} : memref<80x128xf32, #tpu.memory_space<vmem>>, vector<16xf32>,
          %add3A_83 = arith.addf %get3A_79, %get3A_82 : vector<16xf32>
          %swap3A = arith.index_cast %scan3A_76 : i32 to index
          %swap3A_84 = arith.constant 0 : index
          %swap3A_85 = tpu.vector_load %arg10[%swap3A, %swap3A_84] {strides = array<i32>} : memref<80x128xf32, #tpu.memory_space<vmem>>, vector<16xf32>,
          tpu.vector_store %arg10[%swap3A, %swap3A_84], %add3A_83 {strides = array<i32>} : memref<80x128xf32, #tpu.memory_space<vmem>>, vector<16xf32>,
          %get3A_86 = arith.index_cast %scan3A_76 : i32 to index
          %get3A_87 = arith.constant 16 : index
          %get3A_88 = tpu.vector_load %arg10[%get3A_86, %get3A_87] {strides = array<i32>} : memref<80x128xf32, #tpu.memory_space<vmem>>, vector<16xf32>,
          %get3A_89 = arith.index_cast %scan3A_76 : i32 to index
          %get3A_90 = arith.constant 16 : index
          %get3A_91 = tpu.vector_load %arg12[%get3A_89, %get3A_90] {strides = array<i32>} : memref<80x128xf32, #tpu.memory_space<vmem>>, vector<16xf32>,
          %add3A_92 = arith.addf %get3A_88, %get3A_91 : vector<16xf32>
          %swap3A_93 = arith.index_cast %scan3A_76 : i32 to index
          %swap3A_94 = arith.constant 16 : index
          %swap3A_95 = tpu.vector_load %arg10[%swap3A_93, %swap3A_94] {strides = array<i32>} : memref<80x128xf32, #tpu.memory_space<vmem>>, vector<16xf32>,
          tpu.vector_store %arg10[%swap3A_93, %swap3A_94], %add3A_92 {strides = array<i32>} : memref<80x128xf32, #tpu.memory_space<vmem>>, vector<16xf32>,
          %get3A_96 = arith.index_cast %scan3A_76 : i32 to index
          %get3A_97 = arith.constant 32 : index
          %get3A_98 = tpu.vector_load %arg10[%get3A_96, %get3A_97] {strides = array<i32>} : memref<80x128xf32, #tpu.memory_space<vmem>>, vector<16xf32>,
          %get3A_99 = arith.index_cast %scan3A_76 : i32 to index
          %get3A_100 = arith.constant 32 : index
          %get3A_101 = tpu.vector_load %arg12[%get3A_99, %get3A_100] {strides = array<i32>} : memref<80x128xf32, #tpu.memory_space<vmem>>, vector<16xf32>,
          %add3A_102 = arith.addf %get3A_98, %get3A_101 : vector<16xf32>
          %swap3A_103 = arith.index_cast %scan3A_76 : i32 to index
          %swap3A_104 = arith.constant 32 : index
          %swap3A_105 = tpu.vector_load %arg10[%swap3A_103, %swap3A_104] {strides = array<i32>} : memref<80x128xf32, #tpu.memory_space<vmem>>, vector<16xf32>,
          tpu.vector_store %arg10[%swap3A_103, %swap3A_104], %add3A_102 {strides = array<i32>} : memref<80x128xf32, #tpu.memory_space<vmem>>, vector<16xf32>,
          %get3A_106 = arith.index_cast %scan3A_76 : i32 to index
          %get3A_107 = arith.constant 48 : index
          %get3A_108 = tpu.vector_load %arg10[%get3A_106, %get3A_107] {strides = array<i32>} : memref<80x128xf32, #tpu.memory_space<vmem>>, vector<16xf32>,
          %get3A_109 = arith.index_cast %scan3A_76 : i32 to index
          %get3A_110 = arith.constant 48 : index
          %get3A_111 = tpu.vector_load %arg12[%get3A_109, %get3A_110] {strides = array<i32>} : memref<80x128xf32, #tpu.memory_space<vmem>>, vector<16xf32>,
          %add3A_112 = arith.addf %get3A_108, %get3A_111 : vector<16xf32>
          %swap3A_113 = arith.index_cast %scan3A_76 : i32 to index
          %swap3A_114 = arith.constant 48 : index
          %swap3A_115 = tpu.vector_load %arg10[%swap3A_113, %swap3A_114] {strides = array<i32>} : memref<80x128xf32, #tpu.memory_space<vmem>>, vector<16xf32>,
          tpu.vector_store %arg10[%swap3A_113, %swap3A_114], %add3A_112 {strides = array<i32>} : memref<80x128xf32, #tpu.memory_space<vmem>>, vector<16xf32>,
          %get3A_116 = arith.index_cast %scan3A_76 : i32 to index
          %get3A_117 = arith.constant 64 : index
          %get3A_118 = tpu.vector_load %arg10[%get3A_116, %get3A_117] {strides = array<i32>} : memref<80x128xf32, #tpu.memory_space<vmem>>, vector<16xf32>,
          %get3A_119 = arith.index_cast %scan3A_76 : i32 to index
          %get3A_120 = arith.constant 64 : index
          %get3A_121 = tpu.vector_load %arg12[%get3A_119, %get3A_120] {strides = array<i32>} : memref<80x128xf32, #tpu.memory_space<vmem>>, vector<16xf32>,
          %add3A_122 = arith.addf %get3A_118, %get3A_121 : vector<16xf32>
          %swap3A_123 = arith.index_cast %scan3A_76 : i32 to index
          %swap3A_124 = arith.constant 64 : index
          %swap3A_125 = tpu.vector_load %arg10[%swap3A_123, %swap3A_124] {strides = array<i32>} : memref<80x128xf32, #tpu.memory_space<vmem>>, vector<16xf32>,
          tpu.vector_store %arg10[%swap3A_123, %swap3A_124], %add3A_122 {strides = array<i32>} : memref<80x128xf32, #tpu.memory_space<vmem>>, vector<16xf32>,
          %get3A_126 = arith.index_cast %scan3A_76 : i32 to index
          %get3A_127 = arith.constant 80 : index
          %get3A_128 = tpu.vector_load %arg10[%get3A_126, %get3A_127] {strides = array<i32>} : memref<80x128xf32, #tpu.memory_space<vmem>>, vector<16xf32>,
          %get3A_129 = arith.index_cast %scan3A_76 : i32 to index
          %get3A_130 = arith.constant 80 : index
          %get3A_131 = tpu.vector_load %arg12[%get3A_129, %get3A_130] {strides = array<i32>} : memref<80x128xf32, #tpu.memory_space<vmem>>, vector<16xf32>,
          %add3A_132 = arith.addf %get3A_128, %get3A_131 : vector<16xf32>
          %swap3A_133 = arith.index_cast %scan3A_76 : i32 to index
          %swap3A_134 = arith.constant 80 : index
          %swap3A_135 = tpu.vector_load %arg10[%swap3A_133, %swap3A_134] {strides = array<i32>} : memref<80x128xf32, #tpu.memory_space<vmem>>, vector<16xf32>,
          tpu.vector_store %arg10[%swap3A_133, %swap3A_134], %add3A_132 {strides = array<i32>} : memref<80x128xf32, #tpu.memory_space<vmem>>, vector<16xf32>,
          %get3A_136 = arith.index_cast %scan3A_76 : i32 to index
          %get3A_137 = arith.constant 96 : index
          %get3A_138 = tpu.vector_load %arg10[%get3A_136, %get3A_137] {strides = array<i32>} : memref<80x128xf32, #tpu.memory_space<vmem>>, vector<16xf32>,
          %get3A_139 = arith.index_cast %scan3A_76 : i32 to index
          %get3A_140 = arith.constant 96 : index
          %get3A_141 = tpu.vector_load %arg12[%get3A_139, %get3A_140] {strides = array<i32>} : memref<80x128xf32, #tpu.memory_space<vmem>>, vector<16xf32>,
          %add3A_142 = arith.addf %get3A_138, %get3A_141 : vector<16xf32>
          %swap3A_143 = arith.index_cast %scan3A_76 : i32 to index
          %swap3A_144 = arith.constant 96 : index
          %swap3A_145 = tpu.vector_load %arg10[%swap3A_143, %swap3A_144] {strides = array<i32>} : memref<80x128xf32, #tpu.memory_space<vmem>>, vector<16xf32>,
          tpu.vector_store %arg10[%swap3A_143, %swap3A_144], %add3A_142 {strides = array<i32>} : memref<80x128xf32, #tpu.memory_space<vmem>>, vector<16xf32>,
          %get3A_146 = arith.index_cast %scan3A_76 : i32 to index
          %get3A_147 = arith.constant 112 : index
          %get3A_148 = tpu.vector_load %arg10[%get3A_146, %get3A_147] {strides = array<i32>} : memref<80x128xf32, #tpu.memory_space<vmem>>, vector<16xf32>,
          %get3A_149 = arith.index_cast %scan3A_76 : i32 to index
          %get3A_150 = arith.constant 112 : index
          %get3A_151 = tpu.vector_load %arg12[%get3A_149, %get3A_150] {strides = array<i32>} : memref<80x128xf32, #tpu.memory_space<vmem>>, vector<16xf32>,
          %add3A_152 = arith.addf %get3A_148, %get3A_151 : vector<16xf32>
          %swap3A_153 = arith.index_cast %scan3A_76 : i32 to index
          %swap3A_154 = arith.constant 112 : index
          %swap3A_155 = tpu.vector_load %arg10[%swap3A_153, %swap3A_154] {strides = array<i32>} : memref<80x128xf32, #tpu.memory_space<vmem>>, vector<16xf32>,
          tpu.vector_store %arg10[%swap3A_153, %swap3A_154], %add3A_152 {strides = array<i32>} : memref<80x128xf32, #tpu.memory_space<vmem>>, vector<16xf32>,
          %scan3A_156 = arith.constant 0 : i32
          scf.yield %scan3A_156 : i32
        }
        %scan3A_64 = arith.constant 80 : i32
        %dma_start3A_65 = arith.constant 0 : i32
        %dma_start3A_66 = tpu.memref_slice %arg5[%add3A_51, %dma_start3A_65] : memref<320000x128xf32, #tpu.memory_space<hbm>> -> memref<80x128xf32, #tpu.memory_space<hbm>>
        %dma_start3A_67 = arith.constant 0 : i32
        %dma_start3A_68 = tpu.memref_slice %arg5[%add3A_51, %dma_start3A_67] : memref<320000x128xf32, #tpu.memory_space<hbm>> -> memref<80x128xf32, #tpu.memory_space<hbm>>
        tpu.enqueue_dma source(%arg10 : memref<80x128xf32, #tpu.memory_space<vmem>>) target(%dma_start3A_68 : memref<80x128xf32, #tpu.memory_space<hbm>>) target_semaphore(%arg18 : memref<!tpu.dma_semaphore, #tpu.memory_space<semaphore_mem>>)
        %add3A_69 = arith.constant 2 : i32
        %add3A_70 = arith.addi %add3A_36, %add3A_69 : i32
        %lt3A_71 = arith.constant 125 : i32
        %lt3A_72 = arith.cmpi slt, %add3A_70, %lt3A_71 : i32
        %convert_element_type3A_73 = arith.extui %lt3A_72 : i1 to i32
        %cond3A_74 = arith.constant 0 : i32
        %cond3A_75 = arith.cmpi ne, %convert_element_type3A_73, %cond3A_74 : i32
        scf.if %cond3A_75 {
          %dma_wait3A_76 = arith.constant 0 : i32
          %dma_wait3A_77 = tpu.memref_slice %arg5[%mul3A_2, %dma_wait3A_76] : memref<320000x128xf32, #tpu.memory_space<hbm>> -> memref<80x128xf32, #tpu.memory_space<hbm>>
          %dma_wait3A_78 = arith.constant 0 : i32
          %dma_wait3A_79 = tpu.memref_slice %arg5[%mul3A_2, %dma_wait3A_78] : memref<320000x128xf32, #tpu.memory_space<hbm>> -> memref<80x128xf32, #tpu.memory_space<hbm>>
          tpu.wait_dma2 semaphore(%arg18 : memref<!tpu.dma_semaphore, #tpu.memory_space<semaphore_mem>>) src(%arg10 : memref<80x128xf32, #tpu.memory_space<vmem>>) dst(%dma_wait3A_79 : memref<80x128xf32, #tpu.memory_space<hbm>>)
          %add3A_80 = arith.constant 2 : i32
          %add3A_81 = arith.addi %add3A_36, %add3A_80 : i32
          %mul3A_82 = arith.constant 80 : i32
          %mul3A_83 = arith.muli %add3A_81, %mul3A_82 : i32
          %add3A_84 = arith.addi %mul3A_2, %mul3A_83 : i32
          "tpu.region"() ({
            %run_scoped3A = tpu.sem_alloc : memref<!tpu.dma_semaphore, #tpu.memory_space<semaphore_mem>>
            %dma_start3A_91 = tpu.memref_slice %arg3[%add3A_84] : memref<320000xi32, #tpu.memory_space<hbm>> -> memref<80xi32, #tpu.memory_space<hbm>>
            %dma_start3A_92 = tpu.memref_slice %arg3[%add3A_84] : memref<320000xi32, #tpu.memory_space<hbm>> -> memref<80xi32, #tpu.memory_space<hbm>>
            tpu.enqueue_dma source(%dma_start3A_92 : memref<80xi32, #tpu.memory_space<hbm>>) target(%arg6 : memref<80xi32, #tpu.memory_space<vmem>>) target_semaphore(%run_scoped3A : memref<!tpu.dma_semaphore, #tpu.memory_space<semaphore_mem>>)
            %dma_wait3A_93 = tpu.memref_slice %arg3[%add3A_84] : memref<320000xi32, #tpu.memory_space<hbm>> -> memref<80xi32, #tpu.memory_space<hbm>>
            %dma_wait3A_94 = tpu.memref_slice %arg3[%add3A_84] : memref<320000xi32, #tpu.memory_space<hbm>> -> memref<80xi32, #tpu.memory_space<hbm>>
            tpu.wait_dma2 semaphore(%run_scoped3A : memref<!tpu.dma_semaphore, #tpu.memory_space<semaphore_mem>>) src(%dma_wait3A_94 : memref<80xi32, #tpu.memory_space<hbm>>) dst(%arg6 : memref<80xi32, #tpu.memory_space<vmem>>)
            tpu.yield
          }) : () -> ()
          "tpu.region"() ({
            %run_scoped3A = tpu.sem_alloc : memref<!tpu.dma_semaphore, #tpu.memory_space<semaphore_mem>>
            %dma_start3A_91 = tpu.memref_slice %arg4[%add3A_84] : memref<320000xi32, #tpu.memory_space<hbm>> -> memref<80xi32, #tpu.memory_space<hbm>>
            %dma_start3A_92 = tpu.memref_slice %arg4[%add3A_84] : memref<320000xi32, #tpu.memory_space<hbm>> -> memref<80xi32, #tpu.memory_space<hbm>>
            tpu.enqueue_dma source(%dma_start3A_92 : memref<80xi32, #tpu.memory_space<hbm>>) target(%arg8 : memref<80xi32, #tpu.memory_space<vmem>>) target_semaphore(%run_scoped3A : memref<!tpu.dma_semaphore, #tpu.memory_space<semaphore_mem>>)
            %dma_wait3A_93 = tpu.memref_slice %arg4[%add3A_84] : memref<320000xi32, #tpu.memory_space<hbm>> -> memref<80xi32, #tpu.memory_space<hbm>>
            %dma_wait3A_94 = tpu.memref_slice %arg4[%add3A_84] : memref<320000xi32, #tpu.memory_space<hbm>> -> memref<80xi32, #tpu.memory_space<hbm>>
            tpu.wait_dma2 semaphore(%run_scoped3A : memref<!tpu.dma_semaphore, #tpu.memory_space<semaphore_mem>>) src(%dma_wait3A_94 : memref<80xi32, #tpu.memory_space<hbm>>) dst(%arg8 : memref<80xi32, #tpu.memory_space<vmem>>)
            tpu.yield
          }) : () -> ()
          %dma_start3A_85 = arith.constant 0 : i32
          %dma_start3A_86 = arith.constant 0 : i32
          %dma_start3A_87 = tpu.memref_slice %arg2[%dma_start3A_85, %dma_start3A_86] : memref<10000x128xf32, #tpu.memory_space<hbm>> -> memref<10000x128xf32, #tpu.memory_space<hbm>>
          tpu.enqueue_indirect_dma source(%dma_start3A_87 : memref<10000x128xf32, #tpu.memory_space<hbm>>) target(%arg10 : memref<80x128xf32, #tpu.memory_space<vmem>>) offsets(%arg6 : memref<80xi32, #tpu.memory_space<vmem>>) semaphore(%arg14 : memref<!tpu.dma_semaphore, #tpu.memory_space<semaphore_mem>>)
          %dma_start3A_88 = arith.constant 0 : i32
          %dma_start3A_89 = arith.constant 0 : i32
          %dma_start3A_90 = tpu.memref_slice %arg2[%dma_start3A_88, %dma_start3A_89] : memref<10000x128xf32, #tpu.memory_space<hbm>> -> memref<10000x128xf32, #tpu.memory_space<hbm>>
          tpu.enqueue_indirect_dma source(%dma_start3A_90 : memref<10000x128xf32, #tpu.memory_space<hbm>>) target(%arg12 : memref<80x128xf32, #tpu.memory_space<vmem>>) offsets(%arg8 : memref<80xi32, #tpu.memory_space<vmem>>) semaphore(%arg16 : memref<!tpu.dma_semaphore, #tpu.memory_space<semaphore_mem>>)
        } else {
        }
      } else {
      }
      %mul3A_39 = arith.constant 2 : i32
      %mul3A_40 = arith.muli %mul3A_39, %scan3A_31 : i32
      %add3A_41 = arith.constant 1 : i32
      %add3A_42 = arith.addi %mul3A_40, %add3A_41 : i32
      %lt3A_43 = arith.constant 125 : i32
      %lt3A_44 = arith.cmpi slt, %add3A_42, %lt3A_43 : i32
      %convert_element_type3A_45 = arith.extui %lt3A_44 : i1 to i32
      %cond3A_46 = arith.constant 0 : i32
      %cond3A_47 = arith.cmpi ne, %convert_element_type3A_45, %cond3A_46 : i32
      scf.if %cond3A_47 {
        %mul3A_49 = arith.constant 80 : i32
        %mul3A_50 = arith.muli %add3A_42, %mul3A_49 : i32
        %add3A_51 = arith.addi %mul3A_2, %mul3A_50 : i32
        %dma_wait3A_52 = arith.constant 0 : i32
        %dma_wait3A_53 = arith.constant 0 : i32
        %dma_wait3A_54 = tpu.memref_slice %arg2[%dma_wait3A_52, %dma_wait3A_53] : memref<10000x128xf32, #tpu.memory_space<hbm>> -> memref<10000x128xf32, #tpu.memory_space<hbm>>
        tpu.wait_indirect_dma semaphore(%arg15 : memref<!tpu.dma_semaphore, #tpu.memory_space<semaphore_mem>>) src(%dma_wait3A_54 : memref<10000x128xf32, #tpu.memory_space<hbm>>) dst(%arg11 : memref<80x128xf32, #tpu.memory_space<vmem>>)
        %dma_wait3A_55 = arith.constant 0 : i32
        %dma_wait3A_56 = arith.constant 0 : i32
        %dma_wait3A_57 = tpu.memref_slice %arg2[%dma_wait3A_55, %dma_wait3A_56] : memref<10000x128xf32, #tpu.memory_space<hbm>> -> memref<10000x128xf32, #tpu.memory_space<hbm>>
        tpu.wait_indirect_dma semaphore(%arg17 : memref<!tpu.dma_semaphore, #tpu.memory_space<semaphore_mem>>) src(%dma_wait3A_57 : memref<10000x128xf32, #tpu.memory_space<hbm>>) dst(%arg13 : memref<80x128xf32, #tpu.memory_space<vmem>>)
        %scan3A_58 = arith.constant 0 : i32
        %scan3A_59 = arith.constant 0 : i32
        %scan3A_60 = arith.constant 80 : i32
        %scan3A_61 = arith.addi %scan3A_59, %scan3A_60 : i32
        %scan3A_62 = arith.constant 1 : i32
        %scan3A_63 = scf.for %scan3A_76 = %scan3A_59 to %scan3A_61 step %scan3A_62 iter_args(%scan3A_77 = %scan3A_58) -> (i32)  : i32 {
          %get3A = arith.index_cast %scan3A_76 : i32 to index
          %get3A_78 = arith.constant 0 : index
          %get3A_79 = tpu.vector_load %arg11[%get3A, %get3A_78] {strides = array<i32>} : memref<80x128xf32, #tpu.memory_space<vmem>>, vector<16xf32>,
          %get3A_80 = arith.index_cast %scan3A_76 : i32 to index
          %get3A_81 = arith.constant 0 : index
          %get3A_82 = tpu.vector_load %arg13[%get3A_80, %get3A_81] {strides = array<i32>} : memref<80x128xf32, #tpu.memory_space<vmem>>, vector<16xf32>,
          %add3A_83 = arith.addf %get3A_79, %get3A_82 : vector<16xf32>
          %swap3A = arith.index_cast %scan3A_76 : i32 to index
          %swap3A_84 = arith.constant 0 : index
          %swap3A_85 = tpu.vector_load %arg11[%swap3A, %swap3A_84] {strides = array<i32>} : memref<80x128xf32, #tpu.memory_space<vmem>>, vector<16xf32>,
          tpu.vector_store %arg11[%swap3A, %swap3A_84], %add3A_83 {strides = array<i32>} : memref<80x128xf32, #tpu.memory_space<vmem>>, vector<16xf32>,
          %get3A_86 = arith.index_cast %scan3A_76 : i32 to index
          %get3A_87 = arith.constant 16 : index
          %get3A_88 = tpu.vector_load %arg11[%get3A_86, %get3A_87] {strides = array<i32>} : memref<80x128xf32, #tpu.memory_space<vmem>>, vector<16xf32>,
          %get3A_89 = arith.index_cast %scan3A_76 : i32 to index
          %get3A_90 = arith.constant 16 : index
          %get3A_91 = tpu.vector_load %arg13[%get3A_89, %get3A_90] {strides = array<i32>} : memref<80x128xf32, #tpu.memory_space<vmem>>, vector<16xf32>,
          %add3A_92 = arith.addf %get3A_88, %get3A_91 : vector<16xf32>
          %swap3A_93 = arith.index_cast %scan3A_76 : i32 to index
          %swap3A_94 = arith.constant 16 : index
          %swap3A_95 = tpu.vector_load %arg11[%swap3A_93, %swap3A_94] {strides = array<i32>} : memref<80x128xf32, #tpu.memory_space<vmem>>, vector<16xf32>,
          tpu.vector_store %arg11[%swap3A_93, %swap3A_94], %add3A_92 {strides = array<i32>} : memref<80x128xf32, #tpu.memory_space<vmem>>, vector<16xf32>,
          %get3A_96 = arith.index_cast %scan3A_76 : i32 to index
          %get3A_97 = arith.constant 32 : index
          %get3A_98 = tpu.vector_load %arg11[%get3A_96, %get3A_97] {strides = array<i32>} : memref<80x128xf32, #tpu.memory_space<vmem>>, vector<16xf32>,
          %get3A_99 = arith.index_cast %scan3A_76 : i32 to index
          %get3A_100 = arith.constant 32 : index
          %get3A_101 = tpu.vector_load %arg13[%get3A_99, %get3A_100] {strides = array<i32>} : memref<80x128xf32, #tpu.memory_space<vmem>>, vector<16xf32>,
          %add3A_102 = arith.addf %get3A_98, %get3A_101 : vector<16xf32>
          %swap3A_103 = arith.index_cast %scan3A_76 : i32 to index
          %swap3A_104 = arith.constant 32 : index
          %swap3A_105 = tpu.vector_load %arg11[%swap3A_103, %swap3A_104] {strides = array<i32>} : memref<80x128xf32, #tpu.memory_space<vmem>>, vector<16xf32>,
          tpu.vector_store %arg11[%swap3A_103, %swap3A_104], %add3A_102 {strides = array<i32>} : memref<80x128xf32, #tpu.memory_space<vmem>>, vector<16xf32>,
          %get3A_106 = arith.index_cast %scan3A_76 : i32 to index
          %get3A_107 = arith.constant 48 : index
          %get3A_108 = tpu.vector_load %arg11[%get3A_106, %get3A_107] {strides = array<i32>} : memref<80x128xf32, #tpu.memory_space<vmem>>, vector<16xf32>,
          %get3A_109 = arith.index_cast %scan3A_76 : i32 to index
          %get3A_110 = arith.constant 48 : index
          %get3A_111 = tpu.vector_load %arg13[%get3A_109, %get3A_110] {strides = array<i32>} : memref<80x128xf32, #tpu.memory_space<vmem>>, vector<16xf32>,
          %add3A_112 = arith.addf %get3A_108, %get3A_111 : vector<16xf32>
          %swap3A_113 = arith.index_cast %scan3A_76 : i32 to index
          %swap3A_114 = arith.constant 48 : index
          %swap3A_115 = tpu.vector_load %arg11[%swap3A_113, %swap3A_114] {strides = array<i32>} : memref<80x128xf32, #tpu.memory_space<vmem>>, vector<16xf32>,
          tpu.vector_store %arg11[%swap3A_113, %swap3A_114], %add3A_112 {strides = array<i32>} : memref<80x128xf32, #tpu.memory_space<vmem>>, vector<16xf32>,
          %get3A_116 = arith.index_cast %scan3A_76 : i32 to index
          %get3A_117 = arith.constant 64 : index
          %get3A_118 = tpu.vector_load %arg11[%get3A_116, %get3A_117] {strides = array<i32>} : memref<80x128xf32, #tpu.memory_space<vmem>>, vector<16xf32>,
          %get3A_119 = arith.index_cast %scan3A_76 : i32 to index
          %get3A_120 = arith.constant 64 : index
          %get3A_121 = tpu.vector_load %arg13[%get3A_119, %get3A_120] {strides = array<i32>} : memref<80x128xf32, #tpu.memory_space<vmem>>, vector<16xf32>,
          %add3A_122 = arith.addf %get3A_118, %get3A_121 : vector<16xf32>
          %swap3A_123 = arith.index_cast %scan3A_76 : i32 to index
          %swap3A_124 = arith.constant 64 : index
          %swap3A_125 = tpu.vector_load %arg11[%swap3A_123, %swap3A_124] {strides = array<i32>} : memref<80x128xf32, #tpu.memory_space<vmem>>, vector<16xf32>,
          tpu.vector_store %arg11[%swap3A_123, %swap3A_124], %add3A_122 {strides = array<i32>} : memref<80x128xf32, #tpu.memory_space<vmem>>, vector<16xf32>,
          %get3A_126 = arith.index_cast %scan3A_76 : i32 to index
          %get3A_127 = arith.constant 80 : index
          %get3A_128 = tpu.vector_load %arg11[%get3A_126, %get3A_127] {strides = array<i32>} : memref<80x128xf32, #tpu.memory_space<vmem>>, vector<16xf32>,
          %get3A_129 = arith.index_cast %scan3A_76 : i32 to index
          %get3A_130 = arith.constant 80 : index
          %get3A_131 = tpu.vector_load %arg13[%get3A_129, %get3A_130] {strides = array<i32>} : memref<80x128xf32, #tpu.memory_space<vmem>>, vector<16xf32>,
          %add3A_132 = arith.addf %get3A_128, %get3A_131 : vector<16xf32>
          %swap3A_133 = arith.index_cast %scan3A_76 : i32 to index
          %swap3A_134 = arith.constant 80 : index
          %swap3A_135 = tpu.vector_load %arg11[%swap3A_133, %swap3A_134] {strides = array<i32>} : memref<80x128xf32, #tpu.memory_space<vmem>>, vector<16xf32>,
          tpu.vector_store %arg11[%swap3A_133, %swap3A_134], %add3A_132 {strides = array<i32>} : memref<80x128xf32, #tpu.memory_space<vmem>>, vector<16xf32>,
          %get3A_136 = arith.index_cast %scan3A_76 : i32 to index
          %get3A_137 = arith.constant 96 : index
          %get3A_138 = tpu.vector_load %arg11[%get3A_136, %get3A_137] {strides = array<i32>} : memref<80x128xf32, #tpu.memory_space<vmem>>, vector<16xf32>,
          %get3A_139 = arith.index_cast %scan3A_76 : i32 to index
          %get3A_140 = arith.constant 96 : index
          %get3A_141 = tpu.vector_load %arg13[%get3A_139, %get3A_140] {strides = array<i32>} : memref<80x128xf32, #tpu.memory_space<vmem>>, vector<16xf32>,
          %add3A_142 = arith.addf %get3A_138, %get3A_141 : vector<16xf32>
          %swap3A_143 = arith.index_cast %scan3A_76 : i32 to index
          %swap3A_144 = arith.constant 96 : index
          %swap3A_145 = tpu.vector_load %arg11[%swap3A_143, %swap3A_144] {strides = array<i32>} : memref<80x128xf32, #tpu.memory_space<vmem>>, vector<16xf32>,
          tpu.vector_store %arg11[%swap3A_143, %swap3A_144], %add3A_142 {strides = array<i32>} : memref<80x128xf32, #tpu.memory_space<vmem>>, vector<16xf32>,
          %get3A_146 = arith.index_cast %scan3A_76 : i32 to index
          %get3A_147 = arith.constant 112 : index
          %get3A_148 = tpu.vector_load %arg11[%get3A_146, %get3A_147] {strides = array<i32>} : memref<80x128xf32, #tpu.memory_space<vmem>>, vector<16xf32>,
          %get3A_149 = arith.index_cast %scan3A_76 : i32 to index
          %get3A_150 = arith.constant 112 : index
          %get3A_151 = tpu.vector_load %arg13[%get3A_149, %get3A_150] {strides = array<i32>} : memref<80x128xf32, #tpu.memory_space<vmem>>, vector<16xf32>,
          %add3A_152 = arith.addf %get3A_148, %get3A_151 : vector<16xf32>
          %swap3A_153 = arith.index_cast %scan3A_76 : i32 to index
          %swap3A_154 = arith.constant 112 : index
          %swap3A_155 = tpu.vector_load %arg11[%swap3A_153, %swap3A_154] {strides = array<i32>} : memref<80x128xf32, #tpu.memory_space<vmem>>, vector<16xf32>,
          tpu.vector_store %arg11[%swap3A_153, %swap3A_154], %add3A_152 {strides = array<i32>} : memref<80x128xf32, #tpu.memory_space<vmem>>, vector<16xf32>,
          %scan3A_156 = arith.constant 0 : i32
          scf.yield %scan3A_156 : i32
        }
        %scan3A_64 = arith.constant 80 : i32
        %dma_start3A_65 = arith.constant 0 : i32
        %dma_start3A_66 = tpu.memref_slice %arg5[%add3A_51, %dma_start3A_65] : memref<320000x128xf32, #tpu.memory_space<hbm>> -> memref<80x128xf32, #tpu.memory_space<hbm>>
        %dma_start3A_67 = arith.constant 0 : i32
        %dma_start3A_68 = tpu.memref_slice %arg5[%add3A_51, %dma_start3A_67] : memref<320000x128xf32, #tpu.memory_space<hbm>> -> memref<80x128xf32, #tpu.memory_space<hbm>>
        tpu.enqueue_dma source(%arg11 : memref<80x128xf32, #tpu.memory_space<vmem>>) target(%dma_start3A_68 : memref<80x128xf32, #tpu.memory_space<hbm>>) target_semaphore(%arg19 : memref<!tpu.dma_semaphore, #tpu.memory_space<semaphore_mem>>)
        %add3A_69 = arith.constant 2 : i32
        %add3A_70 = arith.addi %add3A_42, %add3A_69 : i32
        %lt3A_71 = arith.constant 125 : i32
        %lt3A_72 = arith.cmpi slt, %add3A_70, %lt3A_71 : i32
        %convert_element_type3A_73 = arith.extui %lt3A_72 : i1 to i32
        %cond3A_74 = arith.constant 0 : i32
        %cond3A_75 = arith.cmpi ne, %convert_element_type3A_73, %cond3A_74 : i32
        scf.if %cond3A_75 {
          %dma_wait3A_76 = arith.constant 0 : i32
          %dma_wait3A_77 = tpu.memref_slice %arg5[%mul3A_2, %dma_wait3A_76] : memref<320000x128xf32, #tpu.memory_space<hbm>> -> memref<80x128xf32, #tpu.memory_space<hbm>>
          %dma_wait3A_78 = arith.constant 0 : i32
          %dma_wait3A_79 = tpu.memref_slice %arg5[%mul3A_2, %dma_wait3A_78] : memref<320000x128xf32, #tpu.memory_space<hbm>> -> memref<80x128xf32, #tpu.memory_space<hbm>>
          tpu.wait_dma2 semaphore(%arg19 : memref<!tpu.dma_semaphore, #tpu.memory_space<semaphore_mem>>) src(%arg11 : memref<80x128xf32, #tpu.memory_space<vmem>>) dst(%dma_wait3A_79 : memref<80x128xf32, #tpu.memory_space<hbm>>)
          %add3A_80 = arith.constant 2 : i32
          %add3A_81 = arith.addi %add3A_42, %add3A_80 : i32
          %mul3A_82 = arith.constant 80 : i32
          %mul3A_83 = arith.muli %add3A_81, %mul3A_82 : i32
          %add3A_84 = arith.addi %mul3A_2, %mul3A_83 : i32
          "tpu.region"() ({
            %run_scoped3A = tpu.sem_alloc : memref<!tpu.dma_semaphore, #tpu.memory_space<semaphore_mem>>
            %dma_start3A_91 = tpu.memref_slice %arg3[%add3A_84] : memref<320000xi32, #tpu.memory_space<hbm>> -> memref<80xi32, #tpu.memory_space<hbm>>
            %dma_start3A_92 = tpu.memref_slice %arg3[%add3A_84] : memref<320000xi32, #tpu.memory_space<hbm>> -> memref<80xi32, #tpu.memory_space<hbm>>
            tpu.enqueue_dma source(%dma_start3A_92 : memref<80xi32, #tpu.memory_space<hbm>>) target(%arg7 : memref<80xi32, #tpu.memory_space<vmem>>) target_semaphore(%run_scoped3A : memref<!tpu.dma_semaphore, #tpu.memory_space<semaphore_mem>>)
            %dma_wait3A_93 = tpu.memref_slice %arg3[%add3A_84] : memref<320000xi32, #tpu.memory_space<hbm>> -> memref<80xi32, #tpu.memory_space<hbm>>
            %dma_wait3A_94 = tpu.memref_slice %arg3[%add3A_84] : memref<320000xi32, #tpu.memory_space<hbm>> -> memref<80xi32, #tpu.memory_space<hbm>>
            tpu.wait_dma2 semaphore(%run_scoped3A : memref<!tpu.dma_semaphore, #tpu.memory_space<semaphore_mem>>) src(%dma_wait3A_94 : memref<80xi32, #tpu.memory_space<hbm>>) dst(%arg7 : memref<80xi32, #tpu.memory_space<vmem>>)
            tpu.yield
          }) : () -> ()
          "tpu.region"() ({
            %run_scoped3A = tpu.sem_alloc : memref<!tpu.dma_semaphore, #tpu.memory_space<semaphore_mem>>
            %dma_start3A_91 = tpu.memref_slice %arg4[%add3A_84] : memref<320000xi32, #tpu.memory_space<hbm>> -> memref<80xi32, #tpu.memory_space<hbm>>
            %dma_start3A_92 = tpu.memref_slice %arg4[%add3A_84] : memref<320000xi32, #tpu.memory_space<hbm>> -> memref<80xi32, #tpu.memory_space<hbm>>
            tpu.enqueue_dma source(%dma_start3A_92 : memref<80xi32, #tpu.memory_space<hbm>>) target(%arg9 : memref<80xi32, #tpu.memory_space<vmem>>) target_semaphore(%run_scoped3A : memref<!tpu.dma_semaphore, #tpu.memory_space<semaphore_mem>>)
            %dma_wait3A_93 = tpu.memref_slice %arg4[%add3A_84] : memref<320000xi32, #tpu.memory_space<hbm>> -> memref<80xi32, #tpu.memory_space<hbm>>
            %dma_wait3A_94 = tpu.memref_slice %arg4[%add3A_84] : memref<320000xi32, #tpu.memory_space<hbm>> -> memref<80xi32, #tpu.memory_space<hbm>>
            tpu.wait_dma2 semaphore(%run_scoped3A : memref<!tpu.dma_semaphore, #tpu.memory_space<semaphore_mem>>) src(%dma_wait3A_94 : memref<80xi32, #tpu.memory_space<hbm>>) dst(%arg9 : memref<80xi32, #tpu.memory_space<vmem>>)
            tpu.yield
          }) : () -> ()
          %dma_start3A_85 = arith.constant 0 : i32
          %dma_start3A_86 = arith.constant 0 : i32
          %dma_start3A_87 = tpu.memref_slice %arg2[%dma_start3A_85, %dma_start3A_86] : memref<10000x128xf32, #tpu.memory_space<hbm>> -> memref<10000x128xf32, #tpu.memory_space<hbm>>
          tpu.enqueue_indirect_dma source(%dma_start3A_87 : memref<10000x128xf32, #tpu.memory_space<hbm>>) target(%arg11 : memref<80x128xf32, #tpu.memory_space<vmem>>) offsets(%arg7 : memref<80xi32, #tpu.memory_space<vmem>>) semaphore(%arg15 : memref<!tpu.dma_semaphore, #tpu.memory_space<semaphore_mem>>)
          %dma_start3A_88 = arith.constant 0 : i32
          %dma_start3A_89 = arith.constant 0 : i32
          %dma_start3A_90 = tpu.memref_slice %arg2[%dma_start3A_88, %dma_start3A_89] : memref<10000x128xf32, #tpu.memory_space<hbm>> -> memref<10000x128xf32, #tpu.memory_space<hbm>>
          tpu.enqueue_indirect_dma source(%dma_start3A_90 : memref<10000x128xf32, #tpu.memory_space<hbm>>) target(%arg13 : memref<80x128xf32, #tpu.memory_space<vmem>>) offsets(%arg9 : memref<80xi32, #tpu.memory_space<vmem>>) semaphore(%arg17 : memref<!tpu.dma_semaphore, #tpu.memory_space<semaphore_mem>>)
        } else {
        }
      } else {
      }
      %scan3A_48 = arith.constant 0 : i32
      scf.yield %scan3A_48 : i32
    }
    %scan3A_23 = arith.constant 63 : i32
    %dma_wait3A = arith.constant 0 : i32
    %dma_wait3A_24 = tpu.memref_slice %arg5[%mul3A_2, %dma_wait3A] : memref<320000x128xf32, #tpu.memory_space<hbm>> -> memref<80x128xf32, #tpu.memory_space<hbm>>
    %dma_wait3A_25 = arith.constant 0 : i32
    %dma_wait3A_26 = tpu.memref_slice %arg5[%mul3A_2, %dma_wait3A_25] : memref<320000x128xf32, #tpu.memory_space<hbm>> -> memref<80x128xf32, #tpu.memory_space<hbm>>
    tpu.wait_dma2 semaphore(%arg18 : memref<!tpu.dma_semaphore, #tpu.memory_space<semaphore_mem>>) src(%arg10 : memref<80x128xf32, #tpu.memory_space<vmem>>) dst(%dma_wait3A_26 : memref<80x128xf32, #tpu.memory_space<hbm>>)
    %dma_wait3A_27 = arith.constant 0 : i32
    %dma_wait3A_28 = tpu.memref_slice %arg5[%mul3A_2, %dma_wait3A_27] : memref<320000x128xf32, #tpu.memory_space<hbm>> -> memref<80x128xf32, #tpu.memory_space<hbm>>
    %dma_wait3A_29 = arith.constant 0 : i32
    %dma_wait3A_30 = tpu.memref_slice %arg5[%mul3A_2, %dma_wait3A_29] : memref<320000x128xf32, #tpu.memory_space<hbm>> -> memref<80x128xf32, #tpu.memory_space<hbm>>
    tpu.wait_dma2 semaphore(%arg19 : memref<!tpu.dma_semaphore, #tpu.memory_space<semaphore_mem>>) src(%arg11 : memref<80x128xf32, #tpu.memory_space<vmem>>) dst(%dma_wait3A_30 : memref<80x128xf32, #tpu.memory_space<hbm>>)
    return
  }
}

module attributes {stable_mosaic.version = 14 : i64} {
  func.func @_tc_build_body(%arg0: i32, %arg1: memref<2000x1xf32, #tpu.memory_space<vmem>>, %arg2: memref<2000x1xi32, #tpu.memory_space<vmem>>, %arg3: memref<1x64xf32, #tpu.memory_space<vmem>>, %arg4: memref<1x64xf32, #tpu.memory_space<vmem>>, %arg5: memref<9x64xf32, #tpu.memory_space<vmem>>, %arg6: memref<2000x128xf32, #tpu.memory_space<vmem>>) attributes {dimension_semantics = [#tpu.dimension_semantics<arbitrary>], iteration_bounds = array<i64: 5>, scalar_prefetch = 0 : i64, scratch_operands = 0 : i64, tpu.core_type = #tpu.core_type<tc>, window_params = [{transform_indices = @transform_0, window_bounds = array<i64: 2000, 1>}, {transform_indices = @transform_1, window_bounds = array<i64: 2000, 1>}, {pipeline_mode = #tpu.pipeline_mode<synchronous>, transform_indices = @transform_2, window_bounds = array<i64: 1, 64>}, {pipeline_mode = #tpu.pipeline_mode<synchronous>, transform_indices = @transform_3, window_bounds = array<i64: 1, 64>}, {pipeline_mode = #tpu.pipeline_mode<synchronous>, transform_indices = @transform_4, window_bounds = array<i64: 9, 64>}, {transform_indices = @transform_5, window_bounds = array<i64: 2000, 128>}]} {
    %get3A = arith.constant 0 : index
    %get3A_0 = arith.constant 0 : index
    %get3A_1 = vector.load %arg2[%get3A, %get3A_0] : memref<2000x1xi32, #tpu.memory_space<vmem>>, vector<2000x1xi32>
    %iota3A = tpu.iota {dimensions = array<i32: 1>} : vector<1x9xi32>
    %eq3A = vector.broadcast %get3A_1 : vector<2000x1xi32> to vector<2000x9xi32>
    %eq3A_2 = vector.broadcast %iota3A : vector<1x9xi32> to vector<2000x9xi32>
    %eq3A_3 = arith.cmpi eq, %eq3A, %eq3A_2 : vector<2000x9xi32>
    %convert_element_type3A = arith.extui %eq3A_3 : vector<2000x9xi1> to vector<2000x9xi32>
    %convert_element_type3A_4 = arith.sitofp %convert_element_type3A : vector<2000x9xi32> to vector<2000x9xf32>
    %get3A_5 = arith.constant 0 : index
    %get3A_6 = arith.constant 0 : index
    %get3A_7 = vector.load %arg1[%get3A_5, %get3A_6] : memref<2000x1xf32, #tpu.memory_space<vmem>>, vector<2000x1xf32>
    %get3A_8 = arith.constant 0 : index
    %get3A_9 = arith.constant 0 : index
    %get3A_10 = vector.load %arg3[%get3A_8, %get3A_9] : memref<1x64xf32, #tpu.memory_space<vmem>>, vector<1x64xf32>
    %mul3A = vector.broadcast %get3A_7 : vector<2000x1xf32> to vector<2000x64xf32>
    %mul3A_11 = vector.broadcast %get3A_10 : vector<1x64xf32> to vector<2000x64xf32>
    %mul3A_12 = arith.mulf %mul3A, %mul3A_11 : vector<2000x64xf32>
    %get3A_13 = arith.constant 0 : index
    %get3A_14 = arith.constant 0 : index
    %get3A_15 = vector.load %arg4[%get3A_13, %get3A_14] : memref<1x64xf32, #tpu.memory_space<vmem>>, vector<1x64xf32>
    %add3A = vector.broadcast %get3A_15 : vector<1x64xf32> to vector<2000x64xf32>
    %add3A_16 = arith.addf %mul3A_12, %add3A : vector<2000x64xf32>
    %swap3A = arith.constant 0 : index
    %swap3A_17 = arith.constant 0 : index
    %swap3A_18 = vector.load %arg6[%swap3A, %swap3A_17] : memref<2000x128xf32, #tpu.memory_space<vmem>>, vector<2000x64xf32>
    tpu.vector_store %arg6[%swap3A, %swap3A_17], %add3A_16 {strides = array<i32>} : memref<2000x128xf32, #tpu.memory_space<vmem>>, vector<2000x64xf32>,
    %get3A_19 = arith.constant 0 : index
    %get3A_20 = arith.constant 0 : index
    %get3A_21 = vector.load %arg5[%get3A_19, %get3A_20] : memref<9x64xf32, #tpu.memory_space<vmem>>, vector<9x64xf32>
    %dot_general3A = arith.constant dense<0.000000e+00> : vector<2000x64xf32>
    %dot_general3A_22 = tpu.matmul %convert_element_type3A_4, %get3A_21, %dot_general3A {dimension_numbers = #tpu.dot_dimension_numbers<[1], [0], [0], [1], [0, 0, 1, 1], [], []>, precision = #tpu.contract_precision<fp32>, transpose_lhs_hint = false} : vector<2000x9xf32>, vector<9x64xf32>, vector<2000x64xf32> -> vector<2000x64xf32>
    %swap3A_23 = arith.constant 0 : index
    %swap3A_24 = arith.constant 64 : index
    %swap3A_25 = vector.load %arg6[%swap3A_23, %swap3A_24] : memref<2000x128xf32, #tpu.memory_space<vmem>>, vector<2000x64xf32>
    tpu.vector_store %arg6[%swap3A_23, %swap3A_24], %dot_general3A_22 {strides = array<i32>} : memref<2000x128xf32, #tpu.memory_space<vmem>>, vector<2000x64xf32>,
    return
  }
  func.func @transform_0(%arg0: i32) -> (i32, i32) {
    %c0_i32 = arith.constant 0 : i32
    %c0_i32_0 = arith.constant 0 : i32
    return %arg0, %c0_i32 : i32, i32
  }
  func.func @transform_1(%arg0: i32) -> (i32, i32) {
    %c0_i32 = arith.constant 0 : i32
    %c0_i32_0 = arith.constant 0 : i32
    return %arg0, %c0_i32 : i32, i32
  }
  func.func @transform_2(%arg0: i32) -> (i32, i32) {
    %c0_i32 = arith.constant 0 : i32
    %c0_i32_0 = arith.constant 0 : i32
    %c0_i32_1 = arith.constant 0 : i32
    return %c0_i32, %c0_i32_0 : i32, i32
  }
  func.func @transform_3(%arg0: i32) -> (i32, i32) {
    %c0_i32 = arith.constant 0 : i32
    %c0_i32_0 = arith.constant 0 : i32
    %c0_i32_1 = arith.constant 0 : i32
    return %c0_i32, %c0_i32_0 : i32, i32
  }
  func.func @transform_4(%arg0: i32) -> (i32, i32) {
    %c0_i32 = arith.constant 0 : i32
    %c0_i32_0 = arith.constant 0 : i32
    %c0_i32_1 = arith.constant 0 : i32
    return %c0_i32, %c0_i32_0 : i32, i32
  }
  func.func @transform_5(%arg0: i32) -> (i32, i32) {
    %c0_i32 = arith.constant 0 : i32
    %c0_i32_0 = arith.constant 0 : i32
    return %arg0, %c0_i32 : i32, i32
  }
}

module attributes {stable_mosaic.version = 14 : i64} {
  func.func @_tc_cnt_body(%arg0: memref<32x10000xf32, #tpu.memory_space<vmem>>, %arg1: memref<10000x1xf32, #tpu.memory_space<vmem>>) attributes {dimension_semantics = [], scalar_prefetch = 0 : i64, scratch_operands = 0 : i64, tpu.core_type = #tpu.core_type<tc>} {
    %get3A = arith.constant 0 : index
    %get3A_0 = arith.constant 0 : index
    %get3A_1 = vector.load %arg0[%get3A, %get3A_0] : memref<32x10000xf32, #tpu.memory_space<vmem>>, vector<32x10000xf32>
    %broadcast_in_dim3A = arith.constant 1.000000e+00 : f32
    %broadcast_in_dim3A_2 = vector.broadcast %broadcast_in_dim3A : f32 to vector<32x1xf32>
    %dot_general3A = arith.constant dense<0.000000e+00> : vector<10000x1xf32>
    %dot_general3A_3 = tpu.matmul %get3A_1, %broadcast_in_dim3A_2, %dot_general3A {dimension_numbers = #tpu.dot_dimension_numbers<[0], [0], [1], [1], [0, 1, 1, 1], [], []>, precision = #tpu.contract_precision<fp32>, transpose_lhs_hint = false} : vector<32x10000xf32>, vector<32x1xf32>, vector<10000x1xf32> -> vector<10000x1xf32>
    %swap3A = arith.constant 0 : index
    %swap3A_4 = arith.constant 0 : index
    %swap3A_5 = vector.load %arg1[%swap3A, %swap3A_4] : memref<10000x1xf32, #tpu.memory_space<vmem>>, vector<10000x1xf32>
    tpu.vector_store %arg1[%swap3A, %swap3A_4], %dot_general3A_3 {strides = array<i32>} : memref<10000x1xf32, #tpu.memory_space<vmem>>, vector<10000x1xf32>,
    return
  }
}

module attributes {stable_mosaic.version = 14 : i64} {
  func.func @_tc_sage_body(%arg0: i32, %arg1: memref<2x2000x128xf32, #tpu.memory_space<vmem>>, %arg2: memref<2000x128xf32, #tpu.memory_space<vmem>>, %arg3: memref<2000x1xf32, #tpu.memory_space<vmem>>, %arg4: memref<128x128xf32, #tpu.memory_space<vmem>>, %arg5: memref<1x128xf32, #tpu.memory_space<vmem>>, %arg6: memref<128x128xf32, #tpu.memory_space<vmem>>, %arg7: memref<2000x128xf32, #tpu.memory_space<vmem>>) attributes {dimension_semantics = [#tpu.dimension_semantics<arbitrary>], iteration_bounds = array<i64: 5>, scalar_prefetch = 0 : i64, scratch_operands = 0 : i64, tpu.core_type = #tpu.core_type<tc>, window_params = [{transform_indices = @transform_0, window_bounds = array<i64: 2, 2000, 128>}, {transform_indices = @transform_1, window_bounds = array<i64: 2000, 128>}, {transform_indices = @transform_2, window_bounds = array<i64: 2000, 1>}, {pipeline_mode = #tpu.pipeline_mode<synchronous>, transform_indices = @transform_3, window_bounds = array<i64: 128, 128>}, {pipeline_mode = #tpu.pipeline_mode<synchronous>, transform_indices = @transform_4, window_bounds = array<i64: 1, 128>}, {pipeline_mode = #tpu.pipeline_mode<synchronous>, transform_indices = @transform_5, window_bounds = array<i64: 128, 128>}, {transform_indices = @transform_6, window_bounds = array<i64: 2000, 128>}]} {
    %get3A = arith.constant 0 : index
    %get3A_0 = arith.constant 0 : index
    %get3A_1 = arith.constant 0 : index
    %get3A_2 = vector.load %arg1[%get3A, %get3A_0, %get3A_1] : memref<2x2000x128xf32, #tpu.memory_space<vmem>>, vector<1x2000x128xf32>
    %get3A_3 = vector.shape_cast %get3A_2 : vector<1x2000x128xf32> to vector<2000x128xf32>
    %get3A_4 = arith.constant 1 : index
    %get3A_5 = arith.constant 0 : index
    %get3A_6 = arith.constant 0 : index
    %get3A_7 = vector.load %arg1[%get3A_4, %get3A_5, %get3A_6] : memref<2x2000x128xf32, #tpu.memory_space<vmem>>, vector<1x2000x128xf32>
    %get3A_8 = vector.shape_cast %get3A_7 : vector<1x2000x128xf32> to vector<2000x128xf32>
    %add3A = arith.addf %get3A_3, %get3A_8 : vector<2000x128xf32>
    %get3A_9 = arith.constant 0 : index
    %get3A_10 = arith.constant 0 : index
    %get3A_11 = vector.load %arg2[%get3A_9, %get3A_10] : memref<2000x128xf32, #tpu.memory_space<vmem>>, vector<2000x128xf32>
    %get3A_12 = arith.constant 0 : index
    %get3A_13 = arith.constant 0 : index
    %get3A_14 = vector.load %arg3[%get3A_12, %get3A_13] : memref<2000x1xf32, #tpu.memory_space<vmem>>, vector<2000x1xf32>
    %max3A = arith.constant 1.000000e+00 : f32
    %max3A_15 = vector.broadcast %max3A : f32 to vector<2000x1xf32>
    %max3A_16 = arith.maximumf %get3A_14, %max3A_15 : vector<2000x1xf32>
    %div3A = vector.broadcast %max3A_16 : vector<2000x1xf32> to vector<2000x128xf32>
    %div3A_17 = arith.divf %add3A, %div3A : vector<2000x128xf32>
    %get3A_18 = arith.constant 0 : index
    %get3A_19 = arith.constant 0 : index
    %get3A_20 = vector.load %arg4[%get3A_18, %get3A_19] : memref<128x128xf32, #tpu.memory_space<vmem>>, vector<128x128xf32>
    %dot_general3A = arith.constant dense<0.000000e+00> : vector<2000x128xf32>
    %dot_general3A_21 = tpu.matmul %div3A_17, %get3A_20, %dot_general3A {dimension_numbers = #tpu.dot_dimension_numbers<[1], [0], [0], [1], [0, 0, 1, 1], [], []>, transpose_lhs_hint = false} : vector<2000x128xf32>, vector<128x128xf32>, vector<2000x128xf32> -> vector<2000x128xf32>
    %get3A_22 = arith.constant 0 : index
    %get3A_23 = arith.constant 0 : index
    %get3A_24 = vector.load %arg5[%get3A_22, %get3A_23] : memref<1x128xf32, #tpu.memory_space<vmem>>, vector<1x128xf32>
    %add3A_25 = vector.broadcast %get3A_24 : vector<1x128xf32> to vector<2000x128xf32>
    %add3A_26 = arith.addf %dot_general3A_21, %add3A_25 : vector<2000x128xf32>
    %get3A_27 = arith.constant 0 : index
    %get3A_28 = arith.constant 0 : index
    %get3A_29 = vector.load %arg6[%get3A_27, %get3A_28] : memref<128x128xf32, #tpu.memory_space<vmem>>, vector<128x128xf32>
    %dot_general3A_30 = arith.constant dense<0.000000e+00> : vector<2000x128xf32>
    %dot_general3A_31 = tpu.matmul %get3A_11, %get3A_29, %dot_general3A_30 {dimension_numbers = #tpu.dot_dimension_numbers<[1], [0], [0], [1], [0, 0, 1, 1], [], []>, transpose_lhs_hint = false} : vector<2000x128xf32>, vector<128x128xf32>, vector<2000x128xf32> -> vector<2000x128xf32>
    %add3A_32 = arith.addf %add3A_26, %dot_general3A_31 : vector<2000x128xf32>
    %max3A_33 = arith.constant 0.000000e+00 : f32
    %max3A_34 = vector.broadcast %max3A_33 : f32 to vector<2000x128xf32>
    %max3A_35 = arith.maximumf %add3A_32, %max3A_34 : vector<2000x128xf32>
    %swap3A = arith.constant 0 : index
    %swap3A_36 = arith.constant 0 : index
    %swap3A_37 = vector.load %arg7[%swap3A, %swap3A_36] : memref<2000x128xf32, #tpu.memory_space<vmem>>, vector<2000x128xf32>
    tpu.vector_store %arg7[%swap3A, %swap3A_36], %max3A_35 {strides = array<i32>} : memref<2000x128xf32, #tpu.memory_space<vmem>>, vector<2000x128xf32>,
    return
  }
  func.func @transform_0(%arg0: i32) -> (i32, i32, i32) {
    %c0_i32 = arith.constant 0 : i32
    %c0_i32_0 = arith.constant 0 : i32
    %c0_i32_1 = arith.constant 0 : i32
    return %c0_i32, %arg0, %c0_i32_0 : i32, i32, i32
  }
  func.func @transform_1(%arg0: i32) -> (i32, i32) {
    %c0_i32 = arith.constant 0 : i32
    %c0_i32_0 = arith.constant 0 : i32
    return %arg0, %c0_i32 : i32, i32
  }
  func.func @transform_2(%arg0: i32) -> (i32, i32) {
    %c0_i32 = arith.constant 0 : i32
    %c0_i32_0 = arith.constant 0 : i32
    return %arg0, %c0_i32 : i32, i32
  }
  func.func @transform_3(%arg0: i32) -> (i32, i32) {
    %c0_i32 = arith.constant 0 : i32
    %c0_i32_0 = arith.constant 0 : i32
    %c0_i32_1 = arith.constant 0 : i32
    return %c0_i32, %c0_i32_0 : i32, i32
  }
  func.func @transform_4(%arg0: i32) -> (i32, i32) {
    %c0_i32 = arith.constant 0 : i32
    %c0_i32_0 = arith.constant 0 : i32
    %c0_i32_1 = arith.constant 0 : i32
    return %c0_i32, %c0_i32_0 : i32, i32
  }
  func.func @transform_5(%arg0: i32) -> (i32, i32) {
    %c0_i32 = arith.constant 0 : i32
    %c0_i32_0 = arith.constant 0 : i32
    %c0_i32_1 = arith.constant 0 : i32
    return %c0_i32, %c0_i32_0 : i32, i32
  }
  func.func @transform_6(%arg0: i32) -> (i32, i32) {
    %c0_i32 = arith.constant 0 : i32
    %c0_i32_0 = arith.constant 0 : i32
    return %arg0, %c0_i32 : i32, i32
  }
}

module attributes {stable_mosaic.version = 14 : i64} {
  func.func @_tc_gatprep_body(%arg0: i32, %arg1: memref<2000x128xf32, #tpu.memory_space<vmem>>, %arg2: memref<128x128xf32, #tpu.memory_space<vmem>>, %arg3: memref<128x1xf32, #tpu.memory_space<vmem>>, %arg4: memref<128x1xf32, #tpu.memory_space<vmem>>, %arg5: memref<2000x128xf32, #tpu.memory_space<vmem>>, %arg6: memref<2000x1xf32, #tpu.memory_space<vmem>>, %arg7: memref<2000x1xf32, #tpu.memory_space<vmem>>) attributes {dimension_semantics = [#tpu.dimension_semantics<arbitrary>], iteration_bounds = array<i64: 5>, scalar_prefetch = 0 : i64, scratch_operands = 0 : i64, tpu.core_type = #tpu.core_type<tc>, window_params = [{transform_indices = @transform_0, window_bounds = array<i64: 2000, 128>}, {pipeline_mode = #tpu.pipeline_mode<synchronous>, transform_indices = @transform_1, window_bounds = array<i64: 128, 128>}, {pipeline_mode = #tpu.pipeline_mode<synchronous>, transform_indices = @transform_2, window_bounds = array<i64: 128, 1>}, {pipeline_mode = #tpu.pipeline_mode<synchronous>, transform_indices = @transform_3, window_bounds = array<i64: 128, 1>}, {transform_indices = @transform_4, window_bounds = array<i64: 2000, 128>}, {transform_indices = @transform_5, window_bounds = array<i64: 2000, 1>}, {transform_indices = @transform_6, window_bounds = array<i64: 2000, 1>}]} {
    %get3A = arith.constant 0 : index
    %get3A_0 = arith.constant 0 : index
    %get3A_1 = vector.load %arg1[%get3A, %get3A_0] : memref<2000x128xf32, #tpu.memory_space<vmem>>, vector<2000x128xf32>
    %get3A_2 = arith.constant 0 : index
    %get3A_3 = arith.constant 0 : index
    %get3A_4 = vector.load %arg2[%get3A_2, %get3A_3] : memref<128x128xf32, #tpu.memory_space<vmem>>, vector<128x128xf32>
    %dot_general3A = arith.constant dense<0.000000e+00> : vector<2000x128xf32>
    %dot_general3A_5 = tpu.matmul %get3A_1, %get3A_4, %dot_general3A {dimension_numbers = #tpu.dot_dimension_numbers<[1], [0], [0], [1], [0, 0, 1, 1], [], []>, transpose_lhs_hint = false} : vector<2000x128xf32>, vector<128x128xf32>, vector<2000x128xf32> -> vector<2000x128xf32>
    %swap3A = arith.constant 0 : index
    %swap3A_6 = arith.constant 0 : index
    %swap3A_7 = vector.load %arg5[%swap3A, %swap3A_6] : memref<2000x128xf32, #tpu.memory_space<vmem>>, vector<2000x128xf32>
    tpu.vector_store %arg5[%swap3A, %swap3A_6], %dot_general3A_5 {strides = array<i32>} : memref<2000x128xf32, #tpu.memory_space<vmem>>, vector<2000x128xf32>,
    %get3A_8 = arith.constant 0 : index
    %get3A_9 = arith.constant 0 : index
    %get3A_10 = vector.load %arg3[%get3A_8, %get3A_9] : memref<128x1xf32, #tpu.memory_space<vmem>>, vector<128x1xf32>
    %dot_general3A_11 = arith.constant dense<0.000000e+00> : vector<2000x1xf32>
    %dot_general3A_12 = tpu.matmul %dot_general3A_5, %get3A_10, %dot_general3A_11 {dimension_numbers = #tpu.dot_dimension_numbers<[1], [0], [0], [1], [0, 0, 1, 1], [], []>, transpose_lhs_hint = false} : vector<2000x128xf32>, vector<128x1xf32>, vector<2000x1xf32> -> vector<2000x1xf32>
    %swap3A_13 = arith.constant 0 : index
    %swap3A_14 = arith.constant 0 : index
    %swap3A_15 = vector.load %arg6[%swap3A_13, %swap3A_14] : memref<2000x1xf32, #tpu.memory_space<vmem>>, vector<2000x1xf32>
    tpu.vector_store %arg6[%swap3A_13, %swap3A_14], %dot_general3A_12 {strides = array<i32>} : memref<2000x1xf32, #tpu.memory_space<vmem>>, vector<2000x1xf32>,
    %get3A_16 = arith.constant 0 : index
    %get3A_17 = arith.constant 0 : index
    %get3A_18 = vector.load %arg4[%get3A_16, %get3A_17] : memref<128x1xf32, #tpu.memory_space<vmem>>, vector<128x1xf32>
    %dot_general3A_19 = arith.constant dense<0.000000e+00> : vector<2000x1xf32>
    %dot_general3A_20 = tpu.matmul %dot_general3A_5, %get3A_18, %dot_general3A_19 {dimension_numbers = #tpu.dot_dimension_numbers<[1], [0], [0], [1], [0, 0, 1, 1], [], []>, transpose_lhs_hint = false} : vector<2000x128xf32>, vector<128x1xf32>, vector<2000x1xf32> -> vector<2000x1xf32>
    %swap3A_21 = arith.constant 0 : index
    %swap3A_22 = arith.constant 0 : index
    %swap3A_23 = vector.load %arg7[%swap3A_21, %swap3A_22] : memref<2000x1xf32, #tpu.memory_space<vmem>>, vector<2000x1xf32>
    tpu.vector_store %arg7[%swap3A_21, %swap3A_22], %dot_general3A_20 {strides = array<i32>} : memref<2000x1xf32, #tpu.memory_space<vmem>>, vector<2000x1xf32>,
    return
  }
  func.func @transform_0(%arg0: i32) -> (i32, i32) {
    %c0_i32 = arith.constant 0 : i32
    %c0_i32_0 = arith.constant 0 : i32
    return %arg0, %c0_i32 : i32, i32
  }
  func.func @transform_1(%arg0: i32) -> (i32, i32) {
    %c0_i32 = arith.constant 0 : i32
    %c0_i32_0 = arith.constant 0 : i32
    %c0_i32_1 = arith.constant 0 : i32
    return %c0_i32, %c0_i32_0 : i32, i32
  }
  func.func @transform_2(%arg0: i32) -> (i32, i32) {
    %c0_i32 = arith.constant 0 : i32
    %c0_i32_0 = arith.constant 0 : i32
    %c0_i32_1 = arith.constant 0 : i32
    return %c0_i32, %c0_i32_0 : i32, i32
  }
  func.func @transform_3(%arg0: i32) -> (i32, i32) {
    %c0_i32 = arith.constant 0 : i32
    %c0_i32_0 = arith.constant 0 : i32
    %c0_i32_1 = arith.constant 0 : i32
    return %c0_i32, %c0_i32_0 : i32, i32
  }
  func.func @transform_4(%arg0: i32) -> (i32, i32) {
    %c0_i32 = arith.constant 0 : i32
    %c0_i32_0 = arith.constant 0 : i32
    return %arg0, %c0_i32 : i32, i32
  }
  func.func @transform_5(%arg0: i32) -> (i32, i32) {
    %c0_i32 = arith.constant 0 : i32
    %c0_i32_0 = arith.constant 0 : i32
    return %arg0, %c0_i32 : i32, i32
  }
  func.func @transform_6(%arg0: i32) -> (i32, i32) {
    %c0_i32 = arith.constant 0 : i32
    %c0_i32_0 = arith.constant 0 : i32
    return %arg0, %c0_i32 : i32, i32
  }
}

module attributes {stable_mosaic.version = 14 : i64} {
  func.func @_tc_den_body(%arg0: memref<32x10000xf32, #tpu.memory_space<vmem>>, %arg1: memref<10000x1xf32, #tpu.memory_space<vmem>>) attributes {dimension_semantics = [], scalar_prefetch = 0 : i64, scratch_operands = 0 : i64, tpu.core_type = #tpu.core_type<tc>} {
    %get3A = arith.constant 0 : index
    %get3A_0 = arith.constant 0 : index
    %get3A_1 = vector.load %arg0[%get3A, %get3A_0] : memref<32x10000xf32, #tpu.memory_space<vmem>>, vector<32x10000xf32>
    %broadcast_in_dim3A = arith.constant 1.000000e+00 : f32
    %broadcast_in_dim3A_2 = vector.broadcast %broadcast_in_dim3A : f32 to vector<32x1xf32>
    %dot_general3A = arith.constant dense<0.000000e+00> : vector<10000x1xf32>
    %dot_general3A_3 = tpu.matmul %get3A_1, %broadcast_in_dim3A_2, %dot_general3A {dimension_numbers = #tpu.dot_dimension_numbers<[0], [0], [1], [1], [0, 1, 1, 1], [], []>, precision = #tpu.contract_precision<fp32>, transpose_lhs_hint = false} : vector<32x10000xf32>, vector<32x1xf32>, vector<10000x1xf32> -> vector<10000x1xf32>
    %swap3A = arith.constant 0 : index
    %swap3A_4 = arith.constant 0 : index
    %swap3A_5 = vector.load %arg1[%swap3A, %swap3A_4] : memref<10000x1xf32, #tpu.memory_space<vmem>>, vector<10000x1xf32>
    tpu.vector_store %arg1[%swap3A, %swap3A_4], %dot_general3A_3 {strides = array<i32>} : memref<10000x1xf32, #tpu.memory_space<vmem>>, vector<10000x1xf32>,
    return
  }
}

module attributes {stable_mosaic.version = 14 : i64} {
  func.func @_tc_gatfin_body(%arg0: i32, %arg1: memref<2x2000x128xf32, #tpu.memory_space<vmem>>, %arg2: memref<2000x1xf32, #tpu.memory_space<vmem>>, %arg3: memref<2000x128xf32, #tpu.memory_space<vmem>>, %arg4: memref<2000x1xf32, #tpu.memory_space<vmem>>, %arg5: memref<2000x1xf32, #tpu.memory_space<vmem>>, %arg6: memref<1x128xf32, #tpu.memory_space<vmem>>, %arg7: memref<2000x128xf32, #tpu.memory_space<vmem>>) attributes {dimension_semantics = [#tpu.dimension_semantics<arbitrary>], iteration_bounds = array<i64: 5>, scalar_prefetch = 0 : i64, scratch_operands = 0 : i64, tpu.core_type = #tpu.core_type<tc>, window_params = [{transform_indices = @transform_0, window_bounds = array<i64: 2, 2000, 128>}, {transform_indices = @transform_1, window_bounds = array<i64: 2000, 1>}, {transform_indices = @transform_2, window_bounds = array<i64: 2000, 128>}, {transform_indices = @transform_3, window_bounds = array<i64: 2000, 1>}, {transform_indices = @transform_4, window_bounds = array<i64: 2000, 1>}, {pipeline_mode = #tpu.pipeline_mode<synchronous>, transform_indices = @transform_5, window_bounds = array<i64: 1, 128>}, {transform_indices = @transform_6, window_bounds = array<i64: 2000, 128>}]} {
    %get3A = arith.constant 0 : index
    %get3A_0 = arith.constant 0 : index
    %get3A_1 = arith.constant 0 : index
    %get3A_2 = vector.load %arg1[%get3A, %get3A_0, %get3A_1] : memref<2x2000x128xf32, #tpu.memory_space<vmem>>, vector<1x2000x128xf32>
    %get3A_3 = vector.shape_cast %get3A_2 : vector<1x2000x128xf32> to vector<2000x128xf32>
    %get3A_4 = arith.constant 1 : index
    %get3A_5 = arith.constant 0 : index
    %get3A_6 = arith.constant 0 : index
    %get3A_7 = vector.load %arg1[%get3A_4, %get3A_5, %get3A_6] : memref<2x2000x128xf32, #tpu.memory_space<vmem>>, vector<1x2000x128xf32>
    %get3A_8 = vector.shape_cast %get3A_7 : vector<1x2000x128xf32> to vector<2000x128xf32>
    %add3A = arith.addf %get3A_3, %get3A_8 : vector<2000x128xf32>
    %get3A_9 = arith.constant 0 : index
    %get3A_10 = arith.constant 0 : index
    %get3A_11 = vector.load %arg2[%get3A_9, %get3A_10] : memref<2000x1xf32, #tpu.memory_space<vmem>>, vector<2000x1xf32>
    %get3A_12 = arith.constant 0 : index
    %get3A_13 = arith.constant 0 : index
    %get3A_14 = vector.load %arg3[%get3A_12, %get3A_13] : memref<2000x128xf32, #tpu.memory_space<vmem>>, vector<2000x128xf32>
    %get3A_15 = arith.constant 0 : index
    %get3A_16 = arith.constant 0 : index
    %get3A_17 = vector.load %arg4[%get3A_15, %get3A_16] : memref<2000x1xf32, #tpu.memory_space<vmem>>, vector<2000x1xf32>
    %get3A_18 = arith.constant 0 : index
    %get3A_19 = arith.constant 0 : index
    %get3A_20 = vector.load %arg5[%get3A_18, %get3A_19] : memref<2000x1xf32, #tpu.memory_space<vmem>>, vector<2000x1xf32>
    %add3A_21 = arith.addf %get3A_17, %get3A_20 : vector<2000x1xf32>
    %mul3A = arith.constant 2.000000e-01 : f32
    %mul3A_22 = vector.broadcast %mul3A : f32 to vector<2000x1xf32>
    %mul3A_23 = arith.mulf %mul3A_22, %add3A_21 : vector<2000x1xf32>
    %max3A = arith.maximumf %add3A_21, %mul3A_23 : vector<2000x1xf32>
    %exp3A = math.exp %max3A : vector<2000x1xf32>
    %mul3A_24 = vector.broadcast %exp3A : vector<2000x1xf32> to vector<2000x128xf32>
    %mul3A_25 = arith.mulf %mul3A_24, %get3A_14 : vector<2000x128xf32>
    %add3A_26 = arith.addf %add3A, %mul3A_25 : vector<2000x128xf32>
    %add3A_27 = arith.addf %get3A_11, %exp3A : vector<2000x1xf32>
    %add3A_28 = arith.constant 1.000000e-16 : f32
    %add3A_29 = vector.broadcast %add3A_28 : f32 to vector<2000x1xf32>
    %add3A_30 = arith.addf %add3A_27, %add3A_29 : vector<2000x1xf32>
    %div3A = vector.broadcast %add3A_30 : vector<2000x1xf32> to vector<2000x128xf32>
    %div3A_31 = arith.divf %add3A_26, %div3A : vector<2000x128xf32>
    %get3A_32 = arith.constant 0 : index
    %get3A_33 = arith.constant 0 : index
    %get3A_34 = vector.load %arg6[%get3A_32, %get3A_33] : memref<1x128xf32, #tpu.memory_space<vmem>>, vector<1x128xf32>
    %add3A_35 = vector.broadcast %get3A_34 : vector<1x128xf32> to vector<2000x128xf32>
    %add3A_36 = arith.addf %div3A_31, %add3A_35 : vector<2000x128xf32>
    %max3A_37 = arith.constant 0.000000e+00 : f32
    %max3A_38 = vector.broadcast %max3A_37 : f32 to vector<2000x128xf32>
    %max3A_39 = arith.maximumf %add3A_36, %max3A_38 : vector<2000x128xf32>
    %swap3A = arith.constant 0 : index
    %swap3A_40 = arith.constant 0 : index
    %swap3A_41 = vector.load %arg7[%swap3A, %swap3A_40] : memref<2000x128xf32, #tpu.memory_space<vmem>>, vector<2000x128xf32>
    tpu.vector_store %arg7[%swap3A, %swap3A_40], %max3A_39 {strides = array<i32>} : memref<2000x128xf32, #tpu.memory_space<vmem>>, vector<2000x128xf32>,
    return
  }
  func.func @transform_0(%arg0: i32) -> (i32, i32, i32) {
    %c0_i32 = arith.constant 0 : i32
    %c0_i32_0 = arith.constant 0 : i32
    %c0_i32_1 = arith.constant 0 : i32
    return %c0_i32, %arg0, %c0_i32_0 : i32, i32, i32
  }
  func.func @transform_1(%arg0: i32) -> (i32, i32) {
    %c0_i32 = arith.constant 0 : i32
    %c0_i32_0 = arith.constant 0 : i32
    return %arg0, %c0_i32 : i32, i32
  }
  func.func @transform_2(%arg0: i32) -> (i32, i32) {
    %c0_i32 = arith.constant 0 : i32
    %c0_i32_0 = arith.constant 0 : i32
    return %arg0, %c0_i32 : i32, i32
  }
  func.func @transform_3(%arg0: i32) -> (i32, i32) {
    %c0_i32 = arith.constant 0 : i32
    %c0_i32_0 = arith.constant 0 : i32
    return %arg0, %c0_i32 : i32, i32
  }
  func.func @transform_4(%arg0: i32) -> (i32, i32) {
    %c0_i32 = arith.constant 0 : i32
    %c0_i32_0 = arith.constant 0 : i32
    return %arg0, %c0_i32 : i32, i32
  }
  func.func @transform_5(%arg0: i32) -> (i32, i32) {
    %c0_i32 = arith.constant 0 : i32
    %c0_i32_0 = arith.constant 0 : i32
    %c0_i32_1 = arith.constant 0 : i32
    return %c0_i32, %c0_i32_0 : i32, i32
  }
  func.func @transform_6(%arg0: i32) -> (i32, i32) {
    %c0_i32 = arith.constant 0 : i32
    %c0_i32_0 = arith.constant 0 : i32
    return %arg0, %c0_i32 : i32, i32
  }
}

module attributes {stable_mosaic.version = 14 : i64} {
  func.func @_tc_final_body(%arg0: i32, %arg1: memref<2000x128xf32, #tpu.memory_space<vmem>>, %arg2: memref<128x128xf32, #tpu.memory_space<vmem>>, %arg3: memref<1x128xf32, #tpu.memory_space<vmem>>, %arg4: memref<128x128xf32, #tpu.memory_space<vmem>>, %arg5: memref<1x128xf32, #tpu.memory_space<vmem>>, %arg6: memref<128x1xf32, #tpu.memory_space<vmem>>, %arg7: memref<1x1xf32, #tpu.memory_space<vmem>>, %arg8: memref<2000x1xf32, #tpu.memory_space<vmem>>) attributes {dimension_semantics = [#tpu.dimension_semantics<arbitrary>], iteration_bounds = array<i64: 160>, scalar_prefetch = 0 : i64, scratch_operands = 0 : i64, tpu.core_type = #tpu.core_type<tc>, window_params = [{transform_indices = @transform_0, window_bounds = array<i64: 2000, 128>}, {pipeline_mode = #tpu.pipeline_mode<synchronous>, transform_indices = @transform_1, window_bounds = array<i64: 128, 128>}, {pipeline_mode = #tpu.pipeline_mode<synchronous>, transform_indices = @transform_2, window_bounds = array<i64: 1, 128>}, {pipeline_mode = #tpu.pipeline_mode<synchronous>, transform_indices = @transform_3, window_bounds = array<i64: 128, 128>}, {pipeline_mode = #tpu.pipeline_mode<synchronous>, transform_indices = @transform_4, window_bounds = array<i64: 1, 128>}, {pipeline_mode = #tpu.pipeline_mode<synchronous>, transform_indices = @transform_5, window_bounds = array<i64: 128, 1>}, {pipeline_mode = #tpu.pipeline_mode<synchronous>, transform_indices = @transform_6, window_bounds = array<i64: 1, 1>}, {transform_indices = @transform_7, window_bounds = array<i64: 2000, 1>}]} {
    %get3A = arith.constant 0 : index
    %get3A_0 = arith.constant 0 : index
    %get3A_1 = vector.load %arg1[%get3A, %get3A_0] : memref<2000x128xf32, #tpu.memory_space<vmem>>, vector<2000x128xf32>
    %get3A_2 = arith.constant 0 : index
    %get3A_3 = arith.constant 0 : index
    %get3A_4 = vector.load %arg2[%get3A_2, %get3A_3] : memref<128x128xf32, #tpu.memory_space<vmem>>, vector<128x128xf32>
    %dot_general3A = arith.constant dense<0.000000e+00> : vector<2000x128xf32>
    %dot_general3A_5 = tpu.matmul %get3A_1, %get3A_4, %dot_general3A {dimension_numbers = #tpu.dot_dimension_numbers<[1], [0], [0], [1], [0, 0, 1, 1], [], []>, transpose_lhs_hint = false} : vector<2000x128xf32>, vector<128x128xf32>, vector<2000x128xf32> -> vector<2000x128xf32>
    %get3A_6 = arith.constant 0 : index
    %get3A_7 = arith.constant 0 : index
    %get3A_8 = vector.load %arg3[%get3A_6, %get3A_7] : memref<1x128xf32, #tpu.memory_space<vmem>>, vector<1x128xf32>
    %add3A = vector.broadcast %get3A_8 : vector<1x128xf32> to vector<2000x128xf32>
    %add3A_9 = arith.addf %dot_general3A_5, %add3A : vector<2000x128xf32>
    %max3A = arith.constant 0.000000e+00 : f32
    %max3A_10 = vector.broadcast %max3A : f32 to vector<2000x128xf32>
    %max3A_11 = arith.maximumf %add3A_9, %max3A_10 : vector<2000x128xf32>
    %get3A_12 = arith.constant 0 : index
    %get3A_13 = arith.constant 0 : index
    %get3A_14 = vector.load %arg4[%get3A_12, %get3A_13] : memref<128x128xf32, #tpu.memory_space<vmem>>, vector<128x128xf32>
    %dot_general3A_15 = arith.constant dense<0.000000e+00> : vector<2000x128xf32>
    %dot_general3A_16 = tpu.matmul %max3A_11, %get3A_14, %dot_general3A_15 {dimension_numbers = #tpu.dot_dimension_numbers<[1], [0], [0], [1], [0, 0, 1, 1], [], []>, transpose_lhs_hint = false} : vector<2000x128xf32>, vector<128x128xf32>, vector<2000x128xf32> -> vector<2000x128xf32>
    %get3A_17 = arith.constant 0 : index
    %get3A_18 = arith.constant 0 : index
    %get3A_19 = vector.load %arg5[%get3A_17, %get3A_18] : memref<1x128xf32, #tpu.memory_space<vmem>>, vector<1x128xf32>
    %add3A_20 = vector.broadcast %get3A_19 : vector<1x128xf32> to vector<2000x128xf32>
    %add3A_21 = arith.addf %dot_general3A_16, %add3A_20 : vector<2000x128xf32>
    %max3A_22 = arith.constant 0.000000e+00 : f32
    %max3A_23 = vector.broadcast %max3A_22 : f32 to vector<2000x128xf32>
    %max3A_24 = arith.maximumf %add3A_21, %max3A_23 : vector<2000x128xf32>
    %get3A_25 = arith.constant 0 : index
    %get3A_26 = arith.constant 0 : index
    %get3A_27 = vector.load %arg6[%get3A_25, %get3A_26] : memref<128x1xf32, #tpu.memory_space<vmem>>, vector<128x1xf32>
    %dot_general3A_28 = arith.constant dense<0.000000e+00> : vector<2000x1xf32>
    %dot_general3A_29 = tpu.matmul %max3A_24, %get3A_27, %dot_general3A_28 {dimension_numbers = #tpu.dot_dimension_numbers<[1], [0], [0], [1], [0, 0, 1, 1], [], []>, transpose_lhs_hint = false} : vector<2000x128xf32>, vector<128x1xf32>, vector<2000x1xf32> -> vector<2000x1xf32>
    %get3A_30 = arith.constant 0 : index
    %get3A_31 = arith.constant 0 : index
    %get3A_32 = vector.load %arg7[%get3A_30, %get3A_31] : memref<1x1xf32, #tpu.memory_space<vmem>>, vector<1x1xf32>
    %add3A_33 = vector.broadcast %get3A_32 : vector<1x1xf32> to vector<2000x1xf32>
    %add3A_34 = arith.addf %dot_general3A_29, %add3A_33 : vector<2000x1xf32>
    %swap3A = arith.constant 0 : index
    %swap3A_35 = arith.constant 0 : index
    %swap3A_36 = vector.load %arg8[%swap3A, %swap3A_35] : memref<2000x1xf32, #tpu.memory_space<vmem>>, vector<2000x1xf32>
    tpu.vector_store %arg8[%swap3A, %swap3A_35], %add3A_34 {strides = array<i32>} : memref<2000x1xf32, #tpu.memory_space<vmem>>, vector<2000x1xf32>,
    return
  }
  func.func @transform_0(%arg0: i32) -> (i32, i32) {
    %c0_i32 = arith.constant 0 : i32
    %c0_i32_0 = arith.constant 0 : i32
    return %arg0, %c0_i32 : i32, i32
  }
  func.func @transform_1(%arg0: i32) -> (i32, i32) {
    %c0_i32 = arith.constant 0 : i32
    %c0_i32_0 = arith.constant 0 : i32
    %c0_i32_1 = arith.constant 0 : i32
    return %c0_i32, %c0_i32_0 : i32, i32
  }
  func.func @transform_2(%arg0: i32) -> (i32, i32) {
    %c0_i32 = arith.constant 0 : i32
    %c0_i32_0 = arith.constant 0 : i32
    %c0_i32_1 = arith.constant 0 : i32
    return %c0_i32, %c0_i32_0 : i32, i32
  }
  func.func @transform_3(%arg0: i32) -> (i32, i32) {
    %c0_i32 = arith.constant 0 : i32
    %c0_i32_0 = arith.constant 0 : i32
    %c0_i32_1 = arith.constant 0 : i32
    return %c0_i32, %c0_i32_0 : i32, i32
  }
  func.func @transform_4(%arg0: i32) -> (i32, i32) {
    %c0_i32 = arith.constant 0 : i32
    %c0_i32_0 = arith.constant 0 : i32
    %c0_i32_1 = arith.constant 0 : i32
    return %c0_i32, %c0_i32_0 : i32, i32
  }
  func.func @transform_5(%arg0: i32) -> (i32, i32) {
    %c0_i32 = arith.constant 0 : i32
    %c0_i32_0 = arith.constant 0 : i32
    %c0_i32_1 = arith.constant 0 : i32
    return %c0_i32, %c0_i32_0 : i32, i32
  }
  func.func @transform_6(%arg0: i32) -> (i32, i32) {
    %c0_i32 = arith.constant 0 : i32
    %c0_i32_0 = arith.constant 0 : i32
    %c0_i32_1 = arith.constant 0 : i32
    return %c0_i32, %c0_i32_0 : i32, i32
  }
  func.func @transform_7(%arg0: i32) -> (i32, i32) {
    %c0_i32 = arith.constant 0 : i32
    %c0_i32_0 = arith.constant 0 : i32
    return %arg0, %c0_i32 : i32, i32
  }
}

</mosaic_0001>

<sc_bundles>
// kernel: kernel.17.cloned.1.call-start
scs
__scs_entry_jumppad:
0x0: {  	(pc) =	sbr.rel $0x88, $3  }
0x1: {  	(tag) =	ssettag $0x0;
	lr =	simm.s32 $0x1  }
0x2: {  	[smem:$0x3F88] =	sst lr;
	_ =	strace $0xD0000000  }
0x3: {  	_ = 	snop  }
0x4: {  	_ = 	snop  }
0x5: {  	_ = 	snop  }
0x6: {  	_ = 	snop  }
0x7: {  	_ = 	snop  }
__scs_overlays_trampoline_lowered:
0x8: {  	[smem:$0x3F97] =	sst s0  }
0x9: {  	[smem:$0x3F98] =	sst s1  }
0xa: {  	[smem:$0x3F99] =	sst s2  }
0xb: {  	[smem:$0x3F9A] =	sst s3  }
0xc: {  	[smem:$0x3F9B] =	sst s4  }
0xd: {  	[smem:$0x3F9C] =	sst s5  }
0xe: {  	[smem:$0x3F9D] =	sst s6  }
0xf: {  	[smem:$0x3F9E] =	sst s7  }
0x10: {  	[smem:$0x3F9F] =	sst s8  }
0x11: {  	[smem:$0x3FA0] =	sst s9;
	s0 =	simm.s32 @!p0 $0x0  }
0x12: {  	s1 =	sld [smem:$0x3F86];
	s0 =	simm.s32 @p0 $0x1  }
0x13: {  	[smem:$0x3FA1] =	sst s0;
	s0 =	simm.s32 @!p1 $0x0  }
0x14: {  	s2 =	sld [smem:$0x3F85];
	s0 =	simm.s32 @p1 $0x1  }
0x15: {  	[smem:$0x3FA2] =	sst s0;
	s0 =	simm.s32 @!p2 $0x0  }
0x16: {  	s3 =	sld [smem:$0x3FDB];
	s0 =	simm.s32 @p2 $0x1  }
0x17: {  	s4 =	simm.s32 $0x1BF5;
	[smem:$0x3FA4] =	sst s0  }
0x18: {  	s0 =	sld [smem:$0x3F87];
	_ =	swait.ge [sflag:s4], $0x0  }
0x19: {  	s7 =	sld [smem:$0x3F88]  }
0x1a: {  	s8 =	sadd.s32 $0xFFFFE003, lr  }
0x1b: {  	s9 =	sadd.s32 $0xFFFFFEF7, lr;
	s5 =	simm.s32 $0xFFFFFFFF;
	p2 =	slt.u32 s8, $0xFFFFF086  }
0x1c: {  	p1 =	slt.u32 s9, $0xF7A;
	s5 =	simm.s32 @!p2 $0x0  }
0x1d: {  	s5 =	simm.s32 @p1 $0x1;
	p0 =	seq.s32 s7, s2  }
0x1e: {  	s7 =	smul.u32 @!p0 $0xF7A, s2;
	p2 =	seq.s32 @!p0 s5, $0x0  }
0x1f: {  	s9 =	smul.u32 $0xF7A, s1;
	s8 =	simm.s32 @!p0 $0x1BF5;
	p2 =	por !p2, p0  }
0x20: {  	[sflag:s8] =	ssyncset.s32 @!p0 $0xFFFFF086;
	s6 =	sadd.s32 @!p0 s3, s7;
	s7 =	simm.s32 @!p0 $0x108  }
0x21: {  	s3 =	sadd.s32 s3, s9;
	s6 =	sadd.s32 @!p0 $0x88, s6;
	s7 =	simm.s32 @p2 $0x1082  }
0x22: {  	[simem:s7], [sflag:s8] =	dma.local @!p0 [hbm:s6], $0xF7A  }
0x23: {  	s9 =	sor.u32 $0xD0000000, s2;
	s6 =	simm.s32 $0x108;
	_ =	swait.ge @!p0 [sflag:s8], $0x0  }
0x24: {  	s3 =	sadd.s32 $0x88, s3;
	s6 =	simm.s32 @!p1 $0x1082;
	[sflag:s4] =	ssyncset.s32 $0xFFFFF086  }
0x25: {  	[simem:s6], [sflag:s4] =	dma.local [hbm:s3], $0xF7A  }
0x26: {  	[smem:$0x3F88] =	sst s1;
	(tag) =	ssettag s2;
	_ =	strace s9  }
0x27: {  	s1 =	sld [smem:$0x3F98]  }
0x28: {  	s2 =	sld [smem:$0x3F99]  }
0x29: {  	s4 =	sld [smem:$0x3F9B]  }
0x2a: {  	p0 =	seq.s32 s5, $0x0;
	s5 =	sld [smem:$0x3F9C]  }
0x2b: {  	s6 =	sld [smem:$0x3F9D]  }
0x2c: {  	s7 =	sld [smem:$0x3F9E]  }
0x2d: {  	s3 =	simm.s32 $0x108;
	s8 =	sld [smem:$0x3F9F]  }
0x2e: {  	s3 =	simm.s32 @!p0 $0x1082;
	s9 =	sld [smem:$0x3FA0]  }
0x2f: {  	lr =	sadd.s32 s0, s3;
	s0 =	sld [smem:$0x3F97]  }
0x30: {  	s3 =	sld [smem:$0x3F9A]  }
0x31: {  	[smem:$0x3FA3] =	sst s10  }
0x32: {  	s10 =	sld [smem:$0x3FA1];
	_ =	sdelay $0x3  }
0x33: {  	p0 =	seq.s32 s10, $0x1;
	s10 =	sld [smem:$0x3FA3];
	_ =	sdelay $0x3  }
0x34: {  	[smem:$0x3FA3] =	sst s10  }
0x35: {  	s10 =	sld [smem:$0x3FA2];
	_ =	sdelay $0x3  }
0x36: {  	p1 =	seq.s32 s10, $0x1;
	s10 =	sld [smem:$0x3FA3];
	_ =	sdelay $0x3  }
0x37: {  	[smem:$0x3FA3] =	sst s10  }
0x38: {  	s10 =	sld [smem:$0x3FA4]  }
0x39: {  	_ = 	snop;
	(pc) =	sbr.ind lr, $3  }
0x3a: {  	_ = 	snop  }
0x3b: {  	_ = 	snop  }
0x3c: {  	p2 =	seq.s32 s10, $0x1;
	s10 =	sld [smem:$0x3FA3]  }
0x3d: {  	_ =	shalt  }
0x3e: {  	_ =	shalt  }
0x3f: {  	_ =	shalt  }
0x40: {  	_ =	shalt  }
0x41: {  	_ =	shalt  }
0x42: {  	_ =	shalt  }
0x43: {  	_ =	shalt  }
0x44: {  	_ =	shalt  }
0x45: {  	_ =	shalt  }
0x46: {  	_ =	shalt  }
0x47: {  	_ =	shalt  }
0x48: {  	_ =	shalt  }
0x49: {  	_ =	shalt  }
0x4a: {  	_ =	shalt  }
0x4b: {  	_ =	shalt  }
0x4c: {  	_ =	shalt  }
0x4d: {  	_ =	shalt  }
0x4e: {  	_ =	shalt  }
0x4f: {  	_ =	shalt  }
0x50: {  	_ =	shalt  }
0x51: {  	_ =	shalt  }
0x52: {  	_ =	shalt  }
0x53: {  	_ =	shalt  }
0x54: {  	_ =	shalt  }
0x55: {  	_ =	shalt  }
0x56: {  	_ =	shalt  }
0x57: {  	_ =	shalt  }
0x58: {  	_ =	shalt  }
0x59: {  	_ =	shalt  }
0x5a: {  	_ =	shalt  }
0x5b: {  	_ =	shalt  }
0x5c: {  	_ =	shalt  }
0x5d: {  	_ =	shalt  }
0x5e: {  	_ =	shalt  }
0x5f: {  	_ =	shalt  }
0x60: {  	_ =	shalt  }
0x61: {  	_ =	shalt  }
0x62: {  	_ =	shalt  }
0x63: {  	_ =	shalt  }
0x64: {  	_ =	shalt  }
0x65: {  	_ =	shalt  }
0x66: {  	_ =	shalt  }
0x67: {  	_ =	shalt  }
0x68: {  	_ =	shalt  }
0x69: {  	_ =	shalt  }
0x6a: {  	_ =	shalt  }
0x6b: {  	_ =	shalt  }
0x6c: {  	_ =	shalt  }
0x6d: {  	_ =	shalt  }
0x6e: {  	_ =	shalt  }
0x6f: {  	_ =	shalt  }
0x70: {  	_ =	shalt  }
0x71: {  	_ =	shalt  }
0x72: {  	_ =	shalt  }
0x73: {  	_ =	shalt  }
0x74: {  	_ =	shalt  }
0x75: {  	_ =	shalt  }
0x76: {  	_ =	shalt  }
0x77: {  	_ =	shalt  }
0x78: {  	_ =	shalt  }
0x79: {  	_ =	shalt  }
0x7a: {  	_ =	shalt  }
0x7b: {  	_ =	shalt  }
0x7c: {  	_ =	shalt  }
0x7d: {  	_ =	shalt  }
0x7e: {  	_ =	shalt  }
0x7f: {  	_ =	shalt  }
0x80: {  	_ =	shalt  }
0x81: {  	_ =	shalt  }
0x82: {  	_ =	shalt  }
0x83: {  	_ =	shalt  }
0x84: {  	_ =	shalt  }
0x85: {  	_ =	shalt  }
0x86: {  	_ =	shalt  }
0x87: {  	_ =	shalt  }
.Lfunc_end0:
.L_simem_size_0:
called_computation_lowered:
.L_overlay_start_0:
0x88: {  	s2 =	sld [smem:$0x3FD9]  }
0x89: {  	s3 =	sld [smem:$0x3FFE];
	_ =	sdelay $0x1  }
0x8a: {  	s1 =	srdreg.scid  }
0x8b: {  	s0 =	sand.u32 $0x1, s1  }
0x8c: {  	s16 =	sshll.u32 s0, $0xA;
	s2 =	sadd.s32 s3, s2  }
0x8d: {  	s2 =	sadd.s32 s2, s16  }
0x8e: {  	[smem:$0x3FAF] =	sst s2  }
0x8f: {  	_ = 	snop  }
0x90: {  	(tm) =	ssettm $0x1  }
0x91: {  	s17 =	sld [smem:$0x3FFB];
	_ =	sdelay $0x3  }
0x92: {  	_ =	strace s17  }
0x93: {  	s2 =	sld [smem:$0x3FFC];
	_ =	sdelay $0x3  }
0x94: {  	_ =	strace s2  }
0x95: {  	s2 =	sld [smem:$0x3FFD];
	_ =	sdelay $0x3  }
0x96: {  	_ =	strace s2  }
0x97: {  	_ =	strace $0x8FFFFFFF  }
0x98: {  	s18 =	sld [smem:$0x3FDB];
	_ =	sdelay $0x1  }
0x99: {  	s19 =	simm.s32 $_scs_section_size  }
0x9a: {  	s4 =	simm.s32 $_size__tile_overlayer_lowered;
	s5 =	simm.s32 $_tile_overlayer_lowered  }
0x9b: {  	s22 =	simm.s32 $0x1BFF;
	s21 =	sshll.u32 s5, $0x1;
	s2 =	sadd.s32 s19, s18  }
0x9c: {  	s6 =	simm.s32 $0x0;
	s20 =	sshll.u32 s4, $0x1;
	s4 =	sadd.s32 s21, s2  }
0x9d: {  	[timem:s6], [sflag:s22] =	dma.local [hbm:s4], s20  }
0x9e: {  	_ =	swait.ge [sflag:s22], s20  }
0x9f: {  	s3 =	ssub.s32 $0x0, s20;
	[sflag:s22] =	ssyncset.done $0x0  }
0xa0: {  	[sflag:s22] =	ssyncadd.s32 s3;
	_ =	sdelay $0x1  }
0xa1: {  	s23 =	simm.s32 $0x1B8B  }
0xa2: {  	_ =	swait.ge [sflag:s23], $0x1  }
0xa3: {  	[sflag:s23] =	ssyncset.done $0x0  }
0xa4: {  	s25 =	simm.s32 $0x1B8E;
	s24 =	sld [smem:$0x3FFE];
	[sflag:s23] =	ssyncadd.s32 $0xFFFFFFFF  }
0xa5: {  	s26 =	simm.s32 $execute0_lowered;
	[smem:$0x3FD2] =	sst s25  }
0xa6: {  	s4 =	sshll.u32 s26, $0x1;
	_ =	strace $0x80000046;
	[dreg:$0x1] =	wrdreg $0xFFFFFFFF  }
0xa7: {  	s28 =	simm.s32 $_size_execute0_lowered;
	s2 =	sadd.s32 s2, s4;
	[dreg:$0x0] =	wrdreg $0x0  }
0xa8: {  	s4 =	sshll.u32 s28, $0x1;
	[dreg:$0x2] =	wrdreg s2  }
0xa9: {  	[dreg:$0x3] =	wrdreg s4  }
0xaa: {  	[dreg:$0x4] =	wrdreg $0xC0  }
0xab: {  	_ =	task [dreg:s6], $0x5FFFF  }
0xac: {  	[dreg:$0x1] =	wrdreg $0xFFFFFFFF  }
0xad: {  	[dreg:$0x0] =	wrdreg $0x60  }
0xae: {  	[dreg:$0x2] =	wrdreg s24  }
0xaf: {  	[dreg:$0x3] =	wrdreg $0x52000  }
0xb0: {  	[dreg:$0x4] =	wrdreg $0x9  }
0xb1: {  	_ =	task.clear_ibuf [dreg:s6], $0x5FFFF;
	_ =	strace $0x90000046  }
0xb2: {  	s29 =	simm.s32 $0x9;
	_ =	strace $0x80000048  }
0xb3: {  	_ =	swait.ge [sflag:s29], $0x1  }
0xb4: {  	[sflag:s29] =	ssyncadd.s32 $0xFFFFFFFF  }
0xb5: {  	_ =	strace $0x90000048  }
0xb6: {  	_ =	sfence  }
0xb7: {  	s30 =	sld [smem:$0x0];
	_ =	sdelay $0x2  }
0xb8: {  	s31 =	sshll.u32 s1, $0xD;
	s1 =	sshrl.u32 s1, $0x2  }
0xb9: {  	s3 =	sand.u32 $0x4000, s31;
	s1 =	sadd.s32 s1, s30  }
0xba: {  	s0 =	sor.u32 s3, s0;
	s1 =	sshll.u32 s1, $0x11  }
0xbb: {  	s0 =	sor.u32 s1, s0  }
0xbc: {  	s0 =	sadd.s32 $0x8F2B, s0  }
0xbd: {  	[sflag:s0] =	ssyncadd.remote.s32 $0x1  }
0xbe: {  	_ =	sfence.sel $0xFFFF  }
0xbf: {  	[dreg:$0x0] =	wrdreg $0xFFFFFFFF;
	(pc) =	sbr.abs _section_cstart, $3  }
0xc0: {  	[dreg:$0x1] =	wrdreg $0xFFFFFFFF  }
0xc1: {  	_ =	task.clear_ibuf [dreg:s6], $0x2FFFF;
	_ =	strace $0x9FFFFFFF  }
0xc2: {  	(tm) =	ssettm $0x7FFFFFFF  }
0xc3: {  	_ =	shalt  }
tec
execute0_lowered:
.L_overlay_start_1:
0x0: {  	(tag) =	ssettag $0x1  }
0x1: {  	s0 =	rddreg [dreg:$0x0]  }
0x2: {  	s2 =	rddreg [dreg:$0x1];
	s11 =	stileid.u32  }
0x3: {  	s1 =	srdreg.scid;
	s6 =	smul.u32 $0x280, s11  }
0x4: {  	s3 =	simm.s32 $0x0;
	s1 =	sand.u32 $0x1, s1;
	s25 =	smul.u32 $0x50000, s11  }
0x5: {  	[smem:$0x7FF] =	sst s3;
	s5 =	sshll.u32 s11, $0x1;
	s14 =	smul.u32 $0x4E20, s11  }
0x6: {  	s4 =	sadd.s32 $0x19A00, s0;
	s7 =	smul.u32 $0x2800, s1;
	_ =	strace $0x80000047  }
0x7: {  	s8 =	sor.u32 s1, s5;
	s9 =	ssub.s32 $0x2, s1;
	s1 =	smul.u32 $0x2710, s1  }
0x8: {  	s5 =	sadd.s32 $0xFC00, s0;
	s8 =	smul.u32 $0x2710, s8;
	s10 =	sshrl.u32 s9, $0x1  }
0x9: {  	s7 =	sadd.s32 s7, s6;
	s6 =	sadd.s32 $0x5E00, s0;
	s9 =	ssub.s32 s9, s10  }
0xa: {  	s10 =	sshrl.u32 s25, $0x2;
	s19 =	sadd.s32 s1, s14;
	s7 =	sshll.u32 s7, $0x4  }
0xb: {  	s8 =	sshrl.u32 s8, $0x3;
	s11 =	sadd.s32 s10, s2;
	s15 =	smax.u32 s9, $0x1  }
0xc: {  	s7 =	sadd.s32 s7, s0;
	s12 =	sadd.s32 s5, s8;
	[dreg:$0x8] =	wrdreg s15  }
0xd: {  	s0 =	sadd.s32 s8, s0;
	s26 =	sadd.s32 s6, s8;
	[dreg:$0x3] =	wrdreg s12  }
0xe: {  	s8 =	sadd.s32 $0xA, s8;
	s16 =	sadd.s32 $0x2800, s11;
	[dreg:$0x4] =	wrdreg s26  }
0xf: {  	s22 =	sadd.s32 $0xF0, s19;
	s13 =	sadd.s32 s5, s8;
	[dreg:$0x9] =	wrdreg s16  }
0x10: {  	s9 =	simm.s32 $0x50;
	s8 =	sadd.s32 s6, s8;
	[dreg:$0x5] =	wrdreg s13  }
0x11: {  	s1 =	sshrl.u32 s22, $0x3;
	s0 =	sadd.s32 $0x40C00, s0;
	[dreg:$0x6] =	wrdreg s8  }
0x12: {  	s28 =	sadd.s32 $0x7800, s11;
	s17 =	sadd.s32 $0x4AA00, s7;
	[dreg:$0x7] =	wrdreg s0  }
0x13: {  	s29 =	sadd.s32 $0xA000, s11;
	s18 =	sadd.s32 $0x4AF00, s7;
	[dreg:$0xa] =	wrdreg s17  }
0x14: {  	s30 =	sadd.s32 $0xC800, s11;
	s20 =	sadd.s32 $0x4B400, s7;
	[dreg:$0xb] =	wrdreg s18  }
0x15: {  	s31 =	sadd.s32 $0xF000, s11;
	s21 =	sadd.s32 $0x4B900, s7;
	[dreg:$0xc] =	wrdreg s20  }
0x16: {  	s15 =	simm.s32 $0x1;
	s23 =	sadd.s32 $0x4BE00, s7;
	[dreg:$0xd] =	wrdreg s21  }
0x17: {  	s24 =	sadd.s32 $0x4C300, s7;
	s25 =	sadd.s32 $0x4C800, s7;
	[dreg:$0xe] =	wrdreg s23  }
0x18: {  	s7 =	sadd.s32 $0x4CD00, s7;
	s26 =	sadd.s32 $0x5000, s11;
	[dreg:$0xf] =	wrdreg s24  }
0x19: {  	s12 =	simm.s32 $0x180;
	s16 =	simm.s32 $0x19200;
	[dreg:$0x10] =	wrdreg s25  }
.Ltmp0:
0x1a: {  	[dreg:$0x11] =	wrdreg s7;
	s23 =	sadd.s32 s1, s6;
	(pc) =	sbr.rel .LBB2_1-.Ltmp0, $4  }
0x1b: {  	s24 =	sadd.s32 s1, s5;
	s0 =	sadd.s32 $0xA0, s19;
	[dreg:$0x13] =	wrdreg s26  }
0x1c: {  	s1 =	simm.s32 $0x200;
	s7 =	simm.s32 $0x5;
	s8 =	simm.s32 $0x100  }
0x1d: {  	s13 =	simm.s32 $0x2A00;
	s17 =	simm.s32 $0x3;
	s19 =	simm.s32 $0x2  }
0x1e: {  	v0 =	vimm.f32 $0.0e+00;
	v1 =	vimm.f32 $1.000000000e+00;
	s20 =	simm.s32 $0x0;
	[dreg:$0x12] =	wrdreg s0;
	s0 =	sadd.s32 $0x11800, s11  }
.LBB2_8:
0x1f: {  	s10 =	simm.s32 $0x4  }
0x20: {  	_ =	swait.ge [sflag:s10], $0x2800  }
0x21: {  	[sflag:s10] =	ssyncset.done $0x0  }
0x22: {  	[sflag:s10] =	ssyncadd.s32 $0xFFFFD800  }
0x23: {  	[bflag:$0x0] =	sbarrier.arrive $0xFFFF  }
0x24: {  	[tilespmem:s1], [sflag:$0x5] =	stream.linear.gather [spmem:s11], $0x2800, $0x38;
	[tilespmem:$0x1B980] =	vst v63  }
0x25: {  	_ =	swait.ge [sflag:s7], $0x2800  }
0x26: {  	[sflag:s7] =	ssyncset.done $0x0  }
0x27: {  	s14 =	rddreg [dreg:$0xa];
	[sflag:s7] =	ssyncadd.s32 $0xFFFFD800  }
0x28: {  	[hbm4b:s14+s3] =	stream.linear.scatter [tilespmem:s1], [sflag:$0x5], $0x2800, $0x38;
	[tilespmem:$0x1B980] =	vst v63  }
0x29: {  	_ =	swait.ge [sflag:s7], $0x2800  }
0x2a: {  	[sflag:s7] =	ssyncset.done $0x0  }
0x2b: {  	s18 =	rddreg [dreg:$0x9];
	[sflag:s7] =	ssyncadd.s32 $0xFFFFD800  }
0x2c: {  	[tilespmem:s1], [sflag:$0x5] =	stream.linear.gather [spmem:s18], $0x2800, $0x38;
	[tilespmem:$0x1B980] =	vst v63  }
0x2d: {  	_ =	swait.ge [sflag:s7], $0x2800  }
0x2e: {  	[sflag:s7] =	ssyncset.done $0x0  }
0x2f: {  	s21 =	rddreg [dreg:$0xb];
	[sflag:s7] =	ssyncadd.s32 $0xFFFFD800  }
0x30: {  	[hbm4b:s21+s3] =	stream.linear.scatter [tilespmem:s1], [sflag:$0x5], $0x2800, $0x38;
	[tilespmem:$0x1B980] =	vst v63  }
0x31: {  	_ =	swait.ge [sflag:s7], $0x2800  }
0x32: {  	[sflag:s7] =	ssyncset.done $0x0  }
0x33: {  	s22 =	rddreg [dreg:$0x13];
	[sflag:s7] =	ssyncadd.s32 $0xFFFFD800  }
0x34: {  	[tilespmem:s1], [sflag:$0x5] =	stream.linear.gather [spmem:s22], $0x2800, $0x38;
	[tilespmem:$0x1B980] =	vst v63  }
0x35: {  	_ =	swait.ge [sflag:s7], $0x2800  }
0x36: {  	[sflag:s7] =	ssyncset.done $0x0  }
0x37: {  	s25 =	rddreg [dreg:$0xc];
	[sflag:s7] =	ssyncadd.s32 $0xFFFFD800  }
0x38: {  	[hbm4b:s25+s3] =	stream.linear.scatter [tilespmem:s1], [sflag:$0x5], $0x2800, $0x38;
	[tilespmem:$0x1B980] =	vst v63  }
0x39: {  	_ =	swait.ge [sflag:s7], $0x2800  }
0x3a: {  	[sflag:s7] =	ssyncset.done $0x0  }
0x3b: {  	[sflag:s7] =	ssyncadd.s32 $0xFFFFD800  }
0x3c: {  	[tilespmem:s1], [sflag:$0x5] =	stream.linear.gather [spmem:s28], $0x2800, $0x38;
	[tilespmem:$0x1B980] =	vst v63  }
0x3d: {  	_ =	swait.ge [sflag:s7], $0x2800  }
0x3e: {  	[sflag:s7] =	ssyncset.done $0x0  }
0x3f: {  	s26 =	rddreg [dreg:$0xd];
	[sflag:s7] =	ssyncadd.s32 $0xFFFFD800  }
0x40: {  	[hbm4b:s26+s3] =	stream.linear.scatter [tilespmem:s1], [sflag:$0x5], $0x2800, $0x38;
	[tilespmem:$0x1B980] =	vst v63  }
0x41: {  	_ =	swait.ge [sflag:s7], $0x2800  }
0x42: {  	[sflag:s7] =	ssyncset.done $0x0  }
0x43: {  	[sflag:s7] =	ssyncadd.s32 $0xFFFFD800  }
0x44: {  	[tilespmem:s1], [sflag:$0x5] =	stream.linear.gather [spmem:s29], $0x2800, $0x38;
	[tilespmem:$0x1B980] =	vst v63  }
0x45: {  	_ =	swait.ge [sflag:s7], $0x2800  }
0x46: {  	[sflag:s7] =	ssyncset.done $0x0  }
0x47: {  	s14 =	rddreg [dreg:$0xe];
	[sflag:s7] =	ssyncadd.s32 $0xFFFFD800  }
0x48: {  	[hbm4b:s14+s3] =	stream.linear.scatter [tilespmem:s1], [sflag:$0x5], $0x2800, $0x38;
	[tilespmem:$0x1B980] =	vst v63  }
0x49: {  	_ =	swait.ge [sflag:s7], $0x2800  }
0x4a: {  	[sflag:s7] =	ssyncset.done $0x0  }
0x4b: {  	[sflag:s7] =	ssyncadd.s32 $0xFFFFD800  }
0x4c: {  	[tilespmem:s1], [sflag:$0x5] =	stream.linear.gather [spmem:s30], $0x2800, $0x38;
	[tilespmem:$0x1B980] =	vst v63  }
0x4d: {  	_ =	swait.ge [sflag:s7], $0x2800  }
0x4e: {  	[sflag:s7] =	ssyncset.done $0x0  }
0x4f: {  	s18 =	rddreg [dreg:$0xf];
	[sflag:s7] =	ssyncadd.s32 $0xFFFFD800  }
0x50: {  	[hbm4b:s18+s3] =	stream.linear.scatter [tilespmem:s1], [sflag:$0x5], $0x2800, $0x38;
	[tilespmem:$0x1B980] =	vst v63  }
0x51: {  	_ =	swait.ge [sflag:s7], $0x2800  }
0x52: {  	[sflag:s7] =	ssyncset.done $0x0  }
0x53: {  	[sflag:s7] =	ssyncadd.s32 $0xFFFFD800  }
0x54: {  	[tilespmem:s1], [sflag:$0x5] =	stream.linear.gather [spmem:s31], $0x2800, $0x38;
	[tilespmem:$0x1B980] =	vst v63  }
0x55: {  	_ =	swait.ge [sflag:s7], $0x2800  }
0x56: {  	[sflag:s7] =	ssyncset.done $0x0  }
0x57: {  	s21 =	rddreg [dreg:$0x10];
	[sflag:s7] =	ssyncadd.s32 $0xFFFFD800  }
0x58: {  	[hbm4b:s21+s3] =	stream.linear.scatter [tilespmem:s1], [sflag:$0x5], $0x2800, $0x38;
	[tilespmem:$0x1B980] =	vst v63  }
0x59: {  	_ =	swait.ge [sflag:s7], $0x2800  }
0x5a: {  	[sflag:s7] =	ssyncset.done $0x0  }
0x5b: {  	[sflag:s7] =	ssyncadd.s32 $0xFFFFD800  }
0x5c: {  	[tilespmem:s1], [sflag:$0x5] =	stream.linear.gather [spmem:s0], $0x2800, $0x38;
	[tilespmem:$0x1B980] =	vst v63  }
0x5d: {  	_ =	swait.ge [sflag:s7], $0x2800  }
0x5e: {  	[sflag:s7] =	ssyncset.done $0x0  }
0x5f: {  	s22 =	rddreg [dreg:$0x11];
	[sflag:s7] =	ssyncadd.s32 $0xFFFFD800  }
0x60: {  	[hbm4b:s22+s3] =	stream.linear.scatter [tilespmem:s1], [sflag:$0x5], $0x2800, $0x38;
	[tilespmem:$0x1B980] =	vst v63  }
0x61: {  	_ =	swait.ge [sflag:s7], $0x2800  }
0x62: {  	[sflag:s7] =	ssyncset.done $0x0  }
0x63: {  	s25 =	rddreg [dreg:$0x7];
	[sflag:s7] =	ssyncadd.s32 $0xFFFFD800  }
0x64: {  	[hbm4b:s25+s3] =	stream.linear.scatter [tilespmem:s16], [sflag:$0x5], $0x2710, $0x38;
	[tilespmem:$0x1B980] =	vst v63  }
0x65: {  	_ =	swait.ge [sflag:s7], $0x2710  }
0x66: {  	s20 =	sadd.s32 $0x1, s20;
	s26 =	rddreg [dreg:$0x8]  }
0x67: {  	p0 =	sne.s32 s20, s26  }
.Ltmp1:
0x68: {  	_ = 	snop;
	(pc) =	sbr.rel @!p0 .LBB2_9-.Ltmp1, $3  }
0x69: {  	_ =	sdelay $0x1  }
0x6a: {  	[sflag:s7] =	ssyncset.done $0x0  }
0x6b: {  	[sflag:s7] =	ssyncadd.s32 $0xFFFFD8F0  }
.LBB2_1:
0x6c: {  	s21 =	simm.s32 $0x0;
	s25 =	simm.s32 $0x200  }
.LBB2_2:
0x6d: {  	p0 =	sne.s32 s25, $0x9E00;
	[tilespmem:s21+$0x270] =	vst v0  }
0x6e: {  	[tilespmem:s21+$0x200] =	vst v0  }
0x6f: {  	[tilespmem:s21+$0x210] =	vst v0  }
.Ltmp2:
0x70: {  	[tilespmem:s21+$0x220] =	vst v0;
	(pc) =	sbr.rel @p0 .LBB2_2-.Ltmp2, $4  }
0x71: {  	[tilespmem:s21+$0x230] =	vst v0  }
0x72: {  	[tilespmem:s21+$0x240] =	vst v0  }
0x73: {  	[tilespmem:s21+$0x250] =	vst v0  }
0x74: {  	[tilespmem:s21+$0x260] =	vst v0;
	s21 =	sshra.s32 s25, $0x2;
	s25 =	sadd.s32 $0x200, s25  }
0x75: {  	[tilespmem:s21+$0x270] =	vst v0  }
0x76: {  	[tilespmem:s21+$0x200] =	vst v0  }
0x77: {  	[tilespmem:s21+$0x210] =	vst v0  }
0x78: {  	[tilespmem:s21+$0x220] =	vst v0  }
0x79: {  	[tilespmem:s21+$0x230] =	vst v0  }
0x7a: {  	[tilespmem:s21+$0x240] =	vst v0  }
0x7b: {  	[tilespmem:s21+$0x250] =	vst v0  }
0x7c: {  	[tilespmem:s21+$0x260] =	vst v0  }
0x7d: {  	[spmem:s11] =	stream.linear.scatter [tilespmem:s1], [sflag:$0x5], $0x2800, $0x38;
	[tilespmem:$0x1B980] =	vst v63  }
0x7e: {  	_ =	swait.ge [sflag:s7], $0x2800  }
0x7f: {  	[sflag:s7] =	ssyncset.done $0x0  }
0x80: {  	s10 =	rddreg [dreg:$0x9];
	[sflag:s7] =	ssyncadd.s32 $0xFFFFD800  }
0x81: {  	[spmem:s10] =	stream.linear.scatter [tilespmem:s1], [sflag:$0x5], $0x2800, $0x38;
	[tilespmem:$0x1B980] =	vst v63  }
0x82: {  	_ =	swait.ge [sflag:s7], $0x2800  }
0x83: {  	[sflag:s7] =	ssyncset.done $0x0  }
0x84: {  	s26 =	rddreg [dreg:$0x13];
	[sflag:s7] =	ssyncadd.s32 $0xFFFFD800  }
0x85: {  	[spmem:s26] =	stream.linear.scatter [tilespmem:s1], [sflag:$0x5], $0x2800, $0x38;
	[tilespmem:$0x1B980] =	vst v63  }
0x86: {  	_ =	swait.ge [sflag:s7], $0x2800  }
0x87: {  	[sflag:s7] =	ssyncset.done $0x0  }
0x88: {  	[sflag:s7] =	ssyncadd.s32 $0xFFFFD800  }
0x89: {  	[spmem:s28] =	stream.linear.scatter [tilespmem:s1], [sflag:$0x5], $0x2800, $0x38;
	[tilespmem:$0x1B980] =	vst v63  }
0x8a: {  	_ =	swait.ge [sflag:s7], $0x2800  }
0x8b: {  	[sflag:s7] =	ssyncset.done $0x0  }
0x8c: {  	[sflag:s7] =	ssyncadd.s32 $0xFFFFD800  }
0x8d: {  	[spmem:s29] =	stream.linear.scatter [tilespmem:s1], [sflag:$0x5], $0x2800, $0x38;
	[tilespmem:$0x1B980] =	vst v63  }
0x8e: {  	_ =	swait.ge [sflag:s7], $0x2800  }
0x8f: {  	[sflag:s7] =	ssyncset.done $0x0  }
0x90: {  	[sflag:s7] =	ssyncadd.s32 $0xFFFFD800  }
0x91: {  	[spmem:s30] =	stream.linear.scatter [tilespmem:s1], [sflag:$0x5], $0x2800, $0x38;
	[tilespmem:$0x1B980] =	vst v63  }
0x92: {  	_ =	swait.ge [sflag:s7], $0x2800  }
0x93: {  	[sflag:s7] =	ssyncset.done $0x0  }
0x94: {  	[sflag:s7] =	ssyncadd.s32 $0xFFFFD800  }
0x95: {  	[spmem:s31] =	stream.linear.scatter [tilespmem:s1], [sflag:$0x5], $0x2800, $0x38;
	[tilespmem:$0x1B980] =	vst v63  }
0x96: {  	_ =	swait.ge [sflag:s7], $0x2800  }
0x97: {  	[sflag:s7] =	ssyncset.done $0x0  }
0x98: {  	[sflag:s7] =	ssyncadd.s32 $0xFFFFD800  }
0x99: {  	[spmem:s0] =	stream.linear.scatter [tilespmem:s1], [sflag:$0x5], $0x2800, $0x38;
	[tilespmem:$0x1B980] =	vst v63  }
0x9a: {  	_ =	swait.ge [sflag:s7], $0x2800  }
0x9b: {  	[sflag:s7] =	ssyncset.done $0x0  }
0x9c: {  	s21 =	simm.s32 $0x40;
	s25 =	simm.s32 $0x0;
	[sflag:s7] =	ssyncadd.s32 $0xFFFFD800  }
.LBB2_4:
0x9d: {  	p0 =	sne.s32 s21, $0x9C00;
	[tilespmem:s25+$0x19200] =	vst v0;
	s25 =	smov.u32 s21;
	s21 =	sadd.s32 $0x40, s21  }
.Ltmp3:
0x9e: {  	(pc) =	sbr.rel @p0 .LBB2_4-.Ltmp3, $2  }
0x9f: {  	_ =	sdelay $0x2  }
0xa0: {  	s25 =	sshra.s32 s25, $0x2  }
0xa1: {  	[tilespmem:s25+$0x19200] =	vst v0  }
0xa2: {  	[bflag:$0x0] =	sbarrier.arrive $0xFFFF  }
0xa3: {  	s21 =	simm.s32 $0x0;
	s10 =	rddreg [dreg:$0x3]  }
0xa4: {  	[tilespmem:s21], [sflag:$0x5] =	stream.linear.gather [hbm4b:s10+s21], $0x50, $0x38;
	[tilespmem:$0x1B980] =	vst v63  }
0xa5: {  	_ =	swait.ge [sflag:s7], $0x50  }
0xa6: {  	[sflag:s7] =	ssyncset.done $0x0  }
0xa7: {  	s22 =	rddreg [dreg:$0x4];
	[sflag:s7] =	ssyncadd.s32 $0xFFFFFFB0  }
0xa8: {  	[tilespmem:s8], [sflag:$0x5] =	stream.linear.gather [hbm4b:s22+s21], $0x50, $0x38;
	[tilespmem:$0x1B980] =	vst v63  }
0xa9: {  	_ =	swait.ge [sflag:s7], $0x50  }
0xaa: {  	[sflag:s7] =	ssyncset.done $0x0  }
0xab: {  	[sflag:s7] =	ssyncadd.s32 $0xFFFFFFB0  }
0xac: {  	[tilespmem:s1], [sflag:$0x1] =	stream.indirect.gather [hbm4b:s4+s9], $0x80, s21, s9, $0xb8;
	[tilespmem:$0x1B980] =	vst v63  }
0xad: {  	s14 =	simm.s32 $0x80;
	s25 =	rddreg [dreg:$0x5]  }
0xae: {  	[tilespmem:s14], [sflag:$0x5] =	stream.linear.gather [hbm4b:s25+s21], $0x50, $0x38;
	[tilespmem:$0x1B980] =	vst v63  }
0xaf: {  	_ =	swait.ge [sflag:s7], $0x50  }
0xb0: {  	[sflag:s7] =	ssyncset.done $0x0  }
0xb1: {  	s26 =	rddreg [dreg:$0x6];
	[sflag:s7] =	ssyncadd.s32 $0xFFFFFFB0  }
0xb2: {  	[tilespmem:s12], [sflag:$0x5] =	stream.linear.gather [hbm4b:s26+s21], $0x50, $0x38;
	[tilespmem:$0x1B980] =	vst v63  }
0xb3: {  	_ =	swait.ge [sflag:s7], $0x50  }
0xb4: {  	[sflag:s7] =	ssyncset.done $0x0  }
0xb5: {  	s25 =	rddreg [dreg:$0x12];
	[sflag:s7] =	ssyncadd.s32 $0xFFFFFFB0  }
0xb6: {  	[tilespmem:s13], [sflag:$0x2] =	stream.indirect.gather [hbm4b:s4+s9], $0x80, s14, s9, $0xb8;
	[tilespmem:$0x1B980] =	vst v63  }
.LBB2_6:
0xb7: {  	_ =	swait.ge [sflag:s15], $0x2800  }
0xb8: {  	[sflag:s15] =	ssyncset.done $0x0  }
0xb9: {  	[sflag:s15] =	ssyncadd.s32 $0xFFFFD800  }
0xba: {  	v2 =	vld [tilespmem:$0x100];
	_ =	sdelay $0x7  }
0xbb: {  	[tilespmem:v2+s16+$0x0] =	vst.idx.add.f32.msk $0xffff, v1  }
0xbc: {  	v2 =	vld [tilespmem:$0x110];
	_ =	sdelay $0x7  }
0xbd: {  	[tilespmem:v2+s16+$0x0] =	vst.idx.add.f32.msk $0xffff, v1  }
0xbe: {  	v2 =	vld [tilespmem:$0x120];
	_ =	sdelay $0x7  }
0xbf: {  	[tilespmem:v2+s16+$0x0] =	vst.idx.add.f32.msk $0xffff, v1  }
0xc0: {  	v2 =	vld [tilespmem:$0x130];
	_ =	sdelay $0x7  }
0xc1: {  	[tilespmem:v2+s16+$0x0] =	vst.idx.add.f32.msk $0xffff, v1  }
0xc2: {  	v2 =	vld [tilespmem:$0x140];
	_ =	sdelay $0x6  }
0xc3: {  	p0 =	seq.s32 s21, $0x4D8  }
.Ltmp4:
0xc4: {  	[tilespmem:v2+s16+$0x0] =	vst.idx.add.f32.msk $0xffff, v1;
	(pc) =	sbr.rel @p0 .LBB2_8-.Ltmp4, $4  }
0xc5: {  	[spmem:s2] =	stream.indirect.scatter.add.f32 [tilespmem:s1], [sflag:$0x3], $0x80, s8, s9, $0xb8;
	[tilespmem:$0x1B980] =	vst v63  }
0xc6: {  	_ =	swait.ge [sflag:s17], $0x2800  }
0xc7: {  	[sflag:s17] =	ssyncset.done $0x0  }
0xc8: {  	[sflag:s17] =	ssyncadd.s32 $0xFFFFD800  }
0xc9: {  	s22 =	sshrl.u32 s25, $0x3  }
0xca: {  	s10 =	sadd.s32 s5, s22  }
0xcb: {  	[tilespmem:s3], [sflag:$0x5] =	stream.linear.gather [hbm4b:s10+s3], $0x50, $0x38;
	[tilespmem:$0x1B980] =	vst v63  }
0xcc: {  	_ =	swait.ge [sflag:s7], $0x50  }
0xcd: {  	[sflag:s7] =	ssyncset.done $0x0  }
0xce: {  	s26 =	sadd.s32 s6, s22;
	[sflag:s7] =	ssyncadd.s32 $0xFFFFFFB0  }
0xcf: {  	[tilespmem:s8], [sflag:$0x5] =	stream.linear.gather [hbm4b:s26+s3], $0x50, $0x38;
	[tilespmem:$0x1B980] =	vst v63  }
0xd0: {  	_ =	swait.ge [sflag:s7], $0x50  }
0xd1: {  	[sflag:s7] =	ssyncset.done $0x0  }
0xd2: {  	[sflag:s7] =	ssyncadd.s32 $0xFFFFFFB0  }
0xd3: {  	[tilespmem:s1], [sflag:$0x1] =	stream.indirect.gather [hbm4b:s4+s9], $0x80, s3, s9, $0xb8;
	[tilespmem:$0x1B980] =	vst v63  }
0xd4: {  	_ =	swait.ge [sflag:s19], $0x2800  }
0xd5: {  	[sflag:s19] =	ssyncset.done $0x0  }
0xd6: {  	[sflag:s19] =	ssyncadd.s32 $0xFFFFD800  }
0xd7: {  	v2 =	vld [tilespmem:$0x180];
	_ =	sdelay $0x7  }
0xd8: {  	[tilespmem:v2+s16+$0x0] =	vst.idx.add.f32.msk $0xffff, v1  }
0xd9: {  	v2 =	vld [tilespmem:$0x190];
	_ =	sdelay $0x7  }
0xda: {  	[tilespmem:v2+s16+$0x0] =	vst.idx.add.f32.msk $0xffff, v1  }
0xdb: {  	v2 =	vld [tilespmem:$0x1A0];
	_ =	sdelay $0x7  }
0xdc: {  	[tilespmem:v2+s16+$0x0] =	vst.idx.add.f32.msk $0xffff, v1  }
0xdd: {  	v2 =	vld [tilespmem:$0x1B0];
	_ =	sdelay $0x7  }
0xde: {  	[tilespmem:v2+s16+$0x0] =	vst.idx.add.f32.msk $0xffff, v1  }
0xdf: {  	v2 =	vld [tilespmem:$0x1C0];
	_ =	sdelay $0x6  }
0xe0: {  	p0 =	seq.s32 s21, $0x4C4  }
0xe1: {  	s10 =	simm.s32 @!p0 $0x4;
	[tilespmem:v2+s16+$0x0] =	vst.idx.add.f32.msk $0xffff, v1  }
0xe2: {  	[spmem:s2] =	stream.indirect.scatter.add.f32 [tilespmem:s13], [sflag:$0x4], $0x80, s12, s9, $0xb8;
	[tilespmem:$0x1B980] =	vst v63  }
0xe3: {  	_ =	swait.ge @!p0 [sflag:s10], $0x2800  }
0xe4: {  	s22 =	simm.s32 @!p0 $0x0;
	[sflag:s10] =	ssyncset.done @!p0 $0x0  }
0xe5: {  	s18 =	simm.s32 @!p0 $0x80;
	[sflag:s10] =	ssyncadd.s32 @!p0 $0xFFFFD800;
	s10 =	sadd.s32 @!p0 s21, s24  }
0xe6: {  	[tilespmem:s18], [sflag:$0x5] =	stream.linear.gather @!p0 [hbm4b:s10+s22], $0x50, $0x38;
	[tilespmem:$0x1B980] =	vst v63  }
0xe7: {  	s10 =	simm.s32 @!p0 $0x5  }
0xe8: {  	_ =	swait.ge @!p0 [sflag:s10], $0x50  }
0xe9: {  	[sflag:s10] =	ssyncset.done @!p0 $0x0  }
0xea: {  	s14 =	sadd.s32 @!p0 s21, s23;
	s26 =	simm.s32 @!p0 $0x180;
	[sflag:s10] =	ssyncadd.s32 @!p0 $0xFFFFFFB0  }
0xeb: {  	[tilespmem:s26], [sflag:$0x5] =	stream.linear.gather @!p0 [hbm4b:s14+s22], $0x50, $0x38;
	[tilespmem:$0x1B980] =	vst v63  }
.Ltmp5:
0xec: {  	_ = 	snop;
	(pc) =	sbr.rel .LBB2_6-.Ltmp5, $4  }
0xed: {  	_ =	swait.ge @!p0 [sflag:s10], $0x50  }
0xee: {  	s25 =	sadd.s32 $0xA0, s25;
	s21 =	sadd.s32 $0x14, s21;
	[sflag:s10] =	ssyncset.done @!p0 $0x0  }
0xef: {  	s14 =	simm.s32 @!p0 $0x2A00;
	[sflag:s10] =	ssyncadd.s32 @!p0 $0xFFFFFFB0;
	s10 =	simm.s32 @!p0 $0x50  }
0xf0: {  	[tilespmem:s14], [sflag:$0x2] =	stream.indirect.gather @!p0 [hbm4b:s4+s10], $0x80, s18, s10, $0xb8;
	[tilespmem:$0x1B980] =	vst v63  }
.LBB2_9:
0xf1: {  	_ =	sfence.sel $0x180000  }
0xf2: {  	[bflag:$0x0] =	sbarrier.arrive $0xFFFF  }
0xf3: {  	_ =	strace $0x90000047  }
0xf4: {  	s0 =	stileid.u32;
	[bflag:$0x2] =	sbarrier.arrive $0xFFFF  }
0xf5: {  	p0 =	sne.s32 s0, $0x0;
	s0 =	rddreg [dreg:$0x2]  }
0xf6: {  	s0 =	sadd.s32 @!p0 $0x100000, s0  }
0xf7: {  	[sflag:s0] =	ssyncadd.tile.s32 @!p0 $0x1;
	_ =	shalt  }
.Lfunc_end2:
_tile_overlayer_lowered:
.L_overlay_start_2:
0xf8: {  	(tag) =	ssettag $0x2  }
0xf9: {  	s0 =	rddreg [dreg:$0x0];
	s2 =	stileid.u32  }
0xfa: {  	s1 =	rddreg [dreg:$0x1];
	p0 =	sne.s32 s2, $0x0  }
0xfb: {  	s3 =	rddreg [dreg:$0x2];
	[bflag:$0x3] =	sbarrier.arrive $0xFFFF;
	s2 =	simm.s32 @!p0 $0x1C05  }
0xfc: {  	[timem:s3], [sflag:s2] =	dma.local @!p0 [hbm:s0], s1  }
0xfd: {  	s0 =	simm.s32 @!p0 $0x5  }
0xfe: {  	_ =	swait.ge @!p0 [sflag:s0], s1  }
0xff: {  	s1 =	ssub.s32 @!p0 $0x0, s1;
	[sflag:s0] =	ssyncset.done @!p0 $0x0  }
0x100: {  	[sflag:s0] =	ssyncadd.s32 @!p0 s1  }
0x101: {  	[bflag:$0x3] =	sbarrier.arrive $0xFFFF  }
0x102: {  	_ =	shalt  }

// kernel: kernel.20.cloned.1.call-start
scs
__scs_entry_jumppad:
0x0: {  	(pc) =	sbr.rel $0x88, $3  }
0x1: {  	(tag) =	ssettag $0x0;
	lr =	simm.s32 $0x1  }
0x2: {  	[smem:$0x3F88] =	sst lr;
	_ =	strace $0xD0000000  }
0x3: {  	_ = 	snop  }
0x4: {  	_ = 	snop  }
0x5: {  	_ = 	snop  }
0x6: {  	_ = 	snop  }
0x7: {  	_ = 	snop  }
__scs_overlays_trampoline_lowered:
0x8: {  	[smem:$0x3F97] =	sst s0  }
0x9: {  	[smem:$0x3F98] =	sst s1  }
0xa: {  	[smem:$0x3F99] =	sst s2  }
0xb: {  	[smem:$0x3F9A] =	sst s3  }
0xc: {  	[smem:$0x3F9B] =	sst s4  }
0xd: {  	[smem:$0x3F9C] =	sst s5  }
0xe: {  	[smem:$0x3F9D] =	sst s6  }
0xf: {  	[smem:$0x3F9E] =	sst s7  }
0x10: {  	[smem:$0x3F9F] =	sst s8  }
0x11: {  	[smem:$0x3FA0] =	sst s9;
	s0 =	simm.s32 @!p0 $0x0  }
0x12: {  	s1 =	sld [smem:$0x3F86];
	s0 =	simm.s32 @p0 $0x1  }
0x13: {  	[smem:$0x3FA1] =	sst s0;
	s0 =	simm.s32 @!p1 $0x0  }
0x14: {  	s2 =	sld [smem:$0x3F85];
	s0 =	simm.s32 @p1 $0x1  }
0x15: {  	[smem:$0x3FA2] =	sst s0;
	s0 =	simm.s32 @!p2 $0x0  }
0x16: {  	s3 =	sld [smem:$0x3FDB];
	s0 =	simm.s32 @p2 $0x1  }
0x17: {  	s4 =	simm.s32 $0x1BF5;
	[smem:$0x3FA4] =	sst s0  }
0x18: {  	s0 =	sld [smem:$0x3F87];
	_ =	swait.ge [sflag:s4], $0x0  }
0x19: {  	s7 =	sld [smem:$0x3F88]  }
0x1a: {  	s8 =	sadd.s32 $0xFFFFE003, lr  }
0x1b: {  	s9 =	sadd.s32 $0xFFFFFEF7, lr;
	s5 =	simm.s32 $0xFFFFFFFF;
	p2 =	slt.u32 s8, $0xFFFFF086  }
0x1c: {  	p1 =	slt.u32 s9, $0xF7A;
	s5 =	simm.s32 @!p2 $0x0  }
0x1d: {  	s5 =	simm.s32 @p1 $0x1;
	p0 =	seq.s32 s7, s2  }
0x1e: {  	s7 =	smul.u32 @!p0 $0xF7A, s2;
	p2 =	seq.s32 @!p0 s5, $0x0  }
0x1f: {  	s9 =	smul.u32 $0xF7A, s1;
	s8 =	simm.s32 @!p0 $0x1BF5;
	p2 =	por !p2, p0  }
0x20: {  	[sflag:s8] =	ssyncset.s32 @!p0 $0xFFFFF086;
	s6 =	sadd.s32 @!p0 s3, s7;
	s7 =	simm.s32 @!p0 $0x108  }
0x21: {  	s3 =	sadd.s32 s3, s9;
	s6 =	sadd.s32 @!p0 $0x88, s6;
	s7 =	simm.s32 @p2 $0x1082  }
0x22: {  	[simem:s7], [sflag:s8] =	dma.local @!p0 [hbm:s6], $0xF7A  }
0x23: {  	s9 =	sor.u32 $0xD0000000, s2;
	s6 =	simm.s32 $0x108;
	_ =	swait.ge @!p0 [sflag:s8], $0x0  }
0x24: {  	s3 =	sadd.s32 $0x88, s3;
	s6 =	simm.s32 @!p1 $0x1082;
	[sflag:s4] =	ssyncset.s32 $0xFFFFF086  }
0x25: {  	[simem:s6], [sflag:s4] =	dma.local [hbm:s3], $0xF7A  }
0x26: {  	[smem:$0x3F88] =	sst s1;
	(tag) =	ssettag s2;
	_ =	strace s9  }
0x27: {  	s1 =	sld [smem:$0x3F98]  }
0x28: {  	s2 =	sld [smem:$0x3F99]  }
0x29: {  	s4 =	sld [smem:$0x3F9B]  }
0x2a: {  	p0 =	seq.s32 s5, $0x0;
	s5 =	sld [smem:$0x3F9C]  }
0x2b: {  	s6 =	sld [smem:$0x3F9D]  }
0x2c: {  	s7 =	sld [smem:$0x3F9E]  }
0x2d: {  	s3 =	simm.s32 $0x108;
	s8 =	sld [smem:$0x3F9F]  }
0x2e: {  	s3 =	simm.s32 @!p0 $0x1082;
	s9 =	sld [smem:$0x3FA0]  }
0x2f: {  	lr =	sadd.s32 s0, s3;
	s0 =	sld [smem:$0x3F97]  }
0x30: {  	s3 =	sld [smem:$0x3F9A]  }
0x31: {  	[smem:$0x3FA3] =	sst s10  }
0x32: {  	s10 =	sld [smem:$0x3FA1];
	_ =	sdelay $0x3  }
0x33: {  	p0 =	seq.s32 s10, $0x1;
	s10 =	sld [smem:$0x3FA3];
	_ =	sdelay $0x3  }
0x34: {  	[smem:$0x3FA3] =	sst s10  }
0x35: {  	s10 =	sld [smem:$0x3FA2];
	_ =	sdelay $0x3  }
0x36: {  	p1 =	seq.s32 s10, $0x1;
	s10 =	sld [smem:$0x3FA3];
	_ =	sdelay $0x3  }
0x37: {  	[smem:$0x3FA3] =	sst s10  }
0x38: {  	s10 =	sld [smem:$0x3FA4]  }
0x39: {  	_ = 	snop;
	(pc) =	sbr.ind lr, $3  }
0x3a: {  	_ = 	snop  }
0x3b: {  	_ = 	snop  }
0x3c: {  	p2 =	seq.s32 s10, $0x1;
	s10 =	sld [smem:$0x3FA3]  }
0x3d: {  	_ =	shalt  }
0x3e: {  	_ =	shalt  }
0x3f: {  	_ =	shalt  }
0x40: {  	_ =	shalt  }
0x41: {  	_ =	shalt  }
0x42: {  	_ =	shalt  }
0x43: {  	_ =	shalt  }
0x44: {  	_ =	shalt  }
0x45: {  	_ =	shalt  }
0x46: {  	_ =	shalt  }
0x47: {  	_ =	shalt  }
0x48: {  	_ =	shalt  }
0x49: {  	_ =	shalt  }
0x4a: {  	_ =	shalt  }
0x4b: {  	_ =	shalt  }
0x4c: {  	_ =	shalt  }
0x4d: {  	_ =	shalt  }
0x4e: {  	_ =	shalt  }
0x4f: {  	_ =	shalt  }
0x50: {  	_ =	shalt  }
0x51: {  	_ =	shalt  }
0x52: {  	_ =	shalt  }
0x53: {  	_ =	shalt  }
0x54: {  	_ =	shalt  }
0x55: {  	_ =	shalt  }
0x56: {  	_ =	shalt  }
0x57: {  	_ =	shalt  }
0x58: {  	_ =	shalt  }
0x59: {  	_ =	shalt  }
0x5a: {  	_ =	shalt  }
0x5b: {  	_ =	shalt  }
0x5c: {  	_ =	shalt  }
0x5d: {  	_ =	shalt  }
0x5e: {  	_ =	shalt  }
0x5f: {  	_ =	shalt  }
0x60: {  	_ =	shalt  }
0x61: {  	_ =	shalt  }
0x62: {  	_ =	shalt  }
0x63: {  	_ =	shalt  }
0x64: {  	_ =	shalt  }
0x65: {  	_ =	shalt  }
0x66: {  	_ =	shalt  }
0x67: {  	_ =	shalt  }
0x68: {  	_ =	shalt  }
0x69: {  	_ =	shalt  }
0x6a: {  	_ =	shalt  }
0x6b: {  	_ =	shalt  }
0x6c: {  	_ =	shalt  }
0x6d: {  	_ =	shalt  }
0x6e: {  	_ =	shalt  }
0x6f: {  	_ =	shalt  }
0x70: {  	_ =	shalt  }
0x71: {  	_ =	shalt  }
0x72: {  	_ =	shalt  }
0x73: {  	_ =	shalt  }
0x74: {  	_ =	shalt  }
0x75: {  	_ =	shalt  }
0x76: {  	_ =	shalt  }
0x77: {  	_ =	shalt  }
0x78: {  	_ =	shalt  }
0x79: {  	_ =	shalt  }
0x7a: {  	_ =	shalt  }
0x7b: {  	_ =	shalt  }
0x7c: {  	_ =	shalt  }
0x7d: {  	_ =	shalt  }
0x7e: {  	_ =	shalt  }
0x7f: {  	_ =	shalt  }
0x80: {  	_ =	shalt  }
0x81: {  	_ =	shalt  }
0x82: {  	_ =	shalt  }
0x83: {  	_ =	shalt  }
0x84: {  	_ =	shalt  }
0x85: {  	_ =	shalt  }
0x86: {  	_ =	shalt  }
0x87: {  	_ =	shalt  }
.Lfunc_end0:
.L_simem_size_0:
called_computation.1_lowered:
.L_overlay_start_0:
0x88: {  	s2 =	sld [smem:$0x3FD9]  }
0x89: {  	s3 =	sld [smem:$0x3FFE];
	_ =	sdelay $0x1  }
0x8a: {  	s1 =	srdreg.scid  }
0x8b: {  	s0 =	sand.u32 $0x1, s1  }
0x8c: {  	s16 =	sshll.u32 s0, $0xA;
	s2 =	sadd.s32 s3, s2  }
0x8d: {  	s2 =	sadd.s32 s2, s16  }
0x8e: {  	[smem:$0x3FAF] =	sst s2  }
0x8f: {  	_ = 	snop  }
0x90: {  	(tm) =	ssettm $0x1  }
0x91: {  	s17 =	sld [smem:$0x3FFB];
	_ =	sdelay $0x3  }
0x92: {  	_ =	strace s17  }
0x93: {  	s2 =	sld [smem:$0x3FFC];
	_ =	sdelay $0x3  }
0x94: {  	_ =	strace s2  }
0x95: {  	s2 =	sld [smem:$0x3FFD];
	_ =	sdelay $0x3  }
0x96: {  	_ =	strace s2  }
0x97: {  	_ =	strace $0x8FFFFFFF  }
0x98: {  	s18 =	sld [smem:$0x3FDB];
	_ =	sdelay $0x1  }
0x99: {  	s19 =	simm.s32 $_scs_section_size  }
0x9a: {  	s4 =	simm.s32 $_size__tile_overlayer_lowered;
	s5 =	simm.s32 $_tile_overlayer_lowered  }
0x9b: {  	s22 =	simm.s32 $0x1BFF;
	s21 =	sshll.u32 s5, $0x1;
	s2 =	sadd.s32 s19, s18  }
0x9c: {  	s6 =	simm.s32 $0x0;
	s20 =	sshll.u32 s4, $0x1;
	s4 =	sadd.s32 s21, s2  }
0x9d: {  	[timem:s6], [sflag:s22] =	dma.local [hbm:s4], s20  }
0x9e: {  	_ =	swait.ge [sflag:s22], s20  }
0x9f: {  	s3 =	ssub.s32 $0x0, s20;
	[sflag:s22] =	ssyncset.done $0x0  }
0xa0: {  	[sflag:s22] =	ssyncadd.s32 s3;
	_ =	sdelay $0x1  }
0xa1: {  	s23 =	simm.s32 $0x1B8B  }
0xa2: {  	_ =	swait.ge [sflag:s23], $0x1  }
0xa3: {  	[sflag:s23] =	ssyncset.done $0x0  }
0xa4: {  	s25 =	simm.s32 $0x1B8E;
	s24 =	sld [smem:$0x3FFE];
	[sflag:s23] =	ssyncadd.s32 $0xFFFFFFFF  }
0xa5: {  	s26 =	simm.s32 $execute0_lowered;
	[smem:$0x3FD2] =	sst s25  }
0xa6: {  	s4 =	sshll.u32 s26, $0x1;
	_ =	strace $0x80000049;
	[dreg:$0x1] =	wrdreg $0xFFFFFFFF  }
0xa7: {  	s28 =	simm.s32 $_size_execute0_lowered;
	s2 =	sadd.s32 s2, s4;
	[dreg:$0x0] =	wrdreg $0x0  }
0xa8: {  	s4 =	sshll.u32 s28, $0x1;
	[dreg:$0x2] =	wrdreg s2  }
0xa9: {  	[dreg:$0x3] =	wrdreg s4  }
0xaa: {  	[dreg:$0x4] =	wrdreg $0xC0  }
0xab: {  	_ =	task [dreg:s6], $0x5FFFF  }
0xac: {  	[dreg:$0x1] =	wrdreg $0xFFFFFFFF  }
0xad: {  	[dreg:$0x0] =	wrdreg $0x60  }
0xae: {  	[dreg:$0x2] =	wrdreg s24  }
0xaf: {  	[dreg:$0x3] =	wrdreg $0x52000  }
0xb0: {  	[dreg:$0x4] =	wrdreg $0x9  }
0xb1: {  	_ =	task.clear_ibuf [dreg:s6], $0x5FFFF;
	_ =	strace $0x90000049  }
0xb2: {  	s29 =	simm.s32 $0x9;
	_ =	strace $0x8000004B  }
0xb3: {  	_ =	swait.ge [sflag:s29], $0x1  }
0xb4: {  	[sflag:s29] =	ssyncadd.s32 $0xFFFFFFFF  }
0xb5: {  	_ =	strace $0x9000004B  }
0xb6: {  	_ =	sfence  }
0xb7: {  	s30 =	sld [smem:$0x0];
	_ =	sdelay $0x2  }
0xb8: {  	s31 =	sshll.u32 s1, $0xD;
	s1 =	sshrl.u32 s1, $0x2  }
0xb9: {  	s3 =	sand.u32 $0x4000, s31;
	s1 =	sadd.s32 s1, s30  }
0xba: {  	s0 =	sor.u32 s3, s0;
	s1 =	sshll.u32 s1, $0x11  }
0xbb: {  	s0 =	sor.u32 s1, s0  }
0xbc: {  	s0 =	sadd.s32 $0x8F2B, s0  }
0xbd: {  	[sflag:s0] =	ssyncadd.remote.s32 $0x1  }
0xbe: {  	_ =	sfence.sel $0xFFFF  }
0xbf: {  	[dreg:$0x0] =	wrdreg $0xFFFFFFFF;
	(pc) =	sbr.abs _section_cstart, $3  }
0xc0: {  	[dreg:$0x1] =	wrdreg $0xFFFFFFFF  }
0xc1: {  	_ =	task.clear_ibuf [dreg:s6], $0x2FFFF;
	_ =	strace $0x9FFFFFFF  }
0xc2: {  	(tm) =	ssettm $0x7FFFFFFF  }
0xc3: {  	_ =	shalt  }
tec
execute0_lowered:
.L_overlay_start_1:
0x0: {  	(tag) =	ssettag $0x1  }
0x1: {  	s0 =	rddreg [dreg:$0x0];
	s11 =	stileid.u32  }
0x2: {  	s2 =	rddreg [dreg:$0x1];
	s6 =	smul.u32 $0x280, s11  }
0x3: {  	s1 =	srdreg.scid;
	s3 =	simm.s32 $0x0;
	s10 =	smul.u32 $0x50000, s11  }
0x4: {  	s1 =	sand.u32 $0x1, s1;
	[smem:$0x7FF] =	sst s3;
	s17 =	smul.u32 $0x4E20, s11  }
0x5: {  	s5 =	sshll.u32 s11, $0x1;
	s4 =	sadd.s32 $0x19A00, s0;
	s7 =	smul.u32 $0x2800, s1  }
0x6: {  	s8 =	sor.u32 s1, s5;
	s9 =	ssub.s32 $0x2, s1;
	s1 =	smul.u32 $0x2710, s1  }
0x7: {  	_ =	strace $0x8000004A;
	s5 =	sadd.s32 $0xFC00, s0;
	s8 =	smul.u32 $0x2710, s8  }
0x8: {  	s12 =	sshrl.u32 s9, $0x1;
	s16 =	sshrl.u32 s10, $0x2;
	s10 =	simm.s32 $0x180  }
0x9: {  	s7 =	sadd.s32 s7, s6;
	s6 =	sadd.s32 $0x5E00, s0;
	s11 =	sadd.s32 s16, s2  }
0xa: {  	s1 =	sadd.s32 s1, s17;
	s16 =	simm.s32 $0x3;
	s17 =	simm.s32 $0x2  }
0xb: {  	s7 =	sshll.u32 s7, $0x4;
	s8 =	sshrl.u32 s8, $0x3;
	s23 =	sadd.s32 $0xF0, s1  }
0xc: {  	s26 =	sadd.s32 $0xA0, s1;
	s28 =	sadd.s32 $0xA000, s11;
	s0 =	sadd.s32 s7, s0  }
0xd: {  	s7 =	ssub.s32 s9, s12;
	s12 =	sadd.s32 s5, s8;
	[dreg:$0x10] =	wrdreg s26  }
0xe: {  	s13 =	sadd.s32 $0xA, s8;
	s8 =	sadd.s32 s6, s8;
	[dreg:$0x3] =	wrdreg s12  }
0xf: {  	s29 =	sadd.s32 $0xC800, s11;
	[dreg:$0x4] =	wrdreg s8;
	s14 =	sadd.s32 s5, s13  }
0x10: {  	s30 =	sadd.s32 $0xF000, s11;
	s15 =	sadd.s32 s6, s13;
	[dreg:$0x5] =	wrdreg s14  }
0x11: {  	s31 =	sadd.s32 $0x11800, s11;
	s7 =	smax.u32 s7, $0x1;
	[dreg:$0x6] =	wrdreg s15  }
0x12: {  	s1 =	simm.s32 $0x5;
	s18 =	sadd.s32 $0x40C00, s0;
	[dreg:$0x7] =	wrdreg s7  }
0x13: {  	s26 =	sadd.s32 $0x7800, s11;
	s19 =	sadd.s32 $0x41100, s0;
	[dreg:$0x8] =	wrdreg s18  }
0x14: {  	s9 =	simm.s32 $0x80;
	s20 =	sadd.s32 $0x41600, s0;
	[dreg:$0x9] =	wrdreg s19  }
0x15: {  	s13 =	sadd.s32 $0x2800, s11;
	s21 =	sadd.s32 $0x41B00, s0;
	[dreg:$0xa] =	wrdreg s20  }
0x16: {  	s22 =	sadd.s32 $0x42000, s0;
	s24 =	sadd.s32 $0x42500, s0;
	[dreg:$0xb] =	wrdreg s21  }
0x17: {  	s25 =	sadd.s32 $0x42A00, s0;
	s0 =	sadd.s32 $0x42F00, s0;
	[dreg:$0xc] =	wrdreg s22  }
.Ltmp0:
0x18: {  	s8 =	simm.s32 $0x50;
	[dreg:$0xd] =	wrdreg s24;
	(pc) =	sbr.rel .LBB2_1-.Ltmp0, $4  }
0x19: {  	s12 =	simm.s32 $0x2A00;
	s14 =	sadd.s32 $0x5000, s11;
	[dreg:$0xe] =	wrdreg s25  }
0x1a: {  	s7 =	sshrl.u32 s23, $0x3;
	[dreg:$0xf] =	wrdreg s0;
	s0 =	simm.s32 $0x200  }
0x1b: {  	s15 =	simm.s32 $0x1;
	s18 =	simm.s32 $0x4;
	s19 =	simm.s32 $0x0  }
0x1c: {  	v0 =	vimm.f32 $0.0e+00;
	s23 =	sadd.s32 s7, s6;
	s24 =	sadd.s32 s7, s5;
	s7 =	simm.s32 $0x100  }
.LBB2_6:
0x1d: {  	_ =	swait.ge [sflag:s15], $0x2800  }
0x1e: {  	[sflag:s15] =	ssyncset.done $0x0  }
0x1f: {  	[sflag:s15] =	ssyncadd.s32 $0xFFFFD800  }
0x20: {  	[spmem:s2] =	stream.indirect.scatter.add.f32 [tilespmem:s0], [sflag:$0x3], $0x80, s7, s8, $0xb8;
	[tilespmem:$0x19200] =	vst v63  }
0x21: {  	_ =	swait.ge [sflag:s16], $0x2800  }
0x22: {  	[sflag:s16] =	ssyncset.done $0x0  }
0x23: {  	[sflag:s16] =	ssyncadd.s32 $0xFFFFD800  }
0x24: {  	_ =	swait.ge [sflag:s18], $0x2800  }
0x25: {  	[sflag:s18] =	ssyncset.done $0x0  }
0x26: {  	[sflag:s18] =	ssyncadd.s32 $0xFFFFD800  }
0x27: {  	[bflag:$0x0] =	sbarrier.arrive $0xFFFF  }
0x28: {  	[tilespmem:s0], [sflag:$0x5] =	stream.linear.gather [spmem:s11], $0x2800, $0x38;
	[tilespmem:$0x19200] =	vst v63  }
0x29: {  	_ =	swait.ge [sflag:s1], $0x2800  }
0x2a: {  	[sflag:s1] =	ssyncset.done $0x0  }
0x2b: {  	s20 =	rddreg [dreg:$0x8];
	[sflag:s1] =	ssyncadd.s32 $0xFFFFD800  }
0x2c: {  	[hbm4b:s20+s3] =	stream.linear.scatter [tilespmem:s0], [sflag:$0x5], $0x2800, $0x38;
	[tilespmem:$0x19200] =	vst v63  }
0x2d: {  	_ =	swait.ge [sflag:s1], $0x2800  }
0x2e: {  	[sflag:s1] =	ssyncset.done $0x0  }
0x2f: {  	[sflag:s1] =	ssyncadd.s32 $0xFFFFD800  }
0x30: {  	[tilespmem:s0], [sflag:$0x5] =	stream.linear.gather [spmem:s13], $0x2800, $0x38;
	[tilespmem:$0x19200] =	vst v63  }
0x31: {  	_ =	swait.ge [sflag:s1], $0x2800  }
0x32: {  	[sflag:s1] =	ssyncset.done $0x0  }
0x33: {  	s22 =	rddreg [dreg:$0x9];
	[sflag:s1] =	ssyncadd.s32 $0xFFFFD800  }
0x34: {  	[hbm4b:s22+s3] =	stream.linear.scatter [tilespmem:s0], [sflag:$0x5], $0x2800, $0x38;
	[tilespmem:$0x19200] =	vst v63  }
0x35: {  	_ =	swait.ge [sflag:s1], $0x2800  }
0x36: {  	[sflag:s1] =	ssyncset.done $0x0  }
0x37: {  	[sflag:s1] =	ssyncadd.s32 $0xFFFFD800  }
0x38: {  	[tilespmem:s0], [sflag:$0x5] =	stream.linear.gather [spmem:s14], $0x2800, $0x38;
	[tilespmem:$0x19200] =	vst v63  }
0x39: {  	_ =	swait.ge [sflag:s1], $0x2800  }
0x3a: {  	[sflag:s1] =	ssyncset.done $0x0  }
0x3b: {  	s25 =	rddreg [dreg:$0xa];
	[sflag:s1] =	ssyncadd.s32 $0xFFFFD800  }
0x3c: {  	[hbm4b:s25+s3] =	stream.linear.scatter [tilespmem:s0], [sflag:$0x5], $0x2800, $0x38;
	[tilespmem:$0x19200] =	vst v63  }
0x3d: {  	_ =	swait.ge [sflag:s1], $0x2800  }
0x3e: {  	[sflag:s1] =	ssyncset.done $0x0  }
0x3f: {  	[sflag:s1] =	ssyncadd.s32 $0xFFFFD800  }
0x40: {  	[tilespmem:s0], [sflag:$0x5] =	stream.linear.gather [spmem:s26], $0x2800, $0x38;
	[tilespmem:$0x19200] =	vst v63  }
0x41: {  	_ =	swait.ge [sflag:s1], $0x2800  }
0x42: {  	[sflag:s1] =	ssyncset.done $0x0  }
0x43: {  	s21 =	rddreg [dreg:$0xb];
	[sflag:s1] =	ssyncadd.s32 $0xFFFFD800  }
0x44: {  	[hbm4b:s21+s3] =	stream.linear.scatter [tilespmem:s0], [sflag:$0x5], $0x2800, $0x38;
	[tilespmem:$0x19200] =	vst v63  }
0x45: {  	_ =	swait.ge [sflag:s1], $0x2800  }
0x46: {  	[sflag:s1] =	ssyncset.done $0x0  }
0x47: {  	[sflag:s1] =	ssyncadd.s32 $0xFFFFD800  }
0x48: {  	[tilespmem:s0], [sflag:$0x5] =	stream.linear.gather [spmem:s28], $0x2800, $0x38;
	[tilespmem:$0x19200] =	vst v63  }
0x49: {  	_ =	swait.ge [sflag:s1], $0x2800  }
0x4a: {  	[sflag:s1] =	ssyncset.done $0x0  }
0x4b: {  	s22 =	rddreg [dreg:$0xc];
	[sflag:s1] =	ssyncadd.s32 $0xFFFFD800  }
0x4c: {  	[hbm4b:s22+s3] =	stream.linear.scatter [tilespmem:s0], [sflag:$0x5], $0x2800, $0x38;
	[tilespmem:$0x19200] =	vst v63  }
0x4d: {  	_ =	swait.ge [sflag:s1], $0x2800  }
0x4e: {  	[sflag:s1] =	ssyncset.done $0x0  }
0x4f: {  	[sflag:s1] =	ssyncadd.s32 $0xFFFFD800  }
0x50: {  	[tilespmem:s0], [sflag:$0x5] =	stream.linear.gather [spmem:s29], $0x2800, $0x38;
	[tilespmem:$0x19200] =	vst v63  }
0x51: {  	_ =	swait.ge [sflag:s1], $0x2800  }
0x52: {  	[sflag:s1] =	ssyncset.done $0x0  }
0x53: {  	s25 =	rddreg [dreg:$0xd];
	[sflag:s1] =	ssyncadd.s32 $0xFFFFD800  }
0x54: {  	[hbm4b:s25+s3] =	stream.linear.scatter [tilespmem:s0], [sflag:$0x5], $0x2800, $0x38;
	[tilespmem:$0x19200] =	vst v63  }
0x55: {  	_ =	swait.ge [sflag:s1], $0x2800  }
0x56: {  	[sflag:s1] =	ssyncset.done $0x0  }
0x57: {  	[sflag:s1] =	ssyncadd.s32 $0xFFFFD800  }
0x58: {  	[tilespmem:s0], [sflag:$0x5] =	stream.linear.gather [spmem:s30], $0x2800, $0x38;
	[tilespmem:$0x19200] =	vst v63  }
0x59: {  	_ =	swait.ge [sflag:s1], $0x2800  }
0x5a: {  	[sflag:s1] =	ssyncset.done $0x0  }
0x5b: {  	s21 =	rddreg [dreg:$0xe];
	[sflag:s1] =	ssyncadd.s32 $0xFFFFD800  }
0x5c: {  	[hbm4b:s21+s3] =	stream.linear.scatter [tilespmem:s0], [sflag:$0x5], $0x2800, $0x38;
	[tilespmem:$0x19200] =	vst v63  }
0x5d: {  	_ =	swait.ge [sflag:s1], $0x2800  }
0x5e: {  	[sflag:s1] =	ssyncset.done $0x0  }
0x5f: {  	[sflag:s1] =	ssyncadd.s32 $0xFFFFD800  }
0x60: {  	[tilespmem:s0], [sflag:$0x5] =	stream.linear.gather [spmem:s31], $0x2800, $0x38;
	[tilespmem:$0x19200] =	vst v63  }
0x61: {  	_ =	swait.ge [sflag:s1], $0x2800  }
0x62: {  	[sflag:s1] =	ssyncset.done $0x0  }
0x63: {  	s22 =	rddreg [dreg:$0xf];
	[sflag:s1] =	ssyncadd.s32 $0xFFFFD800  }
0x64: {  	[hbm4b:s22+s3] =	stream.linear.scatter [tilespmem:s0], [sflag:$0x5], $0x2800, $0x38;
	[tilespmem:$0x19200] =	vst v63  }
0x65: {  	_ =	swait.ge [sflag:s1], $0x2800  }
0x66: {  	s19 =	sadd.s32 $0x1, s19;
	s25 =	rddreg [dreg:$0x7]  }
0x67: {  	p0 =	sne.s32 s19, s25  }
.Ltmp1:
0x68: {  	_ = 	snop;
	(pc) =	sbr.rel @!p0 .LBB2_7-.Ltmp1, $3  }
0x69: {  	_ =	sdelay $0x1  }
0x6a: {  	[sflag:s1] =	ssyncset.done $0x0  }
0x6b: {  	[sflag:s1] =	ssyncadd.s32 $0xFFFFD800  }
.LBB2_1:
0x6c: {  	s20 =	simm.s32 $0x0;
	s25 =	simm.s32 $0x200  }
.LBB2_2:
0x6d: {  	p0 =	sne.s32 s25, $0x9E00;
	[tilespmem:s20+$0x270] =	vst v0  }
0x6e: {  	[tilespmem:s20+$0x200] =	vst v0  }
0x6f: {  	[tilespmem:s20+$0x210] =	vst v0  }
.Ltmp2:
0x70: {  	[tilespmem:s20+$0x220] =	vst v0;
	(pc) =	sbr.rel @p0 .LBB2_2-.Ltmp2, $4  }
0x71: {  	[tilespmem:s20+$0x230] =	vst v0  }
0x72: {  	[tilespmem:s20+$0x240] =	vst v0  }
0x73: {  	[tilespmem:s20+$0x250] =	vst v0  }
0x74: {  	[tilespmem:s20+$0x260] =	vst v0;
	s20 =	sshra.s32 s25, $0x2;
	s25 =	sadd.s32 $0x200, s25  }
0x75: {  	[tilespmem:s20+$0x270] =	vst v0  }
0x76: {  	[tilespmem:s20+$0x200] =	vst v0  }
0x77: {  	[tilespmem:s20+$0x210] =	vst v0  }
0x78: {  	[tilespmem:s20+$0x220] =	vst v0  }
0x79: {  	[tilespmem:s20+$0x230] =	vst v0  }
0x7a: {  	[tilespmem:s20+$0x240] =	vst v0  }
0x7b: {  	[tilespmem:s20+$0x250] =	vst v0  }
0x7c: {  	[tilespmem:s20+$0x260] =	vst v0  }
0x7d: {  	[spmem:s11] =	stream.linear.scatter [tilespmem:s0], [sflag:$0x5], $0x2800, $0x38;
	[tilespmem:$0x19200] =	vst v63  }
0x7e: {  	_ =	swait.ge [sflag:s1], $0x2800  }
0x7f: {  	[sflag:s1] =	ssyncset.done $0x0  }
0x80: {  	[sflag:s1] =	ssyncadd.s32 $0xFFFFD800  }
0x81: {  	[spmem:s13] =	stream.linear.scatter [tilespmem:s0], [sflag:$0x5], $0x2800, $0x38;
	[tilespmem:$0x19200] =	vst v63  }
0x82: {  	_ =	swait.ge [sflag:s1], $0x2800  }
0x83: {  	[sflag:s1] =	ssyncset.done $0x0  }
0x84: {  	[sflag:s1] =	ssyncadd.s32 $0xFFFFD800  }
0x85: {  	[spmem:s14] =	stream.linear.scatter [tilespmem:s0], [sflag:$0x5], $0x2800, $0x38;
	[tilespmem:$0x19200] =	vst v63  }
0x86: {  	_ =	swait.ge [sflag:s1], $0x2800  }
0x87: {  	[sflag:s1] =	ssyncset.done $0x0  }
0x88: {  	[sflag:s1] =	ssyncadd.s32 $0xFFFFD800  }
0x89: {  	[spmem:s26] =	stream.linear.scatter [tilespmem:s0], [sflag:$0x5], $0x2800, $0x38;
	[tilespmem:$0x19200] =	vst v63  }
0x8a: {  	_ =	swait.ge [sflag:s1], $0x2800  }
0x8b: {  	[sflag:s1] =	ssyncset.done $0x0  }
0x8c: {  	[sflag:s1] =	ssyncadd.s32 $0xFFFFD800  }
0x8d: {  	[spmem:s28] =	stream.linear.scatter [tilespmem:s0], [sflag:$0x5], $0x2800, $0x38;
	[tilespmem:$0x19200] =	vst v63  }
0x8e: {  	_ =	swait.ge [sflag:s1], $0x2800  }
0x8f: {  	[sflag:s1] =	ssyncset.done $0x0  }
0x90: {  	[sflag:s1] =	ssyncadd.s32 $0xFFFFD800  }
0x91: {  	[spmem:s29] =	stream.linear.scatter [tilespmem:s0], [sflag:$0x5], $0x2800, $0x38;
	[tilespmem:$0x19200] =	vst v63  }
0x92: {  	_ =	swait.ge [sflag:s1], $0x2800  }
0x93: {  	[sflag:s1] =	ssyncset.done $0x0  }
0x94: {  	[sflag:s1] =	ssyncadd.s32 $0xFFFFD800  }
0x95: {  	[spmem:s30] =	stream.linear.scatter [tilespmem:s0], [sflag:$0x5], $0x2800, $0x38;
	[tilespmem:$0x19200] =	vst v63  }
0x96: {  	_ =	swait.ge [sflag:s1], $0x2800  }
0x97: {  	[sflag:s1] =	ssyncset.done $0x0  }
0x98: {  	[sflag:s1] =	ssyncadd.s32 $0xFFFFD800  }
0x99: {  	[spmem:s31] =	stream.linear.scatter [tilespmem:s0], [sflag:$0x5], $0x2800, $0x38;
	[tilespmem:$0x19200] =	vst v63  }
0x9a: {  	_ =	swait.ge [sflag:s1], $0x2800  }
0x9b: {  	[sflag:s1] =	ssyncset.done $0x0  }
0x9c: {  	[sflag:s1] =	ssyncadd.s32 $0xFFFFD800  }
0x9d: {  	[bflag:$0x0] =	sbarrier.arrive $0xFFFF  }
0x9e: {  	s20 =	simm.s32 $0x0;
	s21 =	rddreg [dreg:$0x3]  }
0x9f: {  	[tilespmem:s20], [sflag:$0x5] =	stream.linear.gather [hbm4b:s21+s20], $0x50, $0x38;
	[tilespmem:$0x19200] =	vst v63  }
0xa0: {  	_ =	swait.ge [sflag:s1], $0x50  }
0xa1: {  	[sflag:s1] =	ssyncset.done $0x0  }
0xa2: {  	s25 =	rddreg [dreg:$0x4];
	[sflag:s1] =	ssyncadd.s32 $0xFFFFFFB0  }
0xa3: {  	[tilespmem:s7], [sflag:$0x5] =	stream.linear.gather [hbm4b:s25+s20], $0x50, $0x38;
	[tilespmem:$0x19200] =	vst v63  }
0xa4: {  	_ =	swait.ge [sflag:s1], $0x50  }
0xa5: {  	[sflag:s1] =	ssyncset.done $0x0  }
0xa6: {  	[sflag:s1] =	ssyncadd.s32 $0xFFFFFFB0  }
0xa7: {  	[tilespmem:s0], [sflag:$0x1] =	stream.indirect.gather [hbm4b:s4+s8], $0x80, s20, s8, $0xb8;
	[tilespmem:$0x19200] =	vst v63  }
0xa8: {  	s22 =	rddreg [dreg:$0x5]  }
0xa9: {  	[tilespmem:s9], [sflag:$0x5] =	stream.linear.gather [hbm4b:s22+s20], $0x50, $0x38;
	[tilespmem:$0x19200] =	vst v63  }
0xaa: {  	_ =	swait.ge [sflag:s1], $0x50  }
0xab: {  	[sflag:s1] =	ssyncset.done $0x0  }
0xac: {  	s25 =	rddreg [dreg:$0x6];
	[sflag:s1] =	ssyncadd.s32 $0xFFFFFFB0  }
0xad: {  	[tilespmem:s10], [sflag:$0x5] =	stream.linear.gather [hbm4b:s25+s20], $0x50, $0x38;
	[tilespmem:$0x19200] =	vst v63  }
0xae: {  	_ =	swait.ge [sflag:s1], $0x50  }
0xaf: {  	[sflag:s1] =	ssyncset.done $0x0  }
0xb0: {  	s25 =	rddreg [dreg:$0x10];
	[sflag:s1] =	ssyncadd.s32 $0xFFFFFFB0  }
0xb1: {  	[tilespmem:s12], [sflag:$0x2] =	stream.indirect.gather [hbm4b:s4+s8], $0x80, s9, s8, $0xb8;
	[tilespmem:$0x19200] =	vst v63  }
.LBB2_4:
0xb2: {  	_ =	swait.ge [sflag:s15], $0x2800  }
0xb3: {  	[sflag:s15] =	ssyncset.done $0x0  }
0xb4: {  	[sflag:s15] =	ssyncadd.s32 $0xFFFFD800  }
0xb5: {  	[spmem:s2] =	stream.indirect.scatter.add.f32 [tilespmem:s0], [sflag:$0x3], $0x80, s7, s8, $0xb8;
	[tilespmem:$0x19200] =	vst v63  }
0xb6: {  	_ =	swait.ge [sflag:s16], $0x2800  }
0xb7: {  	s22 =	sshrl.u32 s25, $0x3;
	[sflag:s16] =	ssyncset.done $0x0  }
0xb8: {  	s21 =	sadd.s32 s5, s22;
	[sflag:s16] =	ssyncadd.s32 $0xFFFFD800  }
0xb9: {  	[tilespmem:s3], [sflag:$0x5] =	stream.linear.gather [hbm4b:s21+s3], $0x50, $0x38;
	[tilespmem:$0x19200] =	vst v63  }
0xba: {  	_ =	swait.ge [sflag:s1], $0x50  }
0xbb: {  	[sflag:s1] =	ssyncset.done $0x0  }
0xbc: {  	s22 =	sadd.s32 s6, s22;
	[sflag:s1] =	ssyncadd.s32 $0xFFFFFFB0  }
0xbd: {  	[tilespmem:s7], [sflag:$0x5] =	stream.linear.gather [hbm4b:s22+s3], $0x50, $0x38;
	[tilespmem:$0x19200] =	vst v63  }
0xbe: {  	_ =	swait.ge [sflag:s1], $0x50  }
0xbf: {  	[sflag:s1] =	ssyncset.done $0x0  }
0xc0: {  	p0 =	seq.s32 s20, $0x4C4;
	[sflag:s1] =	ssyncadd.s32 $0xFFFFFFB0  }
0xc1: {  	[tilespmem:s0], [sflag:$0x1] =	stream.indirect.gather [hbm4b:s4+s8], $0x80, s3, s8, $0xb8;
	[tilespmem:$0x19200] =	vst v63  }
.Ltmp3:
0xc2: {  	_ = 	snop;
	(pc) =	sbr.rel @p0 .LBB2_6-.Ltmp3, $4  }
0xc3: {  	_ =	swait.ge [sflag:s17], $0x2800  }
0xc4: {  	[sflag:s17] =	ssyncset.done $0x0  }
0xc5: {  	[sflag:s17] =	ssyncadd.s32 $0xFFFFD800  }
0xc6: {  	[spmem:s2] =	stream.indirect.scatter.add.f32 [tilespmem:s12], [sflag:$0x4], $0x80, s10, s8, $0xb8;
	[tilespmem:$0x19200] =	vst v63  }
0xc7: {  	_ =	swait.ge [sflag:s18], $0x2800  }
0xc8: {  	[sflag:s18] =	ssyncset.done $0x0  }
0xc9: {  	s21 =	sadd.s32 s20, s24;
	[sflag:s18] =	ssyncadd.s32 $0xFFFFD800  }
0xca: {  	[tilespmem:s9], [sflag:$0x5] =	stream.linear.gather [hbm4b:s21+s3], $0x50, $0x38;
	[tilespmem:$0x19200] =	vst v63  }
0xcb: {  	_ =	swait.ge [sflag:s1], $0x50  }
0xcc: {  	[sflag:s1] =	ssyncset.done $0x0  }
0xcd: {  	s22 =	sadd.s32 s20, s23;
	[sflag:s1] =	ssyncadd.s32 $0xFFFFFFB0  }
0xce: {  	[tilespmem:s10], [sflag:$0x5] =	stream.linear.gather [hbm4b:s22+s3], $0x50, $0x38;
	[tilespmem:$0x19200] =	vst v63  }
.Ltmp4:
0xcf: {  	_ = 	snop;
	(pc) =	sbr.rel .LBB2_4-.Ltmp4, $4  }
0xd0: {  	_ =	swait.ge [sflag:s1], $0x50  }
0xd1: {  	[sflag:s1] =	ssyncset.done $0x0  }
0xd2: {  	s20 =	sadd.s32 $0x14, s20;
	s25 =	sadd.s32 $0xA0, s25;
	[sflag:s1] =	ssyncadd.s32 $0xFFFFFFB0  }
0xd3: {  	[tilespmem:s12], [sflag:$0x2] =	stream.indirect.gather [hbm4b:s4+s8], $0x80, s9, s8, $0xb8;
	[tilespmem:$0x19200] =	vst v63  }
.LBB2_7:
0xd4: {  	_ =	sfence.sel $0x180000  }
0xd5: {  	[bflag:$0x0] =	sbarrier.arrive $0xFFFF  }
0xd6: {  	_ =	strace $0x9000004A  }
0xd7: {  	s0 =	stileid.u32;
	[bflag:$0x2] =	sbarrier.arrive $0xFFFF  }
0xd8: {  	p0 =	sne.s32 s0, $0x0;
	s0 =	rddreg [dreg:$0x2]  }
0xd9: {  	s0 =	sadd.s32 @!p0 $0x100000, s0  }
0xda: {  	[sflag:s0] =	ssyncadd.tile.s32 @!p0 $0x1;
	_ =	shalt  }
.Lfunc_end2:
_tile_overlayer_lowered:
.L_overlay_start_2:
0xdb: {  	(tag) =	ssettag $0x2  }
0xdc: {  	s0 =	rddreg [dreg:$0x0];
	s2 =	stileid.u32  }
0xdd: {  	s1 =	rddreg [dreg:$0x1];
	p0 =	sne.s32 s2, $0x0  }
0xde: {  	s3 =	rddreg [dreg:$0x2];
	[bflag:$0x3] =	sbarrier.arrive $0xFFFF;
	s2 =	simm.s32 @!p0 $0x1C05  }
0xdf: {  	[timem:s3], [sflag:s2] =	dma.local @!p0 [hbm:s0], s1  }
0xe0: {  	s0 =	simm.s32 @!p0 $0x5  }
0xe1: {  	_ =	swait.ge @!p0 [sflag:s0], s1  }
0xe2: {  	s1 =	ssub.s32 @!p0 $0x0, s1;
	[sflag:s0] =	ssyncset.done @!p0 $0x0  }
0xe3: {  	[sflag:s0] =	ssyncadd.s32 @!p0 s1  }
0xe4: {  	[bflag:$0x3] =	sbarrier.arrive $0xFFFF  }
0xe5: {  	_ =	shalt  }

// kernel: kernel.23.cloned.1.call-start
scs
__scs_entry_jumppad:
0x0: {  	(pc) =	sbr.rel $0x88, $3  }
0x1: {  	(tag) =	ssettag $0x0;
	lr =	simm.s32 $0x1  }
0x2: {  	[smem:$0x3F88] =	sst lr;
	_ =	strace $0xD0000000  }
0x3: {  	_ = 	snop  }
0x4: {  	_ = 	snop  }
0x5: {  	_ = 	snop  }
0x6: {  	_ = 	snop  }
0x7: {  	_ = 	snop  }
__scs_overlays_trampoline_lowered:
0x8: {  	[smem:$0x3F97] =	sst s0  }
0x9: {  	[smem:$0x3F98] =	sst s1  }
0xa: {  	[smem:$0x3F99] =	sst s2  }
0xb: {  	[smem:$0x3F9A] =	sst s3  }
0xc: {  	[smem:$0x3F9B] =	sst s4  }
0xd: {  	[smem:$0x3F9C] =	sst s5  }
0xe: {  	[smem:$0x3F9D] =	sst s6  }
0xf: {  	[smem:$0x3F9E] =	sst s7  }
0x10: {  	[smem:$0x3F9F] =	sst s8  }
0x11: {  	[smem:$0x3FA0] =	sst s9;
	s0 =	simm.s32 @!p0 $0x0  }
0x12: {  	s1 =	sld [smem:$0x3F86];
	s0 =	simm.s32 @p0 $0x1  }
0x13: {  	[smem:$0x3FA1] =	sst s0;
	s0 =	simm.s32 @!p1 $0x0  }
0x14: {  	s2 =	sld [smem:$0x3F85];
	s0 =	simm.s32 @p1 $0x1  }
0x15: {  	[smem:$0x3FA2] =	sst s0;
	s0 =	simm.s32 @!p2 $0x0  }
0x16: {  	s3 =	sld [smem:$0x3FDB];
	s0 =	simm.s32 @p2 $0x1  }
0x17: {  	s4 =	simm.s32 $0x1BF5;
	[smem:$0x3FA4] =	sst s0  }
0x18: {  	s0 =	sld [smem:$0x3F87];
	_ =	swait.ge [sflag:s4], $0x0  }
0x19: {  	s7 =	sld [smem:$0x3F88]  }
0x1a: {  	s8 =	sadd.s32 $0xFFFFE003, lr  }
0x1b: {  	s9 =	sadd.s32 $0xFFFFFEF7, lr;
	s5 =	simm.s32 $0xFFFFFFFF;
	p2 =	slt.u32 s8, $0xFFFFF086  }
0x1c: {  	p1 =	slt.u32 s9, $0xF7A;
	s5 =	simm.s32 @!p2 $0x0  }
0x1d: {  	s5 =	simm.s32 @p1 $0x1;
	p0 =	seq.s32 s7, s2  }
0x1e: {  	s7 =	smul.u32 @!p0 $0xF7A, s2;
	p2 =	seq.s32 @!p0 s5, $0x0  }
0x1f: {  	s9 =	smul.u32 $0xF7A, s1;
	s8 =	simm.s32 @!p0 $0x1BF5;
	p2 =	por !p2, p0  }
0x20: {  	[sflag:s8] =	ssyncset.s32 @!p0 $0xFFFFF086;
	s6 =	sadd.s32 @!p0 s3, s7;
	s7 =	simm.s32 @!p0 $0x108  }
0x21: {  	s3 =	sadd.s32 s3, s9;
	s6 =	sadd.s32 @!p0 $0x88, s6;
	s7 =	simm.s32 @p2 $0x1082  }
0x22: {  	[simem:s7], [sflag:s8] =	dma.local @!p0 [hbm:s6], $0xF7A  }
0x23: {  	s9 =	sor.u32 $0xD0000000, s2;
	s6 =	simm.s32 $0x108;
	_ =	swait.ge @!p0 [sflag:s8], $0x0  }
0x24: {  	s3 =	sadd.s32 $0x88, s3;
	s6 =	simm.s32 @!p1 $0x1082;
	[sflag:s4] =	ssyncset.s32 $0xFFFFF086  }
0x25: {  	[simem:s6], [sflag:s4] =	dma.local [hbm:s3], $0xF7A  }
0x26: {  	[smem:$0x3F88] =	sst s1;
	(tag) =	ssettag s2;
	_ =	strace s9  }
0x27: {  	s1 =	sld [smem:$0x3F98]  }
0x28: {  	s2 =	sld [smem:$0x3F99]  }
0x29: {  	s4 =	sld [smem:$0x3F9B]  }
0x2a: {  	p0 =	seq.s32 s5, $0x0;
	s5 =	sld [smem:$0x3F9C]  }
0x2b: {  	s6 =	sld [smem:$0x3F9D]  }
0x2c: {  	s7 =	sld [smem:$0x3F9E]  }
0x2d: {  	s3 =	simm.s32 $0x108;
	s8 =	sld [smem:$0x3F9F]  }
0x2e: {  	s3 =	simm.s32 @!p0 $0x1082;
	s9 =	sld [smem:$0x3FA0]  }
0x2f: {  	lr =	sadd.s32 s0, s3;
	s0 =	sld [smem:$0x3F97]  }
0x30: {  	s3 =	sld [smem:$0x3F9A]  }
0x31: {  	[smem:$0x3FA3] =	sst s10  }
0x32: {  	s10 =	sld [smem:$0x3FA1];
	_ =	sdelay $0x3  }
0x33: {  	p0 =	seq.s32 s10, $0x1;
	s10 =	sld [smem:$0x3FA3];
	_ =	sdelay $0x3  }
0x34: {  	[smem:$0x3FA3] =	sst s10  }
0x35: {  	s10 =	sld [smem:$0x3FA2];
	_ =	sdelay $0x3  }
0x36: {  	p1 =	seq.s32 s10, $0x1;
	s10 =	sld [smem:$0x3FA3];
	_ =	sdelay $0x3  }
0x37: {  	[smem:$0x3FA3] =	sst s10  }
0x38: {  	s10 =	sld [smem:$0x3FA4]  }
0x39: {  	_ = 	snop;
	(pc) =	sbr.ind lr, $3  }
0x3a: {  	_ = 	snop  }
0x3b: {  	_ = 	snop  }
0x3c: {  	p2 =	seq.s32 s10, $0x1;
	s10 =	sld [smem:$0x3FA3]  }
0x3d: {  	_ =	shalt  }
0x3e: {  	_ =	shalt  }
0x3f: {  	_ =	shalt  }
0x40: {  	_ =	shalt  }
0x41: {  	_ =	shalt  }
0x42: {  	_ =	shalt  }
0x43: {  	_ =	shalt  }
0x44: {  	_ =	shalt  }
0x45: {  	_ =	shalt  }
0x46: {  	_ =	shalt  }
0x47: {  	_ =	shalt  }
0x48: {  	_ =	shalt  }
0x49: {  	_ =	shalt  }
0x4a: {  	_ =	shalt  }
0x4b: {  	_ =	shalt  }
0x4c: {  	_ =	shalt  }
0x4d: {  	_ =	shalt  }
0x4e: {  	_ =	shalt  }
0x4f: {  	_ =	shalt  }
0x50: {  	_ =	shalt  }
0x51: {  	_ =	shalt  }
0x52: {  	_ =	shalt  }
0x53: {  	_ =	shalt  }
0x54: {  	_ =	shalt  }
0x55: {  	_ =	shalt  }
0x56: {  	_ =	shalt  }
0x57: {  	_ =	shalt  }
0x58: {  	_ =	shalt  }
0x59: {  	_ =	shalt  }
0x5a: {  	_ =	shalt  }
0x5b: {  	_ =	shalt  }
0x5c: {  	_ =	shalt  }
0x5d: {  	_ =	shalt  }
0x5e: {  	_ =	shalt  }
0x5f: {  	_ =	shalt  }
0x60: {  	_ =	shalt  }
0x61: {  	_ =	shalt  }
0x62: {  	_ =	shalt  }
0x63: {  	_ =	shalt  }
0x64: {  	_ =	shalt  }
0x65: {  	_ =	shalt  }
0x66: {  	_ =	shalt  }
0x67: {  	_ =	shalt  }
0x68: {  	_ =	shalt  }
0x69: {  	_ =	shalt  }
0x6a: {  	_ =	shalt  }
0x6b: {  	_ =	shalt  }
0x6c: {  	_ =	shalt  }
0x6d: {  	_ =	shalt  }
0x6e: {  	_ =	shalt  }
0x6f: {  	_ =	shalt  }
0x70: {  	_ =	shalt  }
0x71: {  	_ =	shalt  }
0x72: {  	_ =	shalt  }
0x73: {  	_ =	shalt  }
0x74: {  	_ =	shalt  }
0x75: {  	_ =	shalt  }
0x76: {  	_ =	shalt  }
0x77: {  	_ =	shalt  }
0x78: {  	_ =	shalt  }
0x79: {  	_ =	shalt  }
0x7a: {  	_ =	shalt  }
0x7b: {  	_ =	shalt  }
0x7c: {  	_ =	shalt  }
0x7d: {  	_ =	shalt  }
0x7e: {  	_ =	shalt  }
0x7f: {  	_ =	shalt  }
0x80: {  	_ =	shalt  }
0x81: {  	_ =	shalt  }
0x82: {  	_ =	shalt  }
0x83: {  	_ =	shalt  }
0x84: {  	_ =	shalt  }
0x85: {  	_ =	shalt  }
0x86: {  	_ =	shalt  }
0x87: {  	_ =	shalt  }
.Lfunc_end0:
.L_simem_size_0:
called_computation.2_lowered:
.L_overlay_start_0:
0x88: {  	s2 =	sld [smem:$0x3FD9]  }
0x89: {  	s3 =	sld [smem:$0x3FFE];
	_ =	sdelay $0x1  }
0x8a: {  	s1 =	srdreg.scid  }
0x8b: {  	s0 =	sand.u32 $0x1, s1  }
0x8c: {  	s16 =	sshll.u32 s0, $0xA;
	s2 =	sadd.s32 s3, s2  }
0x8d: {  	s2 =	sadd.s32 s2, s16  }
0x8e: {  	[smem:$0x3FAF] =	sst s2  }
0x8f: {  	_ = 	snop  }
0x90: {  	(tm) =	ssettm $0x1  }
0x91: {  	s17 =	sld [smem:$0x3FFB];
	_ =	sdelay $0x3  }
0x92: {  	_ =	strace s17  }
0x93: {  	s2 =	sld [smem:$0x3FFC];
	_ =	sdelay $0x3  }
0x94: {  	_ =	strace s2  }
0x95: {  	s2 =	sld [smem:$0x3FFD];
	_ =	sdelay $0x3  }
0x96: {  	_ =	strace s2  }
0x97: {  	_ =	strace $0x8FFFFFFF  }
0x98: {  	s18 =	sld [smem:$0x3FDB];
	_ =	sdelay $0x1  }
0x99: {  	s19 =	simm.s32 $_scs_section_size  }
0x9a: {  	s4 =	simm.s32 $_size__tile_overlayer_lowered;
	s5 =	simm.s32 $_tile_overlayer_lowered  }
0x9b: {  	s22 =	simm.s32 $0x1BFF;
	s21 =	sshll.u32 s5, $0x1;
	s2 =	sadd.s32 s19, s18  }
0x9c: {  	s6 =	simm.s32 $0x0;
	s20 =	sshll.u32 s4, $0x1;
	s4 =	sadd.s32 s21, s2  }
0x9d: {  	[timem:s6], [sflag:s22] =	dma.local [hbm:s4], s20  }
0x9e: {  	_ =	swait.ge [sflag:s22], s20  }
0x9f: {  	s3 =	ssub.s32 $0x0, s20;
	[sflag:s22] =	ssyncset.done $0x0  }
0xa0: {  	[sflag:s22] =	ssyncadd.s32 s3;
	_ =	sdelay $0x1  }
0xa1: {  	s23 =	simm.s32 $0x1B8B  }
0xa2: {  	_ =	swait.ge [sflag:s23], $0x1  }
0xa3: {  	[sflag:s23] =	ssyncset.done $0x0  }
0xa4: {  	s25 =	simm.s32 $0x1B8E;
	s24 =	sld [smem:$0x3FFE];
	[sflag:s23] =	ssyncadd.s32 $0xFFFFFFFF  }
0xa5: {  	s26 =	simm.s32 $execute0_lowered;
	[smem:$0x3FD2] =	sst s25  }
0xa6: {  	s4 =	sshll.u32 s26, $0x1;
	_ =	strace $0x8000004C;
	[dreg:$0x1] =	wrdreg $0xFFFFFFFF  }
0xa7: {  	s28 =	simm.s32 $_size_execute0_lowered;
	s2 =	sadd.s32 s2, s4;
	[dreg:$0x0] =	wrdreg $0x0  }
0xa8: {  	s4 =	sshll.u32 s28, $0x1;
	[dreg:$0x2] =	wrdreg s2  }
0xa9: {  	[dreg:$0x3] =	wrdreg s4  }
0xaa: {  	[dreg:$0x4] =	wrdreg $0xC0  }
0xab: {  	_ =	task [dreg:s6], $0x5FFFF  }
0xac: {  	[dreg:$0x1] =	wrdreg $0xFFFFFFFF  }
0xad: {  	[dreg:$0x0] =	wrdreg $0x60  }
0xae: {  	[dreg:$0x2] =	wrdreg s24  }
0xaf: {  	[dreg:$0x3] =	wrdreg $0x52000  }
0xb0: {  	[dreg:$0x4] =	wrdreg $0x9  }
0xb1: {  	_ =	task.clear_ibuf [dreg:s6], $0x5FFFF;
	_ =	strace $0x9000004C  }
0xb2: {  	s29 =	simm.s32 $0x9;
	_ =	strace $0x8000004E  }
0xb3: {  	_ =	swait.ge [sflag:s29], $0x1  }
0xb4: {  	[sflag:s29] =	ssyncadd.s32 $0xFFFFFFFF  }
0xb5: {  	_ =	strace $0x9000004E  }
0xb6: {  	_ =	sfence  }
0xb7: {  	s30 =	sld [smem:$0x0];
	_ =	sdelay $0x2  }
0xb8: {  	s31 =	sshll.u32 s1, $0xD;
	s1 =	sshrl.u32 s1, $0x2  }
0xb9: {  	s3 =	sand.u32 $0x4000, s31;
	s1 =	sadd.s32 s1, s30  }
0xba: {  	s0 =	sor.u32 s3, s0;
	s1 =	sshll.u32 s1, $0x11  }
0xbb: {  	s0 =	sor.u32 s1, s0  }
0xbc: {  	s0 =	sadd.s32 $0x8F2B, s0  }
0xbd: {  	[sflag:s0] =	ssyncadd.remote.s32 $0x1  }
0xbe: {  	_ =	sfence.sel $0xFFFF  }
0xbf: {  	[dreg:$0x0] =	wrdreg $0xFFFFFFFF;
	(pc) =	sbr.abs _section_cstart, $3  }
0xc0: {  	[dreg:$0x1] =	wrdreg $0xFFFFFFFF  }
0xc1: {  	_ =	task.clear_ibuf [dreg:s6], $0x2FFFF;
	_ =	strace $0x9FFFFFFF  }
0xc2: {  	(tm) =	ssettm $0x7FFFFFFF  }
0xc3: {  	_ =	shalt  }
tec
execute0_lowered:
.L_overlay_start_1:
0x0: {  	(tag) =	ssettag $0x1  }
0x1: {  	s0 =	rddreg [dreg:$0x0];
	s11 =	stileid.u32  }
0x2: {  	s2 =	rddreg [dreg:$0x1];
	s6 =	smul.u32 $0x280, s11  }
0x3: {  	s1 =	srdreg.scid;
	s3 =	simm.s32 $0x0;
	s10 =	smul.u32 $0x50000, s11  }
0x4: {  	s1 =	sand.u32 $0x1, s1;
	[smem:$0x7FF] =	sst s3;
	s17 =	smul.u32 $0x4E20, s11  }
0x5: {  	s5 =	sshll.u32 s11, $0x1;
	s4 =	sadd.s32 $0x19A00, s0;
	s7 =	smul.u32 $0x2800, s1  }
0x6: {  	s8 =	sor.u32 s1, s5;
	s9 =	ssub.s32 $0x2, s1;
	s1 =	smul.u32 $0x2710, s1  }
0x7: {  	_ =	strace $0x8000004D;
	s5 =	sadd.s32 $0xFC00, s0;
	s8 =	smul.u32 $0x2710, s8  }
0x8: {  	s12 =	sshrl.u32 s9, $0x1;
	s16 =	sshrl.u32 s10, $0x2;
	s10 =	simm.s32 $0x180  }
0x9: {  	s7 =	sadd.s32 s7, s6;
	s6 =	sadd.s32 $0x5E00, s0;
	s11 =	sadd.s32 s16, s2  }
0xa: {  	s1 =	sadd.s32 s1, s17;
	s16 =	simm.s32 $0x3;
	s17 =	simm.s32 $0x2  }
0xb: {  	s7 =	sshll.u32 s7, $0x4;
	s8 =	sshrl.u32 s8, $0x3;
	s23 =	sadd.s32 $0xF0, s1  }
0xc: {  	s26 =	sadd.s32 $0xA0, s1;
	s28 =	sadd.s32 $0xA000, s11;
	s0 =	sadd.s32 s7, s0  }
0xd: {  	s7 =	ssub.s32 s9, s12;
	s12 =	sadd.s32 s5, s8;
	[dreg:$0x10] =	wrdreg s26  }
0xe: {  	s13 =	sadd.s32 $0xA, s8;
	s8 =	sadd.s32 s6, s8;
	[dreg:$0x3] =	wrdreg s12  }
0xf: {  	s29 =	sadd.s32 $0xC800, s11;
	[dreg:$0x4] =	wrdreg s8;
	s14 =	sadd.s32 s5, s13  }
0x10: {  	s30 =	sadd.s32 $0xF000, s11;
	s15 =	sadd.s32 s6, s13;
	[dreg:$0x5] =	wrdreg s14  }
0x11: {  	s31 =	sadd.s32 $0x11800, s11;
	s7 =	smax.u32 s7, $0x1;
	[dreg:$0x6] =	wrdreg s15  }
0x12: {  	s1 =	simm.s32 $0x5;
	s18 =	sadd.s32 $0x40C00, s0;
	[dreg:$0x7] =	wrdreg s7  }
0x13: {  	s26 =	sadd.s32 $0x7800, s11;
	s19 =	sadd.s32 $0x41100, s0;
	[dreg:$0x8] =	wrdreg s18  }
0x14: {  	s9 =	simm.s32 $0x80;
	s20 =	sadd.s32 $0x41600, s0;
	[dreg:$0x9] =	wrdreg s19  }
0x15: {  	s13 =	sadd.s32 $0x2800, s11;
	s21 =	sadd.s32 $0x41B00, s0;
	[dreg:$0xa] =	wrdreg s20  }
0x16: {  	s22 =	sadd.s32 $0x42000, s0;
	s24 =	sadd.s32 $0x42500, s0;
	[dreg:$0xb] =	wrdreg s21  }
0x17: {  	s25 =	sadd.s32 $0x42A00, s0;
	s0 =	sadd.s32 $0x42F00, s0;
	[dreg:$0xc] =	wrdreg s22  }
.Ltmp0:
0x18: {  	s8 =	simm.s32 $0x50;
	[dreg:$0xd] =	wrdreg s24;
	(pc) =	sbr.rel .LBB2_1-.Ltmp0, $4  }
0x19: {  	s12 =	simm.s32 $0x2A00;
	s14 =	sadd.s32 $0x5000, s11;
	[dreg:$0xe] =	wrdreg s25  }
0x1a: {  	s7 =	sshrl.u32 s23, $0x3;
	[dreg:$0xf] =	wrdreg s0;
	s0 =	simm.s32 $0x200  }
0x1b: {  	s15 =	simm.s32 $0x1;
	s18 =	simm.s32 $0x4;
	s19 =	simm.s32 $0x0  }
0x1c: {  	v0 =	vimm.f32 $0.0e+00;
	s23 =	sadd.s32 s7, s6;
	s24 =	sadd.s32 s7, s5;
	s7 =	simm.s32 $0x100  }
.LBB2_6:
0x1d: {  	_ =	swait.ge [sflag:s15], $0x2800  }
0x1e: {  	[sflag:s15] =	ssyncset.done $0x0  }
0x1f: {  	[sflag:s15] =	ssyncadd.s32 $0xFFFFD800  }
0x20: {  	[spmem:s2] =	stream.indirect.scatter.add.f32 [tilespmem:s0], [sflag:$0x3], $0x80, s7, s8, $0xb8;
	[tilespmem:$0x19200] =	vst v63  }
0x21: {  	_ =	swait.ge [sflag:s16], $0x2800  }
0x22: {  	[sflag:s16] =	ssyncset.done $0x0  }
0x23: {  	[sflag:s16] =	ssyncadd.s32 $0xFFFFD800  }
0x24: {  	_ =	swait.ge [sflag:s18], $0x2800  }
0x25: {  	[sflag:s18] =	ssyncset.done $0x0  }
0x26: {  	[sflag:s18] =	ssyncadd.s32 $0xFFFFD800  }
0x27: {  	[bflag:$0x0] =	sbarrier.arrive $0xFFFF  }
0x28: {  	[tilespmem:s0], [sflag:$0x5] =	stream.linear.gather [spmem:s11], $0x2800, $0x38;
	[tilespmem:$0x19200] =	vst v63  }
0x29: {  	_ =	swait.ge [sflag:s1], $0x2800  }
0x2a: {  	[sflag:s1] =	ssyncset.done $0x0  }
0x2b: {  	s20 =	rddreg [dreg:$0x8];
	[sflag:s1] =	ssyncadd.s32 $0xFFFFD800  }
0x2c: {  	[hbm4b:s20+s3] =	stream.linear.scatter [tilespmem:s0], [sflag:$0x5], $0x2800, $0x38;
	[tilespmem:$0x19200] =	vst v63  }
0x2d: {  	_ =	swait.ge [sflag:s1], $0x2800  }
0x2e: {  	[sflag:s1] =	ssyncset.done $0x0  }
0x2f: {  	[sflag:s1] =	ssyncadd.s32 $0xFFFFD800  }
0x30: {  	[tilespmem:s0], [sflag:$0x5] =	stream.linear.gather [spmem:s13], $0x2800, $0x38;
	[tilespmem:$0x19200] =	vst v63  }
0x31: {  	_ =	swait.ge [sflag:s1], $0x2800  }
0x32: {  	[sflag:s1] =	ssyncset.done $0x0  }
0x33: {  	s22 =	rddreg [dreg:$0x9];
	[sflag:s1] =	ssyncadd.s32 $0xFFFFD800  }
0x34: {  	[hbm4b:s22+s3] =	stream.linear.scatter [tilespmem:s0], [sflag:$0x5], $0x2800, $0x38;
	[tilespmem:$0x19200] =	vst v63  }
0x35: {  	_ =	swait.ge [sflag:s1], $0x2800  }
0x36: {  	[sflag:s1] =	ssyncset.done $0x0  }
0x37: {  	[sflag:s1] =	ssyncadd.s32 $0xFFFFD800  }
0x38: {  	[tilespmem:s0], [sflag:$0x5] =	stream.linear.gather [spmem:s14], $0x2800, $0x38;
	[tilespmem:$0x19200] =	vst v63  }
0x39: {  	_ =	swait.ge [sflag:s1], $0x2800  }
0x3a: {  	[sflag:s1] =	ssyncset.done $0x0  }
0x3b: {  	s25 =	rddreg [dreg:$0xa];
	[sflag:s1] =	ssyncadd.s32 $0xFFFFD800  }
0x3c: {  	[hbm4b:s25+s3] =	stream.linear.scatter [tilespmem:s0], [sflag:$0x5], $0x2800, $0x38;
	[tilespmem:$0x19200] =	vst v63  }
0x3d: {  	_ =	swait.ge [sflag:s1], $0x2800  }
0x3e: {  	[sflag:s1] =	ssyncset.done $0x0  }
0x3f: {  	[sflag:s1] =	ssyncadd.s32 $0xFFFFD800  }
0x40: {  	[tilespmem:s0], [sflag:$0x5] =	stream.linear.gather [spmem:s26], $0x2800, $0x38;
	[tilespmem:$0x19200] =	vst v63  }
0x41: {  	_ =	swait.ge [sflag:s1], $0x2800  }
0x42: {  	[sflag:s1] =	ssyncset.done $0x0  }
0x43: {  	s21 =	rddreg [dreg:$0xb];
	[sflag:s1] =	ssyncadd.s32 $0xFFFFD800  }
0x44: {  	[hbm4b:s21+s3] =	stream.linear.scatter [tilespmem:s0], [sflag:$0x5], $0x2800, $0x38;
	[tilespmem:$0x19200] =	vst v63  }
0x45: {  	_ =	swait.ge [sflag:s1], $0x2800  }
0x46: {  	[sflag:s1] =	ssyncset.done $0x0  }
0x47: {  	[sflag:s1] =	ssyncadd.s32 $0xFFFFD800  }
0x48: {  	[tilespmem:s0], [sflag:$0x5] =	stream.linear.gather [spmem:s28], $0x2800, $0x38;
	[tilespmem:$0x19200] =	vst v63  }
0x49: {  	_ =	swait.ge [sflag:s1], $0x2800  }
0x4a: {  	[sflag:s1] =	ssyncset.done $0x0  }
0x4b: {  	s22 =	rddreg [dreg:$0xc];
	[sflag:s1] =	ssyncadd.s32 $0xFFFFD800  }
0x4c: {  	[hbm4b:s22+s3] =	stream.linear.scatter [tilespmem:s0], [sflag:$0x5], $0x2800, $0x38;
	[tilespmem:$0x19200] =	vst v63  }
0x4d: {  	_ =	swait.ge [sflag:s1], $0x2800  }
0x4e: {  	[sflag:s1] =	ssyncset.done $0x0  }
0x4f: {  	[sflag:s1] =	ssyncadd.s32 $0xFFFFD800  }
0x50: {  	[tilespmem:s0], [sflag:$0x5] =	stream.linear.gather [spmem:s29], $0x2800, $0x38;
	[tilespmem:$0x19200] =	vst v63  }
0x51: {  	_ =	swait.ge [sflag:s1], $0x2800  }
0x52: {  	[sflag:s1] =	ssyncset.done $0x0  }
0x53: {  	s25 =	rddreg [dreg:$0xd];
	[sflag:s1] =	ssyncadd.s32 $0xFFFFD800  }
0x54: {  	[hbm4b:s25+s3] =	stream.linear.scatter [tilespmem:s0], [sflag:$0x5], $0x2800, $0x38;
	[tilespmem:$0x19200] =	vst v63  }
0x55: {  	_ =	swait.ge [sflag:s1], $0x2800  }
0x56: {  	[sflag:s1] =	ssyncset.done $0x0  }
0x57: {  	[sflag:s1] =	ssyncadd.s32 $0xFFFFD800  }
0x58: {  	[tilespmem:s0], [sflag:$0x5] =	stream.linear.gather [spmem:s30], $0x2800, $0x38;
	[tilespmem:$0x19200] =	vst v63  }
0x59: {  	_ =	swait.ge [sflag:s1], $0x2800  }
0x5a: {  	[sflag:s1] =	ssyncset.done $0x0  }
0x5b: {  	s21 =	rddreg [dreg:$0xe];
	[sflag:s1] =	ssyncadd.s32 $0xFFFFD800  }
0x5c: {  	[hbm4b:s21+s3] =	stream.linear.scatter [tilespmem:s0], [sflag:$0x5], $0x2800, $0x38;
	[tilespmem:$0x19200] =	vst v63  }
0x5d: {  	_ =	swait.ge [sflag:s1], $0x2800  }
0x5e: {  	[sflag:s1] =	ssyncset.done $0x0  }
0x5f: {  	[sflag:s1] =	ssyncadd.s32 $0xFFFFD800  }
0x60: {  	[tilespmem:s0], [sflag:$0x5] =	stream.linear.gather [spmem:s31], $0x2800, $0x38;
	[tilespmem:$0x19200] =	vst v63  }
0x61: {  	_ =	swait.ge [sflag:s1], $0x2800  }
0x62: {  	[sflag:s1] =	ssyncset.done $0x0  }
0x63: {  	s22 =	rddreg [dreg:$0xf];
	[sflag:s1] =	ssyncadd.s32 $0xFFFFD800  }
0x64: {  	[hbm4b:s22+s3] =	stream.linear.scatter [tilespmem:s0], [sflag:$0x5], $0x2800, $0x38;
	[tilespmem:$0x19200] =	vst v63  }
0x65: {  	_ =	swait.ge [sflag:s1], $0x2800  }
0x66: {  	s19 =	sadd.s32 $0x1, s19;
	s25 =	rddreg [dreg:$0x7]  }
0x67: {  	p0 =	sne.s32 s19, s25  }
.Ltmp1:
0x68: {  	_ = 	snop;
	(pc) =	sbr.rel @!p0 .LBB2_7-.Ltmp1, $3  }
0x69: {  	_ =	sdelay $0x1  }
0x6a: {  	[sflag:s1] =	ssyncset.done $0x0  }
0x6b: {  	[sflag:s1] =	ssyncadd.s32 $0xFFFFD800  }
.LBB2_1:
0x6c: {  	s20 =	simm.s32 $0x0;
	s25 =	simm.s32 $0x200  }
.LBB2_2:
0x6d: {  	p0 =	sne.s32 s25, $0x9E00;
	[tilespmem:s20+$0x270] =	vst v0  }
0x6e: {  	[tilespmem:s20+$0x200] =	vst v0  }
0x6f: {  	[tilespmem:s20+$0x210] =	vst v0  }
.Ltmp2:
0x70: {  	[tilespmem:s20+$0x220] =	vst v0;
	(pc) =	sbr.rel @p0 .LBB2_2-.Ltmp2, $4  }
0x71: {  	[tilespmem:s20+$0x230] =	vst v0  }
0x72: {  	[tilespmem:s20+$0x240] =	vst v0  }
0x73: {  	[tilespmem:s20+$0x250] =	vst v0  }
0x74: {  	[tilespmem:s20+$0x260] =	vst v0;
	s20 =	sshra.s32 s25, $0x2;
	s25 =	sadd.s32 $0x200, s25  }
0x75: {  	[tilespmem:s20+$0x270] =	vst v0  }
0x76: {  	[tilespmem:s20+$0x200] =	vst v0  }
0x77: {  	[tilespmem:s20+$0x210] =	vst v0  }
0x78: {  	[tilespmem:s20+$0x220] =	vst v0  }
0x79: {  	[tilespmem:s20+$0x230] =	vst v0  }
0x7a: {  	[tilespmem:s20+$0x240] =	vst v0  }
0x7b: {  	[tilespmem:s20+$0x250] =	vst v0  }
0x7c: {  	[tilespmem:s20+$0x260] =	vst v0  }
0x7d: {  	[spmem:s11] =	stream.linear.scatter [tilespmem:s0], [sflag:$0x5], $0x2800, $0x38;
	[tilespmem:$0x19200] =	vst v63  }
0x7e: {  	_ =	swait.ge [sflag:s1], $0x2800  }
0x7f: {  	[sflag:s1] =	ssyncset.done $0x0  }
0x80: {  	[sflag:s1] =	ssyncadd.s32 $0xFFFFD800  }
0x81: {  	[spmem:s13] =	stream.linear.scatter [tilespmem:s0], [sflag:$0x5], $0x2800, $0x38;
	[tilespmem:$0x19200] =	vst v63  }
0x82: {  	_ =	swait.ge [sflag:s1], $0x2800  }
0x83: {  	[sflag:s1] =	ssyncset.done $0x0  }
0x84: {  	[sflag:s1] =	ssyncadd.s32 $0xFFFFD800  }
0x85: {  	[spmem:s14] =	stream.linear.scatter [tilespmem:s0], [sflag:$0x5], $0x2800, $0x38;
	[tilespmem:$0x19200] =	vst v63  }
0x86: {  	_ =	swait.ge [sflag:s1], $0x2800  }
0x87: {  	[sflag:s1] =	ssyncset.done $0x0  }
0x88: {  	[sflag:s1] =	ssyncadd.s32 $0xFFFFD800  }
0x89: {  	[spmem:s26] =	stream.linear.scatter [tilespmem:s0], [sflag:$0x5], $0x2800, $0x38;
	[tilespmem:$0x19200] =	vst v63  }
0x8a: {  	_ =	swait.ge [sflag:s1], $0x2800  }
0x8b: {  	[sflag:s1] =	ssyncset.done $0x0  }
0x8c: {  	[sflag:s1] =	ssyncadd.s32 $0xFFFFD800  }
0x8d: {  	[spmem:s28] =	stream.linear.scatter [tilespmem:s0], [sflag:$0x5], $0x2800, $0x38;
	[tilespmem:$0x19200] =	vst v63  }
0x8e: {  	_ =	swait.ge [sflag:s1], $0x2800  }
0x8f: {  	[sflag:s1] =	ssyncset.done $0x0  }
0x90: {  	[sflag:s1] =	ssyncadd.s32 $0xFFFFD800  }
0x91: {  	[spmem:s29] =	stream.linear.scatter [tilespmem:s0], [sflag:$0x5], $0x2800, $0x38;
	[tilespmem:$0x19200] =	vst v63  }
0x92: {  	_ =	swait.ge [sflag:s1], $0x2800  }
0x93: {  	[sflag:s1] =	ssyncset.done $0x0  }
0x94: {  	[sflag:s1] =	ssyncadd.s32 $0xFFFFD800  }
0x95: {  	[spmem:s30] =	stream.linear.scatter [tilespmem:s0], [sflag:$0x5], $0x2800, $0x38;
	[tilespmem:$0x19200] =	vst v63  }
0x96: {  	_ =	swait.ge [sflag:s1], $0x2800  }
0x97: {  	[sflag:s1] =	ssyncset.done $0x0  }
0x98: {  	[sflag:s1] =	ssyncadd.s32 $0xFFFFD800  }
0x99: {  	[spmem:s31] =	stream.linear.scatter [tilespmem:s0], [sflag:$0x5], $0x2800, $0x38;
	[tilespmem:$0x19200] =	vst v63  }
0x9a: {  	_ =	swait.ge [sflag:s1], $0x2800  }
0x9b: {  	[sflag:s1] =	ssyncset.done $0x0  }
0x9c: {  	[sflag:s1] =	ssyncadd.s32 $0xFFFFD800  }
0x9d: {  	[bflag:$0x0] =	sbarrier.arrive $0xFFFF  }
0x9e: {  	s20 =	simm.s32 $0x0;
	s21 =	rddreg [dreg:$0x3]  }
0x9f: {  	[tilespmem:s20], [sflag:$0x5] =	stream.linear.gather [hbm4b:s21+s20], $0x50, $0x38;
	[tilespmem:$0x19200] =	vst v63  }
0xa0: {  	_ =	swait.ge [sflag:s1], $0x50  }
0xa1: {  	[sflag:s1] =	ssyncset.done $0x0  }
0xa2: {  	s25 =	rddreg [dreg:$0x4];
	[sflag:s1] =	ssyncadd.s32 $0xFFFFFFB0  }
0xa3: {  	[tilespmem:s7], [sflag:$0x5] =	stream.linear.gather [hbm4b:s25+s20], $0x50, $0x38;
	[tilespmem:$0x19200] =	vst v63  }
0xa4: {  	_ =	swait.ge [sflag:s1], $0x50  }
0xa5: {  	[sflag:s1] =	ssyncset.done $0x0  }
0xa6: {  	[sflag:s1] =	ssyncadd.s32 $0xFFFFFFB0  }
0xa7: {  	[tilespmem:s0], [sflag:$0x1] =	stream.indirect.gather [hbm4b:s4+s8], $0x80, s20, s8, $0xb8;
	[tilespmem:$0x19200] =	vst v63  }
0xa8: {  	s22 =	rddreg [dreg:$0x5]  }
0xa9: {  	[tilespmem:s9], [sflag:$0x5] =	stream.linear.gather [hbm4b:s22+s20], $0x50, $0x38;
	[tilespmem:$0x19200] =	vst v63  }
0xaa: {  	_ =	swait.ge [sflag:s1], $0x50  }
0xab: {  	[sflag:s1] =	ssyncset.done $0x0  }
0xac: {  	s25 =	rddreg [dreg:$0x6];
	[sflag:s1] =	ssyncadd.s32 $0xFFFFFFB0  }
0xad: {  	[tilespmem:s10], [sflag:$0x5] =	stream.linear.gather [hbm4b:s25+s20], $0x50, $0x38;
	[tilespmem:$0x19200] =	vst v63  }
0xae: {  	_ =	swait.ge [sflag:s1], $0x50  }
0xaf: {  	[sflag:s1] =	ssyncset.done $0x0  }
0xb0: {  	s25 =	rddreg [dreg:$0x10];
	[sflag:s1] =	ssyncadd.s32 $0xFFFFFFB0  }
0xb1: {  	[tilespmem:s12], [sflag:$0x2] =	stream.indirect.gather [hbm4b:s4+s8], $0x80, s9, s8, $0xb8;
	[tilespmem:$0x19200] =	vst v63  }
.LBB2_4:
0xb2: {  	_ =	swait.ge [sflag:s15], $0x2800  }
0xb3: {  	[sflag:s15] =	ssyncset.done $0x0  }
0xb4: {  	[sflag:s15] =	ssyncadd.s32 $0xFFFFD800  }
0xb5: {  	[spmem:s2] =	stream.indirect.scatter.add.f32 [tilespmem:s0], [sflag:$0x3], $0x80, s7, s8, $0xb8;
	[tilespmem:$0x19200] =	vst v63  }
0xb6: {  	_ =	swait.ge [sflag:s16], $0x2800  }
0xb7: {  	s22 =	sshrl.u32 s25, $0x3;
	[sflag:s16] =	ssyncset.done $0x0  }
0xb8: {  	s21 =	sadd.s32 s5, s22;
	[sflag:s16] =	ssyncadd.s32 $0xFFFFD800  }
0xb9: {  	[tilespmem:s3], [sflag:$0x5] =	stream.linear.gather [hbm4b:s21+s3], $0x50, $0x38;
	[tilespmem:$0x19200] =	vst v63  }
0xba: {  	_ =	swait.ge [sflag:s1], $0x50  }
0xbb: {  	[sflag:s1] =	ssyncset.done $0x0  }
0xbc: {  	s22 =	sadd.s32 s6, s22;
	[sflag:s1] =	ssyncadd.s32 $0xFFFFFFB0  }
0xbd: {  	[tilespmem:s7], [sflag:$0x5] =	stream.linear.gather [hbm4b:s22+s3], $0x50, $0x38;
	[tilespmem:$0x19200] =	vst v63  }
0xbe: {  	_ =	swait.ge [sflag:s1], $0x50  }
0xbf: {  	[sflag:s1] =	ssyncset.done $0x0  }
0xc0: {  	p0 =	seq.s32 s20, $0x4C4;
	[sflag:s1] =	ssyncadd.s32 $0xFFFFFFB0  }
0xc1: {  	[tilespmem:s0], [sflag:$0x1] =	stream.indirect.gather [hbm4b:s4+s8], $0x80, s3, s8, $0xb8;
	[tilespmem:$0x19200] =	vst v63  }
.Ltmp3:
0xc2: {  	_ = 	snop;
	(pc) =	sbr.rel @p0 .LBB2_6-.Ltmp3, $4  }
0xc3: {  	_ =	swait.ge [sflag:s17], $0x2800  }
0xc4: {  	[sflag:s17] =	ssyncset.done $0x0  }
0xc5: {  	[sflag:s17] =	ssyncadd.s32 $0xFFFFD800  }
0xc6: {  	[spmem:s2] =	stream.indirect.scatter.add.f32 [tilespmem:s12], [sflag:$0x4], $0x80, s10, s8, $0xb8;
	[tilespmem:$0x19200] =	vst v63  }
0xc7: {  	_ =	swait.ge [sflag:s18], $0x2800  }
0xc8: {  	[sflag:s18] =	ssyncset.done $0x0  }
0xc9: {  	s21 =	sadd.s32 s20, s24;
	[sflag:s18] =	ssyncadd.s32 $0xFFFFD800  }
0xca: {  	[tilespmem:s9], [sflag:$0x5] =	stream.linear.gather [hbm4b:s21+s3], $0x50, $0x38;
	[tilespmem:$0x19200] =	vst v63  }
0xcb: {  	_ =	swait.ge [sflag:s1], $0x50  }
0xcc: {  	[sflag:s1] =	ssyncset.done $0x0  }
0xcd: {  	s22 =	sadd.s32 s20, s23;
	[sflag:s1] =	ssyncadd.s32 $0xFFFFFFB0  }
0xce: {  	[tilespmem:s10], [sflag:$0x5] =	stream.linear.gather [hbm4b:s22+s3], $0x50, $0x38;
	[tilespmem:$0x19200] =	vst v63  }
.Ltmp4:
0xcf: {  	_ = 	snop;
	(pc) =	sbr.rel .LBB2_4-.Ltmp4, $4  }
0xd0: {  	_ =	swait.ge [sflag:s1], $0x50  }
0xd1: {  	[sflag:s1] =	ssyncset.done $0x0  }
0xd2: {  	s20 =	sadd.s32 $0x14, s20;
	s25 =	sadd.s32 $0xA0, s25;
	[sflag:s1] =	ssyncadd.s32 $0xFFFFFFB0  }
0xd3: {  	[tilespmem:s12], [sflag:$0x2] =	stream.indirect.gather [hbm4b:s4+s8], $0x80, s9, s8, $0xb8;
	[tilespmem:$0x19200] =	vst v63  }
.LBB2_7:
0xd4: {  	_ =	sfence.sel $0x180000  }
0xd5: {  	[bflag:$0x0] =	sbarrier.arrive $0xFFFF  }
0xd6: {  	_ =	strace $0x9000004D  }
0xd7: {  	s0 =	stileid.u32;
	[bflag:$0x2] =	sbarrier.arrive $0xFFFF  }
0xd8: {  	p0 =	sne.s32 s0, $0x0;
	s0 =	rddreg [dreg:$0x2]  }
0xd9: {  	s0 =	sadd.s32 @!p0 $0x100000, s0  }
0xda: {  	[sflag:s0] =	ssyncadd.tile.s32 @!p0 $0x1;
	_ =	shalt  }
.Lfunc_end2:
_tile_overlayer_lowered:
.L_overlay_start_2:
0xdb: {  	(tag) =	ssettag $0x2  }
0xdc: {  	s0 =	rddreg [dreg:$0x0];
	s2 =	stileid.u32  }
0xdd: {  	s1 =	rddreg [dreg:$0x1];
	p0 =	sne.s32 s2, $0x0  }
0xde: {  	s3 =	rddreg [dreg:$0x2];
	[bflag:$0x3] =	sbarrier.arrive $0xFFFF;
	s2 =	simm.s32 @!p0 $0x1C05  }
0xdf: {  	[timem:s3], [sflag:s2] =	dma.local @!p0 [hbm:s0], s1  }
0xe0: {  	s0 =	simm.s32 @!p0 $0x5  }
0xe1: {  	_ =	swait.ge @!p0 [sflag:s0], s1  }
0xe2: {  	s1 =	ssub.s32 @!p0 $0x0, s1;
	[sflag:s0] =	ssyncset.done @!p0 $0x0  }
0xe3: {  	[sflag:s0] =	ssyncadd.s32 @!p0 s1  }
0xe4: {  	[bflag:$0x3] =	sbarrier.arrive $0xFFFF  }
0xe5: {  	_ =	shalt  }

// kernel: kernel.26.cloned.1.call-start
scs
__scs_entry_jumppad:
0x0: {  	(pc) =	sbr.rel $0x88, $3  }
0x1: {  	(tag) =	ssettag $0x0;
	lr =	simm.s32 $0x1  }
0x2: {  	[smem:$0x3F88] =	sst lr;
	_ =	strace $0xD0000000  }
0x3: {  	_ = 	snop  }
0x4: {  	_ = 	snop  }
0x5: {  	_ = 	snop  }
0x6: {  	_ = 	snop  }
0x7: {  	_ = 	snop  }
__scs_overlays_trampoline_lowered:
0x8: {  	[smem:$0x3F97] =	sst s0  }
0x9: {  	[smem:$0x3F98] =	sst s1  }
0xa: {  	[smem:$0x3F99] =	sst s2  }
0xb: {  	[smem:$0x3F9A] =	sst s3  }
0xc: {  	[smem:$0x3F9B] =	sst s4  }
0xd: {  	[smem:$0x3F9C] =	sst s5  }
0xe: {  	[smem:$0x3F9D] =	sst s6  }
0xf: {  	[smem:$0x3F9E] =	sst s7  }
0x10: {  	[smem:$0x3F9F] =	sst s8  }
0x11: {  	[smem:$0x3FA0] =	sst s9;
	s0 =	simm.s32 @!p0 $0x0  }
0x12: {  	s1 =	sld [smem:$0x3F86];
	s0 =	simm.s32 @p0 $0x1  }
0x13: {  	[smem:$0x3FA1] =	sst s0;
	s0 =	simm.s32 @!p1 $0x0  }
0x14: {  	s2 =	sld [smem:$0x3F85];
	s0 =	simm.s32 @p1 $0x1  }
0x15: {  	[smem:$0x3FA2] =	sst s0;
	s0 =	simm.s32 @!p2 $0x0  }
0x16: {  	s3 =	sld [smem:$0x3FDB];
	s0 =	simm.s32 @p2 $0x1  }
0x17: {  	s4 =	simm.s32 $0x1BF5;
	[smem:$0x3FA4] =	sst s0  }
0x18: {  	s0 =	sld [smem:$0x3F87];
	_ =	swait.ge [sflag:s4], $0x0  }
0x19: {  	s7 =	sld [smem:$0x3F88]  }
0x1a: {  	s8 =	sadd.s32 $0xFFFFE003, lr  }
0x1b: {  	s9 =	sadd.s32 $0xFFFFFEF7, lr;
	s5 =	simm.s32 $0xFFFFFFFF;
	p2 =	slt.u32 s8, $0xFFFFF086  }
0x1c: {  	p1 =	slt.u32 s9, $0xF7A;
	s5 =	simm.s32 @!p2 $0x0  }
0x1d: {  	s5 =	simm.s32 @p1 $0x1;
	p0 =	seq.s32 s7, s2  }
0x1e: {  	s7 =	smul.u32 @!p0 $0xF7A, s2;
	p2 =	seq.s32 @!p0 s5, $0x0  }
0x1f: {  	s9 =	smul.u32 $0xF7A, s1;
	s8 =	simm.s32 @!p0 $0x1BF5;
	p2 =	por !p2, p0  }
0x20: {  	[sflag:s8] =	ssyncset.s32 @!p0 $0xFFFFF086;
	s6 =	sadd.s32 @!p0 s3, s7;
	s7 =	simm.s32 @!p0 $0x108  }
0x21: {  	s3 =	sadd.s32 s3, s9;
	s6 =	sadd.s32 @!p0 $0x88, s6;
	s7 =	simm.s32 @p2 $0x1082  }
0x22: {  	[simem:s7], [sflag:s8] =	dma.local @!p0 [hbm:s6], $0xF7A  }
0x23: {  	s9 =	sor.u32 $0xD0000000, s2;
	s6 =	simm.s32 $0x108;
	_ =	swait.ge @!p0 [sflag:s8], $0x0  }
0x24: {  	s3 =	sadd.s32 $0x88, s3;
	s6 =	simm.s32 @!p1 $0x1082;
	[sflag:s4] =	ssyncset.s32 $0xFFFFF086  }
0x25: {  	[simem:s6], [sflag:s4] =	dma.local [hbm:s3], $0xF7A  }
0x26: {  	[smem:$0x3F88] =	sst s1;
	(tag) =	ssettag s2;
	_ =	strace s9  }
0x27: {  	s1 =	sld [smem:$0x3F98]  }
0x28: {  	s2 =	sld [smem:$0x3F99]  }
0x29: {  	s4 =	sld [smem:$0x3F9B]  }
0x2a: {  	p0 =	seq.s32 s5, $0x0;
	s5 =	sld [smem:$0x3F9C]  }
0x2b: {  	s6 =	sld [smem:$0x3F9D]  }
0x2c: {  	s7 =	sld [smem:$0x3F9E]  }
0x2d: {  	s3 =	simm.s32 $0x108;
	s8 =	sld [smem:$0x3F9F]  }
0x2e: {  	s3 =	simm.s32 @!p0 $0x1082;
	s9 =	sld [smem:$0x3FA0]  }
0x2f: {  	lr =	sadd.s32 s0, s3;
	s0 =	sld [smem:$0x3F97]  }
0x30: {  	s3 =	sld [smem:$0x3F9A]  }
0x31: {  	[smem:$0x3FA3] =	sst s10  }
0x32: {  	s10 =	sld [smem:$0x3FA1];
	_ =	sdelay $0x3  }
0x33: {  	p0 =	seq.s32 s10, $0x1;
	s10 =	sld [smem:$0x3FA3];
	_ =	sdelay $0x3  }
0x34: {  	[smem:$0x3FA3] =	sst s10  }
0x35: {  	s10 =	sld [smem:$0x3FA2];
	_ =	sdelay $0x3  }
0x36: {  	p1 =	seq.s32 s10, $0x1;
	s10 =	sld [smem:$0x3FA3];
	_ =	sdelay $0x3  }
0x37: {  	[smem:$0x3FA3] =	sst s10  }
0x38: {  	s10 =	sld [smem:$0x3FA4]  }
0x39: {  	_ = 	snop;
	(pc) =	sbr.ind lr, $3  }
0x3a: {  	_ = 	snop  }
0x3b: {  	_ = 	snop  }
0x3c: {  	p2 =	seq.s32 s10, $0x1;
	s10 =	sld [smem:$0x3FA3]  }
0x3d: {  	_ =	shalt  }
0x3e: {  	_ =	shalt  }
0x3f: {  	_ =	shalt  }
0x40: {  	_ =	shalt  }
0x41: {  	_ =	shalt  }
0x42: {  	_ =	shalt  }
0x43: {  	_ =	shalt  }
0x44: {  	_ =	shalt  }
0x45: {  	_ =	shalt  }
0x46: {  	_ =	shalt  }
0x47: {  	_ =	shalt  }
0x48: {  	_ =	shalt  }
0x49: {  	_ =	shalt  }
0x4a: {  	_ =	shalt  }
0x4b: {  	_ =	shalt  }
0x4c: {  	_ =	shalt  }
0x4d: {  	_ =	shalt  }
0x4e: {  	_ =	shalt  }
0x4f: {  	_ =	shalt  }
0x50: {  	_ =	shalt  }
0x51: {  	_ =	shalt  }
0x52: {  	_ =	shalt  }
0x53: {  	_ =	shalt  }
0x54: {  	_ =	shalt  }
0x55: {  	_ =	shalt  }
0x56: {  	_ =	shalt  }
0x57: {  	_ =	shalt  }
0x58: {  	_ =	shalt  }
0x59: {  	_ =	shalt  }
0x5a: {  	_ =	shalt  }
0x5b: {  	_ =	shalt  }
0x5c: {  	_ =	shalt  }
0x5d: {  	_ =	shalt  }
0x5e: {  	_ =	shalt  }
0x5f: {  	_ =	shalt  }
0x60: {  	_ =	shalt  }
0x61: {  	_ =	shalt  }
0x62: {  	_ =	shalt  }
0x63: {  	_ =	shalt  }
0x64: {  	_ =	shalt  }
0x65: {  	_ =	shalt  }
0x66: {  	_ =	shalt  }
0x67: {  	_ =	shalt  }
0x68: {  	_ =	shalt  }
0x69: {  	_ =	shalt  }
0x6a: {  	_ =	shalt  }
0x6b: {  	_ =	shalt  }
0x6c: {  	_ =	shalt  }
0x6d: {  	_ =	shalt  }
0x6e: {  	_ =	shalt  }
0x6f: {  	_ =	shalt  }
0x70: {  	_ =	shalt  }
0x71: {  	_ =	shalt  }
0x72: {  	_ =	shalt  }
0x73: {  	_ =	shalt  }
0x74: {  	_ =	shalt  }
0x75: {  	_ =	shalt  }
0x76: {  	_ =	shalt  }
0x77: {  	_ =	shalt  }
0x78: {  	_ =	shalt  }
0x79: {  	_ =	shalt  }
0x7a: {  	_ =	shalt  }
0x7b: {  	_ =	shalt  }
0x7c: {  	_ =	shalt  }
0x7d: {  	_ =	shalt  }
0x7e: {  	_ =	shalt  }
0x7f: {  	_ =	shalt  }
0x80: {  	_ =	shalt  }
0x81: {  	_ =	shalt  }
0x82: {  	_ =	shalt  }
0x83: {  	_ =	shalt  }
0x84: {  	_ =	shalt  }
0x85: {  	_ =	shalt  }
0x86: {  	_ =	shalt  }
0x87: {  	_ =	shalt  }
.Lfunc_end0:
.L_simem_size_0:
called_computation.3_lowered:
.L_overlay_start_0:
0x88: {  	s2 =	sld [smem:$0x3FD9]  }
0x89: {  	s3 =	sld [smem:$0x3FFE];
	_ =	sdelay $0x1  }
0x8a: {  	s1 =	srdreg.scid  }
0x8b: {  	s0 =	sand.u32 $0x1, s1  }
0x8c: {  	s17 =	sshll.u32 s0, $0xA;
	s2 =	sadd.s32 s3, s2  }
0x8d: {  	s2 =	sadd.s32 s2, s17  }
0x8e: {  	[smem:$0x3FAF] =	sst s2  }
0x8f: {  	_ = 	snop  }
0x90: {  	s2 =	sld [smem:$0x3FD0];
	(tm) =	ssettm $0x1  }
0x91: {  	s18 =	sld [smem:$0x3FFB];
	_ =	sdelay $0x3  }
0x92: {  	_ =	strace s18  }
0x93: {  	s3 =	sld [smem:$0x3FFC];
	_ =	sdelay $0x3  }
0x94: {  	_ =	strace s3  }
0x95: {  	s3 =	sld [smem:$0x3FFD];
	_ =	sdelay $0x3  }
0x96: {  	_ =	strace s3  }
0x97: {  	_ =	strace $0x8FFFFFFF  }
0x98: {  	s19 =	sld [smem:$0x3FDB];
	_ =	sdelay $0x1  }
0x99: {  	s4 =	simm.s32 $_scs_section_size  }
0x9a: {  	s5 =	simm.s32 $_size__tile_overlayer_lowered;
	s6 =	simm.s32 $_tile_overlayer_lowered  }
0x9b: {  	s22 =	simm.s32 $0x1BFF;
	s21 =	sshll.u32 s6, $0x1;
	s3 =	sadd.s32 s4, s19  }
0x9c: {  	s7 =	simm.s32 $0x0;
	s20 =	sshll.u32 s5, $0x1;
	s5 =	sadd.s32 s21, s3  }
0x9d: {  	[timem:s7], [sflag:s22] =	dma.local [hbm:s5], s20  }
0x9e: {  	_ =	swait.ge [sflag:s22], s20  }
0x9f: {  	s4 =	ssub.s32 $0x0, s20;
	[sflag:s22] =	ssyncset.done $0x0  }
0xa0: {  	[sflag:s22] =	ssyncadd.s32 s4;
	_ =	sdelay $0x1  }
0xa1: {  	s23 =	simm.s32 $0x1B8B  }
0xa2: {  	_ =	swait.ge [sflag:s23], $0x1  }
0xa3: {  	[sflag:s23] =	ssyncset.done $0x0  }
0xa4: {  	s25 =	simm.s32 $0x1B8E;
	s24 =	sld [smem:$0x3FFE];
	[sflag:s23] =	ssyncadd.s32 $0xFFFFFFFF  }
0xa5: {  	s26 =	simm.s32 $execute0_lowered;
	[smem:$0x3FD2] =	sst s25  }
0xa6: {  	s5 =	sshll.u32 s26, $0x1;
	_ =	strace $0x8000004F;
	[dreg:$0x1] =	wrdreg $0xFFFFFFFF  }
0xa7: {  	s28 =	simm.s32 $_size_execute0_lowered;
	s3 =	sadd.s32 s3, s5;
	[dreg:$0x0] =	wrdreg $0x0  }
0xa8: {  	s5 =	sshll.u32 s28, $0x1;
	[dreg:$0x2] =	wrdreg s3  }
0xa9: {  	[dreg:$0x3] =	wrdreg s5  }
0xaa: {  	[dreg:$0x4] =	wrdreg $0xC0  }
0xab: {  	_ =	task [dreg:s7], $0x5FFFF  }
0xac: {  	[dreg:$0x1] =	wrdreg $0xFFFFFFFF  }
0xad: {  	[dreg:$0x0] =	wrdreg $0x60  }
0xae: {  	[dreg:$0x2] =	wrdreg s2  }
0xaf: {  	[dreg:$0x3] =	wrdreg s24  }
0xb0: {  	[dreg:$0x4] =	wrdreg $0x9  }
0xb1: {  	_ =	task.clear_ibuf [dreg:s7], $0x5FFFF;
	_ =	strace $0x9000004F  }
0xb2: {  	s29 =	simm.s32 $0x9;
	_ =	strace $0x80000051  }
0xb3: {  	_ =	swait.ge [sflag:s29], $0x1  }
0xb4: {  	[sflag:s29] =	ssyncadd.s32 $0xFFFFFFFF  }
0xb5: {  	_ =	strace $0x90000051  }
0xb6: {  	_ =	sfence  }
0xb7: {  	s30 =	sld [smem:$0x0];
	_ =	sdelay $0x2  }
0xb8: {  	s31 =	sshll.u32 s1, $0xD;
	s1 =	sshrl.u32 s1, $0x2  }
0xb9: {  	s3 =	sand.u32 $0x4000, s31;
	s1 =	sadd.s32 s1, s30  }
0xba: {  	s0 =	sor.u32 s3, s0;
	s1 =	sshll.u32 s1, $0x11  }
0xbb: {  	s0 =	sor.u32 s1, s0  }
0xbc: {  	s0 =	sadd.s32 $0x8F2B, s0  }
0xbd: {  	[sflag:s0] =	ssyncadd.remote.s32 $0x1  }
0xbe: {  	_ =	sfence.sel $0xFFFF  }
0xbf: {  	[dreg:$0x0] =	wrdreg $0xFFFFFFFF;
	(pc) =	sbr.abs _section_cstart, $3  }
0xc0: {  	[dreg:$0x1] =	wrdreg $0xFFFFFFFF  }
0xc1: {  	_ =	task.clear_ibuf [dreg:s7], $0x2FFFF;
	_ =	strace $0x9FFFFFFF  }
0xc2: {  	(tm) =	ssettm $0x7FFFFFFF  }
0xc3: {  	_ =	shalt  }
tec
execute0_lowered:
.L_overlay_start_1:
0x0: {  	(tag) =	ssettag $0x1  }
0x1: {  	s2 =	rddreg [dreg:$0x0];
	s1 =	srdreg.scid  }
0x2: {  	s0 =	stileid.u32;
	s5 =	rddreg [dreg:$0x1];
	s3 =	simm.s32 $0x0  }
0x3: {  	s11 =	simm.s32 $0x2780;
	s12 =	simm.s32 $0x7680;
	s13 =	simm.s32 $0x9E00  }
0x4: {  	s14 =	simm.s32 $0xC580;
	s4 =	sand.u32 $0x1, s1;
	s6 =	sshll.u32 s0, $0x1  }
0x5: {  	s15 =	simm.s32 $0x4F00;
	s16 =	simm.s32 $0x0;
	s6 =	sor.u32 s4, s6  }
0x6: {  	[smem:$0x7FF] =	sst s3;
	s7 =	ssub.s32 $0x2, s4;
	s6 =	smul.u32 $0x4E2, s6  }
0x7: {  	s1 =	rddreg [dreg:$0x2];
	_ =	strace $0x80000050;
	s8 =	sshrl.u32 s7, $0x1  }
0x8: {  	s4 =	sadd.s32 $0x67E00, s5;
	s10 =	ssub.s32 s7, s8;
	s9 =	sadd.s32 s6, s5  }
0x9: {  	s5 =	sadd.s32 $0xFC00, s9;
	s6 =	sadd.s32 $0x5E00, s9;
	s7 =	sadd.s32 $0x72200, s9  }
0xa: {  	v0 =	vimm.f32 $0.0e+00;
	s8 =	sadd.s32 $0x68400, s9;
	s9 =	smax.u32 s10, $0x1;
	s10 =	simm.s32 $0x1  }
.LBB2_1:
0xb: {  	[tilespmem:s3], [sflag:$0x1] =	stream.linear.gather [hbm4b:s5+s3], $0x2710, $0x38;
	[tilespmem:$0xED00] =	vst v63  }
0xc: {  	_ =	swait.ge [sflag:s10], $0x2710  }
0xd: {  	[sflag:s10] =	ssyncset.done $0x0  }
0xe: {  	[sflag:s10] =	ssyncadd.s32 $0xFFFFD8F0  }
0xf: {  	[tilespmem:s11], [sflag:$0x1] =	stream.linear.gather [hbm4b:s6+s3], $0x2710, $0x38;
	[tilespmem:$0xED00] =	vst v63  }
0x10: {  	_ =	swait.ge [sflag:s10], $0x2710  }
0x11: {  	[sflag:s10] =	ssyncset.done $0x0  }
0x12: {  	[sflag:s10] =	ssyncadd.s32 $0xFFFFD8F0  }
0x13: {  	[tilespmem:s12], [sflag:$0x1] =	stream.linear.gather [hbm4b:s2+s3], $0x2780, $0x38;
	[tilespmem:$0xED00] =	vst v63  }
0x14: {  	_ =	swait.ge [sflag:s10], $0x2780  }
0x15: {  	[sflag:s10] =	ssyncset.done $0x0  }
0x16: {  	[sflag:s10] =	ssyncadd.s32 $0xFFFFD880  }
0x17: {  	[tilespmem:s13], [sflag:$0x1] =	stream.linear.gather [hbm4b:s4+s3], $0x2780, $0x38;
	[tilespmem:$0xED00] =	vst v63  }
0x18: {  	_ =	swait.ge [sflag:s10], $0x2780  }
0x19: {  	[sflag:s10] =	ssyncset.done $0x0  }
0x1a: {  	s17 =	simm.s32 $0x0;
	[sflag:s10] =	ssyncadd.s32 $0xFFFFD880  }
.LBB2_2:
0x1b: {  	p0 =	sne.s32 s17, $0x9C00  }
.Ltmp0:
0x1c: {  	_ = 	snop;
	(pc) =	sbr.rel @p0 .LBB2_2-.Ltmp0, $3  }
0x1d: {  	_ =	sdelay $0x1  }
0x1e: {  	s18 =	sshra.s32 s17, $0x2  }
0x1f: {  	s17 =	sadd.s32 $0x40, s17;
	[tilespmem:s18+$0xC580] =	vst v0  }
0x20: {  	s17 =	simm.s32 $0x0  }
0x21: {  	v2 =	vld [tilespmem:s17+$0x0]  }
0x22: {  	s18 =	simm.s32 $0x40;
	v1 =	vld [tilespmem:s17+$0x2780]  }
.LBB2_4:
0x23: {  	p0 =	sne.s32 s18, $0x9C00;
	_ =	sdelay $0x5  }
0x24: {  	v2 =	vld.idx.msk [tilespmem:v2+s12+$0x0], $0xffff  }
0x25: {  	v3 =	vld.idx.msk [tilespmem:v1+s13+$0x0], $0xffff;
	_ =	sdelay $0x5  }
0x26: {  	v2 =	vadd.f32 v3, v2;
	_ =	sdelay $0x1  }
0x27: {  	v3 =	vmul.f32 $2.000000030e-01, v2;
	_ =	sdelay $0x1  }
0x28: {  	v2 =	vmax.f32 v2, v3  }
0x29: {  	v2 =	vmul.f32 $1.442695020e+00, v2;
	_ =	sdelay $0x1  }
0x2a: {  	(erf) = vpow2.f32 v2;
	_ =	sdelay $0x8  }
.Ltmp1:
0x2b: {  	v2 =	vpop (erf);
	(pc) =	sbr.rel @p0 .LBB2_4-.Ltmp1, $4  }
0x2c: {  	[tilespmem:s17+$0x4F00] =	vst v2  }
0x2d: {  	s17 =	sshra.s32 s18, $0x2;
	[tilespmem:v1+s14+$0x0] =	vst.idx.add.f32.msk $0xffff, v2  }
0x2e: {  	v2 =	vld [tilespmem:s17+$0x0]  }
0x2f: {  	s18 =	sadd.s32 $0x40, s18;
	v1 =	vld [tilespmem:s17+$0x2780]  }
0x30: {  	_ =	sdelay $0x6  }
0x31: {  	v2 =	vld.idx.msk [tilespmem:v2+s12+$0x0], $0xffff  }
0x32: {  	v3 =	vld.idx.msk [tilespmem:v1+s13+$0x0], $0xffff;
	_ =	sdelay $0x4  }
0x33: {  	v2 =	vadd.f32 v3, v2;
	_ =	sdelay $0x1  }
0x34: {  	v3 =	vmul.f32 $2.000000030e-01, v2;
	_ =	sdelay $0x1  }
0x35: {  	v2 =	vmax.f32 v2, v3  }
0x36: {  	v2 =	vmul.f32 $1.442695020e+00, v2;
	_ =	sdelay $0x1  }
0x37: {  	(erf) = vpow2.f32 v2;
	_ =	sdelay $0x8  }
0x38: {  	v2 =	vpop (erf)  }
0x39: {  	[tilespmem:s17+$0x4F00] =	vst v2  }
0x3a: {  	[tilespmem:v1+s14+$0x0] =	vst.idx.add.f32.msk $0xffff, v2  }
0x3b: {  	[hbm4b:s7+s3] =	stream.linear.scatter [tilespmem:s15], [sflag:$0x1], $0x2710, $0x38;
	[tilespmem:$0xED00] =	vst v63  }
0x3c: {  	s16 =	sadd.s32 $0x1, s16;
	_ =	swait.ge [sflag:s10], $0x2710  }
0x3d: {  	p0 =	sne.s32 s16, s9;
	[sflag:s10] =	ssyncset.done $0x0  }
.Ltmp2:
0x3e: {  	[sflag:s10] =	ssyncadd.s32 $0xFFFFD8F0;
	(pc) =	sbr.rel @p0 .LBB2_1-.Ltmp2, $4  }
0x3f: {  	[hbm4b:s8+s3] =	stream.linear.scatter [tilespmem:s14], [sflag:$0x1], $0x2710, $0x38;
	[tilespmem:$0xED00] =	vst v63  }
0x40: {  	_ =	swait.ge [sflag:s10], $0x2710  }
0x41: {  	[sflag:s10] =	ssyncset.done $0x0  }
0x42: {  	[sflag:s10] =	ssyncadd.s32 $0xFFFFD8F0  }
0x43: {  	_ =	sfence.sel $0x180000  }
0x44: {  	[bflag:$0x0] =	sbarrier.arrive $0xFFFF  }
0x45: {  	p0 =	sne.s32 s0, $0x0;
	_ =	strace $0x90000050  }
0x46: {  	s0 =	sadd.s32 @!p0 $0x100000, s1;
	[bflag:$0x2] =	sbarrier.arrive $0xFFFF  }
0x47: {  	[sflag:s0] =	ssyncadd.tile.s32 @!p0 $0x1;
	_ =	shalt  }
.Lfunc_end2:
_tile_overlayer_lowered:
.L_overlay_start_2:
0x48: {  	(tag) =	ssettag $0x2  }
0x49: {  	s0 =	rddreg [dreg:$0x0];
	s2 =	stileid.u32  }
0x4a: {  	s1 =	rddreg [dreg:$0x1];
	p0 =	sne.s32 s2, $0x0  }
0x4b: {  	s3 =	rddreg [dreg:$0x2];
	[bflag:$0x3] =	sbarrier.arrive $0xFFFF;
	s2 =	simm.s32 @!p0 $0x1C01  }
0x4c: {  	[timem:s3], [sflag:s2] =	dma.local @!p0 [hbm:s0], s1  }
0x4d: {  	s0 =	simm.s32 @!p0 $0x1  }
0x4e: {  	_ =	swait.ge @!p0 [sflag:s0], s1  }
0x4f: {  	s1 =	ssub.s32 @!p0 $0x0, s1;
	[sflag:s0] =	ssyncset.done @!p0 $0x0  }
0x50: {  	[sflag:s0] =	ssyncadd.s32 @!p0 s1  }
0x51: {  	[bflag:$0x3] =	sbarrier.arrive $0xFFFF  }
0x52: {  	_ =	shalt  }

// kernel: kernel.29.cloned.1.call-start
scs
__scs_entry_jumppad:
0x0: {  	(pc) =	sbr.rel $0x88, $3  }
0x1: {  	(tag) =	ssettag $0x0;
	lr =	simm.s32 $0x1  }
0x2: {  	[smem:$0x3F88] =	sst lr;
	_ =	strace $0xD0000000  }
0x3: {  	_ = 	snop  }
0x4: {  	_ = 	snop  }
0x5: {  	_ = 	snop  }
0x6: {  	_ = 	snop  }
0x7: {  	_ = 	snop  }
__scs_overlays_trampoline_lowered:
0x8: {  	[smem:$0x3F97] =	sst s0  }
0x9: {  	[smem:$0x3F98] =	sst s1  }
0xa: {  	[smem:$0x3F99] =	sst s2  }
0xb: {  	[smem:$0x3F9A] =	sst s3  }
0xc: {  	[smem:$0x3F9B] =	sst s4  }
0xd: {  	[smem:$0x3F9C] =	sst s5  }
0xe: {  	[smem:$0x3F9D] =	sst s6  }
0xf: {  	[smem:$0x3F9E] =	sst s7  }
0x10: {  	[smem:$0x3F9F] =	sst s8  }
0x11: {  	[smem:$0x3FA0] =	sst s9;
	s0 =	simm.s32 @!p0 $0x0  }
0x12: {  	s1 =	sld [smem:$0x3F86];
	s0 =	simm.s32 @p0 $0x1  }
0x13: {  	[smem:$0x3FA1] =	sst s0;
	s0 =	simm.s32 @!p1 $0x0  }
0x14: {  	s2 =	sld [smem:$0x3F85];
	s0 =	simm.s32 @p1 $0x1  }
0x15: {  	[smem:$0x3FA2] =	sst s0;
	s0 =	simm.s32 @!p2 $0x0  }
0x16: {  	s3 =	sld [smem:$0x3FDB];
	s0 =	simm.s32 @p2 $0x1  }
0x17: {  	s4 =	simm.s32 $0x1BF5;
	[smem:$0x3FA4] =	sst s0  }
0x18: {  	s0 =	sld [smem:$0x3F87];
	_ =	swait.ge [sflag:s4], $0x0  }
0x19: {  	s7 =	sld [smem:$0x3F88]  }
0x1a: {  	s8 =	sadd.s32 $0xFFFFE003, lr  }
0x1b: {  	s9 =	sadd.s32 $0xFFFFFEF7, lr;
	s5 =	simm.s32 $0xFFFFFFFF;
	p2 =	slt.u32 s8, $0xFFFFF086  }
0x1c: {  	p1 =	slt.u32 s9, $0xF7A;
	s5 =	simm.s32 @!p2 $0x0  }
0x1d: {  	s5 =	simm.s32 @p1 $0x1;
	p0 =	seq.s32 s7, s2  }
0x1e: {  	s7 =	smul.u32 @!p0 $0xF7A, s2;
	p2 =	seq.s32 @!p0 s5, $0x0  }
0x1f: {  	s9 =	smul.u32 $0xF7A, s1;
	s8 =	simm.s32 @!p0 $0x1BF5;
	p2 =	por !p2, p0  }
0x20: {  	[sflag:s8] =	ssyncset.s32 @!p0 $0xFFFFF086;
	s6 =	sadd.s32 @!p0 s3, s7;
	s7 =	simm.s32 @!p0 $0x108  }
0x21: {  	s3 =	sadd.s32 s3, s9;
	s6 =	sadd.s32 @!p0 $0x88, s6;
	s7 =	simm.s32 @p2 $0x1082  }
0x22: {  	[simem:s7], [sflag:s8] =	dma.local @!p0 [hbm:s6], $0xF7A  }
0x23: {  	s9 =	sor.u32 $0xD0000000, s2;
	s6 =	simm.s32 $0x108;
	_ =	swait.ge @!p0 [sflag:s8], $0x0  }
0x24: {  	s3 =	sadd.s32 $0x88, s3;
	s6 =	simm.s32 @!p1 $0x1082;
	[sflag:s4] =	ssyncset.s32 $0xFFFFF086  }
0x25: {  	[simem:s6], [sflag:s4] =	dma.local [hbm:s3], $0xF7A  }
0x26: {  	[smem:$0x3F88] =	sst s1;
	(tag) =	ssettag s2;
	_ =	strace s9  }
0x27: {  	s1 =	sld [smem:$0x3F98]  }
0x28: {  	s2 =	sld [smem:$0x3F99]  }
0x29: {  	s4 =	sld [smem:$0x3F9B]  }
0x2a: {  	p0 =	seq.s32 s5, $0x0;
	s5 =	sld [smem:$0x3F9C]  }
0x2b: {  	s6 =	sld [smem:$0x3F9D]  }
0x2c: {  	s7 =	sld [smem:$0x3F9E]  }
0x2d: {  	s3 =	simm.s32 $0x108;
	s8 =	sld [smem:$0x3F9F]  }
0x2e: {  	s3 =	simm.s32 @!p0 $0x1082;
	s9 =	sld [smem:$0x3FA0]  }
0x2f: {  	lr =	sadd.s32 s0, s3;
	s0 =	sld [smem:$0x3F97]  }
0x30: {  	s3 =	sld [smem:$0x3F9A]  }
0x31: {  	[smem:$0x3FA3] =	sst s10  }
0x32: {  	s10 =	sld [smem:$0x3FA1];
	_ =	sdelay $0x3  }
0x33: {  	p0 =	seq.s32 s10, $0x1;
	s10 =	sld [smem:$0x3FA3];
	_ =	sdelay $0x3  }
0x34: {  	[smem:$0x3FA3] =	sst s10  }
0x35: {  	s10 =	sld [smem:$0x3FA2];
	_ =	sdelay $0x3  }
0x36: {  	p1 =	seq.s32 s10, $0x1;
	s10 =	sld [smem:$0x3FA3];
	_ =	sdelay $0x3  }
0x37: {  	[smem:$0x3FA3] =	sst s10  }
0x38: {  	s10 =	sld [smem:$0x3FA4]  }
0x39: {  	_ = 	snop;
	(pc) =	sbr.ind lr, $3  }
0x3a: {  	_ = 	snop  }
0x3b: {  	_ = 	snop  }
0x3c: {  	p2 =	seq.s32 s10, $0x1;
	s10 =	sld [smem:$0x3FA3]  }
0x3d: {  	_ =	shalt  }
0x3e: {  	_ =	shalt  }
0x3f: {  	_ =	shalt  }
0x40: {  	_ =	shalt  }
0x41: {  	_ =	shalt  }
0x42: {  	_ =	shalt  }
0x43: {  	_ =	shalt  }
0x44: {  	_ =	shalt  }
0x45: {  	_ =	shalt  }
0x46: {  	_ =	shalt  }
0x47: {  	_ =	shalt  }
0x48: {  	_ =	shalt  }
0x49: {  	_ =	shalt  }
0x4a: {  	_ =	shalt  }
0x4b: {  	_ =	shalt  }
0x4c: {  	_ =	shalt  }
0x4d: {  	_ =	shalt  }
0x4e: {  	_ =	shalt  }
0x4f: {  	_ =	shalt  }
0x50: {  	_ =	shalt  }
0x51: {  	_ =	shalt  }
0x52: {  	_ =	shalt  }
0x53: {  	_ =	shalt  }
0x54: {  	_ =	shalt  }
0x55: {  	_ =	shalt  }
0x56: {  	_ =	shalt  }
0x57: {  	_ =	shalt  }
0x58: {  	_ =	shalt  }
0x59: {  	_ =	shalt  }
0x5a: {  	_ =	shalt  }
0x5b: {  	_ =	shalt  }
0x5c: {  	_ =	shalt  }
0x5d: {  	_ =	shalt  }
0x5e: {  	_ =	shalt  }
0x5f: {  	_ =	shalt  }
0x60: {  	_ =	shalt  }
0x61: {  	_ =	shalt  }
0x62: {  	_ =	shalt  }
0x63: {  	_ =	shalt  }
0x64: {  	_ =	shalt  }
0x65: {  	_ =	shalt  }
0x66: {  	_ =	shalt  }
0x67: {  	_ =	shalt  }
0x68: {  	_ =	shalt  }
0x69: {  	_ =	shalt  }
0x6a: {  	_ =	shalt  }
0x6b: {  	_ =	shalt  }
0x6c: {  	_ =	shalt  }
0x6d: {  	_ =	shalt  }
0x6e: {  	_ =	shalt  }
0x6f: {  	_ =	shalt  }
0x70: {  	_ =	shalt  }
0x71: {  	_ =	shalt  }
0x72: {  	_ =	shalt  }
0x73: {  	_ =	shalt  }
0x74: {  	_ =	shalt  }
0x75: {  	_ =	shalt  }
0x76: {  	_ =	shalt  }
0x77: {  	_ =	shalt  }
0x78: {  	_ =	shalt  }
0x79: {  	_ =	shalt  }
0x7a: {  	_ =	shalt  }
0x7b: {  	_ =	shalt  }
0x7c: {  	_ =	shalt  }
0x7d: {  	_ =	shalt  }
0x7e: {  	_ =	shalt  }
0x7f: {  	_ =	shalt  }
0x80: {  	_ =	shalt  }
0x81: {  	_ =	shalt  }
0x82: {  	_ =	shalt  }
0x83: {  	_ =	shalt  }
0x84: {  	_ =	shalt  }
0x85: {  	_ =	shalt  }
0x86: {  	_ =	shalt  }
0x87: {  	_ =	shalt  }
.Lfunc_end0:
.L_simem_size_0:
called_computation.4_lowered:
.L_overlay_start_0:
0x88: {  	s2 =	sld [smem:$0x3FD9]  }
0x89: {  	s3 =	sld [smem:$0x3FFE];
	_ =	sdelay $0x1  }
0x8a: {  	s1 =	srdreg.scid  }
0x8b: {  	s0 =	sand.u32 $0x1, s1  }
0x8c: {  	s16 =	sshll.u32 s0, $0xA;
	s2 =	sadd.s32 s3, s2  }
0x8d: {  	s2 =	sadd.s32 s2, s16  }
0x8e: {  	[smem:$0x3FAF] =	sst s2  }
0x8f: {  	_ = 	snop  }
0x90: {  	(tm) =	ssettm $0x1  }
0x91: {  	s17 =	sld [smem:$0x3FFB];
	_ =	sdelay $0x3  }
0x92: {  	_ =	strace s17  }
0x93: {  	s2 =	sld [smem:$0x3FFC];
	_ =	sdelay $0x3  }
0x94: {  	_ =	strace s2  }
0x95: {  	s2 =	sld [smem:$0x3FFD];
	_ =	sdelay $0x3  }
0x96: {  	_ =	strace s2  }
0x97: {  	_ =	strace $0x8FFFFFFF  }
0x98: {  	s18 =	sld [smem:$0x3FDB];
	_ =	sdelay $0x1  }
0x99: {  	s19 =	simm.s32 $_scs_section_size  }
0x9a: {  	s4 =	simm.s32 $_size__tile_overlayer_lowered;
	s5 =	simm.s32 $_tile_overlayer_lowered  }
0x9b: {  	s22 =	simm.s32 $0x1BFF;
	s21 =	sshll.u32 s5, $0x1;
	s2 =	sadd.s32 s19, s18  }
0x9c: {  	s6 =	simm.s32 $0x0;
	s20 =	sshll.u32 s4, $0x1;
	s4 =	sadd.s32 s21, s2  }
0x9d: {  	[timem:s6], [sflag:s22] =	dma.local [hbm:s4], s20  }
0x9e: {  	_ =	swait.ge [sflag:s22], s20  }
0x9f: {  	s3 =	ssub.s32 $0x0, s20;
	[sflag:s22] =	ssyncset.done $0x0  }
0xa0: {  	[sflag:s22] =	ssyncadd.s32 s3;
	_ =	sdelay $0x1  }
0xa1: {  	s23 =	simm.s32 $0x1B8B  }
0xa2: {  	_ =	swait.ge [sflag:s23], $0x1  }
0xa3: {  	[sflag:s23] =	ssyncset.done $0x0  }
0xa4: {  	s25 =	simm.s32 $0x1B8E;
	s24 =	sld [smem:$0x3FFE];
	[sflag:s23] =	ssyncadd.s32 $0xFFFFFFFF  }
0xa5: {  	s26 =	simm.s32 $execute0_lowered;
	[smem:$0x3FD2] =	sst s25  }
0xa6: {  	s4 =	sshll.u32 s26, $0x1;
	_ =	strace $0x80000052;
	[dreg:$0x1] =	wrdreg $0xFFFFFFFF  }
0xa7: {  	s28 =	simm.s32 $_size_execute0_lowered;
	s2 =	sadd.s32 s2, s4;
	[dreg:$0x0] =	wrdreg $0x0  }
0xa8: {  	s4 =	sshll.u32 s28, $0x1;
	[dreg:$0x2] =	wrdreg s2  }
0xa9: {  	[dreg:$0x3] =	wrdreg s4  }
0xaa: {  	[dreg:$0x4] =	wrdreg $0xC0  }
0xab: {  	_ =	task [dreg:s6], $0x5FFFF  }
0xac: {  	[dreg:$0x1] =	wrdreg $0xFFFFFFFF  }
0xad: {  	[dreg:$0x0] =	wrdreg $0x60  }
0xae: {  	[dreg:$0x2] =	wrdreg s24  }
0xaf: {  	[dreg:$0x3] =	wrdreg $0x52000  }
0xb0: {  	[dreg:$0x4] =	wrdreg $0x9  }
0xb1: {  	_ =	task.clear_ibuf [dreg:s6], $0x5FFFF;
	_ =	strace $0x90000052  }
0xb2: {  	s29 =	simm.s32 $0x9;
	_ =	strace $0x80000054  }
0xb3: {  	_ =	swait.ge [sflag:s29], $0x1  }
0xb4: {  	[sflag:s29] =	ssyncadd.s32 $0xFFFFFFFF  }
0xb5: {  	_ =	strace $0x90000054  }
0xb6: {  	_ =	sfence  }
0xb7: {  	s30 =	sld [smem:$0x0];
	_ =	sdelay $0x2  }
0xb8: {  	s31 =	sshll.u32 s1, $0xD;
	s1 =	sshrl.u32 s1, $0x2  }
0xb9: {  	s3 =	sand.u32 $0x4000, s31;
	s1 =	sadd.s32 s1, s30  }
0xba: {  	s0 =	sor.u32 s3, s0;
	s1 =	sshll.u32 s1, $0x11  }
0xbb: {  	s0 =	sor.u32 s1, s0  }
0xbc: {  	s0 =	sadd.s32 $0x8F2B, s0  }
0xbd: {  	[sflag:s0] =	ssyncadd.remote.s32 $0x1  }
0xbe: {  	_ =	sfence.sel $0xFFFF  }
0xbf: {  	[dreg:$0x0] =	wrdreg $0xFFFFFFFF;
	(pc) =	sbr.abs _section_cstart, $3  }
0xc0: {  	[dreg:$0x1] =	wrdreg $0xFFFFFFFF  }
0xc1: {  	_ =	task.clear_ibuf [dreg:s6], $0x2FFFF;
	_ =	strace $0x9FFFFFFF  }
0xc2: {  	(tm) =	ssettm $0x7FFFFFFF  }
0xc3: {  	_ =	shalt  }
tec
execute0_lowered:
.L_overlay_start_1:
0x0: {  	(tag) =	ssettag $0x1  }
0x1: {  	s0 =	rddreg [dreg:$0x0]  }
0x2: {  	s2 =	rddreg [dreg:$0x1];
	s3 =	simm.s32 $0x0;
	s1 =	srdreg.scid  }
0x3: {  	s10 =	stileid.u32;
	[smem:$0x7FF] =	sst s3  }
0x4: {  	s1 =	sand.u32 $0x1, s1;
	s7 =	smul.u32 $0x280, s10;
	s4 =	sadd.s32 $0x19A00, s0  }
0x5: {  	s5 =	sadd.s32 $0x72200, s0;
	s9 =	sshll.u32 s10, $0x1;
	s8 =	smul.u32 $0x2800, s1  }
0x6: {  	s6 =	sadd.s32 $0xFC00, s0;
	s9 =	sor.u32 s1, s9;
	s1 =	ssub.s32 $0x2, s1  }
0x7: {  	s10 =	smul.u32 $0x50000, s10;
	s12 =	sshrl.u32 s1, $0x1;
	s7 =	sadd.s32 s8, s7  }
0x8: {  	_ =	strace $0x80000053;
	s1 =	ssub.s32 s1, s12;
	s11 =	sshll.u32 s7, $0x4  }
0x9: {  	s8 =	sadd.s32 $0x5E00, s0;
	s1 =	smax.u32 s1, $0x1;
	s0 =	sadd.s32 s11, s0  }
0xa: {  	s16 =	sshrl.u32 s10, $0x2;
	[dreg:$0x7] =	wrdreg s1;
	s17 =	sadd.s32 $0x7C000, s0  }
0xb: {  	s10 =	simm.s32 $0x100;
	s18 =	sadd.s32 $0x7C500, s0;
	[dreg:$0x8] =	wrdreg s17  }
0xc: {  	s7 =	smul.u32 $0x2710, s9;
	s19 =	sadd.s32 $0x7CA00, s0;
	[dreg:$0x9] =	wrdreg s18  }
0xd: {  	s1 =	simm.s32 $0x200;
	s20 =	sadd.s32 $0x7CF00, s0;
	[dreg:$0xa] =	wrdreg s19  }
0xe: {  	s13 =	sshrl.u32 s7, $0x3;
	s21 =	sadd.s32 $0x7D400, s0;
	[dreg:$0xb] =	wrdreg s20  }
0xf: {  	s23 =	sadd.s32 $0x7D900, s0;
	s24 =	sadd.s32 $0x7DE00, s0;
	[dreg:$0xc] =	wrdreg s21  }
0x10: {  	s0 =	sadd.s32 $0x7E300, s0;
	s11 =	sadd.s32 s6, s13;
	[dreg:$0xd] =	wrdreg s23  }
0x11: {  	s14 =	sadd.s32 s8, s13;
	s9 =	sadd.s32 $0xA, s13;
	[dreg:$0xe] =	wrdreg s24  }
0x12: {  	s13 =	sadd.s32 $0xA0, s7;
	[dreg:$0xf] =	wrdreg s0;
	s18 =	simm.s32 $0x2A00  }
0x13: {  	s19 =	simm.s32 $0x1;
	s20 =	simm.s32 $0x19200;
	s21 =	simm.s32 $0x3  }
0x14: {  	s23 =	simm.s32 $0x2;
	s24 =	simm.s32 $0x19280;
	[dreg:$0x3] =	wrdreg s11  }
0x15: {  	[dreg:$0x4] =	wrdreg s14;
	s15 =	sadd.s32 s6, s9;
	s9 =	sadd.s32 s8, s9  }
0x16: {  	s14 =	sadd.s32 $0xF0, s7;
	s11 =	simm.s32 $0x50;
	[dreg:$0x5] =	wrdreg s15  }
0x17: {  	[dreg:$0x6] =	wrdreg s9;
	s9 =	sadd.s32 s16, s2;
	s16 =	simm.s32 $0x180  }
.Ltmp0:
0x18: {  	s25 =	sadd.s32 $0xA000, s9;
	[dreg:$0x10] =	wrdreg s9;
	(pc) =	sbr.rel .LBB2_1-.Ltmp0, $4  }
0x19: {  	s22 =	sadd.s32 $0x2800, s9;
	s29 =	sadd.s32 $0xC800, s9;
	[dreg:$0x11] =	wrdreg s25  }
0x1a: {  	s26 =	sadd.s32 $0x5000, s9;
	s30 =	sadd.s32 $0xF000, s9;
	[dreg:$0x12] =	wrdreg s29  }
0x1b: {  	s28 =	sadd.s32 $0x7800, s9;
	s31 =	sadd.s32 $0x11800, s9;
	[dreg:$0x13] =	wrdreg s30  }
0x1c: {  	v0 =	vimm.f32 $0.0e+00;
	s9 =	simm.s32 $0x5;
	[dreg:$0x14] =	wrdreg s31;
	s25 =	simm.s32 $0x0  }
.LBB2_12:
0x1d: {  	_ =	swait.ge [sflag:s21], $0x2800  }
0x1e: {  	[sflag:s21] =	ssyncset.done $0x0  }
0x1f: {  	s12 =	simm.s32 $0x4;
	[sflag:s21] =	ssyncadd.s32 $0xFFFFD800  }
0x20: {  	_ =	swait.ge [sflag:s12], $0x2800  }
0x21: {  	[sflag:s12] =	ssyncset.done $0x0  }
0x22: {  	[sflag:s12] =	ssyncadd.s32 $0xFFFFD800  }
0x23: {  	[bflag:$0x0] =	sbarrier.arrive $0xFFFF  }
0x24: {  	s29 =	rddreg [dreg:$0x10]  }
0x25: {  	[tilespmem:s1], [sflag:$0x5] =	stream.linear.gather [spmem:s29], $0x2800, $0x38;
	[tilespmem:$0x19300] =	vst v63  }
0x26: {  	_ =	swait.ge [sflag:s9], $0x2800  }
0x27: {  	[sflag:s9] =	ssyncset.done $0x0  }
0x28: {  	s30 =	rddreg [dreg:$0x8];
	[sflag:s9] =	ssyncadd.s32 $0xFFFFD800  }
0x29: {  	[hbm4b:s30+s3] =	stream.linear.scatter [tilespmem:s1], [sflag:$0x5], $0x2800, $0x38;
	[tilespmem:$0x19300] =	vst v63  }
0x2a: {  	_ =	swait.ge [sflag:s9], $0x2800  }
0x2b: {  	[sflag:s9] =	ssyncset.done $0x0  }
0x2c: {  	[sflag:s9] =	ssyncadd.s32 $0xFFFFD800  }
0x2d: {  	[tilespmem:s1], [sflag:$0x5] =	stream.linear.gather [spmem:s31], $0x2800, $0x38;
	[tilespmem:$0x19300] =	vst v63  }
0x2e: {  	_ =	swait.ge [sflag:s9], $0x2800  }
0x2f: {  	[sflag:s9] =	ssyncset.done $0x0  }
0x30: {  	s22 =	smov.u32 s31;
	s31 =	rddreg [dreg:$0x9];
	[sflag:s9] =	ssyncadd.s32 $0xFFFFD800  }
0x31: {  	[hbm4b:s31+s3] =	stream.linear.scatter [tilespmem:s1], [sflag:$0x5], $0x2800, $0x38;
	[tilespmem:$0x19300] =	vst v63  }
0x32: {  	_ =	swait.ge [sflag:s9], $0x2800  }
0x33: {  	[sflag:s9] =	ssyncset.done $0x0  }
0x34: {  	[sflag:s9] =	ssyncadd.s32 $0xFFFFD800  }
0x35: {  	[tilespmem:s1], [sflag:$0x5] =	stream.linear.gather [spmem:s0], $0x2800, $0x38;
	[tilespmem:$0x19300] =	vst v63  }
0x36: {  	_ =	swait.ge [sflag:s9], $0x2800  }
0x37: {  	[sflag:s9] =	ssyncset.done $0x0  }
0x38: {  	s26 =	smov.u32 s0;
	s0 =	rddreg [dreg:$0xa];
	[sflag:s9] =	ssyncadd.s32 $0xFFFFD800  }
0x39: {  	[hbm4b:s0+s3] =	stream.linear.scatter [tilespmem:s1], [sflag:$0x5], $0x2800, $0x38;
	[tilespmem:$0x19300] =	vst v63  }
0x3a: {  	_ =	swait.ge [sflag:s9], $0x2800  }
0x3b: {  	[sflag:s9] =	ssyncset.done $0x0  }
0x3c: {  	[sflag:s9] =	ssyncadd.s32 $0xFFFFD800  }
0x3d: {  	[tilespmem:s1], [sflag:$0x5] =	stream.linear.gather [spmem:s15], $0x2800, $0x38;
	[tilespmem:$0x19300] =	vst v63  }
0x3e: {  	_ =	swait.ge [sflag:s9], $0x2800  }
0x3f: {  	[sflag:s9] =	ssyncset.done $0x0  }
0x40: {  	s17 =	rddreg [dreg:$0xb];
	[sflag:s9] =	ssyncadd.s32 $0xFFFFD800  }
0x41: {  	[hbm4b:s17+s3] =	stream.linear.scatter [tilespmem:s1], [sflag:$0x5], $0x2800, $0x38;
	[tilespmem:$0x19300] =	vst v63  }
0x42: {  	_ =	swait.ge [sflag:s9], $0x2800  }
0x43: {  	[sflag:s9] =	ssyncset.done $0x0  }
0x44: {  	s29 =	rddreg [dreg:$0x11];
	[sflag:s9] =	ssyncadd.s32 $0xFFFFD800  }
0x45: {  	[tilespmem:s1], [sflag:$0x5] =	stream.linear.gather [spmem:s29], $0x2800, $0x38;
	[tilespmem:$0x19300] =	vst v63  }
0x46: {  	_ =	swait.ge [sflag:s9], $0x2800  }
0x47: {  	[sflag:s9] =	ssyncset.done $0x0  }
0x48: {  	s30 =	rddreg [dreg:$0xc];
	[sflag:s9] =	ssyncadd.s32 $0xFFFFD800  }
0x49: {  	[hbm4b:s30+s3] =	stream.linear.scatter [tilespmem:s1], [sflag:$0x5], $0x2800, $0x38;
	[tilespmem:$0x19300] =	vst v63  }
0x4a: {  	_ =	swait.ge [sflag:s9], $0x2800  }
0x4b: {  	[sflag:s9] =	ssyncset.done $0x0  }
0x4c: {  	s31 =	rddreg [dreg:$0x12];
	[sflag:s9] =	ssyncadd.s32 $0xFFFFD800  }
0x4d: {  	[tilespmem:s1], [sflag:$0x5] =	stream.linear.gather [spmem:s31], $0x2800, $0x38;
	[tilespmem:$0x19300] =	vst v63  }
0x4e: {  	_ =	swait.ge [sflag:s9], $0x2800  }
0x4f: {  	[sflag:s9] =	ssyncset.done $0x0  }
0x50: {  	s0 =	rddreg [dreg:$0xd];
	[sflag:s9] =	ssyncadd.s32 $0xFFFFD800  }
0x51: {  	[hbm4b:s0+s3] =	stream.linear.scatter [tilespmem:s1], [sflag:$0x5], $0x2800, $0x38;
	[tilespmem:$0x19300] =	vst v63  }
0x52: {  	_ =	swait.ge [sflag:s9], $0x2800  }
0x53: {  	[sflag:s9] =	ssyncset.done $0x0  }
0x54: {  	s28 =	smov.u32 s15;
	s15 =	rddreg [dreg:$0x13];
	[sflag:s9] =	ssyncadd.s32 $0xFFFFD800  }
0x55: {  	[tilespmem:s1], [sflag:$0x5] =	stream.linear.gather [spmem:s15], $0x2800, $0x38;
	[tilespmem:$0x19300] =	vst v63  }
0x56: {  	_ =	swait.ge [sflag:s9], $0x2800  }
0x57: {  	[sflag:s9] =	ssyncset.done $0x0  }
0x58: {  	s17 =	rddreg [dreg:$0xe];
	[sflag:s9] =	ssyncadd.s32 $0xFFFFD800  }
0x59: {  	[hbm4b:s17+s3] =	stream.linear.scatter [tilespmem:s1], [sflag:$0x5], $0x2800, $0x38;
	[tilespmem:$0x19300] =	vst v63  }
0x5a: {  	_ =	swait.ge [sflag:s9], $0x2800  }
0x5b: {  	[sflag:s9] =	ssyncset.done $0x0  }
0x5c: {  	s29 =	rddreg [dreg:$0x14];
	[sflag:s9] =	ssyncadd.s32 $0xFFFFD800  }
0x5d: {  	[tilespmem:s1], [sflag:$0x5] =	stream.linear.gather [spmem:s29], $0x2800, $0x38;
	[tilespmem:$0x19300] =	vst v63  }
0x5e: {  	_ =	swait.ge [sflag:s9], $0x2800  }
0x5f: {  	[sflag:s9] =	ssyncset.done $0x0  }
0x60: {  	s30 =	rddreg [dreg:$0xf];
	[sflag:s9] =	ssyncadd.s32 $0xFFFFD800  }
0x61: {  	[hbm4b:s30+s3] =	stream.linear.scatter [tilespmem:s1], [sflag:$0x5], $0x2800, $0x38;
	[tilespmem:$0x19300] =	vst v63  }
0x62: {  	_ =	swait.ge [sflag:s9], $0x2800  }
0x63: {  	s25 =	sadd.s32 $0x1, s25;
	s31 =	rddreg [dreg:$0x7]  }
0x64: {  	p0 =	sne.s32 s25, s31  }
.Ltmp1:
0x65: {  	_ = 	snop;
	(pc) =	sbr.rel @!p0 .LBB2_13-.Ltmp1, $3  }
0x66: {  	_ =	sdelay $0x1  }
0x67: {  	[sflag:s9] =	ssyncset.done $0x0  }
0x68: {  	[sflag:s9] =	ssyncadd.s32 $0xFFFFD800  }
.LBB2_1:
0x69: {  	s12 =	simm.s32 $0x0;
	s17 =	simm.s32 $0x200  }
.LBB2_2:
0x6a: {  	p0 =	sne.s32 s17, $0x9E00;
	[tilespmem:s12+$0x270] =	vst v0  }
0x6b: {  	[tilespmem:s12+$0x200] =	vst v0  }
0x6c: {  	[tilespmem:s12+$0x210] =	vst v0  }
.Ltmp2:
0x6d: {  	[tilespmem:s12+$0x220] =	vst v0;
	(pc) =	sbr.rel @p0 .LBB2_2-.Ltmp2, $4  }
0x6e: {  	[tilespmem:s12+$0x230] =	vst v0  }
0x6f: {  	[tilespmem:s12+$0x240] =	vst v0  }
0x70: {  	[tilespmem:s12+$0x250] =	vst v0  }
0x71: {  	[tilespmem:s12+$0x260] =	vst v0;
	s12 =	sshra.s32 s17, $0x2;
	s17 =	sadd.s32 $0x200, s17  }
0x72: {  	[tilespmem:s12+$0x270] =	vst v0  }
0x73: {  	[tilespmem:s12+$0x200] =	vst v0  }
0x74: {  	[tilespmem:s12+$0x210] =	vst v0  }
0x75: {  	[tilespmem:s12+$0x220] =	vst v0  }
0x76: {  	[tilespmem:s12+$0x230] =	vst v0  }
0x77: {  	[tilespmem:s12+$0x240] =	vst v0  }
0x78: {  	[tilespmem:s12+$0x250] =	vst v0  }
0x79: {  	[tilespmem:s12+$0x260] =	vst v0;
	s0 =	rddreg [dreg:$0x10]  }
0x7a: {  	[spmem:s0] =	stream.linear.scatter [tilespmem:s1], [sflag:$0x5], $0x2800, $0x38;
	[tilespmem:$0x19300] =	vst v63  }
0x7b: {  	_ =	swait.ge [sflag:s9], $0x2800  }
0x7c: {  	[sflag:s9] =	ssyncset.done $0x0  }
0x7d: {  	[sflag:s9] =	ssyncadd.s32 $0xFFFFD800  }
0x7e: {  	[spmem:s22] =	stream.linear.scatter [tilespmem:s1], [sflag:$0x5], $0x2800, $0x38;
	[tilespmem:$0x19300] =	vst v63  }
0x7f: {  	_ =	swait.ge [sflag:s9], $0x2800  }
0x80: {  	[sflag:s9] =	ssyncset.done $0x0  }
0x81: {  	[sflag:s9] =	ssyncadd.s32 $0xFFFFD800  }
0x82: {  	[spmem:s26] =	stream.linear.scatter [tilespmem:s1], [sflag:$0x5], $0x2800, $0x38;
	[tilespmem:$0x19300] =	vst v63  }
0x83: {  	_ =	swait.ge [sflag:s9], $0x2800  }
0x84: {  	[sflag:s9] =	ssyncset.done $0x0  }
0x85: {  	[sflag:s9] =	ssyncadd.s32 $0xFFFFD800  }
0x86: {  	[spmem:s28] =	stream.linear.scatter [tilespmem:s1], [sflag:$0x5], $0x2800, $0x38;
	[tilespmem:$0x19300] =	vst v63  }
0x87: {  	_ =	swait.ge [sflag:s9], $0x2800  }
0x88: {  	[sflag:s9] =	ssyncset.done $0x0  }
0x89: {  	s29 =	rddreg [dreg:$0x11];
	[sflag:s9] =	ssyncadd.s32 $0xFFFFD800  }
0x8a: {  	[spmem:s29] =	stream.linear.scatter [tilespmem:s1], [sflag:$0x5], $0x2800, $0x38;
	[tilespmem:$0x19300] =	vst v63  }
0x8b: {  	_ =	swait.ge [sflag:s9], $0x2800  }
0x8c: {  	[sflag:s9] =	ssyncset.done $0x0  }
0x8d: {  	s30 =	rddreg [dreg:$0x12];
	[sflag:s9] =	ssyncadd.s32 $0xFFFFD800  }
0x8e: {  	[spmem:s30] =	stream.linear.scatter [tilespmem:s1], [sflag:$0x5], $0x2800, $0x38;
	[tilespmem:$0x19300] =	vst v63  }
0x8f: {  	_ =	swait.ge [sflag:s9], $0x2800  }
0x90: {  	[sflag:s9] =	ssyncset.done $0x0  }
0x91: {  	s17 =	rddreg [dreg:$0x13];
	[sflag:s9] =	ssyncadd.s32 $0xFFFFD800  }
0x92: {  	[spmem:s17] =	stream.linear.scatter [tilespmem:s1], [sflag:$0x5], $0x2800, $0x38;
	[tilespmem:$0x19300] =	vst v63  }
0x93: {  	_ =	swait.ge [sflag:s9], $0x2800  }
0x94: {  	[sflag:s9] =	ssyncset.done $0x0  }
0x95: {  	s31 =	smov.u32 s22;
	s22 =	rddreg [dreg:$0x14];
	[sflag:s9] =	ssyncadd.s32 $0xFFFFD800  }
0x96: {  	[spmem:s22] =	stream.linear.scatter [tilespmem:s1], [sflag:$0x5], $0x2800, $0x38;
	[tilespmem:$0x19300] =	vst v63  }
0x97: {  	_ =	swait.ge [sflag:s9], $0x2800  }
0x98: {  	[sflag:s9] =	ssyncset.done $0x0  }
0x99: {  	[sflag:s9] =	ssyncadd.s32 $0xFFFFD800  }
0x9a: {  	[bflag:$0x0] =	sbarrier.arrive $0xFFFF  }
0x9b: {  	s12 =	simm.s32 $0x0;
	s17 =	rddreg [dreg:$0x3]  }
0x9c: {  	[tilespmem:s12], [sflag:$0x5] =	stream.linear.gather [hbm4b:s17+s12], $0x50, $0x38;
	[tilespmem:$0x19300] =	vst v63  }
0x9d: {  	_ =	swait.ge [sflag:s9], $0x50  }
0x9e: {  	[sflag:s9] =	ssyncset.done $0x0  }
0x9f: {  	s0 =	smov.u32 s26;
	s26 =	rddreg [dreg:$0x4];
	[sflag:s9] =	ssyncadd.s32 $0xFFFFFFB0  }
0xa0: {  	[tilespmem:s10], [sflag:$0x5] =	stream.linear.gather [hbm4b:s26+s12], $0x50, $0x38;
	[tilespmem:$0x19300] =	vst v63  }
0xa1: {  	_ =	swait.ge [sflag:s9], $0x50  }
0xa2: {  	[sflag:s9] =	ssyncset.done $0x0  }
0xa3: {  	[sflag:s9] =	ssyncadd.s32 $0xFFFFFFB0  }
0xa4: {  	[tilespmem:s1], [sflag:$0x1] =	stream.indirect.gather [hbm4b:s4+s11], $0x80, s12, s11, $0xb8;
	[tilespmem:$0x19300] =	vst v63  }
0xa5: {  	s15 =	smov.u32 s28;
	s29 =	simm.s32 $0x80;
	s28 =	rddreg [dreg:$0x5]  }
0xa6: {  	[tilespmem:s29], [sflag:$0x5] =	stream.linear.gather [hbm4b:s28+s12], $0x50, $0x38;
	[tilespmem:$0x19300] =	vst v63  }
0xa7: {  	_ =	swait.ge [sflag:s9], $0x50  }
0xa8: {  	[sflag:s9] =	ssyncset.done $0x0  }
0xa9: {  	s30 =	rddreg [dreg:$0x6];
	[sflag:s9] =	ssyncadd.s32 $0xFFFFFFB0  }
0xaa: {  	[tilespmem:s16], [sflag:$0x5] =	stream.linear.gather [hbm4b:s30+s12], $0x50, $0x38;
	[tilespmem:$0x19300] =	vst v63  }
.Ltmp3:
0xab: {  	_ = 	snop;
	(pc) =	sbr.rel .LBB2_4-.Ltmp3, $4  }
0xac: {  	_ =	swait.ge [sflag:s9], $0x50  }
0xad: {  	[sflag:s9] =	ssyncset.done $0x0  }
0xae: {  	s22 =	simm.s32 $0x0;
	[sflag:s9] =	ssyncadd.s32 $0xFFFFFFB0  }
0xaf: {  	[tilespmem:s18], [sflag:$0x2] =	stream.indirect.gather [hbm4b:s4+s11], $0x80, s29, s11, $0xb8;
	[tilespmem:$0x19300] =	vst v63  }
.LBB2_11:
0xb0: {  	s22 =	sadd.s32 $0x1, s22  }
0xb1: {  	p0 =	sne.s32 s22, $0x3F  }
.Ltmp4:
0xb2: {  	_ = 	snop;
	(pc) =	sbr.rel @!p0 .LBB2_12-.Ltmp4, $1  }
0xb3: {  	_ =	sdelay $0x3  }
.LBB2_4:
0xb4: {  	s17 =	smul.u32 $0xA0, s22;
	_ =	sdelay $0x1  }
0xb5: {  	_ =	swait.ge [sflag:s19], $0x2800;
	s26 =	sadd.s32 s7, s17  }
0xb6: {  	[sflag:s19] =	ssyncset.done $0x0;
	s26 =	sshrl.u32 s26, $0x3  }
0xb7: {  	[sflag:s19] =	ssyncadd.s32 $0xFFFFD800;
	s26 =	sadd.s32 s5, s26  }
0xb8: {  	[tilespmem:s20], [sflag:$0x5] =	stream.linear.gather [hbm4b:s26+s12], $0x50, $0x38;
	[tilespmem:$0x19300] =	vst v63  }
0xb9: {  	_ =	swait.ge [sflag:s9], $0x50  }
0xba: {  	v1 =	vmov s12;
	[sflag:s9] =	ssyncset.done $0x0  }
0xbb: {  	s26 =	simm.s32 $0x240;
	[sflag:s9] =	ssyncadd.s32 $0xFFFFFFB0  }
0xbc: {  	v5 =	vld [tilespmem:s26+$0x30]  }
0xbd: {  	v8 =	vld [tilespmem:s26+$0x10]  }
0xbe: {  	v6 =	vld [tilespmem:s26+$0xFFFFFFC0]  }
0xbf: {  	v2 =	vld.idx.msk [tilespmem:v1+s20+$0x0], $0xffff  }
0xc0: {  	v10 =	vld [tilespmem:s26+$0xFFFFFFE0]  }
0xc1: {  	v1 =	vld [tilespmem:s26+$0xFFFFFFF0]  }
0xc2: {  	v3 =	vld [tilespmem:s26+$0x20]  }
0xc3: {  	v4 =	vld [tilespmem:s26+$0xFFFFFFD0]  }
0xc4: {  	v9 =	vmul.f32 v5, v2;
	v5 =	vld [tilespmem:s26+$0x0]  }
0xc5: {  	v7 =	vmul.f32 v6, v2  }
0xc6: {  	s28 =	simm.s32 $0x1;
	s29 =	simm.s32 $0x240;
	v6 =	vmul.f32 v10, v2;
	v8 =	vmul.f32 v8, v2  }
.LBB2_5:
0xc7: {  	p0 =	sne.s32 s28, $0x4F  }
0xc8: {  	v4 =	vmul.f32 v4, v2;
	v3 =	vmul.f32 v3, v2;
	[tilespmem:s26+$0x30] =	vst v9;
	s29 =	sadd.s32 $0x80, s29;
	s30 =	smov.u32 s28;
	s28 =	sadd.s32 $0x1, s28  }
0xc9: {  	[tilespmem:s26+$0xFFFFFFC0] =	vst v7;
	v7 =	vmul.f32 v1, v2;
	v2 =	vmul.f32 v5, v2  }
0xca: {  	[tilespmem:s26+$0x10] =	vst v8  }
0xcb: {  	v5 =	vmov s30;
	[tilespmem:s26+$0xFFFFFFE0] =	vst v6  }
0xcc: {  	v1 =	vld [tilespmem:s29+$0xFFFFFFF0];
	[tilespmem:s26+$0xFFFFFFF0] =	vst v7  }
0xcd: {  	v6 =	vld [tilespmem:s29+$0x30];
	[tilespmem:s26+$0x0] =	vst v2  }
0xce: {  	v8 =	vld [tilespmem:s29+$0x10];
	[tilespmem:s26+$0x20] =	vst v3  }
0xcf: {  	v7 =	vld [tilespmem:s29+$0xFFFFFFC0];
	[tilespmem:s26+$0xFFFFFFD0] =	vst v4;
	s26 =	smov.u32 s29  }
0xd0: {  	v2 =	vld.idx.msk [tilespmem:v5+s20+$0x0], $0xffff  }
0xd1: {  	v10 =	vld [tilespmem:s29+$0xFFFFFFE0]  }
0xd2: {  	v3 =	vld [tilespmem:s29+$0x20]  }
.Ltmp5:
0xd3: {  	v4 =	vld [tilespmem:s29+$0xFFFFFFD0];
	(pc) =	sbr.rel @p0 .LBB2_5-.Ltmp5, $3  }
0xd4: {  	v5 =	vld [tilespmem:s29+$0x0];
	_ =	sdelay $0x1  }
0xd5: {  	v7 =	vmul.f32 v7, v2;
	v9 =	vmul.f32 v6, v2  }
0xd6: {  	v8 =	vmul.f32 v8, v2;
	v6 =	vmul.f32 v10, v2  }
0xd7: {  	[tilespmem:s26+$0x30] =	vst v9  }
0xd8: {  	[tilespmem:s26+$0xFFFFFFC0] =	vst v7  }
0xd9: {  	v1 =	vmul.f32 v1, v2;
	[tilespmem:s26+$0x10] =	vst v8  }
0xda: {  	v3 =	vmul.f32 v3, v2;
	p0 =	seq.s32 s22, $0x3E;
	[tilespmem:s26+$0xFFFFFFE0] =	vst v6  }
.Ltmp6:
0xdb: {  	v5 =	vmul.f32 v5, v2;
	[tilespmem:s26+$0xFFFFFFF0] =	vst v1;
	(pc) =	sbr.rel @p0 .LBB2_12-.Ltmp6, $4  }
0xdc: {  	v1 =	vmul.f32 v4, v2;
	[tilespmem:s26+$0x20] =	vst v3  }
0xdd: {  	[tilespmem:s26+$0x0] =	vst v5  }
0xde: {  	[tilespmem:s26+$0xFFFFFFD0] =	vst v1  }
0xdf: {  	[spmem:s2] =	stream.indirect.scatter.add.f32 [tilespmem:s1], [sflag:$0x3], $0x80, s10, s11, $0xb8;
	[tilespmem:$0x19300] =	vst v63  }
0xe0: {  	_ =	swait.ge [sflag:s21], $0x2800;
	s26 =	sadd.s32 s17, s13  }
0xe1: {  	[sflag:s21] =	ssyncset.done $0x0;
	s26 =	sshrl.u32 s26, $0x3  }
0xe2: {  	[sflag:s21] =	ssyncadd.s32 $0xFFFFD800;
	s28 =	sadd.s32 s6, s26  }
0xe3: {  	[tilespmem:s3], [sflag:$0x5] =	stream.linear.gather [hbm4b:s28+s3], $0x50, $0x38;
	[tilespmem:$0x19300] =	vst v63  }
0xe4: {  	_ =	swait.ge [sflag:s9], $0x50  }
0xe5: {  	[sflag:s9] =	ssyncset.done $0x0  }
0xe6: {  	s26 =	sadd.s32 s8, s26;
	[sflag:s9] =	ssyncadd.s32 $0xFFFFFFB0  }
0xe7: {  	[tilespmem:s10], [sflag:$0x5] =	stream.linear.gather [hbm4b:s26+s3], $0x50, $0x38;
	[tilespmem:$0x19300] =	vst v63  }
0xe8: {  	s26 =	sshllo.u32 s22, $0x1  }
0xe9: {  	p0 =	sgt.u32 s26, $0x7C  }
.Ltmp7:
0xea: {  	_ = 	snop;
	(pc) =	sbr.rel @p0 .LBB2_11-.Ltmp7, $4  }
0xeb: {  	_ =	swait.ge [sflag:s9], $0x50  }
0xec: {  	[sflag:s9] =	ssyncset.done $0x0  }
0xed: {  	[sflag:s9] =	ssyncadd.s32 $0xFFFFFFB0  }
0xee: {  	[tilespmem:s1], [sflag:$0x1] =	stream.indirect.gather [hbm4b:s4+s11], $0x80, s3, s11, $0xb8;
	[tilespmem:$0x19300] =	vst v63  }
0xef: {  	s26 =	smul.u32 $0x50, s26;
	_ =	sdelay $0x1  }
0xf0: {  	_ =	swait.ge [sflag:s23], $0x2800;
	s26 =	sadd.s32 s7, s26  }
0xf1: {  	[sflag:s23] =	ssyncset.done $0x0;
	s26 =	sshrl.u32 s26, $0x3  }
0xf2: {  	s28 =	simm.s32 $0x0;
	[sflag:s23] =	ssyncadd.s32 $0xFFFFD800;
	s26 =	sadd.s32 s5, s26  }
0xf3: {  	[tilespmem:s24], [sflag:$0x5] =	stream.linear.gather [hbm4b:s26+s28], $0x50, $0x38;
	[tilespmem:$0x19300] =	vst v63  }
0xf4: {  	_ =	swait.ge [sflag:s9], $0x50  }
0xf5: {  	v1 =	vmov s28;
	[sflag:s9] =	ssyncset.done $0x0  }
0xf6: {  	s26 =	simm.s32 $0x2A40;
	[sflag:s9] =	ssyncadd.s32 $0xFFFFFFB0  }
0xf7: {  	v5 =	vld [tilespmem:s26+$0x30]  }
0xf8: {  	v8 =	vld [tilespmem:s26+$0x10]  }
0xf9: {  	v6 =	vld [tilespmem:s26+$0xFFFFFFC0]  }
0xfa: {  	v2 =	vld.idx.msk [tilespmem:v1+s24+$0x0], $0xffff  }
0xfb: {  	v10 =	vld [tilespmem:s26+$0xFFFFFFE0]  }
0xfc: {  	v1 =	vld [tilespmem:s26+$0xFFFFFFF0]  }
0xfd: {  	v3 =	vld [tilespmem:s26+$0x20]  }
0xfe: {  	v4 =	vld [tilespmem:s26+$0xFFFFFFD0]  }
0xff: {  	v9 =	vmul.f32 v5, v2;
	v5 =	vld [tilespmem:s26+$0x0]  }
0x100: {  	v7 =	vmul.f32 v6, v2  }
0x101: {  	s29 =	simm.s32 $0x2A40;
	s28 =	simm.s32 $0x1;
	v6 =	vmul.f32 v10, v2;
	v8 =	vmul.f32 v8, v2  }
.LBB2_9:
0x102: {  	p0 =	sne.s32 s28, $0x4F  }
0x103: {  	v4 =	vmul.f32 v4, v2;
	v3 =	vmul.f32 v3, v2;
	[tilespmem:s26+$0x30] =	vst v9;
	s29 =	sadd.s32 $0x80, s29;
	s30 =	smov.u32 s28;
	s28 =	sadd.s32 $0x1, s28  }
0x104: {  	[tilespmem:s26+$0xFFFFFFC0] =	vst v7;
	v7 =	vmul.f32 v1, v2;
	v2 =	vmul.f32 v5, v2  }
0x105: {  	[tilespmem:s26+$0x10] =	vst v8  }
0x106: {  	v5 =	vmov s30;
	[tilespmem:s26+$0xFFFFFFE0] =	vst v6  }
0x107: {  	v1 =	vld [tilespmem:s29+$0xFFFFFFF0];
	[tilespmem:s26+$0xFFFFFFF0] =	vst v7  }
0x108: {  	v6 =	vld [tilespmem:s29+$0x30];
	[tilespmem:s26+$0x0] =	vst v2  }
0x109: {  	v8 =	vld [tilespmem:s29+$0x10];
	[tilespmem:s26+$0x20] =	vst v3  }
0x10a: {  	v7 =	vld [tilespmem:s29+$0xFFFFFFC0];
	[tilespmem:s26+$0xFFFFFFD0] =	vst v4;
	s26 =	smov.u32 s29  }
0x10b: {  	v2 =	vld.idx.msk [tilespmem:v5+s24+$0x0], $0xffff  }
0x10c: {  	v10 =	vld [tilespmem:s29+$0xFFFFFFE0]  }
0x10d: {  	v3 =	vld [tilespmem:s29+$0x20]  }
.Ltmp8:
0x10e: {  	v4 =	vld [tilespmem:s29+$0xFFFFFFD0];
	(pc) =	sbr.rel @p0 .LBB2_9-.Ltmp8, $3  }
0x10f: {  	v5 =	vld [tilespmem:s29+$0x0];
	_ =	sdelay $0x1  }
0x110: {  	v7 =	vmul.f32 v7, v2;
	v9 =	vmul.f32 v6, v2  }
0x111: {  	v8 =	vmul.f32 v8, v2;
	v6 =	vmul.f32 v10, v2  }
0x112: {  	[tilespmem:s26+$0x30] =	vst v9  }
0x113: {  	[tilespmem:s26+$0xFFFFFFC0] =	vst v7  }
0x114: {  	v1 =	vmul.f32 v1, v2;
	[tilespmem:s26+$0x10] =	vst v8  }
0x115: {  	v3 =	vmul.f32 v3, v2;
	[tilespmem:s26+$0xFFFFFFE0] =	vst v6  }
0x116: {  	v5 =	vmul.f32 v5, v2;
	[tilespmem:s26+$0xFFFFFFF0] =	vst v1  }
0x117: {  	v1 =	vmul.f32 v4, v2;
	[tilespmem:s26+$0x20] =	vst v3  }
0x118: {  	p0 =	sgt.u32 s22, $0x3C;
	[tilespmem:s26+$0x0] =	vst v5  }
0x119: {  	[tilespmem:s26+$0xFFFFFFD0] =	vst v1;
	s26 =	simm.s32 @!p0 $0x4  }
0x11a: {  	[spmem:s2] =	stream.indirect.scatter.add.f32 [tilespmem:s18], [sflag:$0x4], $0x80, s16, s11, $0xb8;
	[tilespmem:$0x19300] =	vst v63  }
0x11b: {  	s17 =	sadd.s32 @!p0 s17, s14;
	_ =	swait.ge @!p0 [sflag:s26], $0x2800  }
0x11c: {  	s28 =	simm.s32 @!p0 $0x0;
	s17 =	sshrl.u32 @!p0 s17, $0x3;
	[sflag:s26] =	ssyncset.done @!p0 $0x0  }
0x11d: {  	s29 =	simm.s32 @!p0 $0x80;
	[sflag:s26] =	ssyncadd.s32 @!p0 $0xFFFFD800;
	s26 =	sadd.s32 @!p0 s6, s17  }
0x11e: {  	[tilespmem:s29], [sflag:$0x5] =	stream.linear.gather @!p0 [hbm4b:s26+s28], $0x50, $0x38;
	[tilespmem:$0x19300] =	vst v63  }
0x11f: {  	s26 =	simm.s32 @!p0 $0x5  }
0x120: {  	_ =	swait.ge @!p0 [sflag:s26], $0x50  }
0x121: {  	[sflag:s26] =	ssyncset.done @!p0 $0x0  }
0x122: {  	s30 =	simm.s32 @!p0 $0x180;
	s17 =	sadd.s32 @!p0 s8, s17;
	[sflag:s26] =	ssyncadd.s32 @!p0 $0xFFFFFFB0  }
0x123: {  	[tilespmem:s30], [sflag:$0x5] =	stream.linear.gather @!p0 [hbm4b:s17+s28], $0x50, $0x38;
	[tilespmem:$0x19300] =	vst v63  }
.Ltmp9:
0x124: {  	_ = 	snop;
	(pc) =	sbr.rel .LBB2_11-.Ltmp9, $4  }
0x125: {  	_ =	swait.ge @!p0 [sflag:s26], $0x50  }
0x126: {  	[sflag:s26] =	ssyncset.done @!p0 $0x0  }
0x127: {  	s17 =	simm.s32 @!p0 $0x50;
	[sflag:s26] =	ssyncadd.s32 @!p0 $0xFFFFFFB0;
	s26 =	simm.s32 @!p0 $0x2A00  }
0x128: {  	[tilespmem:s26], [sflag:$0x2] =	stream.indirect.gather @!p0 [hbm4b:s4+s17], $0x80, s29, s17, $0xb8;
	[tilespmem:$0x19300] =	vst v63  }
.LBB2_13:
0x129: {  	_ =	sfence.sel $0x180000  }
0x12a: {  	[bflag:$0x0] =	sbarrier.arrive $0xFFFF  }
0x12b: {  	_ =	strace $0x90000053  }
0x12c: {  	s0 =	stileid.u32;
	[bflag:$0x2] =	sbarrier.arrive $0xFFFF  }
0x12d: {  	p0 =	sne.s32 s0, $0x0;
	s0 =	rddreg [dreg:$0x2]  }
0x12e: {  	s0 =	sadd.s32 @!p0 $0x100000, s0  }
0x12f: {  	[sflag:s0] =	ssyncadd.tile.s32 @!p0 $0x1;
	_ =	shalt  }
.Lfunc_end2:
_tile_overlayer_lowered:
.L_overlay_start_2:
0x130: {  	(tag) =	ssettag $0x2  }
0x131: {  	s0 =	rddreg [dreg:$0x0];
	s2 =	stileid.u32  }
0x132: {  	s1 =	rddreg [dreg:$0x1];
	p0 =	sne.s32 s2, $0x0  }
0x133: {  	s3 =	rddreg [dreg:$0x2];
	[bflag:$0x3] =	sbarrier.arrive $0xFFFF;
	s2 =	simm.s32 @!p0 $0x1C05  }
0x134: {  	[timem:s3], [sflag:s2] =	dma.local @!p0 [hbm:s0], s1  }
0x135: {  	s0 =	simm.s32 @!p0 $0x5  }
0x136: {  	_ =	swait.ge @!p0 [sflag:s0], s1  }
0x137: {  	s1 =	ssub.s32 @!p0 $0x0, s1;
	[sflag:s0] =	ssyncset.done @!p0 $0x0  }
0x138: {  	[sflag:s0] =	ssyncadd.s32 @!p0 s1  }
0x139: {  	[bflag:$0x3] =	sbarrier.arrive $0xFFFF  }
0x13a: {  	_ =	shalt  }

// kernel: kernel.32.cloned.1.call-start
scs
__scs_entry_jumppad:
0x0: {  	(pc) =	sbr.rel $0x88, $3  }
0x1: {  	(tag) =	ssettag $0x0;
	lr =	simm.s32 $0x1  }
0x2: {  	[smem:$0x3F88] =	sst lr;
	_ =	strace $0xD0000000  }
0x3: {  	_ = 	snop  }
0x4: {  	_ = 	snop  }
0x5: {  	_ = 	snop  }
0x6: {  	_ = 	snop  }
0x7: {  	_ = 	snop  }
__scs_overlays_trampoline_lowered:
0x8: {  	[smem:$0x3F97] =	sst s0  }
0x9: {  	[smem:$0x3F98] =	sst s1  }
0xa: {  	[smem:$0x3F99] =	sst s2  }
0xb: {  	[smem:$0x3F9A] =	sst s3  }
0xc: {  	[smem:$0x3F9B] =	sst s4  }
0xd: {  	[smem:$0x3F9C] =	sst s5  }
0xe: {  	[smem:$0x3F9D] =	sst s6  }
0xf: {  	[smem:$0x3F9E] =	sst s7  }
0x10: {  	[smem:$0x3F9F] =	sst s8  }
0x11: {  	[smem:$0x3FA0] =	sst s9;
	s0 =	simm.s32 @!p0 $0x0  }
0x12: {  	s1 =	sld [smem:$0x3F86];
	s0 =	simm.s32 @p0 $0x1  }
0x13: {  	[smem:$0x3FA1] =	sst s0;
	s0 =	simm.s32 @!p1 $0x0  }
0x14: {  	s2 =	sld [smem:$0x3F85];
	s0 =	simm.s32 @p1 $0x1  }
0x15: {  	[smem:$0x3FA2] =	sst s0;
	s0 =	simm.s32 @!p2 $0x0  }
0x16: {  	s3 =	sld [smem:$0x3FDB];
	s0 =	simm.s32 @p2 $0x1  }
0x17: {  	s4 =	simm.s32 $0x1BF5;
	[smem:$0x3FA4] =	sst s0  }
0x18: {  	s0 =	sld [smem:$0x3F87];
	_ =	swait.ge [sflag:s4], $0x0  }
0x19: {  	s7 =	sld [smem:$0x3F88]  }
0x1a: {  	s8 =	sadd.s32 $0xFFFFE003, lr  }
0x1b: {  	s9 =	sadd.s32 $0xFFFFFEF7, lr;
	s5 =	simm.s32 $0xFFFFFFFF;
	p2 =	slt.u32 s8, $0xFFFFF086  }
0x1c: {  	p1 =	slt.u32 s9, $0xF7A;
	s5 =	simm.s32 @!p2 $0x0  }
0x1d: {  	s5 =	simm.s32 @p1 $0x1;
	p0 =	seq.s32 s7, s2  }
0x1e: {  	s7 =	smul.u32 @!p0 $0xF7A, s2;
	p2 =	seq.s32 @!p0 s5, $0x0  }
0x1f: {  	s9 =	smul.u32 $0xF7A, s1;
	s8 =	simm.s32 @!p0 $0x1BF5;
	p2 =	por !p2, p0  }
0x20: {  	[sflag:s8] =	ssyncset.s32 @!p0 $0xFFFFF086;
	s6 =	sadd.s32 @!p0 s3, s7;
	s7 =	simm.s32 @!p0 $0x108  }
0x21: {  	s3 =	sadd.s32 s3, s9;
	s6 =	sadd.s32 @!p0 $0x88, s6;
	s7 =	simm.s32 @p2 $0x1082  }
0x22: {  	[simem:s7], [sflag:s8] =	dma.local @!p0 [hbm:s6], $0xF7A  }
0x23: {  	s9 =	sor.u32 $0xD0000000, s2;
	s6 =	simm.s32 $0x108;
	_ =	swait.ge @!p0 [sflag:s8], $0x0  }
0x24: {  	s3 =	sadd.s32 $0x88, s3;
	s6 =	simm.s32 @!p1 $0x1082;
	[sflag:s4] =	ssyncset.s32 $0xFFFFF086  }
0x25: {  	[simem:s6], [sflag:s4] =	dma.local [hbm:s3], $0xF7A  }
0x26: {  	[smem:$0x3F88] =	sst s1;
	(tag) =	ssettag s2;
	_ =	strace s9  }
0x27: {  	s1 =	sld [smem:$0x3F98]  }
0x28: {  	s2 =	sld [smem:$0x3F99]  }
0x29: {  	s4 =	sld [smem:$0x3F9B]  }
0x2a: {  	p0 =	seq.s32 s5, $0x0;
	s5 =	sld [smem:$0x3F9C]  }
0x2b: {  	s6 =	sld [smem:$0x3F9D]  }
0x2c: {  	s7 =	sld [smem:$0x3F9E]  }
0x2d: {  	s3 =	simm.s32 $0x108;
	s8 =	sld [smem:$0x3F9F]  }
0x2e: {  	s3 =	simm.s32 @!p0 $0x1082;
	s9 =	sld [smem:$0x3FA0]  }
0x2f: {  	lr =	sadd.s32 s0, s3;
	s0 =	sld [smem:$0x3F97]  }
0x30: {  	s3 =	sld [smem:$0x3F9A]  }
0x31: {  	[smem:$0x3FA3] =	sst s10  }
0x32: {  	s10 =	sld [smem:$0x3FA1];
	_ =	sdelay $0x3  }
0x33: {  	p0 =	seq.s32 s10, $0x1;
	s10 =	sld [smem:$0x3FA3];
	_ =	sdelay $0x3  }
0x34: {  	[smem:$0x3FA3] =	sst s10  }
0x35: {  	s10 =	sld [smem:$0x3FA2];
	_ =	sdelay $0x3  }
0x36: {  	p1 =	seq.s32 s10, $0x1;
	s10 =	sld [smem:$0x3FA3];
	_ =	sdelay $0x3  }
0x37: {  	[smem:$0x3FA3] =	sst s10  }
0x38: {  	s10 =	sld [smem:$0x3FA4]  }
0x39: {  	_ = 	snop;
	(pc) =	sbr.ind lr, $3  }
0x3a: {  	_ = 	snop  }
0x3b: {  	_ = 	snop  }
0x3c: {  	p2 =	seq.s32 s10, $0x1;
	s10 =	sld [smem:$0x3FA3]  }
0x3d: {  	_ =	shalt  }
0x3e: {  	_ =	shalt  }
0x3f: {  	_ =	shalt  }
0x40: {  	_ =	shalt  }
0x41: {  	_ =	shalt  }
0x42: {  	_ =	shalt  }
0x43: {  	_ =	shalt  }
0x44: {  	_ =	shalt  }
0x45: {  	_ =	shalt  }
0x46: {  	_ =	shalt  }
0x47: {  	_ =	shalt  }
0x48: {  	_ =	shalt  }
0x49: {  	_ =	shalt  }
0x4a: {  	_ =	shalt  }
0x4b: {  	_ =	shalt  }
0x4c: {  	_ =	shalt  }
0x4d: {  	_ =	shalt  }
0x4e: {  	_ =	shalt  }
0x4f: {  	_ =	shalt  }
0x50: {  	_ =	shalt  }
0x51: {  	_ =	shalt  }
0x52: {  	_ =	shalt  }
0x53: {  	_ =	shalt  }
0x54: {  	_ =	shalt  }
0x55: {  	_ =	shalt  }
0x56: {  	_ =	shalt  }
0x57: {  	_ =	shalt  }
0x58: {  	_ =	shalt  }
0x59: {  	_ =	shalt  }
0x5a: {  	_ =	shalt  }
0x5b: {  	_ =	shalt  }
0x5c: {  	_ =	shalt  }
0x5d: {  	_ =	shalt  }
0x5e: {  	_ =	shalt  }
0x5f: {  	_ =	shalt  }
0x60: {  	_ =	shalt  }
0x61: {  	_ =	shalt  }
0x62: {  	_ =	shalt  }
0x63: {  	_ =	shalt  }
0x64: {  	_ =	shalt  }
0x65: {  	_ =	shalt  }
0x66: {  	_ =	shalt  }
0x67: {  	_ =	shalt  }
0x68: {  	_ =	shalt  }
0x69: {  	_ =	shalt  }
0x6a: {  	_ =	shalt  }
0x6b: {  	_ =	shalt  }
0x6c: {  	_ =	shalt  }
0x6d: {  	_ =	shalt  }
0x6e: {  	_ =	shalt  }
0x6f: {  	_ =	shalt  }
0x70: {  	_ =	shalt  }
0x71: {  	_ =	shalt  }
0x72: {  	_ =	shalt  }
0x73: {  	_ =	shalt  }
0x74: {  	_ =	shalt  }
0x75: {  	_ =	shalt  }
0x76: {  	_ =	shalt  }
0x77: {  	_ =	shalt  }
0x78: {  	_ =	shalt  }
0x79: {  	_ =	shalt  }
0x7a: {  	_ =	shalt  }
0x7b: {  	_ =	shalt  }
0x7c: {  	_ =	shalt  }
0x7d: {  	_ =	shalt  }
0x7e: {  	_ =	shalt  }
0x7f: {  	_ =	shalt  }
0x80: {  	_ =	shalt  }
0x81: {  	_ =	shalt  }
0x82: {  	_ =	shalt  }
0x83: {  	_ =	shalt  }
0x84: {  	_ =	shalt  }
0x85: {  	_ =	shalt  }
0x86: {  	_ =	shalt  }
0x87: {  	_ =	shalt  }
.Lfunc_end0:
.L_simem_size_0:
called_computation.5_lowered:
.L_overlay_start_0:
0x88: {  	s2 =	sld [smem:$0x3FD9]  }
0x89: {  	s3 =	sld [smem:$0x3FFE];
	_ =	sdelay $0x1  }
0x8a: {  	s1 =	srdreg.scid  }
0x8b: {  	s0 =	sand.u32 $0x1, s1  }
0x8c: {  	s16 =	sshll.u32 s0, $0xA;
	s2 =	sadd.s32 s3, s2  }
0x8d: {  	s2 =	sadd.s32 s2, s16  }
0x8e: {  	[smem:$0x3FAF] =	sst s2  }
0x8f: {  	_ = 	snop  }
0x90: {  	(tm) =	ssettm $0x1  }
0x91: {  	s17 =	sld [smem:$0x3FFB];
	_ =	sdelay $0x3  }
0x92: {  	_ =	strace s17  }
0x93: {  	s2 =	sld [smem:$0x3FFC];
	_ =	sdelay $0x3  }
0x94: {  	_ =	strace s2  }
0x95: {  	s2 =	sld [smem:$0x3FFD];
	_ =	sdelay $0x3  }
0x96: {  	_ =	strace s2  }
0x97: {  	_ =	strace $0x8FFFFFFF  }
0x98: {  	s18 =	sld [smem:$0x3FDB];
	_ =	sdelay $0x1  }
0x99: {  	s19 =	simm.s32 $_scs_section_size  }
0x9a: {  	s4 =	simm.s32 $_size__tile_overlayer_lowered;
	s5 =	simm.s32 $_tile_overlayer_lowered  }
0x9b: {  	s22 =	simm.s32 $0x1BFF;
	s21 =	sshll.u32 s5, $0x1;
	s2 =	sadd.s32 s19, s18  }
0x9c: {  	s6 =	simm.s32 $0x0;
	s20 =	sshll.u32 s4, $0x1;
	s4 =	sadd.s32 s21, s2  }
0x9d: {  	[timem:s6], [sflag:s22] =	dma.local [hbm:s4], s20  }
0x9e: {  	_ =	swait.ge [sflag:s22], s20  }
0x9f: {  	s3 =	ssub.s32 $0x0, s20;
	[sflag:s22] =	ssyncset.done $0x0  }
0xa0: {  	[sflag:s22] =	ssyncadd.s32 s3;
	_ =	sdelay $0x1  }
0xa1: {  	s23 =	simm.s32 $0x1B8B  }
0xa2: {  	_ =	swait.ge [sflag:s23], $0x1  }
0xa3: {  	[sflag:s23] =	ssyncset.done $0x0  }
0xa4: {  	s25 =	simm.s32 $0x1B8E;
	s24 =	sld [smem:$0x3FFE];
	[sflag:s23] =	ssyncadd.s32 $0xFFFFFFFF  }
0xa5: {  	s26 =	simm.s32 $execute0_lowered;
	[smem:$0x3FD2] =	sst s25  }
0xa6: {  	s4 =	sshll.u32 s26, $0x1;
	_ =	strace $0x80000055;
	[dreg:$0x1] =	wrdreg $0xFFFFFFFF  }
0xa7: {  	s28 =	simm.s32 $_size_execute0_lowered;
	s2 =	sadd.s32 s2, s4;
	[dreg:$0x0] =	wrdreg $0x0  }
0xa8: {  	s4 =	sshll.u32 s28, $0x1;
	[dreg:$0x2] =	wrdreg s2  }
0xa9: {  	[dreg:$0x3] =	wrdreg s4  }
0xaa: {  	[dreg:$0x4] =	wrdreg $0xC0  }
0xab: {  	_ =	task [dreg:s6], $0x5FFFF  }
0xac: {  	[dreg:$0x1] =	wrdreg $0xFFFFFFFF  }
0xad: {  	[dreg:$0x0] =	wrdreg $0x60  }
0xae: {  	[dreg:$0x2] =	wrdreg s24  }
0xaf: {  	[dreg:$0x3] =	wrdreg $0x9  }
0xb0: {  	_ =	task.clear_ibuf [dreg:s6], $0x4FFFF;
	_ =	strace $0x90000055  }
0xb1: {  	s29 =	simm.s32 $0x9;
	_ =	strace $0x80000057  }
0xb2: {  	_ =	swait.ge [sflag:s29], $0x1  }
0xb3: {  	[sflag:s29] =	ssyncadd.s32 $0xFFFFFFFF  }
0xb4: {  	_ =	strace $0x90000057  }
0xb5: {  	_ =	sfence  }
0xb6: {  	s30 =	sld [smem:$0x0];
	_ =	sdelay $0x2  }
0xb7: {  	s31 =	sshll.u32 s1, $0xD;
	s1 =	sshrl.u32 s1, $0x2  }
0xb8: {  	s3 =	sand.u32 $0x4000, s31;
	s1 =	sadd.s32 s1, s30  }
0xb9: {  	s0 =	sor.u32 s3, s0;
	s1 =	sshll.u32 s1, $0x11  }
0xba: {  	s0 =	sor.u32 s1, s0  }
0xbb: {  	s0 =	sadd.s32 $0x8F2B, s0  }
0xbc: {  	[sflag:s0] =	ssyncadd.remote.s32 $0x1  }
0xbd: {  	_ =	sfence.sel $0xFFFF  }
0xbe: {  	[dreg:$0x0] =	wrdreg $0xFFFFFFFF;
	(pc) =	sbr.abs _section_cstart, $3  }
0xbf: {  	[dreg:$0x1] =	wrdreg $0xFFFFFFFF  }
0xc0: {  	_ =	task.clear_ibuf [dreg:s6], $0x2FFFF;
	_ =	strace $0x9FFFFFFF  }
0xc1: {  	(tm) =	ssettm $0x7FFFFFFF  }
tec
execute0_lowered:
.L_overlay_start_1:
0x0: {  	(tag) =	ssettag $0x1  }
0x1: {  	s0 =	rddreg [dreg:$0x0];
	s2 =	simm.s32 $0x0;
	s1 =	srdreg.scid  }
0x2: {  	s3 =	stileid.u32;
	s15 =	simm.s32 $0x7;
	s16 =	simm.s32 $0x100  }
0x3: {  	s17 =	simm.s32 $0x50;
	s18 =	simm.s32 $0x200;
	s19 =	simm.s32 $0x5200  }
0x4: {  	s20 =	simm.s32 $0x80;
	s21 =	simm.s32 $0x180;
	s28 =	simm.s32 $0x6  }
0x5: {  	s29 =	simm.s32 $0x2;
	s30 =	simm.s32 $0x4;
	s31 =	simm.s32 $0x0  }
0x6: {  	[smem:$0x7FF] =	sst s2;
	s1 =	sand.u32 $0x1, s1;
	s3 =	sshll.u32 s3, $0x1  }
0x7: {  	s5 =	sadd.s32 $0xFC00, s0;
	s6 =	sadd.s32 $0x5E00, s0;
	s4 =	sor.u32 s1, s3  }
0x8: {  	s7 =	sadd.s32 $0x40C00, s0;
	s1 =	ssub.s32 $0x2, s1;
	s4 =	smul.u32 $0x2710, s4  }
0x9: {  	_ =	strace $0x80000056;
	s3 =	sadd.s32 $0x19A00, s0;
	s8 =	sshrl.u32 s1, $0x1  }
0xa: {  	s22 =	ssub.s32 s1, s8;
	s23 =	sshrl.u32 s4, $0x3;
	s12 =	sadd.s32 $0xA0, s4  }
.Ltmp0:
0xb: {  	s13 =	sadd.s32 $0xF0, s4;
	s24 =	sadd.s32 s5, s23;
	(pc) =	sbr.rel .LBB2_1-.Ltmp0, $4  }
0xc: {  	s14 =	smax.u32 s22, $0x1;
	s25 =	sadd.s32 s6, s23;
	[dreg:$0x2] =	wrdreg s24  }
0xd: {  	s22 =	simm.s32 $0x2A00;
	s1 =	sadd.s32 $0xA, s23;
	[dreg:$0x3] =	wrdreg s25  }
0xe: {  	s26 =	sadd.s32 s5, s1;
	s11 =	sadd.s32 s6, s1;
	s24 =	simm.s32 $0x1  }
0xf: {  	s25 =	simm.s32 $0x3;
	[dreg:$0x4] =	wrdreg s26;
	s26 =	simm.s32 $0x5  }
.LBB2_10:
0x10: {  	s31 =	sadd.s32 $0x1, s31  }
0x11: {  	_ =	swait.ge [sflag:s26], $0x2800;
	p0 =	sne.s32 s31, s14  }
.Ltmp1:
0x12: {  	[sflag:s26] =	ssyncset.done $0x0;
	(pc) =	sbr.rel @!p0 .LBB2_11-.Ltmp1, $4  }
0x13: {  	[sflag:s26] =	ssyncadd.s32 $0xFFFFD800  }
0x14: {  	_ =	swait.ge [sflag:s28], $0x2800  }
0x15: {  	[sflag:s28] =	ssyncset.done $0x0  }
0x16: {  	[sflag:s28] =	ssyncadd.s32 $0xFFFFD800  }
.LBB2_1:
0x17: {  	s0 =	rddreg [dreg:$0x2]  }
0x18: {  	[tilespmem:s2], [sflag:$0x7] =	stream.linear.gather [hbm4b:s0+s2], $0x50, $0x38;
	[tilespmem:$0xA200] =	vst v63  }
0x19: {  	_ =	swait.ge [sflag:s15], $0x50  }
0x1a: {  	[sflag:s15] =	ssyncset.done $0x0  }
0x1b: {  	s9 =	rddreg [dreg:$0x3];
	[sflag:s15] =	ssyncadd.s32 $0xFFFFFFB0  }
0x1c: {  	[tilespmem:s16], [sflag:$0x7] =	stream.linear.gather [hbm4b:s9+s2], $0x50, $0x38;
	[tilespmem:$0xA200] =	vst v63  }
0x1d: {  	_ =	swait.ge [sflag:s15], $0x50  }
0x1e: {  	[sflag:s15] =	ssyncset.done $0x0  }
0x1f: {  	[sflag:s15] =	ssyncadd.s32 $0xFFFFFFB0  }
0x20: {  	[tilespmem:s18], [sflag:$0x1] =	stream.indirect.gather [hbm4b:s3+s17], $0x80, s2, s17, $0xb8;
	[tilespmem:$0xA200] =	vst v63  }
0x21: {  	_ = 	snop  }
0x22: {  	[tilespmem:s19], [sflag:$0x3] =	stream.indirect.gather [hbm4b:s3+s17], $0x80, s16, s17, $0xb8;
	[tilespmem:$0xA200] =	vst v63  }
0x23: {  	s10 =	rddreg [dreg:$0x4]  }
0x24: {  	[tilespmem:s20], [sflag:$0x7] =	stream.linear.gather [hbm4b:s10+s2], $0x50, $0x38;
	[tilespmem:$0xA200] =	vst v63  }
0x25: {  	_ =	swait.ge [sflag:s15], $0x50  }
0x26: {  	[sflag:s15] =	ssyncset.done $0x0  }
0x27: {  	[sflag:s15] =	ssyncadd.s32 $0xFFFFFFB0  }
0x28: {  	[tilespmem:s21], [sflag:$0x7] =	stream.linear.gather [hbm4b:s11+s2], $0x50, $0x38;
	[tilespmem:$0xA200] =	vst v63  }
0x29: {  	_ =	swait.ge [sflag:s15], $0x50  }
.Ltmp2:
0x2a: {  	[sflag:s15] =	ssyncset.done $0x0;
	(pc) =	sbr.rel .LBB2_2-.Ltmp2, $4  }
0x2b: {  	[sflag:s15] =	ssyncadd.s32 $0xFFFFFFB0  }
0x2c: {  	[tilespmem:s22], [sflag:$0x2] =	stream.indirect.gather [hbm4b:s3+s17], $0x80, s20, s17, $0xb8;
	[tilespmem:$0xA200] =	vst v63  }
0x2d: {  	s23 =	simm.s32 $0x7A00;
	s0 =	simm.s32 $0x0  }
0x2e: {  	[tilespmem:s23], [sflag:$0x4] =	stream.indirect.gather [hbm4b:s3+s17], $0x80, s21, s17, $0xb8;
	[tilespmem:$0xA200] =	vst v63  }
.LBB2_9:
0x2f: {  	s0 =	sadd.s32 $0x1, s0  }
0x30: {  	p0 =	sne.s32 s0, $0x3F  }
.Ltmp3:
0x31: {  	_ = 	snop;
	(pc) =	sbr.rel @!p0 .LBB2_10-.Ltmp3, $1  }
0x32: {  	_ =	sdelay $0x3  }
.LBB2_2:
0x33: {  	_ =	swait.ge [sflag:s24], $0x2800  }
0x34: {  	[sflag:s24] =	ssyncset.done $0x0  }
0x35: {  	[sflag:s24] =	ssyncadd.s32 $0xFFFFD800  }
0x36: {  	_ =	swait.ge [sflag:s25], $0x2800  }
0x37: {  	[sflag:s25] =	ssyncset.done $0x0  }
0x38: {  	s23 =	simm.s32 $0x0;
	[sflag:s25] =	ssyncadd.s32 $0xFFFFD800  }
0x39: {  	v6 =	vld [tilespmem:s23+$0x5200]  }
0x3a: {  	v11 =	vld [tilespmem:s23+$0x5210]  }
0x3b: {  	v5 =	vld [tilespmem:s23+$0x5220]  }
0x3c: {  	v4 =	vld [tilespmem:s23+$0x5230]  }
0x3d: {  	v3 =	vld [tilespmem:s23+$0x5240]  }
0x3e: {  	v2 =	vld [tilespmem:s23+$0x5250]  }
0x3f: {  	v1 =	vld [tilespmem:s23+$0x5260]  }
0x40: {  	v0 =	vld [tilespmem:s23+$0x5270]  }
0x41: {  	v12 =	vld [tilespmem:s23+$0x200]  }
0x42: {  	v13 =	vld [tilespmem:s23+$0x210]  }
0x43: {  	v10 =	vld [tilespmem:s23+$0x220]  }
0x44: {  	v9 =	vld [tilespmem:s23+$0x230]  }
0x45: {  	v8 =	vld [tilespmem:s23+$0x240]  }
0x46: {  	v7 =	vld [tilespmem:s23+$0x250];
	v12 =	vadd.f32 v6, v12  }
0x47: {  	s1 =	simm.s32 $0x200;
	v11 =	vadd.f32 v11, v13;
	v6 =	vld [tilespmem:s23+$0x260]  }
.LBB2_3:
0x48: {  	s8 =	sshra.s32 s1, $0x2;
	p0 =	sne.s32 s1, $0x9E00;
	[tilespmem:s23+$0x200] =	vst v12;
	v5 =	vadd.f32 v5, v10;
	v10 =	vld [tilespmem:s23+$0x270]  }
0x49: {  	v12 =	vld [tilespmem:s8+$0x5200];
	[tilespmem:s23+$0x210] =	vst v11;
	v4 =	vadd.f32 v4, v9  }
0x4a: {  	v11 =	vld [tilespmem:s8+$0x5210];
	[tilespmem:s23+$0x220] =	vst v5;
	v3 =	vadd.f32 v3, v8  }
0x4b: {  	v5 =	vld [tilespmem:s8+$0x5220];
	[tilespmem:s23+$0x230] =	vst v4;
	v2 =	vadd.f32 v2, v7  }
0x4c: {  	v4 =	vld [tilespmem:s8+$0x5230];
	[tilespmem:s23+$0x240] =	vst v3;
	v1 =	vadd.f32 v1, v6  }
0x4d: {  	v3 =	vld [tilespmem:s8+$0x5240];
	[tilespmem:s23+$0x250] =	vst v2;
	v0 =	vadd.f32 v0, v10  }
0x4e: {  	v2 =	vld [tilespmem:s8+$0x5250];
	[tilespmem:s23+$0x260] =	vst v1  }
0x4f: {  	v1 =	vld [tilespmem:s8+$0x5260];
	[tilespmem:s23+$0x270] =	vst v0;
	s23 =	smov.u32 s8  }
0x50: {  	v0 =	vld [tilespmem:s23+$0x5270]  }
0x51: {  	v6 =	vld [tilespmem:s23+$0x200]  }
0x52: {  	v13 =	vld [tilespmem:s23+$0x210]  }
.Ltmp4:
0x53: {  	v10 =	vld [tilespmem:s23+$0x220];
	(pc) =	sbr.rel @p0 .LBB2_3-.Ltmp4, $4  }
0x54: {  	v9 =	vld [tilespmem:s23+$0x230]  }
0x55: {  	v8 =	vld [tilespmem:s23+$0x240]  }
0x56: {  	v12 =	vadd.f32 v12, v6;
	v7 =	vld [tilespmem:s23+$0x250]  }
0x57: {  	s1 =	sadd.s32 $0x200, s1;
	v11 =	vadd.f32 v11, v13;
	v6 =	vld [tilespmem:s23+$0x260]  }
0x58: {  	[tilespmem:s23+$0x200] =	vst v12;
	v5 =	vadd.f32 v5, v10;
	v63 =	vld [tilespmem:s23+$0x270]  }
0x59: {  	[tilespmem:s23+$0x210] =	vst v11;
	v4 =	vadd.f32 v4, v9  }
0x5a: {  	[tilespmem:s23+$0x220] =	vst v5;
	v3 =	vadd.f32 v3, v8  }
0x5b: {  	s1 =	smul.u32 $0xA0, s0;
	p0 =	seq.s32 s0, $0x3E;
	[tilespmem:s23+$0x230] =	vst v4;
	v2 =	vadd.f32 v2, v7  }
.Ltmp5:
0x5c: {  	[tilespmem:s23+$0x240] =	vst v3;
	v1 =	vadd.f32 v1, v6;
	(pc) =	sbr.rel @p0 .LBB2_10-.Ltmp5, $4  }
0x5d: {  	s8 =	sadd.s32 s4, s1;
	[tilespmem:s23+$0x250] =	vst v2;
	v0 =	vadd.f32 v0, v63  }
0x5e: {  	s8 =	sshll.u32 s8, $0x4;
	[tilespmem:s23+$0x260] =	vst v1  }
0x5f: {  	s8 =	sadd.s32 s7, s8;
	[tilespmem:s23+$0x270] =	vst v0  }
0x60: {  	[hbm4b:s8+s2] =	stream.linear.scatter [tilespmem:s18], [sflag:$0x5], $0x2800, $0x38;
	[tilespmem:$0xA200] =	vst v63  }
0x61: {  	_ =	swait.ge [sflag:s26], $0x2800;
	s8 =	sadd.s32 s1, s12  }
0x62: {  	[sflag:s26] =	ssyncset.done $0x0;
	s8 =	sshrl.u32 s8, $0x3  }
0x63: {  	[sflag:s26] =	ssyncadd.s32 $0xFFFFD800;
	s9 =	sadd.s32 s5, s8  }
0x64: {  	[tilespmem:s2], [sflag:$0x7] =	stream.linear.gather [hbm4b:s9+s2], $0x50, $0x38;
	[tilespmem:$0xA200] =	vst v63  }
0x65: {  	_ =	swait.ge [sflag:s15], $0x50  }
0x66: {  	[sflag:s15] =	ssyncset.done $0x0  }
0x67: {  	s23 =	sshllo.u32 s0, $0x1;
	s8 =	sadd.s32 s6, s8;
	[sflag:s15] =	ssyncadd.s32 $0xFFFFFFB0  }
0x68: {  	[tilespmem:s16], [sflag:$0x7] =	stream.linear.gather [hbm4b:s8+s2], $0x50, $0x38;
	[tilespmem:$0xA200] =	vst v63  }
0x69: {  	p0 =	sgt.u32 s23, $0x7C;
	_ =	swait.ge [sflag:s15], $0x50  }
.Ltmp6:
0x6a: {  	[sflag:s15] =	ssyncset.done $0x0;
	(pc) =	sbr.rel @p0 .LBB2_9-.Ltmp6, $4  }
0x6b: {  	[sflag:s15] =	ssyncadd.s32 $0xFFFFFFB0  }
0x6c: {  	[tilespmem:s18], [sflag:$0x1] =	stream.indirect.gather [hbm4b:s3+s17], $0x80, s2, s17, $0xb8;
	[tilespmem:$0xA200] =	vst v63  }
0x6d: {  	_ = 	snop  }
0x6e: {  	[tilespmem:s19], [sflag:$0x3] =	stream.indirect.gather [hbm4b:s3+s17], $0x80, s16, s17, $0xb8;
	[tilespmem:$0xA200] =	vst v63  }
0x6f: {  	_ =	swait.ge [sflag:s29], $0x2800  }
0x70: {  	[sflag:s29] =	ssyncset.done $0x0  }
0x71: {  	[sflag:s29] =	ssyncadd.s32 $0xFFFFD800  }
0x72: {  	_ =	swait.ge [sflag:s30], $0x2800  }
0x73: {  	[sflag:s30] =	ssyncset.done $0x0  }
0x74: {  	s8 =	simm.s32 $0x0;
	[sflag:s30] =	ssyncadd.s32 $0xFFFFD800  }
0x75: {  	v6 =	vld [tilespmem:s8+$0x7A00]  }
0x76: {  	v11 =	vld [tilespmem:s8+$0x7A10]  }
0x77: {  	v5 =	vld [tilespmem:s8+$0x7A20]  }
0x78: {  	v4 =	vld [tilespmem:s8+$0x7A30]  }
0x79: {  	v3 =	vld [tilespmem:s8+$0x7A40]  }
0x7a: {  	v2 =	vld [tilespmem:s8+$0x7A50]  }
0x7b: {  	v1 =	vld [tilespmem:s8+$0x7A60]  }
0x7c: {  	v0 =	vld [tilespmem:s8+$0x7A70]  }
0x7d: {  	v12 =	vld [tilespmem:s8+$0x2A00]  }
0x7e: {  	v13 =	vld [tilespmem:s8+$0x2A10]  }
0x7f: {  	v10 =	vld [tilespmem:s8+$0x2A20]  }
0x80: {  	v9 =	vld [tilespmem:s8+$0x2A30]  }
0x81: {  	v8 =	vld [tilespmem:s8+$0x2A40]  }
0x82: {  	v7 =	vld [tilespmem:s8+$0x2A50];
	v12 =	vadd.f32 v6, v12  }
0x83: {  	s9 =	simm.s32 $0x200;
	v11 =	vadd.f32 v11, v13;
	v6 =	vld [tilespmem:s8+$0x2A60]  }
.LBB2_7:
0x84: {  	s10 =	sshra.s32 s9, $0x2;
	p0 =	sne.s32 s9, $0x9E00;
	[tilespmem:s8+$0x2A00] =	vst v12;
	v5 =	vadd.f32 v5, v10;
	v10 =	vld [tilespmem:s8+$0x2A70]  }
0x85: {  	v12 =	vld [tilespmem:s10+$0x7A00];
	[tilespmem:s8+$0x2A10] =	vst v11;
	v4 =	vadd.f32 v4, v9  }
0x86: {  	v11 =	vld [tilespmem:s10+$0x7A10];
	[tilespmem:s8+$0x2A20] =	vst v5;
	v3 =	vadd.f32 v3, v8  }
0x87: {  	v5 =	vld [tilespmem:s10+$0x7A20];
	[tilespmem:s8+$0x2A30] =	vst v4;
	v2 =	vadd.f32 v2, v7  }
0x88: {  	v4 =	vld [tilespmem:s10+$0x7A30];
	[tilespmem:s8+$0x2A40] =	vst v3;
	v1 =	vadd.f32 v1, v6  }
0x89: {  	v3 =	vld [tilespmem:s10+$0x7A40];
	[tilespmem:s8+$0x2A50] =	vst v2;
	v0 =	vadd.f32 v0, v10  }
0x8a: {  	v2 =	vld [tilespmem:s10+$0x7A50];
	[tilespmem:s8+$0x2A60] =	vst v1  }
0x8b: {  	v1 =	vld [tilespmem:s10+$0x7A60];
	[tilespmem:s8+$0x2A70] =	vst v0;
	s8 =	smov.u32 s10  }
0x8c: {  	v0 =	vld [tilespmem:s8+$0x7A70]  }
0x8d: {  	v6 =	vld [tilespmem:s8+$0x2A00]  }
0x8e: {  	v13 =	vld [tilespmem:s8+$0x2A10]  }
.Ltmp7:
0x8f: {  	v10 =	vld [tilespmem:s8+$0x2A20];
	(pc) =	sbr.rel @p0 .LBB2_7-.Ltmp7, $4  }
0x90: {  	v9 =	vld [tilespmem:s8+$0x2A30]  }
0x91: {  	v8 =	vld [tilespmem:s8+$0x2A40]  }
0x92: {  	v12 =	vadd.f32 v12, v6;
	v7 =	vld [tilespmem:s8+$0x2A50]  }
0x93: {  	s9 =	sadd.s32 $0x200, s9;
	v11 =	vadd.f32 v11, v13;
	v6 =	vld [tilespmem:s8+$0x2A60]  }
0x94: {  	[tilespmem:s8+$0x2A00] =	vst v12;
	v5 =	vadd.f32 v5, v10;
	v63 =	vld [tilespmem:s8+$0x2A70]  }
0x95: {  	[tilespmem:s8+$0x2A10] =	vst v11;
	v4 =	vadd.f32 v4, v9  }
0x96: {  	[tilespmem:s8+$0x2A20] =	vst v5;
	v3 =	vadd.f32 v3, v8  }
0x97: {  	s9 =	smul.u32 $0x50, s23;
	[tilespmem:s8+$0x2A30] =	vst v4;
	v2 =	vadd.f32 v2, v7  }
0x98: {  	[tilespmem:s8+$0x2A40] =	vst v3;
	v1 =	vadd.f32 v1, v6  }
0x99: {  	s9 =	sadd.s32 s4, s9;
	[tilespmem:s8+$0x2A50] =	vst v2;
	v0 =	vadd.f32 v0, v63  }
0x9a: {  	p0 =	sgt.u32 s0, $0x3C;
	s9 =	sshll.u32 s9, $0x4;
	[tilespmem:s8+$0x2A60] =	vst v1  }
0x9b: {  	s23 =	sadd.s32 s7, s9;
	[tilespmem:s8+$0x2A70] =	vst v0;
	s8 =	simm.s32 @!p0 $0x6  }
0x9c: {  	[hbm4b:s23+s2] =	stream.linear.scatter [tilespmem:s22], [sflag:$0x6], $0x2800, $0x38;
	[tilespmem:$0xA200] =	vst v63  }
0x9d: {  	s1 =	sadd.s32 @!p0 s1, s13;
	_ =	swait.ge @!p0 [sflag:s8], $0x2800  }
0x9e: {  	s10 =	simm.s32 @!p0 $0x80;
	s1 =	sshrl.u32 @!p0 s1, $0x3;
	[sflag:s8] =	ssyncset.done @!p0 $0x0  }
0x9f: {  	s9 =	simm.s32 @!p0 $0x0;
	[sflag:s8] =	ssyncadd.s32 @!p0 $0xFFFFD800;
	s8 =	sadd.s32 @!p0 s5, s1  }
0xa0: {  	[tilespmem:s10], [sflag:$0x7] =	stream.linear.gather @!p0 [hbm4b:s8+s9], $0x50, $0x38;
	[tilespmem:$0xA200] =	vst v63  }
0xa1: {  	s8 =	simm.s32 @!p0 $0x7  }
0xa2: {  	_ =	swait.ge @!p0 [sflag:s8], $0x50  }
0xa3: {  	[sflag:s8] =	ssyncset.done @!p0 $0x0  }
0xa4: {  	s23 =	simm.s32 @!p0 $0x180;
	s1 =	sadd.s32 @!p0 s6, s1;
	[sflag:s8] =	ssyncadd.s32 @!p0 $0xFFFFFFB0  }
0xa5: {  	[tilespmem:s23], [sflag:$0x7] =	stream.linear.gather @!p0 [hbm4b:s1+s9], $0x50, $0x38;
	[tilespmem:$0xA200] =	vst v63  }
0xa6: {  	_ =	swait.ge @!p0 [sflag:s8], $0x50  }
.Ltmp8:
0xa7: {  	[sflag:s8] =	ssyncset.done @!p0 $0x0;
	(pc) =	sbr.rel .LBB2_9-.Ltmp8, $4  }
0xa8: {  	s1 =	simm.s32 @!p0 $0x50;
	[sflag:s8] =	ssyncadd.s32 @!p0 $0xFFFFFFB0;
	s8 =	simm.s32 @!p0 $0x2A00  }
0xa9: {  	[tilespmem:s8], [sflag:$0x2] =	stream.indirect.gather @!p0 [hbm4b:s3+s1], $0x80, s10, s1, $0xb8;
	[tilespmem:$0xA200] =	vst v63  }
0xaa: {  	s8 =	simm.s32 @!p0 $0x7A00  }
0xab: {  	[tilespmem:s8], [sflag:$0x4] =	stream.indirect.gather @!p0 [hbm4b:s3+s1], $0x80, s23, s1, $0xb8;
	[tilespmem:$0xA200] =	vst v63  }
.LBB2_11:
0xac: {  	_ =	sfence.sel $0x180000  }
0xad: {  	[bflag:$0x0] =	sbarrier.arrive $0xFFFF  }
0xae: {  	_ =	strace $0x90000056  }
0xaf: {  	s0 =	stileid.u32;
	[bflag:$0x2] =	sbarrier.arrive $0xFFFF  }
0xb0: {  	p0 =	sne.s32 s0, $0x0;
	s0 =	rddreg [dreg:$0x1]  }
0xb1: {  	s0 =	sadd.s32 @!p0 $0x100000, s0  }
0xb2: {  	[sflag:s0] =	ssyncadd.tile.s32 @!p0 $0x1;
	_ =	shalt  }
.Lfunc_end2:
_tile_overlayer_lowered:
.L_overlay_start_2:
0xb3: {  	(tag) =	ssettag $0x2  }
0xb4: {  	s0 =	rddreg [dreg:$0x0];
	s2 =	stileid.u32  }
0xb5: {  	s1 =	rddreg [dreg:$0x1];
	p0 =	sne.s32 s2, $0x0  }
0xb6: {  	s3 =	rddreg [dreg:$0x2];
	[bflag:$0x3] =	sbarrier.arrive $0xFFFF;
	s2 =	simm.s32 @!p0 $0x1C07  }
0xb7: {  	[timem:s3], [sflag:s2] =	dma.local @!p0 [hbm:s0], s1  }
0xb8: {  	s0 =	simm.s32 @!p0 $0x7  }
0xb9: {  	_ =	swait.ge @!p0 [sflag:s0], s1  }
0xba: {  	s1 =	ssub.s32 @!p0 $0x0, s1;
	[sflag:s0] =	ssyncset.done @!p0 $0x0  }
0xbb: {  	[sflag:s0] =	ssyncadd.s32 @!p0 s1  }
0xbc: {  	[bflag:$0x3] =	sbarrier.arrive $0xFFFF  }
0xbd: {  	_ =	shalt  }

</sc_bundles>
